<compile_context>
chip_gen: v7x
topology: tpu7x:2x2x1
jax: 0.10.2.dev20260603
libtpu: 0.0.44.dev20260713+nightly
codegen_flags: <defaults>
</compile_context>

<pallas_src>
import jax
import jax.numpy as jnp
from jax import lax
from jax.experimental import pallas as pl
from jax.experimental.pallas import tpu as pltpu
from jax.experimental.pallas import tpu_sc as plsc

N_NODES = 10000
N_EDGES = 320000
D = 128

NC = 2
NS = 16

CHUNK = 64
NCHUNKS = N_EDGES // CHUNK
RPT = NCHUNKS // NS
REM = NCHUNKS - RPT * NS
NB = 6

NODE_BLK = 632
NODE_BLK_LAST = N_NODES - NODE_BLK * (NS - 1)
ZBLK = 64


def _zero_acc_range(acc, rows_v, base, count):
    nfull = count // ZBLK
    tail = count - nfull * ZBLK
    for k in range(nfull):
        pltpu.sync_copy(rows_v.at[0],
                        acc.at[pl.ds(base + k * ZBLK, ZBLK)])
    if tail:
        pltpu.sync_copy(rows_v.at[0, pl.ds(0, tail)],
                        acc.at[pl.ds(base + nfull * ZBLK, tail)])


def _segsum_body(destw_hbm, destm_hbm, attrw_hbm, attrm_hbm,
                 outw_hbm, outm_hbm, acc, idx_r, rows_v,
                 lsem0, lsem1, lsem2, lsem3, lsem4, lsem5,
                 ssem0, ssem1, ssem2, ssem3, ssem4, ssem5):
    c = lax.axis_index("c")
    s = lax.axis_index("s")
    lsems = (lsem0, lsem1, lsem2, lsem3, lsem4, lsem5)
    ssems = (ssem0, ssem1, ssem2, ssem3, ssem4, ssem5)

    def zero_row(r, _):
        for k in range(D // 16):
            rows_v[0, r, pl.ds(k * 16, 16)] = jnp.zeros((16,), jnp.float32)
        return 0
    lax.fori_loop(0, ZBLK, zero_row, 0)

    @pl.when(s < NS - 1)
    def _():
        _zero_acc_range(acc, rows_v, s * NODE_BLK, NODE_BLK)

    @pl.when(s == NS - 1)
    def _():
        _zero_acc_range(acc, rows_v, (NS - 1) * NODE_BLK, NODE_BLK_LAST)

    plsc.subcore_barrier()

    rbase = s * RPT + jnp.minimum(s, REM)
    nrows = jnp.where(s < REM, RPT + 1, RPT)

    def scatter_edges(dest_hbm, attr_hbm):
        def fire_load(b, jj):
            pltpu.async_copy(
                dest_hbm.at[pl.ds(N_EDGES + (rbase + jj) * CHUNK, CHUNK)],
                idx_r.at[b], lsems[b])
            pltpu.async_copy(attr_hbm.at[rbase + jj], rows_v.at[b], lsems[b])

        def wait_load(b, jj):
            pltpu.make_async_copy(
                dest_hbm.at[pl.ds(N_EDGES + (rbase + jj) * CHUNK, CHUNK)],
                idx_r.at[b], lsems[b]).wait()
            pltpu.make_async_copy(attr_hbm.at[rbase + jj],
                                  rows_v.at[b], lsems[b]).wait()

        for b in range(NB - 1):
            fire_load(b, b)

        def chunk_body(j, _):
            def step(b):
                wait_load(b, j)
                pltpu.async_copy(rows_v.at[b], acc.at[idx_r.at[b]],
                                 ssems[b], add=True)
                bn = (b + NB - 1) % NB
                jn = j + NB - 1

                @pl.when(jn < nrows)
                def _():
                    @pl.when(j >= 1)
                    def _():
                        pltpu.make_async_copy(rows_v.at[bn],
                                              acc.at[idx_r.at[bn]],
                                              ssems[bn]).wait()
                    fire_load(bn, jn)

            for b in range(NB):
                @pl.when(j % NB == b)
                def _(b=b):
                    step(b)
            return 0

        lax.fori_loop(0, nrows, chunk_body, 0)

        for b in range(NB):
            pltpu.make_async_copy(rows_v.at[b], acc.at[idx_r.at[b]],
                                  ssems[b]).wait()

    @pl.when(c == 0)
    def _():
        scatter_edges(destw_hbm, attrw_hbm)

    @pl.when(c == 1)
    def _():
        scatter_edges(destm_hbm, attrm_hbm)

    plsc.subcore_barrier()

    def writeout(out_hbm):
        @pl.when(s < NS - 1)
        def _():
            pltpu.sync_copy(acc.at[pl.ds(s * NODE_BLK, NODE_BLK)],
                            out_hbm.at[pl.ds(s * NODE_BLK, NODE_BLK)])

        @pl.when(s == NS - 1)
        def _():
            pltpu.sync_copy(acc.at[pl.ds((NS - 1) * NODE_BLK, NODE_BLK_LAST)],
                            out_hbm.at[pl.ds((NS - 1) * NODE_BLK, NODE_BLK_LAST)])

    @pl.when(c == 0)
    def _():
        writeout(outw_hbm)

    @pl.when(c == 1)
    def _():
        writeout(outm_hbm)


def _segment_sums(destw, destm, attrw, attrm):
    mesh = plsc.VectorSubcoreMesh(core_axis_name="c", subcore_axis_name="s",
                                  num_cores=NC, num_subcores=NS)
    f = pl.kernel(
        _segsum_body,
        out_type=(jax.ShapeDtypeStruct((N_NODES, D), jnp.float32),
                  jax.ShapeDtypeStruct((N_NODES, D), jnp.float32)),
        mesh=mesh,
        scratch_types=[
            pltpu.VMEM_SHARED((N_NODES, D), jnp.float32),
            pltpu.VMEM((NB, CHUNK), jnp.int32),
            pltpu.VMEM((NB, CHUNK, D), jnp.float32),
        ] + [pltpu.SemaphoreType.DMA] * (2 * NB),
    )
    return f(destw, destm, attrw, attrm)


def _mlp_body(x_ref, ow_ref, om_ref, w0x_ref, w0w_ref, w0m_ref, b0_ref,
              w1_ref, b1_ref, w2_ref, b2_ref, out_ref):
    def silu(h):
        return h * (1.0 / (1.0 + jnp.exp(-h)))
    h = (jnp.dot(x_ref[...], w0x_ref[...], preferred_element_type=jnp.float32)
         + jnp.dot(ow_ref[...], w0w_ref[...], preferred_element_type=jnp.float32)
         + jnp.dot(om_ref[...], w0m_ref[...], preferred_element_type=jnp.float32)
         + b0_ref[...])
    h = silu(h)
    h = silu(jnp.dot(h, w1_ref[...], preferred_element_type=jnp.float32) + b1_ref[...])
    out_ref[...] = (jnp.dot(h, w2_ref[...], preferred_element_type=jnp.float32)
                    + b2_ref[...])


def _mlp(x, outw, outm, W0, b0, W1, b1, W2, b2):
    blk = 2000
    grid = (N_NODES // blk,)
    row_spec = pl.BlockSpec((blk, D), lambda i: (i, 0))
    w_spec = pl.BlockSpec((D, D), lambda i: (0, 0))
    b_spec = pl.BlockSpec((1, D), lambda i: (0, 0))
    return pl.pallas_call(
        _mlp_body,
        grid=grid,
        in_specs=[row_spec, row_spec, row_spec,
                  w_spec, w_spec, w_spec, b_spec,
                  w_spec, b_spec, w_spec, b_spec],
        out_specs=row_spec,
        out_shape=jax.ShapeDtypeStruct((N_NODES, D), jnp.float32),
    )(x, outw, outm, W0[0:D], W0[D:2 * D], W0[2 * D:3 * D], b0.reshape(1, D),
      W1, b1.reshape(1, D), W2, b2.reshape(1, D))


def kernel(x, edge_indexw, edge_indexm, edge_attrw, edge_attrm,
           W0, b0, W1, b1, W2, b2):
    destw = edge_indexw.astype(jnp.int32).reshape(2 * N_EDGES)
    destm = edge_indexm.astype(jnp.int32).reshape(2 * N_EDGES)
    attrw = edge_attrw.reshape(NCHUNKS, CHUNK, D)
    attrm = edge_attrm.reshape(NCHUNKS, CHUNK, D)
    outw, outm = _segment_sums(destw, destm, attrw, attrm)
    return _mlp(x, outw, outm, W0, b0, W1, b1, W2, b2)

# --- scband reference (transcript-rebuilt; emitter-appended) ---
"""Pipeline reference for scband-node-model-84542136254779 (READ-ONLY COPY).

The authoritative reference and input builder live on the scoring server;
editing this copy changes nothing except your own understanding.
"""

import jax, jax.numpy as jnp
import numpy as np

N_NODES = 10000
N_EDGES = 320000
D = 128

def setup_inputs(seed: int = 0) -> dict:
    key = jax.random.key(seed)
    ks = jax.random.split(key, 12)
    x = jax.random.normal(ks[0], (N_NODES, D), dtype=jnp.float32)
    edge_indexw = jax.random.randint(ks[1], (2, N_EDGES), 0, N_NODES, dtype=jnp.int64)
    edge_indexm = jax.random.randint(ks[2], (2, N_EDGES), 0, N_NODES, dtype=jnp.int64)
    edge_attrw = jax.random.normal(ks[3], (N_EDGES, D), dtype=jnp.float32)
    edge_attrm = jax.random.normal(ks[4], (N_EDGES, D), dtype=jnp.float32)
    # MLP params: layer_vec = [3*D, D, D, D] -> 3 Linear layers, SiLU after first two
    def lin_init(k, fan_in, fan_out):
        bound = 1.0 / np.sqrt(fan_in)
        kw, kb = jax.random.split(k)
        W = jax.random.uniform(kw, (fan_in, fan_out), minval=-bound, maxval=bound, dtype=jnp.float32)
        b = jax.random.uniform(kb, (fan_out,), minval=-bound, maxval=bound, dtype=jnp.float32)
        return W, b
    W0, b0 = lin_init(ks[5], 3 * D, D)
    W1, b1 = lin_init(ks[6], D, D)
    W2, b2 = lin_init(ks[7], D, D)
    return {"x": x, "edge_indexw": edge_indexw, "edge_indexm": edge_indexm,
            "edge_attrw": edge_attrw, "edge_attrm": edge_attrm,
            "W0": W0, "b0": b0, "W1": W1, "b1": b1, "W2": W2, "b2": b2}

def reference(x, edge_indexw, edge_indexm, edge_attrw, edge_attrm, W0, b0, W1, b1, W2, b2):
    destw = edge_indexw[1]
    destm = edge_indexm[1]
    outw = jax.ops.segment_sum(edge_attrw, destw, num_segments=x.shape[0])
    outm = jax.ops.segment_sum(edge_attrm, destm, num_segments=x.shape[0])
    out = jnp.concatenate([x, outw, outm], axis=1)
    h = jax.nn.silu(out @ W0 + b0)
    h = jax.nn.silu(h @ W1 + b1)
    h = h @ W2 + b2
    return h

if __name__ == "__main__":
    import jax
    _d = setup_inputs()
    print(jax.jit(kernel)(*tuple(_d.values())))

</pallas_src>

<mosaic_0001>
#map = affine_map<(d0, d1) -> (0)>
#map1 = affine_map<(d0, d1) -> (0, 0, 0)>
#map2 = affine_map<(d0, d1) -> (0, 0)>
module attributes {stable_mosaic.version = 14 : i64} {
  func.func @_segsum_body(%arg0: i32, %arg1: i32, %arg2: memref<640000xi32, #tpu.memory_space<hbm>>, %arg3: memref<640000xi32, #tpu.memory_space<hbm>>, %arg4: memref<5000x64x128xf32, #tpu.memory_space<hbm>>, %arg5: memref<5000x64x128xf32, #tpu.memory_space<hbm>>, %arg6: memref<10000x128xf32, #tpu.memory_space<hbm>>, %arg7: memref<10000x128xf32, #tpu.memory_space<hbm>>, %arg8: memref<10000x128xf32, #tpu.memory_space<vmem_shared>>, %arg9: memref<6x64xi32, #tpu.memory_space<vmem>>, %arg10: memref<6x64x128xf32, #tpu.memory_space<vmem>>, %arg11: memref<!tpu.dma_semaphore, #tpu.memory_space<semaphore_mem>>, %arg12: memref<!tpu.dma_semaphore, #tpu.memory_space<semaphore_mem>>, %arg13: memref<!tpu.dma_semaphore, #tpu.memory_space<semaphore_mem>>, %arg14: memref<!tpu.dma_semaphore, #tpu.memory_space<semaphore_mem>>, %arg15: memref<!tpu.dma_semaphore, #tpu.memory_space<semaphore_mem>>, %arg16: memref<!tpu.dma_semaphore, #tpu.memory_space<semaphore_mem>>, %arg17: memref<!tpu.dma_semaphore, #tpu.memory_space<semaphore_mem>>, %arg18: memref<!tpu.dma_semaphore, #tpu.memory_space<semaphore_mem>>, %arg19: memref<!tpu.dma_semaphore, #tpu.memory_space<semaphore_mem>>, %arg20: memref<!tpu.dma_semaphore, #tpu.memory_space<semaphore_mem>>, %arg21: memref<!tpu.dma_semaphore, #tpu.memory_space<semaphore_mem>>, %arg22: memref<!tpu.dma_semaphore, #tpu.memory_space<semaphore_mem>>) attributes {dimension_semantics = [#tpu.dimension_semantics<core_parallel>, #tpu.dimension_semantics<subcore_parallel>], iteration_bounds = array<i64: 2, 16>, scalar_prefetch = 0 : i64, scratch_operands = 15 : i64, tpu.core_type = #tpu.core_type<sc_vector_subcore>, window_params = [{transform_indices = #map}, {transform_indices = #map}, {transform_indices = #map1}, {transform_indices = #map1}, {transform_indices = #map2}, {transform_indices = #map2}]} {
    %scan3A = arith.constant 0 : i32
    %scan3A_0 = arith.constant 0 : i32
    %scan3A_1 = arith.constant 64 : i32
    %scan3A_2 = arith.addi %scan3A_0, %scan3A_1 : i32
    %scan3A_3 = arith.constant 1 : i32
    %scan3A_4 = scf.for %scan3A_38 = %scan3A_0 to %scan3A_2 step %scan3A_3 iter_args(%scan3A_39 = %scan3A) -> (i32)  : i32 {
      %broadcast_in_dim3A = arith.constant 0.000000e+00 : f32
      %broadcast_in_dim3A_40 = vector.broadcast %broadcast_in_dim3A : f32 to vector<16xf32>
      %swap3A = arith.constant 0 : i32
      %swap3A_41 = arith.index_cast %swap3A : i32 to index
      %swap3A_42 = arith.index_cast %scan3A_38 : i32 to index
      %swap3A_43 = arith.constant 0 : index
      %swap3A_44 = tpu.vector_load %arg10[%swap3A_41, %swap3A_42, %swap3A_43] {strides = array<i32>} : memref<6x64x128xf32, #tpu.memory_space<vmem>>, vector<1x1x16xf32>,
      %swap3A_45 = vector.shape_cast %swap3A_44 : vector<1x1x16xf32> to vector<16xf32>
      %swap3A_46 = vector.shape_cast %broadcast_in_dim3A_40 : vector<16xf32> to vector<1x1x16xf32>
      tpu.vector_store %arg10[%swap3A_41, %swap3A_42, %swap3A_43], %swap3A_46 {strides = array<i32>} : memref<6x64x128xf32, #tpu.memory_space<vmem>>, vector<1x1x16xf32>,
      %broadcast_in_dim3A_47 = arith.constant 0.000000e+00 : f32
      %broadcast_in_dim3A_48 = vector.broadcast %broadcast_in_dim3A_47 : f32 to vector<16xf32>
      %swap3A_49 = arith.constant 0 : i32
      %swap3A_50 = arith.index_cast %swap3A_49 : i32 to index
      %swap3A_51 = arith.index_cast %scan3A_38 : i32 to index
      %swap3A_52 = arith.constant 16 : index
      %swap3A_53 = tpu.vector_load %arg10[%swap3A_50, %swap3A_51, %swap3A_52] {strides = array<i32>} : memref<6x64x128xf32, #tpu.memory_space<vmem>>, vector<1x1x16xf32>,
      %swap3A_54 = vector.shape_cast %swap3A_53 : vector<1x1x16xf32> to vector<16xf32>
      %swap3A_55 = vector.shape_cast %broadcast_in_dim3A_48 : vector<16xf32> to vector<1x1x16xf32>
      tpu.vector_store %arg10[%swap3A_50, %swap3A_51, %swap3A_52], %swap3A_55 {strides = array<i32>} : memref<6x64x128xf32, #tpu.memory_space<vmem>>, vector<1x1x16xf32>,
      %broadcast_in_dim3A_56 = arith.constant 0.000000e+00 : f32
      %broadcast_in_dim3A_57 = vector.broadcast %broadcast_in_dim3A_56 : f32 to vector<16xf32>
      %swap3A_58 = arith.constant 0 : i32
      %swap3A_59 = arith.index_cast %swap3A_58 : i32 to index
      %swap3A_60 = arith.index_cast %scan3A_38 : i32 to index
      %swap3A_61 = arith.constant 32 : index
      %swap3A_62 = tpu.vector_load %arg10[%swap3A_59, %swap3A_60, %swap3A_61] {strides = array<i32>} : memref<6x64x128xf32, #tpu.memory_space<vmem>>, vector<1x1x16xf32>,
      %swap3A_63 = vector.shape_cast %swap3A_62 : vector<1x1x16xf32> to vector<16xf32>
      %swap3A_64 = vector.shape_cast %broadcast_in_dim3A_57 : vector<16xf32> to vector<1x1x16xf32>
      tpu.vector_store %arg10[%swap3A_59, %swap3A_60, %swap3A_61], %swap3A_64 {strides = array<i32>} : memref<6x64x128xf32, #tpu.memory_space<vmem>>, vector<1x1x16xf32>,
      %broadcast_in_dim3A_65 = arith.constant 0.000000e+00 : f32
      %broadcast_in_dim3A_66 = vector.broadcast %broadcast_in_dim3A_65 : f32 to vector<16xf32>
      %swap3A_67 = arith.constant 0 : i32
      %swap3A_68 = arith.index_cast %swap3A_67 : i32 to index
      %swap3A_69 = arith.index_cast %scan3A_38 : i32 to index
      %swap3A_70 = arith.constant 48 : index
      %swap3A_71 = tpu.vector_load %arg10[%swap3A_68, %swap3A_69, %swap3A_70] {strides = array<i32>} : memref<6x64x128xf32, #tpu.memory_space<vmem>>, vector<1x1x16xf32>,
      %swap3A_72 = vector.shape_cast %swap3A_71 : vector<1x1x16xf32> to vector<16xf32>
      %swap3A_73 = vector.shape_cast %broadcast_in_dim3A_66 : vector<16xf32> to vector<1x1x16xf32>
      tpu.vector_store %arg10[%swap3A_68, %swap3A_69, %swap3A_70], %swap3A_73 {strides = array<i32>} : memref<6x64x128xf32, #tpu.memory_space<vmem>>, vector<1x1x16xf32>,
      %broadcast_in_dim3A_74 = arith.constant 0.000000e+00 : f32
      %broadcast_in_dim3A_75 = vector.broadcast %broadcast_in_dim3A_74 : f32 to vector<16xf32>
      %swap3A_76 = arith.constant 0 : i32
      %swap3A_77 = arith.index_cast %swap3A_76 : i32 to index
      %swap3A_78 = arith.index_cast %scan3A_38 : i32 to index
      %swap3A_79 = arith.constant 64 : index
      %swap3A_80 = tpu.vector_load %arg10[%swap3A_77, %swap3A_78, %swap3A_79] {strides = array<i32>} : memref<6x64x128xf32, #tpu.memory_space<vmem>>, vector<1x1x16xf32>,
      %swap3A_81 = vector.shape_cast %swap3A_80 : vector<1x1x16xf32> to vector<16xf32>
      %swap3A_82 = vector.shape_cast %broadcast_in_dim3A_75 : vector<16xf32> to vector<1x1x16xf32>
      tpu.vector_store %arg10[%swap3A_77, %swap3A_78, %swap3A_79], %swap3A_82 {strides = array<i32>} : memref<6x64x128xf32, #tpu.memory_space<vmem>>, vector<1x1x16xf32>,
      %broadcast_in_dim3A_83 = arith.constant 0.000000e+00 : f32
      %broadcast_in_dim3A_84 = vector.broadcast %broadcast_in_dim3A_83 : f32 to vector<16xf32>
      %swap3A_85 = arith.constant 0 : i32
      %swap3A_86 = arith.index_cast %swap3A_85 : i32 to index
      %swap3A_87 = arith.index_cast %scan3A_38 : i32 to index
      %swap3A_88 = arith.constant 80 : index
      %swap3A_89 = tpu.vector_load %arg10[%swap3A_86, %swap3A_87, %swap3A_88] {strides = array<i32>} : memref<6x64x128xf32, #tpu.memory_space<vmem>>, vector<1x1x16xf32>,
      %swap3A_90 = vector.shape_cast %swap3A_89 : vector<1x1x16xf32> to vector<16xf32>
      %swap3A_91 = vector.shape_cast %broadcast_in_dim3A_84 : vector<16xf32> to vector<1x1x16xf32>
      tpu.vector_store %arg10[%swap3A_86, %swap3A_87, %swap3A_88], %swap3A_91 {strides = array<i32>} : memref<6x64x128xf32, #tpu.memory_space<vmem>>, vector<1x1x16xf32>,
      %broadcast_in_dim3A_92 = arith.constant 0.000000e+00 : f32
      %broadcast_in_dim3A_93 = vector.broadcast %broadcast_in_dim3A_92 : f32 to vector<16xf32>
      %swap3A_94 = arith.constant 0 : i32
      %swap3A_95 = arith.index_cast %swap3A_94 : i32 to index
      %swap3A_96 = arith.index_cast %scan3A_38 : i32 to index
      %swap3A_97 = arith.constant 96 : index
      %swap3A_98 = tpu.vector_load %arg10[%swap3A_95, %swap3A_96, %swap3A_97] {strides = array<i32>} : memref<6x64x128xf32, #tpu.memory_space<vmem>>, vector<1x1x16xf32>,
      %swap3A_99 = vector.shape_cast %swap3A_98 : vector<1x1x16xf32> to vector<16xf32>
      %swap3A_100 = vector.shape_cast %broadcast_in_dim3A_93 : vector<16xf32> to vector<1x1x16xf32>
      tpu.vector_store %arg10[%swap3A_95, %swap3A_96, %swap3A_97], %swap3A_100 {strides = array<i32>} : memref<6x64x128xf32, #tpu.memory_space<vmem>>, vector<1x1x16xf32>,
      %broadcast_in_dim3A_101 = arith.constant 0.000000e+00 : f32
      %broadcast_in_dim3A_102 = vector.broadcast %broadcast_in_dim3A_101 : f32 to vector<16xf32>
      %swap3A_103 = arith.constant 0 : i32
      %swap3A_104 = arith.index_cast %swap3A_103 : i32 to index
      %swap3A_105 = arith.index_cast %scan3A_38 : i32 to index
      %swap3A_106 = arith.constant 112 : index
      %swap3A_107 = tpu.vector_load %arg10[%swap3A_104, %swap3A_105, %swap3A_106] {strides = array<i32>} : memref<6x64x128xf32, #tpu.memory_space<vmem>>, vector<1x1x16xf32>,
      %swap3A_108 = vector.shape_cast %swap3A_107 : vector<1x1x16xf32> to vector<16xf32>
      %swap3A_109 = vector.shape_cast %broadcast_in_dim3A_102 : vector<16xf32> to vector<1x1x16xf32>
      tpu.vector_store %arg10[%swap3A_104, %swap3A_105, %swap3A_106], %swap3A_109 {strides = array<i32>} : memref<6x64x128xf32, #tpu.memory_space<vmem>>, vector<1x1x16xf32>,
      %scan3A_110 = arith.constant 0 : i32
      scf.yield %scan3A_110 : i32
    }
    %scan3A_5 = arith.constant 64 : i32
    %lt3A = arith.constant 15 : i32
    %lt3A_6 = arith.cmpi slt, %arg1, %lt3A : i32
    %convert_element_type3A = arith.extui %lt3A_6 : i1 to i32
    %cond3A = arith.constant 0 : i32
    %cond3A_7 = arith.cmpi ne, %convert_element_type3A, %cond3A : i32
    scf.if %cond3A_7 {
      %mul3A_38 = arith.constant 632 : i32
      %mul3A_39 = arith.muli %arg1, %mul3A_38 : i32
      %add3A_40 = arith.constant 0 : i32
      %add3A_41 = arith.addi %mul3A_39, %add3A_40 : i32
      %run_scoped3A = arith.constant 0 : i32
      "tpu.region"() ({
        %run_scoped3A_69 = tpu.sem_alloc : memref<!tpu.dma_semaphore, #tpu.memory_space<semaphore_mem>>
        %dma_start3A = arith.constant 0 : i32
        %dma_start3A_70 = arith.constant 0 : i32
        %dma_start3A_71 = tpu.memref_slice %arg10[%run_scoped3A, %dma_start3A, %dma_start3A_70] : memref<6x64x128xf32, #tpu.memory_space<vmem>> -> memref<1x64x128xf32, #tpu.memory_space<vmem>>
        %dma_start3A_72 = tpu.memref_squeeze %dma_start3A_71 : memref<1x64x128xf32, #tpu.memory_space<vmem>> -> memref<64x128xf32, #tpu.memory_space<vmem>>
        %dma_start3A_73 = arith.constant 0 : i32
        %dma_start3A_74 = tpu.memref_slice %arg8[%add3A_41, %dma_start3A_73] : memref<10000x128xf32, #tpu.memory_space<vmem_shared>> -> memref<64x128xf32, #tpu.memory_space<vmem_shared>>
        %dma_start3A_75 = arith.constant 0 : i32
        %dma_start3A_76 = tpu.memref_slice %arg8[%add3A_41, %dma_start3A_75] : memref<10000x128xf32, #tpu.memory_space<vmem_shared>> -> memref<64x128xf32, #tpu.memory_space<vmem_shared>>
        %dma_start3A_77 = arith.constant 0 : i32
        %dma_start3A_78 = arith.constant 0 : i32
        %dma_start3A_79 = tpu.memref_slice %arg10[%run_scoped3A, %dma_start3A_77, %dma_start3A_78] : memref<6x64x128xf32, #tpu.memory_space<vmem>> -> memref<1x64x128xf32, #tpu.memory_space<vmem>>
        %dma_start3A_80 = tpu.memref_squeeze %dma_start3A_79 : memref<1x64x128xf32, #tpu.memory_space<vmem>> -> memref<64x128xf32, #tpu.memory_space<vmem>>
        tpu.enqueue_dma source(%dma_start3A_80 : memref<64x128xf32, #tpu.memory_space<vmem>>) target(%dma_start3A_76 : memref<64x128xf32, #tpu.memory_space<vmem_shared>>) target_semaphore(%run_scoped3A_69 : memref<!tpu.dma_semaphore, #tpu.memory_space<semaphore_mem>>)
        %dma_wait3A = arith.constant 0 : i32
        %dma_wait3A_81 = arith.constant 0 : i32
        %dma_wait3A_82 = tpu.memref_slice %arg10[%run_scoped3A, %dma_wait3A, %dma_wait3A_81] : memref<6x64x128xf32, #tpu.memory_space<vmem>> -> memref<1x64x128xf32, #tpu.memory_space<vmem>>
        %dma_wait3A_83 = tpu.memref_squeeze %dma_wait3A_82 : memref<1x64x128xf32, #tpu.memory_space<vmem>> -> memref<64x128xf32, #tpu.memory_space<vmem>>
        %dma_wait3A_84 = arith.constant 0 : i32
        %dma_wait3A_85 = tpu.memref_slice %arg8[%add3A_41, %dma_wait3A_84] : memref<10000x128xf32, #tpu.memory_space<vmem_shared>> -> memref<64x128xf32, #tpu.memory_space<vmem_shared>>
        %dma_wait3A_86 = arith.constant 0 : i32
        %dma_wait3A_87 = tpu.memref_slice %arg8[%add3A_41, %dma_wait3A_86] : memref<10000x128xf32, #tpu.memory_space<vmem_shared>> -> memref<64x128xf32, #tpu.memory_space<vmem_shared>>
        %dma_wait3A_88 = arith.constant 0 : i32
        %dma_wait3A_89 = arith.constant 0 : i32
        %dma_wait3A_90 = tpu.memref_slice %arg10[%run_scoped3A, %dma_wait3A_88, %dma_wait3A_89] : memref<6x64x128xf32, #tpu.memory_space<vmem>> -> memref<1x64x128xf32, #tpu.memory_space<vmem>>
        %dma_wait3A_91 = tpu.memref_squeeze %dma_wait3A_90 : memref<1x64x128xf32, #tpu.memory_space<vmem>> -> memref<64x128xf32, #tpu.memory_space<vmem>>
        tpu.wait_dma2 semaphore(%run_scoped3A_69 : memref<!tpu.dma_semaphore, #tpu.memory_space<semaphore_mem>>) src(%dma_wait3A_91 : memref<64x128xf32, #tpu.memory_space<vmem>>) dst(%dma_wait3A_87 : memref<64x128xf32, #tpu.memory_space<vmem_shared>>)
        tpu.yield
      }) : () -> ()
      %add3A_42 = arith.constant 64 : i32
      %add3A_43 = arith.addi %mul3A_39, %add3A_42 : i32
      %run_scoped3A_44 = arith.constant 0 : i32
      "tpu.region"() ({
        %run_scoped3A_69 = tpu.sem_alloc : memref<!tpu.dma_semaphore, #tpu.memory_space<semaphore_mem>>
        %dma_start3A = arith.constant 0 : i32
        %dma_start3A_70 = arith.constant 0 : i32
        %dma_start3A_71 = tpu.memref_slice %arg10[%run_scoped3A_44, %dma_start3A, %dma_start3A_70] : memref<6x64x128xf32, #tpu.memory_space<vmem>> -> memref<1x64x128xf32, #tpu.memory_space<vmem>>
        %dma_start3A_72 = tpu.memref_squeeze %dma_start3A_71 : memref<1x64x128xf32, #tpu.memory_space<vmem>> -> memref<64x128xf32, #tpu.memory_space<vmem>>
        %dma_start3A_73 = arith.constant 0 : i32
        %dma_start3A_74 = tpu.memref_slice %arg8[%add3A_43, %dma_start3A_73] : memref<10000x128xf32, #tpu.memory_space<vmem_shared>> -> memref<64x128xf32, #tpu.memory_space<vmem_shared>>
        %dma_start3A_75 = arith.constant 0 : i32
        %dma_start3A_76 = tpu.memref_slice %arg8[%add3A_43, %dma_start3A_75] : memref<10000x128xf32, #tpu.memory_space<vmem_shared>> -> memref<64x128xf32, #tpu.memory_space<vmem_shared>>
        %dma_start3A_77 = arith.constant 0 : i32
        %dma_start3A_78 = arith.constant 0 : i32
        %dma_start3A_79 = tpu.memref_slice %arg10[%run_scoped3A_44, %dma_start3A_77, %dma_start3A_78] : memref<6x64x128xf32, #tpu.memory_space<vmem>> -> memref<1x64x128xf32, #tpu.memory_space<vmem>>
        %dma_start3A_80 = tpu.memref_squeeze %dma_start3A_79 : memref<1x64x128xf32, #tpu.memory_space<vmem>> -> memref<64x128xf32, #tpu.memory_space<vmem>>
        tpu.enqueue_dma source(%dma_start3A_80 : memref<64x128xf32, #tpu.memory_space<vmem>>) target(%dma_start3A_76 : memref<64x128xf32, #tpu.memory_space<vmem_shared>>) target_semaphore(%run_scoped3A_69 : memref<!tpu.dma_semaphore, #tpu.memory_space<semaphore_mem>>)
        %dma_wait3A = arith.constant 0 : i32
        %dma_wait3A_81 = arith.constant 0 : i32
        %dma_wait3A_82 = tpu.memref_slice %arg10[%run_scoped3A_44, %dma_wait3A, %dma_wait3A_81] : memref<6x64x128xf32, #tpu.memory_space<vmem>> -> memref<1x64x128xf32, #tpu.memory_space<vmem>>
        %dma_wait3A_83 = tpu.memref_squeeze %dma_wait3A_82 : memref<1x64x128xf32, #tpu.memory_space<vmem>> -> memref<64x128xf32, #tpu.memory_space<vmem>>
        %dma_wait3A_84 = arith.constant 0 : i32
        %dma_wait3A_85 = tpu.memref_slice %arg8[%add3A_43, %dma_wait3A_84] : memref<10000x128xf32, #tpu.memory_space<vmem_shared>> -> memref<64x128xf32, #tpu.memory_space<vmem_shared>>
        %dma_wait3A_86 = arith.constant 0 : i32
        %dma_wait3A_87 = tpu.memref_slice %arg8[%add3A_43, %dma_wait3A_86] : memref<10000x128xf32, #tpu.memory_space<vmem_shared>> -> memref<64x128xf32, #tpu.memory_space<vmem_shared>>
        %dma_wait3A_88 = arith.constant 0 : i32
        %dma_wait3A_89 = arith.constant 0 : i32
        %dma_wait3A_90 = tpu.memref_slice %arg10[%run_scoped3A_44, %dma_wait3A_88, %dma_wait3A_89] : memref<6x64x128xf32, #tpu.memory_space<vmem>> -> memref<1x64x128xf32, #tpu.memory_space<vmem>>
        %dma_wait3A_91 = tpu.memref_squeeze %dma_wait3A_90 : memref<1x64x128xf32, #tpu.memory_space<vmem>> -> memref<64x128xf32, #tpu.memory_space<vmem>>
        tpu.wait_dma2 semaphore(%run_scoped3A_69 : memref<!tpu.dma_semaphore, #tpu.memory_space<semaphore_mem>>) src(%dma_wait3A_91 : memref<64x128xf32, #tpu.memory_space<vmem>>) dst(%dma_wait3A_87 : memref<64x128xf32, #tpu.memory_space<vmem_shared>>)
        tpu.yield
      }) : () -> ()
      %add3A_45 = arith.constant 128 : i32
      %add3A_46 = arith.addi %mul3A_39, %add3A_45 : i32
      %run_scoped3A_47 = arith.constant 0 : i32
      "tpu.region"() ({
        %run_scoped3A_69 = tpu.sem_alloc : memref<!tpu.dma_semaphore, #tpu.memory_space<semaphore_mem>>
        %dma_start3A = arith.constant 0 : i32
        %dma_start3A_70 = arith.constant 0 : i32
        %dma_start3A_71 = tpu.memref_slice %arg10[%run_scoped3A_47, %dma_start3A, %dma_start3A_70] : memref<6x64x128xf32, #tpu.memory_space<vmem>> -> memref<1x64x128xf32, #tpu.memory_space<vmem>>
        %dma_start3A_72 = tpu.memref_squeeze %dma_start3A_71 : memref<1x64x128xf32, #tpu.memory_space<vmem>> -> memref<64x128xf32, #tpu.memory_space<vmem>>
        %dma_start3A_73 = arith.constant 0 : i32
        %dma_start3A_74 = tpu.memref_slice %arg8[%add3A_46, %dma_start3A_73] : memref<10000x128xf32, #tpu.memory_space<vmem_shared>> -> memref<64x128xf32, #tpu.memory_space<vmem_shared>>
        %dma_start3A_75 = arith.constant 0 : i32
        %dma_start3A_76 = tpu.memref_slice %arg8[%add3A_46, %dma_start3A_75] : memref<10000x128xf32, #tpu.memory_space<vmem_shared>> -> memref<64x128xf32, #tpu.memory_space<vmem_shared>>
        %dma_start3A_77 = arith.constant 0 : i32
        %dma_start3A_78 = arith.constant 0 : i32
        %dma_start3A_79 = tpu.memref_slice %arg10[%run_scoped3A_47, %dma_start3A_77, %dma_start3A_78] : memref<6x64x128xf32, #tpu.memory_space<vmem>> -> memref<1x64x128xf32, #tpu.memory_space<vmem>>
        %dma_start3A_80 = tpu.memref_squeeze %dma_start3A_79 : memref<1x64x128xf32, #tpu.memory_space<vmem>> -> memref<64x128xf32, #tpu.memory_space<vmem>>
        tpu.enqueue_dma source(%dma_start3A_80 : memref<64x128xf32, #tpu.memory_space<vmem>>) target(%dma_start3A_76 : memref<64x128xf32, #tpu.memory_space<vmem_shared>>) target_semaphore(%run_scoped3A_69 : memref<!tpu.dma_semaphore, #tpu.memory_space<semaphore_mem>>)
        %dma_wait3A = arith.constant 0 : i32
        %dma_wait3A_81 = arith.constant 0 : i32
        %dma_wait3A_82 = tpu.memref_slice %arg10[%run_scoped3A_47, %dma_wait3A, %dma_wait3A_81] : memref<6x64x128xf32, #tpu.memory_space<vmem>> -> memref<1x64x128xf32, #tpu.memory_space<vmem>>
        %dma_wait3A_83 = tpu.memref_squeeze %dma_wait3A_82 : memref<1x64x128xf32, #tpu.memory_space<vmem>> -> memref<64x128xf32, #tpu.memory_space<vmem>>
        %dma_wait3A_84 = arith.constant 0 : i32
        %dma_wait3A_85 = tpu.memref_slice %arg8[%add3A_46, %dma_wait3A_84] : memref<10000x128xf32, #tpu.memory_space<vmem_shared>> -> memref<64x128xf32, #tpu.memory_space<vmem_shared>>
        %dma_wait3A_86 = arith.constant 0 : i32
        %dma_wait3A_87 = tpu.memref_slice %arg8[%add3A_46, %dma_wait3A_86] : memref<10000x128xf32, #tpu.memory_space<vmem_shared>> -> memref<64x128xf32, #tpu.memory_space<vmem_shared>>
        %dma_wait3A_88 = arith.constant 0 : i32
        %dma_wait3A_89 = arith.constant 0 : i32
        %dma_wait3A_90 = tpu.memref_slice %arg10[%run_scoped3A_47, %dma_wait3A_88, %dma_wait3A_89] : memref<6x64x128xf32, #tpu.memory_space<vmem>> -> memref<1x64x128xf32, #tpu.memory_space<vmem>>
        %dma_wait3A_91 = tpu.memref_squeeze %dma_wait3A_90 : memref<1x64x128xf32, #tpu.memory_space<vmem>> -> memref<64x128xf32, #tpu.memory_space<vmem>>
        tpu.wait_dma2 semaphore(%run_scoped3A_69 : memref<!tpu.dma_semaphore, #tpu.memory_space<semaphore_mem>>) src(%dma_wait3A_91 : memref<64x128xf32, #tpu.memory_space<vmem>>) dst(%dma_wait3A_87 : memref<64x128xf32, #tpu.memory_space<vmem_shared>>)
        tpu.yield
      }) : () -> ()
      %add3A_48 = arith.constant 192 : i32
      %add3A_49 = arith.addi %mul3A_39, %add3A_48 : i32
      %run_scoped3A_50 = arith.constant 0 : i32
      "tpu.region"() ({
        %run_scoped3A_69 = tpu.sem_alloc : memref<!tpu.dma_semaphore, #tpu.memory_space<semaphore_mem>>
        %dma_start3A = arith.constant 0 : i32
        %dma_start3A_70 = arith.constant 0 : i32
        %dma_start3A_71 = tpu.memref_slice %arg10[%run_scoped3A_50, %dma_start3A, %dma_start3A_70] : memref<6x64x128xf32, #tpu.memory_space<vmem>> -> memref<1x64x128xf32, #tpu.memory_space<vmem>>
        %dma_start3A_72 = tpu.memref_squeeze %dma_start3A_71 : memref<1x64x128xf32, #tpu.memory_space<vmem>> -> memref<64x128xf32, #tpu.memory_space<vmem>>
        %dma_start3A_73 = arith.constant 0 : i32
        %dma_start3A_74 = tpu.memref_slice %arg8[%add3A_49, %dma_start3A_73] : memref<10000x128xf32, #tpu.memory_space<vmem_shared>> -> memref<64x128xf32, #tpu.memory_space<vmem_shared>>
        %dma_start3A_75 = arith.constant 0 : i32
        %dma_start3A_76 = tpu.memref_slice %arg8[%add3A_49, %dma_start3A_75] : memref<10000x128xf32, #tpu.memory_space<vmem_shared>> -> memref<64x128xf32, #tpu.memory_space<vmem_shared>>
        %dma_start3A_77 = arith.constant 0 : i32
        %dma_start3A_78 = arith.constant 0 : i32
        %dma_start3A_79 = tpu.memref_slice %arg10[%run_scoped3A_50, %dma_start3A_77, %dma_start3A_78] : memref<6x64x128xf32, #tpu.memory_space<vmem>> -> memref<1x64x128xf32, #tpu.memory_space<vmem>>
        %dma_start3A_80 = tpu.memref_squeeze %dma_start3A_79 : memref<1x64x128xf32, #tpu.memory_space<vmem>> -> memref<64x128xf32, #tpu.memory_space<vmem>>
        tpu.enqueue_dma source(%dma_start3A_80 : memref<64x128xf32, #tpu.memory_space<vmem>>) target(%dma_start3A_76 : memref<64x128xf32, #tpu.memory_space<vmem_shared>>) target_semaphore(%run_scoped3A_69 : memref<!tpu.dma_semaphore, #tpu.memory_space<semaphore_mem>>)
        %dma_wait3A = arith.constant 0 : i32
        %dma_wait3A_81 = arith.constant 0 : i32
        %dma_wait3A_82 = tpu.memref_slice %arg10[%run_scoped3A_50, %dma_wait3A, %dma_wait3A_81] : memref<6x64x128xf32, #tpu.memory_space<vmem>> -> memref<1x64x128xf32, #tpu.memory_space<vmem>>
        %dma_wait3A_83 = tpu.memref_squeeze %dma_wait3A_82 : memref<1x64x128xf32, #tpu.memory_space<vmem>> -> memref<64x128xf32, #tpu.memory_space<vmem>>
        %dma_wait3A_84 = arith.constant 0 : i32
        %dma_wait3A_85 = tpu.memref_slice %arg8[%add3A_49, %dma_wait3A_84] : memref<10000x128xf32, #tpu.memory_space<vmem_shared>> -> memref<64x128xf32, #tpu.memory_space<vmem_shared>>
        %dma_wait3A_86 = arith.constant 0 : i32
        %dma_wait3A_87 = tpu.memref_slice %arg8[%add3A_49, %dma_wait3A_86] : memref<10000x128xf32, #tpu.memory_space<vmem_shared>> -> memref<64x128xf32, #tpu.memory_space<vmem_shared>>
        %dma_wait3A_88 = arith.constant 0 : i32
        %dma_wait3A_89 = arith.constant 0 : i32
        %dma_wait3A_90 = tpu.memref_slice %arg10[%run_scoped3A_50, %dma_wait3A_88, %dma_wait3A_89] : memref<6x64x128xf32, #tpu.memory_space<vmem>> -> memref<1x64x128xf32, #tpu.memory_space<vmem>>
        %dma_wait3A_91 = tpu.memref_squeeze %dma_wait3A_90 : memref<1x64x128xf32, #tpu.memory_space<vmem>> -> memref<64x128xf32, #tpu.memory_space<vmem>>
        tpu.wait_dma2 semaphore(%run_scoped3A_69 : memref<!tpu.dma_semaphore, #tpu.memory_space<semaphore_mem>>) src(%dma_wait3A_91 : memref<64x128xf32, #tpu.memory_space<vmem>>) dst(%dma_wait3A_87 : memref<64x128xf32, #tpu.memory_space<vmem_shared>>)
        tpu.yield
      }) : () -> ()
      %add3A_51 = arith.constant 256 : i32
      %add3A_52 = arith.addi %mul3A_39, %add3A_51 : i32
      %run_scoped3A_53 = arith.constant 0 : i32
      "tpu.region"() ({
        %run_scoped3A_69 = tpu.sem_alloc : memref<!tpu.dma_semaphore, #tpu.memory_space<semaphore_mem>>
        %dma_start3A = arith.constant 0 : i32
        %dma_start3A_70 = arith.constant 0 : i32
        %dma_start3A_71 = tpu.memref_slice %arg10[%run_scoped3A_53, %dma_start3A, %dma_start3A_70] : memref<6x64x128xf32, #tpu.memory_space<vmem>> -> memref<1x64x128xf32, #tpu.memory_space<vmem>>
        %dma_start3A_72 = tpu.memref_squeeze %dma_start3A_71 : memref<1x64x128xf32, #tpu.memory_space<vmem>> -> memref<64x128xf32, #tpu.memory_space<vmem>>
        %dma_start3A_73 = arith.constant 0 : i32
        %dma_start3A_74 = tpu.memref_slice %arg8[%add3A_52, %dma_start3A_73] : memref<10000x128xf32, #tpu.memory_space<vmem_shared>> -> memref<64x128xf32, #tpu.memory_space<vmem_shared>>
        %dma_start3A_75 = arith.constant 0 : i32
        %dma_start3A_76 = tpu.memref_slice %arg8[%add3A_52, %dma_start3A_75] : memref<10000x128xf32, #tpu.memory_space<vmem_shared>> -> memref<64x128xf32, #tpu.memory_space<vmem_shared>>
        %dma_start3A_77 = arith.constant 0 : i32
        %dma_start3A_78 = arith.constant 0 : i32
        %dma_start3A_79 = tpu.memref_slice %arg10[%run_scoped3A_53, %dma_start3A_77, %dma_start3A_78] : memref<6x64x128xf32, #tpu.memory_space<vmem>> -> memref<1x64x128xf32, #tpu.memory_space<vmem>>
        %dma_start3A_80 = tpu.memref_squeeze %dma_start3A_79 : memref<1x64x128xf32, #tpu.memory_space<vmem>> -> memref<64x128xf32, #tpu.memory_space<vmem>>
        tpu.enqueue_dma source(%dma_start3A_80 : memref<64x128xf32, #tpu.memory_space<vmem>>) target(%dma_start3A_76 : memref<64x128xf32, #tpu.memory_space<vmem_shared>>) target_semaphore(%run_scoped3A_69 : memref<!tpu.dma_semaphore, #tpu.memory_space<semaphore_mem>>)
        %dma_wait3A = arith.constant 0 : i32
        %dma_wait3A_81 = arith.constant 0 : i32
        %dma_wait3A_82 = tpu.memref_slice %arg10[%run_scoped3A_53, %dma_wait3A, %dma_wait3A_81] : memref<6x64x128xf32, #tpu.memory_space<vmem>> -> memref<1x64x128xf32, #tpu.memory_space<vmem>>
        %dma_wait3A_83 = tpu.memref_squeeze %dma_wait3A_82 : memref<1x64x128xf32, #tpu.memory_space<vmem>> -> memref<64x128xf32, #tpu.memory_space<vmem>>
        %dma_wait3A_84 = arith.constant 0 : i32
        %dma_wait3A_85 = tpu.memref_slice %arg8[%add3A_52, %dma_wait3A_84] : memref<10000x128xf32, #tpu.memory_space<vmem_shared>> -> memref<64x128xf32, #tpu.memory_space<vmem_shared>>
        %dma_wait3A_86 = arith.constant 0 : i32
        %dma_wait3A_87 = tpu.memref_slice %arg8[%add3A_52, %dma_wait3A_86] : memref<10000x128xf32, #tpu.memory_space<vmem_shared>> -> memref<64x128xf32, #tpu.memory_space<vmem_shared>>
        %dma_wait3A_88 = arith.constant 0 : i32
        %dma_wait3A_89 = arith.constant 0 : i32
        %dma_wait3A_90 = tpu.memref_slice %arg10[%run_scoped3A_53, %dma_wait3A_88, %dma_wait3A_89] : memref<6x64x128xf32, #tpu.memory_space<vmem>> -> memref<1x64x128xf32, #tpu.memory_space<vmem>>
        %dma_wait3A_91 = tpu.memref_squeeze %dma_wait3A_90 : memref<1x64x128xf32, #tpu.memory_space<vmem>> -> memref<64x128xf32, #tpu.memory_space<vmem>>
        tpu.wait_dma2 semaphore(%run_scoped3A_69 : memref<!tpu.dma_semaphore, #tpu.memory_space<semaphore_mem>>) src(%dma_wait3A_91 : memref<64x128xf32, #tpu.memory_space<vmem>>) dst(%dma_wait3A_87 : memref<64x128xf32, #tpu.memory_space<vmem_shared>>)
        tpu.yield
      }) : () -> ()
      %add3A_54 = arith.constant 320 : i32
      %add3A_55 = arith.addi %mul3A_39, %add3A_54 : i32
      %run_scoped3A_56 = arith.constant 0 : i32
      "tpu.region"() ({
        %run_scoped3A_69 = tpu.sem_alloc : memref<!tpu.dma_semaphore, #tpu.memory_space<semaphore_mem>>
        %dma_start3A = arith.constant 0 : i32
        %dma_start3A_70 = arith.constant 0 : i32
        %dma_start3A_71 = tpu.memref_slice %arg10[%run_scoped3A_56, %dma_start3A, %dma_start3A_70] : memref<6x64x128xf32, #tpu.memory_space<vmem>> -> memref<1x64x128xf32, #tpu.memory_space<vmem>>
        %dma_start3A_72 = tpu.memref_squeeze %dma_start3A_71 : memref<1x64x128xf32, #tpu.memory_space<vmem>> -> memref<64x128xf32, #tpu.memory_space<vmem>>
        %dma_start3A_73 = arith.constant 0 : i32
        %dma_start3A_74 = tpu.memref_slice %arg8[%add3A_55, %dma_start3A_73] : memref<10000x128xf32, #tpu.memory_space<vmem_shared>> -> memref<64x128xf32, #tpu.memory_space<vmem_shared>>
        %dma_start3A_75 = arith.constant 0 : i32
        %dma_start3A_76 = tpu.memref_slice %arg8[%add3A_55, %dma_start3A_75] : memref<10000x128xf32, #tpu.memory_space<vmem_shared>> -> memref<64x128xf32, #tpu.memory_space<vmem_shared>>
        %dma_start3A_77 = arith.constant 0 : i32
        %dma_start3A_78 = arith.constant 0 : i32
        %dma_start3A_79 = tpu.memref_slice %arg10[%run_scoped3A_56, %dma_start3A_77, %dma_start3A_78] : memref<6x64x128xf32, #tpu.memory_space<vmem>> -> memref<1x64x128xf32, #tpu.memory_space<vmem>>
        %dma_start3A_80 = tpu.memref_squeeze %dma_start3A_79 : memref<1x64x128xf32, #tpu.memory_space<vmem>> -> memref<64x128xf32, #tpu.memory_space<vmem>>
        tpu.enqueue_dma source(%dma_start3A_80 : memref<64x128xf32, #tpu.memory_space<vmem>>) target(%dma_start3A_76 : memref<64x128xf32, #tpu.memory_space<vmem_shared>>) target_semaphore(%run_scoped3A_69 : memref<!tpu.dma_semaphore, #tpu.memory_space<semaphore_mem>>)
        %dma_wait3A = arith.constant 0 : i32
        %dma_wait3A_81 = arith.constant 0 : i32
        %dma_wait3A_82 = tpu.memref_slice %arg10[%run_scoped3A_56, %dma_wait3A, %dma_wait3A_81] : memref<6x64x128xf32, #tpu.memory_space<vmem>> -> memref<1x64x128xf32, #tpu.memory_space<vmem>>
        %dma_wait3A_83 = tpu.memref_squeeze %dma_wait3A_82 : memref<1x64x128xf32, #tpu.memory_space<vmem>> -> memref<64x128xf32, #tpu.memory_space<vmem>>
        %dma_wait3A_84 = arith.constant 0 : i32
        %dma_wait3A_85 = tpu.memref_slice %arg8[%add3A_55, %dma_wait3A_84] : memref<10000x128xf32, #tpu.memory_space<vmem_shared>> -> memref<64x128xf32, #tpu.memory_space<vmem_shared>>
        %dma_wait3A_86 = arith.constant 0 : i32
        %dma_wait3A_87 = tpu.memref_slice %arg8[%add3A_55, %dma_wait3A_86] : memref<10000x128xf32, #tpu.memory_space<vmem_shared>> -> memref<64x128xf32, #tpu.memory_space<vmem_shared>>
        %dma_wait3A_88 = arith.constant 0 : i32
        %dma_wait3A_89 = arith.constant 0 : i32
        %dma_wait3A_90 = tpu.memref_slice %arg10[%run_scoped3A_56, %dma_wait3A_88, %dma_wait3A_89] : memref<6x64x128xf32, #tpu.memory_space<vmem>> -> memref<1x64x128xf32, #tpu.memory_space<vmem>>
        %dma_wait3A_91 = tpu.memref_squeeze %dma_wait3A_90 : memref<1x64x128xf32, #tpu.memory_space<vmem>> -> memref<64x128xf32, #tpu.memory_space<vmem>>
        tpu.wait_dma2 semaphore(%run_scoped3A_69 : memref<!tpu.dma_semaphore, #tpu.memory_space<semaphore_mem>>) src(%dma_wait3A_91 : memref<64x128xf32, #tpu.memory_space<vmem>>) dst(%dma_wait3A_87 : memref<64x128xf32, #tpu.memory_space<vmem_shared>>)
        tpu.yield
      }) : () -> ()
      %add3A_57 = arith.constant 384 : i32
      %add3A_58 = arith.addi %mul3A_39, %add3A_57 : i32
      %run_scoped3A_59 = arith.constant 0 : i32
      "tpu.region"() ({
        %run_scoped3A_69 = tpu.sem_alloc : memref<!tpu.dma_semaphore, #tpu.memory_space<semaphore_mem>>
        %dma_start3A = arith.constant 0 : i32
        %dma_start3A_70 = arith.constant 0 : i32
        %dma_start3A_71 = tpu.memref_slice %arg10[%run_scoped3A_59, %dma_start3A, %dma_start3A_70] : memref<6x64x128xf32, #tpu.memory_space<vmem>> -> memref<1x64x128xf32, #tpu.memory_space<vmem>>
        %dma_start3A_72 = tpu.memref_squeeze %dma_start3A_71 : memref<1x64x128xf32, #tpu.memory_space<vmem>> -> memref<64x128xf32, #tpu.memory_space<vmem>>
        %dma_start3A_73 = arith.constant 0 : i32
        %dma_start3A_74 = tpu.memref_slice %arg8[%add3A_58, %dma_start3A_73] : memref<10000x128xf32, #tpu.memory_space<vmem_shared>> -> memref<64x128xf32, #tpu.memory_space<vmem_shared>>
        %dma_start3A_75 = arith.constant 0 : i32
        %dma_start3A_76 = tpu.memref_slice %arg8[%add3A_58, %dma_start3A_75] : memref<10000x128xf32, #tpu.memory_space<vmem_shared>> -> memref<64x128xf32, #tpu.memory_space<vmem_shared>>
        %dma_start3A_77 = arith.constant 0 : i32
        %dma_start3A_78 = arith.constant 0 : i32
        %dma_start3A_79 = tpu.memref_slice %arg10[%run_scoped3A_59, %dma_start3A_77, %dma_start3A_78] : memref<6x64x128xf32, #tpu.memory_space<vmem>> -> memref<1x64x128xf32, #tpu.memory_space<vmem>>
        %dma_start3A_80 = tpu.memref_squeeze %dma_start3A_79 : memref<1x64x128xf32, #tpu.memory_space<vmem>> -> memref<64x128xf32, #tpu.memory_space<vmem>>
        tpu.enqueue_dma source(%dma_start3A_80 : memref<64x128xf32, #tpu.memory_space<vmem>>) target(%dma_start3A_76 : memref<64x128xf32, #tpu.memory_space<vmem_shared>>) target_semaphore(%run_scoped3A_69 : memref<!tpu.dma_semaphore, #tpu.memory_space<semaphore_mem>>)
        %dma_wait3A = arith.constant 0 : i32
        %dma_wait3A_81 = arith.constant 0 : i32
        %dma_wait3A_82 = tpu.memref_slice %arg10[%run_scoped3A_59, %dma_wait3A, %dma_wait3A_81] : memref<6x64x128xf32, #tpu.memory_space<vmem>> -> memref<1x64x128xf32, #tpu.memory_space<vmem>>
        %dma_wait3A_83 = tpu.memref_squeeze %dma_wait3A_82 : memref<1x64x128xf32, #tpu.memory_space<vmem>> -> memref<64x128xf32, #tpu.memory_space<vmem>>
        %dma_wait3A_84 = arith.constant 0 : i32
        %dma_wait3A_85 = tpu.memref_slice %arg8[%add3A_58, %dma_wait3A_84] : memref<10000x128xf32, #tpu.memory_space<vmem_shared>> -> memref<64x128xf32, #tpu.memory_space<vmem_shared>>
        %dma_wait3A_86 = arith.constant 0 : i32
        %dma_wait3A_87 = tpu.memref_slice %arg8[%add3A_58, %dma_wait3A_86] : memref<10000x128xf32, #tpu.memory_space<vmem_shared>> -> memref<64x128xf32, #tpu.memory_space<vmem_shared>>
        %dma_wait3A_88 = arith.constant 0 : i32
        %dma_wait3A_89 = arith.constant 0 : i32
        %dma_wait3A_90 = tpu.memref_slice %arg10[%run_scoped3A_59, %dma_wait3A_88, %dma_wait3A_89] : memref<6x64x128xf32, #tpu.memory_space<vmem>> -> memref<1x64x128xf32, #tpu.memory_space<vmem>>
        %dma_wait3A_91 = tpu.memref_squeeze %dma_wait3A_90 : memref<1x64x128xf32, #tpu.memory_space<vmem>> -> memref<64x128xf32, #tpu.memory_space<vmem>>
        tpu.wait_dma2 semaphore(%run_scoped3A_69 : memref<!tpu.dma_semaphore, #tpu.memory_space<semaphore_mem>>) src(%dma_wait3A_91 : memref<64x128xf32, #tpu.memory_space<vmem>>) dst(%dma_wait3A_87 : memref<64x128xf32, #tpu.memory_space<vmem_shared>>)
        tpu.yield
      }) : () -> ()
      %add3A_60 = arith.constant 448 : i32
      %add3A_61 = arith.addi %mul3A_39, %add3A_60 : i32
      %run_scoped3A_62 = arith.constant 0 : i32
      "tpu.region"() ({
        %run_scoped3A_69 = tpu.sem_alloc : memref<!tpu.dma_semaphore, #tpu.memory_space<semaphore_mem>>
        %dma_start3A = arith.constant 0 : i32
        %dma_start3A_70 = arith.constant 0 : i32
        %dma_start3A_71 = tpu.memref_slice %arg10[%run_scoped3A_62, %dma_start3A, %dma_start3A_70] : memref<6x64x128xf32, #tpu.memory_space<vmem>> -> memref<1x64x128xf32, #tpu.memory_space<vmem>>
        %dma_start3A_72 = tpu.memref_squeeze %dma_start3A_71 : memref<1x64x128xf32, #tpu.memory_space<vmem>> -> memref<64x128xf32, #tpu.memory_space<vmem>>
        %dma_start3A_73 = arith.constant 0 : i32
        %dma_start3A_74 = tpu.memref_slice %arg8[%add3A_61, %dma_start3A_73] : memref<10000x128xf32, #tpu.memory_space<vmem_shared>> -> memref<64x128xf32, #tpu.memory_space<vmem_shared>>
        %dma_start3A_75 = arith.constant 0 : i32
        %dma_start3A_76 = tpu.memref_slice %arg8[%add3A_61, %dma_start3A_75] : memref<10000x128xf32, #tpu.memory_space<vmem_shared>> -> memref<64x128xf32, #tpu.memory_space<vmem_shared>>
        %dma_start3A_77 = arith.constant 0 : i32
        %dma_start3A_78 = arith.constant 0 : i32
        %dma_start3A_79 = tpu.memref_slice %arg10[%run_scoped3A_62, %dma_start3A_77, %dma_start3A_78] : memref<6x64x128xf32, #tpu.memory_space<vmem>> -> memref<1x64x128xf32, #tpu.memory_space<vmem>>
        %dma_start3A_80 = tpu.memref_squeeze %dma_start3A_79 : memref<1x64x128xf32, #tpu.memory_space<vmem>> -> memref<64x128xf32, #tpu.memory_space<vmem>>
        tpu.enqueue_dma source(%dma_start3A_80 : memref<64x128xf32, #tpu.memory_space<vmem>>) target(%dma_start3A_76 : memref<64x128xf32, #tpu.memory_space<vmem_shared>>) target_semaphore(%run_scoped3A_69 : memref<!tpu.dma_semaphore, #tpu.memory_space<semaphore_mem>>)
        %dma_wait3A = arith.constant 0 : i32
        %dma_wait3A_81 = arith.constant 0 : i32
        %dma_wait3A_82 = tpu.memref_slice %arg10[%run_scoped3A_62, %dma_wait3A, %dma_wait3A_81] : memref<6x64x128xf32, #tpu.memory_space<vmem>> -> memref<1x64x128xf32, #tpu.memory_space<vmem>>
        %dma_wait3A_83 = tpu.memref_squeeze %dma_wait3A_82 : memref<1x64x128xf32, #tpu.memory_space<vmem>> -> memref<64x128xf32, #tpu.memory_space<vmem>>
        %dma_wait3A_84 = arith.constant 0 : i32
        %dma_wait3A_85 = tpu.memref_slice %arg8[%add3A_61, %dma_wait3A_84] : memref<10000x128xf32, #tpu.memory_space<vmem_shared>> -> memref<64x128xf32, #tpu.memory_space<vmem_shared>>
        %dma_wait3A_86 = arith.constant 0 : i32
        %dma_wait3A_87 = tpu.memref_slice %arg8[%add3A_61, %dma_wait3A_86] : memref<10000x128xf32, #tpu.memory_space<vmem_shared>> -> memref<64x128xf32, #tpu.memory_space<vmem_shared>>
        %dma_wait3A_88 = arith.constant 0 : i32
        %dma_wait3A_89 = arith.constant 0 : i32
        %dma_wait3A_90 = tpu.memref_slice %arg10[%run_scoped3A_62, %dma_wait3A_88, %dma_wait3A_89] : memref<6x64x128xf32, #tpu.memory_space<vmem>> -> memref<1x64x128xf32, #tpu.memory_space<vmem>>
        %dma_wait3A_91 = tpu.memref_squeeze %dma_wait3A_90 : memref<1x64x128xf32, #tpu.memory_space<vmem>> -> memref<64x128xf32, #tpu.memory_space<vmem>>
        tpu.wait_dma2 semaphore(%run_scoped3A_69 : memref<!tpu.dma_semaphore, #tpu.memory_space<semaphore_mem>>) src(%dma_wait3A_91 : memref<64x128xf32, #tpu.memory_space<vmem>>) dst(%dma_wait3A_87 : memref<64x128xf32, #tpu.memory_space<vmem_shared>>)
        tpu.yield
      }) : () -> ()
      %add3A_63 = arith.constant 512 : i32
      %add3A_64 = arith.addi %mul3A_39, %add3A_63 : i32
      %run_scoped3A_65 = arith.constant 0 : i32
      "tpu.region"() ({
        %run_scoped3A_69 = tpu.sem_alloc : memref<!tpu.dma_semaphore, #tpu.memory_space<semaphore_mem>>
        %dma_start3A = arith.constant 0 : i32
        %dma_start3A_70 = arith.constant 0 : i32
        %dma_start3A_71 = tpu.memref_slice %arg10[%run_scoped3A_65, %dma_start3A, %dma_start3A_70] : memref<6x64x128xf32, #tpu.memory_space<vmem>> -> memref<1x64x128xf32, #tpu.memory_space<vmem>>
        %dma_start3A_72 = tpu.memref_squeeze %dma_start3A_71 : memref<1x64x128xf32, #tpu.memory_space<vmem>> -> memref<64x128xf32, #tpu.memory_space<vmem>>
        %dma_start3A_73 = arith.constant 0 : i32
        %dma_start3A_74 = tpu.memref_slice %arg8[%add3A_64, %dma_start3A_73] : memref<10000x128xf32, #tpu.memory_space<vmem_shared>> -> memref<64x128xf32, #tpu.memory_space<vmem_shared>>
        %dma_start3A_75 = arith.constant 0 : i32
        %dma_start3A_76 = tpu.memref_slice %arg8[%add3A_64, %dma_start3A_75] : memref<10000x128xf32, #tpu.memory_space<vmem_shared>> -> memref<64x128xf32, #tpu.memory_space<vmem_shared>>
        %dma_start3A_77 = arith.constant 0 : i32
        %dma_start3A_78 = arith.constant 0 : i32
        %dma_start3A_79 = tpu.memref_slice %arg10[%run_scoped3A_65, %dma_start3A_77, %dma_start3A_78] : memref<6x64x128xf32, #tpu.memory_space<vmem>> -> memref<1x64x128xf32, #tpu.memory_space<vmem>>
        %dma_start3A_80 = tpu.memref_squeeze %dma_start3A_79 : memref<1x64x128xf32, #tpu.memory_space<vmem>> -> memref<64x128xf32, #tpu.memory_space<vmem>>
        tpu.enqueue_dma source(%dma_start3A_80 : memref<64x128xf32, #tpu.memory_space<vmem>>) target(%dma_start3A_76 : memref<64x128xf32, #tpu.memory_space<vmem_shared>>) target_semaphore(%run_scoped3A_69 : memref<!tpu.dma_semaphore, #tpu.memory_space<semaphore_mem>>)
        %dma_wait3A = arith.constant 0 : i32
        %dma_wait3A_81 = arith.constant 0 : i32
        %dma_wait3A_82 = tpu.memref_slice %arg10[%run_scoped3A_65, %dma_wait3A, %dma_wait3A_81] : memref<6x64x128xf32, #tpu.memory_space<vmem>> -> memref<1x64x128xf32, #tpu.memory_space<vmem>>
        %dma_wait3A_83 = tpu.memref_squeeze %dma_wait3A_82 : memref<1x64x128xf32, #tpu.memory_space<vmem>> -> memref<64x128xf32, #tpu.memory_space<vmem>>
        %dma_wait3A_84 = arith.constant 0 : i32
        %dma_wait3A_85 = tpu.memref_slice %arg8[%add3A_64, %dma_wait3A_84] : memref<10000x128xf32, #tpu.memory_space<vmem_shared>> -> memref<64x128xf32, #tpu.memory_space<vmem_shared>>
        %dma_wait3A_86 = arith.constant 0 : i32
        %dma_wait3A_87 = tpu.memref_slice %arg8[%add3A_64, %dma_wait3A_86] : memref<10000x128xf32, #tpu.memory_space<vmem_shared>> -> memref<64x128xf32, #tpu.memory_space<vmem_shared>>
        %dma_wait3A_88 = arith.constant 0 : i32
        %dma_wait3A_89 = arith.constant 0 : i32
        %dma_wait3A_90 = tpu.memref_slice %arg10[%run_scoped3A_65, %dma_wait3A_88, %dma_wait3A_89] : memref<6x64x128xf32, #tpu.memory_space<vmem>> -> memref<1x64x128xf32, #tpu.memory_space<vmem>>
        %dma_wait3A_91 = tpu.memref_squeeze %dma_wait3A_90 : memref<1x64x128xf32, #tpu.memory_space<vmem>> -> memref<64x128xf32, #tpu.memory_space<vmem>>
        tpu.wait_dma2 semaphore(%run_scoped3A_69 : memref<!tpu.dma_semaphore, #tpu.memory_space<semaphore_mem>>) src(%dma_wait3A_91 : memref<64x128xf32, #tpu.memory_space<vmem>>) dst(%dma_wait3A_87 : memref<64x128xf32, #tpu.memory_space<vmem_shared>>)
        tpu.yield
      }) : () -> ()
      %add3A_66 = arith.constant 576 : i32
      %add3A_67 = arith.addi %mul3A_39, %add3A_66 : i32
      %run_scoped3A_68 = arith.constant 0 : i32
      "tpu.region"() ({
        %run_scoped3A_69 = tpu.sem_alloc : memref<!tpu.dma_semaphore, #tpu.memory_space<semaphore_mem>>
        %dma_start3A = arith.constant 0 : i32
        %dma_start3A_70 = arith.constant 0 : i32
        %dma_start3A_71 = tpu.memref_slice %arg10[%run_scoped3A_68, %dma_start3A, %dma_start3A_70] : memref<6x64x128xf32, #tpu.memory_space<vmem>> -> memref<1x56x128xf32, #tpu.memory_space<vmem>>
        %dma_start3A_72 = tpu.memref_squeeze %dma_start3A_71 : memref<1x56x128xf32, #tpu.memory_space<vmem>> -> memref<56x128xf32, #tpu.memory_space<vmem>>
        %dma_start3A_73 = arith.constant 0 : i32
        %dma_start3A_74 = tpu.memref_slice %arg8[%add3A_67, %dma_start3A_73] : memref<10000x128xf32, #tpu.memory_space<vmem_shared>> -> memref<56x128xf32, #tpu.memory_space<vmem_shared>>
        %dma_start3A_75 = arith.constant 0 : i32
        %dma_start3A_76 = tpu.memref_slice %arg8[%add3A_67, %dma_start3A_75] : memref<10000x128xf32, #tpu.memory_space<vmem_shared>> -> memref<56x128xf32, #tpu.memory_space<vmem_shared>>
        %dma_start3A_77 = arith.constant 0 : i32
        %dma_start3A_78 = arith.constant 0 : i32
        %dma_start3A_79 = tpu.memref_slice %arg10[%run_scoped3A_68, %dma_start3A_77, %dma_start3A_78] : memref<6x64x128xf32, #tpu.memory_space<vmem>> -> memref<1x56x128xf32, #tpu.memory_space<vmem>>
        %dma_start3A_80 = tpu.memref_squeeze %dma_start3A_79 : memref<1x56x128xf32, #tpu.memory_space<vmem>> -> memref<56x128xf32, #tpu.memory_space<vmem>>
        tpu.enqueue_dma source(%dma_start3A_80 : memref<56x128xf32, #tpu.memory_space<vmem>>) target(%dma_start3A_76 : memref<56x128xf32, #tpu.memory_space<vmem_shared>>) target_semaphore(%run_scoped3A_69 : memref<!tpu.dma_semaphore, #tpu.memory_space<semaphore_mem>>)
        %dma_wait3A = arith.constant 0 : i32
        %dma_wait3A_81 = arith.constant 0 : i32
        %dma_wait3A_82 = tpu.memref_slice %arg10[%run_scoped3A_68, %dma_wait3A, %dma_wait3A_81] : memref<6x64x128xf32, #tpu.memory_space<vmem>> -> memref<1x56x128xf32, #tpu.memory_space<vmem>>
        %dma_wait3A_83 = tpu.memref_squeeze %dma_wait3A_82 : memref<1x56x128xf32, #tpu.memory_space<vmem>> -> memref<56x128xf32, #tpu.memory_space<vmem>>
        %dma_wait3A_84 = arith.constant 0 : i32
        %dma_wait3A_85 = tpu.memref_slice %arg8[%add3A_67, %dma_wait3A_84] : memref<10000x128xf32, #tpu.memory_space<vmem_shared>> -> memref<56x128xf32, #tpu.memory_space<vmem_shared>>
        %dma_wait3A_86 = arith.constant 0 : i32
        %dma_wait3A_87 = tpu.memref_slice %arg8[%add3A_67, %dma_wait3A_86] : memref<10000x128xf32, #tpu.memory_space<vmem_shared>> -> memref<56x128xf32, #tpu.memory_space<vmem_shared>>
        %dma_wait3A_88 = arith.constant 0 : i32
        %dma_wait3A_89 = arith.constant 0 : i32
        %dma_wait3A_90 = tpu.memref_slice %arg10[%run_scoped3A_68, %dma_wait3A_88, %dma_wait3A_89] : memref<6x64x128xf32, #tpu.memory_space<vmem>> -> memref<1x56x128xf32, #tpu.memory_space<vmem>>
        %dma_wait3A_91 = tpu.memref_squeeze %dma_wait3A_90 : memref<1x56x128xf32, #tpu.memory_space<vmem>> -> memref<56x128xf32, #tpu.memory_space<vmem>>
        tpu.wait_dma2 semaphore(%run_scoped3A_69 : memref<!tpu.dma_semaphore, #tpu.memory_space<semaphore_mem>>) src(%dma_wait3A_91 : memref<56x128xf32, #tpu.memory_space<vmem>>) dst(%dma_wait3A_87 : memref<56x128xf32, #tpu.memory_space<vmem_shared>>)
        tpu.yield
      }) : () -> ()
    } else {
    }
    %eq3A = arith.constant 15 : i32
    %eq3A_8 = arith.cmpi eq, %arg1, %eq3A : i32
    %convert_element_type3A_9 = arith.extui %eq3A_8 : i1 to i32
    %cond3A_10 = arith.constant 0 : i32
    %cond3A_11 = arith.cmpi ne, %convert_element_type3A_9, %cond3A_10 : i32
    scf.if %cond3A_11 {
      %run_scoped3A = arith.constant 0 : i32
      "tpu.region"() ({
        %run_scoped3A_46 = tpu.sem_alloc : memref<!tpu.dma_semaphore, #tpu.memory_space<semaphore_mem>>
        %dma_start3A = arith.constant 0 : i32
        %dma_start3A_47 = arith.constant 0 : i32
        %dma_start3A_48 = tpu.memref_slice %arg10[%run_scoped3A, %dma_start3A, %dma_start3A_47] : memref<6x64x128xf32, #tpu.memory_space<vmem>> -> memref<1x64x128xf32, #tpu.memory_space<vmem>>
        %dma_start3A_49 = tpu.memref_squeeze %dma_start3A_48 : memref<1x64x128xf32, #tpu.memory_space<vmem>> -> memref<64x128xf32, #tpu.memory_space<vmem>>
        %dma_start3A_50 = arith.constant 9480 : i32
        %dma_start3A_51 = arith.constant 0 : i32
        %dma_start3A_52 = tpu.memref_slice %arg8[%dma_start3A_50, %dma_start3A_51] : memref<10000x128xf32, #tpu.memory_space<vmem_shared>> -> memref<64x128xf32, #tpu.memory_space<vmem_shared>>
        %dma_start3A_53 = arith.constant 9480 : i32
        %dma_start3A_54 = arith.constant 0 : i32
        %dma_start3A_55 = tpu.memref_slice %arg8[%dma_start3A_53, %dma_start3A_54] : memref<10000x128xf32, #tpu.memory_space<vmem_shared>> -> memref<64x128xf32, #tpu.memory_space<vmem_shared>>
        %dma_start3A_56 = arith.constant 0 : i32
        %dma_start3A_57 = arith.constant 0 : i32
        %dma_start3A_58 = tpu.memref_slice %arg10[%run_scoped3A, %dma_start3A_56, %dma_start3A_57] : memref<6x64x128xf32, #tpu.memory_space<vmem>> -> memref<1x64x128xf32, #tpu.memory_space<vmem>>
        %dma_start3A_59 = tpu.memref_squeeze %dma_start3A_58 : memref<1x64x128xf32, #tpu.memory_space<vmem>> -> memref<64x128xf32, #tpu.memory_space<vmem>>
        tpu.enqueue_dma source(%dma_start3A_59 : memref<64x128xf32, #tpu.memory_space<vmem>>) target(%dma_start3A_55 : memref<64x128xf32, #tpu.memory_space<vmem_shared>>) target_semaphore(%run_scoped3A_46 : memref<!tpu.dma_semaphore, #tpu.memory_space<semaphore_mem>>)
        %dma_wait3A = arith.constant 0 : i32
        %dma_wait3A_60 = arith.constant 0 : i32
        %dma_wait3A_61 = tpu.memref_slice %arg10[%run_scoped3A, %dma_wait3A, %dma_wait3A_60] : memref<6x64x128xf32, #tpu.memory_space<vmem>> -> memref<1x64x128xf32, #tpu.memory_space<vmem>>
        %dma_wait3A_62 = tpu.memref_squeeze %dma_wait3A_61 : memref<1x64x128xf32, #tpu.memory_space<vmem>> -> memref<64x128xf32, #tpu.memory_space<vmem>>
        %dma_wait3A_63 = arith.constant 9480 : i32
        %dma_wait3A_64 = arith.constant 0 : i32
        %dma_wait3A_65 = tpu.memref_slice %arg8[%dma_wait3A_63, %dma_wait3A_64] : memref<10000x128xf32, #tpu.memory_space<vmem_shared>> -> memref<64x128xf32, #tpu.memory_space<vmem_shared>>
        %dma_wait3A_66 = arith.constant 9480 : i32
        %dma_wait3A_67 = arith.constant 0 : i32
        %dma_wait3A_68 = tpu.memref_slice %arg8[%dma_wait3A_66, %dma_wait3A_67] : memref<10000x128xf32, #tpu.memory_space<vmem_shared>> -> memref<64x128xf32, #tpu.memory_space<vmem_shared>>
        %dma_wait3A_69 = arith.constant 0 : i32
        %dma_wait3A_70 = arith.constant 0 : i32
        %dma_wait3A_71 = tpu.memref_slice %arg10[%run_scoped3A, %dma_wait3A_69, %dma_wait3A_70] : memref<6x64x128xf32, #tpu.memory_space<vmem>> -> memref<1x64x128xf32, #tpu.memory_space<vmem>>
        %dma_wait3A_72 = tpu.memref_squeeze %dma_wait3A_71 : memref<1x64x128xf32, #tpu.memory_space<vmem>> -> memref<64x128xf32, #tpu.memory_space<vmem>>
        tpu.wait_dma2 semaphore(%run_scoped3A_46 : memref<!tpu.dma_semaphore, #tpu.memory_space<semaphore_mem>>) src(%dma_wait3A_72 : memref<64x128xf32, #tpu.memory_space<vmem>>) dst(%dma_wait3A_68 : memref<64x128xf32, #tpu.memory_space<vmem_shared>>)
        tpu.yield
      }) : () -> ()
      %run_scoped3A_38 = arith.constant 0 : i32
      "tpu.region"() ({
        %run_scoped3A_46 = tpu.sem_alloc : memref<!tpu.dma_semaphore, #tpu.memory_space<semaphore_mem>>
        %dma_start3A = arith.constant 0 : i32
        %dma_start3A_47 = arith.constant 0 : i32
        %dma_start3A_48 = tpu.memref_slice %arg10[%run_scoped3A_38, %dma_start3A, %dma_start3A_47] : memref<6x64x128xf32, #tpu.memory_space<vmem>> -> memref<1x64x128xf32, #tpu.memory_space<vmem>>
        %dma_start3A_49 = tpu.memref_squeeze %dma_start3A_48 : memref<1x64x128xf32, #tpu.memory_space<vmem>> -> memref<64x128xf32, #tpu.memory_space<vmem>>
        %dma_start3A_50 = arith.constant 9544 : i32
        %dma_start3A_51 = arith.constant 0 : i32
        %dma_start3A_52 = tpu.memref_slice %arg8[%dma_start3A_50, %dma_start3A_51] : memref<10000x128xf32, #tpu.memory_space<vmem_shared>> -> memref<64x128xf32, #tpu.memory_space<vmem_shared>>
        %dma_start3A_53 = arith.constant 9544 : i32
        %dma_start3A_54 = arith.constant 0 : i32
        %dma_start3A_55 = tpu.memref_slice %arg8[%dma_start3A_53, %dma_start3A_54] : memref<10000x128xf32, #tpu.memory_space<vmem_shared>> -> memref<64x128xf32, #tpu.memory_space<vmem_shared>>
        %dma_start3A_56 = arith.constant 0 : i32
        %dma_start3A_57 = arith.constant 0 : i32
        %dma_start3A_58 = tpu.memref_slice %arg10[%run_scoped3A_38, %dma_start3A_56, %dma_start3A_57] : memref<6x64x128xf32, #tpu.memory_space<vmem>> -> memref<1x64x128xf32, #tpu.memory_space<vmem>>
        %dma_start3A_59 = tpu.memref_squeeze %dma_start3A_58 : memref<1x64x128xf32, #tpu.memory_space<vmem>> -> memref<64x128xf32, #tpu.memory_space<vmem>>
        tpu.enqueue_dma source(%dma_start3A_59 : memref<64x128xf32, #tpu.memory_space<vmem>>) target(%dma_start3A_55 : memref<64x128xf32, #tpu.memory_space<vmem_shared>>) target_semaphore(%run_scoped3A_46 : memref<!tpu.dma_semaphore, #tpu.memory_space<semaphore_mem>>)
        %dma_wait3A = arith.constant 0 : i32
        %dma_wait3A_60 = arith.constant 0 : i32
        %dma_wait3A_61 = tpu.memref_slice %arg10[%run_scoped3A_38, %dma_wait3A, %dma_wait3A_60] : memref<6x64x128xf32, #tpu.memory_space<vmem>> -> memref<1x64x128xf32, #tpu.memory_space<vmem>>
        %dma_wait3A_62 = tpu.memref_squeeze %dma_wait3A_61 : memref<1x64x128xf32, #tpu.memory_space<vmem>> -> memref<64x128xf32, #tpu.memory_space<vmem>>
        %dma_wait3A_63 = arith.constant 9544 : i32
        %dma_wait3A_64 = arith.constant 0 : i32
        %dma_wait3A_65 = tpu.memref_slice %arg8[%dma_wait3A_63, %dma_wait3A_64] : memref<10000x128xf32, #tpu.memory_space<vmem_shared>> -> memref<64x128xf32, #tpu.memory_space<vmem_shared>>
        %dma_wait3A_66 = arith.constant 9544 : i32
        %dma_wait3A_67 = arith.constant 0 : i32
        %dma_wait3A_68 = tpu.memref_slice %arg8[%dma_wait3A_66, %dma_wait3A_67] : memref<10000x128xf32, #tpu.memory_space<vmem_shared>> -> memref<64x128xf32, #tpu.memory_space<vmem_shared>>
        %dma_wait3A_69 = arith.constant 0 : i32
        %dma_wait3A_70 = arith.constant 0 : i32
        %dma_wait3A_71 = tpu.memref_slice %arg10[%run_scoped3A_38, %dma_wait3A_69, %dma_wait3A_70] : memref<6x64x128xf32, #tpu.memory_space<vmem>> -> memref<1x64x128xf32, #tpu.memory_space<vmem>>
        %dma_wait3A_72 = tpu.memref_squeeze %dma_wait3A_71 : memref<1x64x128xf32, #tpu.memory_space<vmem>> -> memref<64x128xf32, #tpu.memory_space<vmem>>
        tpu.wait_dma2 semaphore(%run_scoped3A_46 : memref<!tpu.dma_semaphore, #tpu.memory_space<semaphore_mem>>) src(%dma_wait3A_72 : memref<64x128xf32, #tpu.memory_space<vmem>>) dst(%dma_wait3A_68 : memref<64x128xf32, #tpu.memory_space<vmem_shared>>)
        tpu.yield
      }) : () -> ()
      %run_scoped3A_39 = arith.constant 0 : i32
      "tpu.region"() ({
        %run_scoped3A_46 = tpu.sem_alloc : memref<!tpu.dma_semaphore, #tpu.memory_space<semaphore_mem>>
        %dma_start3A = arith.constant 0 : i32
        %dma_start3A_47 = arith.constant 0 : i32
        %dma_start3A_48 = tpu.memref_slice %arg10[%run_scoped3A_39, %dma_start3A, %dma_start3A_47] : memref<6x64x128xf32, #tpu.memory_space<vmem>> -> memref<1x64x128xf32, #tpu.memory_space<vmem>>
        %dma_start3A_49 = tpu.memref_squeeze %dma_start3A_48 : memref<1x64x128xf32, #tpu.memory_space<vmem>> -> memref<64x128xf32, #tpu.memory_space<vmem>>
        %dma_start3A_50 = arith.constant 9608 : i32
        %dma_start3A_51 = arith.constant 0 : i32
        %dma_start3A_52 = tpu.memref_slice %arg8[%dma_start3A_50, %dma_start3A_51] : memref<10000x128xf32, #tpu.memory_space<vmem_shared>> -> memref<64x128xf32, #tpu.memory_space<vmem_shared>>
        %dma_start3A_53 = arith.constant 9608 : i32
        %dma_start3A_54 = arith.constant 0 : i32
        %dma_start3A_55 = tpu.memref_slice %arg8[%dma_start3A_53, %dma_start3A_54] : memref<10000x128xf32, #tpu.memory_space<vmem_shared>> -> memref<64x128xf32, #tpu.memory_space<vmem_shared>>
        %dma_start3A_56 = arith.constant 0 : i32
        %dma_start3A_57 = arith.constant 0 : i32
        %dma_start3A_58 = tpu.memref_slice %arg10[%run_scoped3A_39, %dma_start3A_56, %dma_start3A_57] : memref<6x64x128xf32, #tpu.memory_space<vmem>> -> memref<1x64x128xf32, #tpu.memory_space<vmem>>
        %dma_start3A_59 = tpu.memref_squeeze %dma_start3A_58 : memref<1x64x128xf32, #tpu.memory_space<vmem>> -> memref<64x128xf32, #tpu.memory_space<vmem>>
        tpu.enqueue_dma source(%dma_start3A_59 : memref<64x128xf32, #tpu.memory_space<vmem>>) target(%dma_start3A_55 : memref<64x128xf32, #tpu.memory_space<vmem_shared>>) target_semaphore(%run_scoped3A_46 : memref<!tpu.dma_semaphore, #tpu.memory_space<semaphore_mem>>)
        %dma_wait3A = arith.constant 0 : i32
        %dma_wait3A_60 = arith.constant 0 : i32
        %dma_wait3A_61 = tpu.memref_slice %arg10[%run_scoped3A_39, %dma_wait3A, %dma_wait3A_60] : memref<6x64x128xf32, #tpu.memory_space<vmem>> -> memref<1x64x128xf32, #tpu.memory_space<vmem>>
        %dma_wait3A_62 = tpu.memref_squeeze %dma_wait3A_61 : memref<1x64x128xf32, #tpu.memory_space<vmem>> -> memref<64x128xf32, #tpu.memory_space<vmem>>
        %dma_wait3A_63 = arith.constant 9608 : i32
        %dma_wait3A_64 = arith.constant 0 : i32
        %dma_wait3A_65 = tpu.memref_slice %arg8[%dma_wait3A_63, %dma_wait3A_64] : memref<10000x128xf32, #tpu.memory_space<vmem_shared>> -> memref<64x128xf32, #tpu.memory_space<vmem_shared>>
        %dma_wait3A_66 = arith.constant 9608 : i32
        %dma_wait3A_67 = arith.constant 0 : i32
        %dma_wait3A_68 = tpu.memref_slice %arg8[%dma_wait3A_66, %dma_wait3A_67] : memref<10000x128xf32, #tpu.memory_space<vmem_shared>> -> memref<64x128xf32, #tpu.memory_space<vmem_shared>>
        %dma_wait3A_69 = arith.constant 0 : i32
        %dma_wait3A_70 = arith.constant 0 : i32
        %dma_wait3A_71 = tpu.memref_slice %arg10[%run_scoped3A_39, %dma_wait3A_69, %dma_wait3A_70] : memref<6x64x128xf32, #tpu.memory_space<vmem>> -> memref<1x64x128xf32, #tpu.memory_space<vmem>>
        %dma_wait3A_72 = tpu.memref_squeeze %dma_wait3A_71 : memref<1x64x128xf32, #tpu.memory_space<vmem>> -> memref<64x128xf32, #tpu.memory_space<vmem>>
        tpu.wait_dma2 semaphore(%run_scoped3A_46 : memref<!tpu.dma_semaphore, #tpu.memory_space<semaphore_mem>>) src(%dma_wait3A_72 : memref<64x128xf32, #tpu.memory_space<vmem>>) dst(%dma_wait3A_68 : memref<64x128xf32, #tpu.memory_space<vmem_shared>>)
        tpu.yield
      }) : () -> ()
      %run_scoped3A_40 = arith.constant 0 : i32
      "tpu.region"() ({
        %run_scoped3A_46 = tpu.sem_alloc : memref<!tpu.dma_semaphore, #tpu.memory_space<semaphore_mem>>
        %dma_start3A = arith.constant 0 : i32
        %dma_start3A_47 = arith.constant 0 : i32
        %dma_start3A_48 = tpu.memref_slice %arg10[%run_scoped3A_40, %dma_start3A, %dma_start3A_47] : memref<6x64x128xf32, #tpu.memory_space<vmem>> -> memref<1x64x128xf32, #tpu.memory_space<vmem>>
        %dma_start3A_49 = tpu.memref_squeeze %dma_start3A_48 : memref<1x64x128xf32, #tpu.memory_space<vmem>> -> memref<64x128xf32, #tpu.memory_space<vmem>>
        %dma_start3A_50 = arith.constant 9672 : i32
        %dma_start3A_51 = arith.constant 0 : i32
        %dma_start3A_52 = tpu.memref_slice %arg8[%dma_start3A_50, %dma_start3A_51] : memref<10000x128xf32, #tpu.memory_space<vmem_shared>> -> memref<64x128xf32, #tpu.memory_space<vmem_shared>>
        %dma_start3A_53 = arith.constant 9672 : i32
        %dma_start3A_54 = arith.constant 0 : i32
        %dma_start3A_55 = tpu.memref_slice %arg8[%dma_start3A_53, %dma_start3A_54] : memref<10000x128xf32, #tpu.memory_space<vmem_shared>> -> memref<64x128xf32, #tpu.memory_space<vmem_shared>>
        %dma_start3A_56 = arith.constant 0 : i32
        %dma_start3A_57 = arith.constant 0 : i32
        %dma_start3A_58 = tpu.memref_slice %arg10[%run_scoped3A_40, %dma_start3A_56, %dma_start3A_57] : memref<6x64x128xf32, #tpu.memory_space<vmem>> -> memref<1x64x128xf32, #tpu.memory_space<vmem>>
        %dma_start3A_59 = tpu.memref_squeeze %dma_start3A_58 : memref<1x64x128xf32, #tpu.memory_space<vmem>> -> memref<64x128xf32, #tpu.memory_space<vmem>>
        tpu.enqueue_dma source(%dma_start3A_59 : memref<64x128xf32, #tpu.memory_space<vmem>>) target(%dma_start3A_55 : memref<64x128xf32, #tpu.memory_space<vmem_shared>>) target_semaphore(%run_scoped3A_46 : memref<!tpu.dma_semaphore, #tpu.memory_space<semaphore_mem>>)
        %dma_wait3A = arith.constant 0 : i32
        %dma_wait3A_60 = arith.constant 0 : i32
        %dma_wait3A_61 = tpu.memref_slice %arg10[%run_scoped3A_40, %dma_wait3A, %dma_wait3A_60] : memref<6x64x128xf32, #tpu.memory_space<vmem>> -> memref<1x64x128xf32, #tpu.memory_space<vmem>>
        %dma_wait3A_62 = tpu.memref_squeeze %dma_wait3A_61 : memref<1x64x128xf32, #tpu.memory_space<vmem>> -> memref<64x128xf32, #tpu.memory_space<vmem>>
        %dma_wait3A_63 = arith.constant 9672 : i32
        %dma_wait3A_64 = arith.constant 0 : i32
        %dma_wait3A_65 = tpu.memref_slice %arg8[%dma_wait3A_63, %dma_wait3A_64] : memref<10000x128xf32, #tpu.memory_space<vmem_shared>> -> memref<64x128xf32, #tpu.memory_space<vmem_shared>>
        %dma_wait3A_66 = arith.constant 9672 : i32
        %dma_wait3A_67 = arith.constant 0 : i32
        %dma_wait3A_68 = tpu.memref_slice %arg8[%dma_wait3A_66, %dma_wait3A_67] : memref<10000x128xf32, #tpu.memory_space<vmem_shared>> -> memref<64x128xf32, #tpu.memory_space<vmem_shared>>
        %dma_wait3A_69 = arith.constant 0 : i32
        %dma_wait3A_70 = arith.constant 0 : i32
        %dma_wait3A_71 = tpu.memref_slice %arg10[%run_scoped3A_40, %dma_wait3A_69, %dma_wait3A_70] : memref<6x64x128xf32, #tpu.memory_space<vmem>> -> memref<1x64x128xf32, #tpu.memory_space<vmem>>
        %dma_wait3A_72 = tpu.memref_squeeze %dma_wait3A_71 : memref<1x64x128xf32, #tpu.memory_space<vmem>> -> memref<64x128xf32, #tpu.memory_space<vmem>>
        tpu.wait_dma2 semaphore(%run_scoped3A_46 : memref<!tpu.dma_semaphore, #tpu.memory_space<semaphore_mem>>) src(%dma_wait3A_72 : memref<64x128xf32, #tpu.memory_space<vmem>>) dst(%dma_wait3A_68 : memref<64x128xf32, #tpu.memory_space<vmem_shared>>)
        tpu.yield
      }) : () -> ()
      %run_scoped3A_41 = arith.constant 0 : i32
      "tpu.region"() ({
        %run_scoped3A_46 = tpu.sem_alloc : memref<!tpu.dma_semaphore, #tpu.memory_space<semaphore_mem>>
        %dma_start3A = arith.constant 0 : i32
        %dma_start3A_47 = arith.constant 0 : i32
        %dma_start3A_48 = tpu.memref_slice %arg10[%run_scoped3A_41, %dma_start3A, %dma_start3A_47] : memref<6x64x128xf32, #tpu.memory_space<vmem>> -> memref<1x64x128xf32, #tpu.memory_space<vmem>>
        %dma_start3A_49 = tpu.memref_squeeze %dma_start3A_48 : memref<1x64x128xf32, #tpu.memory_space<vmem>> -> memref<64x128xf32, #tpu.memory_space<vmem>>
        %dma_start3A_50 = arith.constant 9736 : i32
        %dma_start3A_51 = arith.constant 0 : i32
        %dma_start3A_52 = tpu.memref_slice %arg8[%dma_start3A_50, %dma_start3A_51] : memref<10000x128xf32, #tpu.memory_space<vmem_shared>> -> memref<64x128xf32, #tpu.memory_space<vmem_shared>>
        %dma_start3A_53 = arith.constant 9736 : i32
        %dma_start3A_54 = arith.constant 0 : i32
        %dma_start3A_55 = tpu.memref_slice %arg8[%dma_start3A_53, %dma_start3A_54] : memref<10000x128xf32, #tpu.memory_space<vmem_shared>> -> memref<64x128xf32, #tpu.memory_space<vmem_shared>>
        %dma_start3A_56 = arith.constant 0 : i32
        %dma_start3A_57 = arith.constant 0 : i32
        %dma_start3A_58 = tpu.memref_slice %arg10[%run_scoped3A_41, %dma_start3A_56, %dma_start3A_57] : memref<6x64x128xf32, #tpu.memory_space<vmem>> -> memref<1x64x128xf32, #tpu.memory_space<vmem>>
        %dma_start3A_59 = tpu.memref_squeeze %dma_start3A_58 : memref<1x64x128xf32, #tpu.memory_space<vmem>> -> memref<64x128xf32, #tpu.memory_space<vmem>>
        tpu.enqueue_dma source(%dma_start3A_59 : memref<64x128xf32, #tpu.memory_space<vmem>>) target(%dma_start3A_55 : memref<64x128xf32, #tpu.memory_space<vmem_shared>>) target_semaphore(%run_scoped3A_46 : memref<!tpu.dma_semaphore, #tpu.memory_space<semaphore_mem>>)
        %dma_wait3A = arith.constant 0 : i32
        %dma_wait3A_60 = arith.constant 0 : i32
        %dma_wait3A_61 = tpu.memref_slice %arg10[%run_scoped3A_41, %dma_wait3A, %dma_wait3A_60] : memref<6x64x128xf32, #tpu.memory_space<vmem>> -> memref<1x64x128xf32, #tpu.memory_space<vmem>>
        %dma_wait3A_62 = tpu.memref_squeeze %dma_wait3A_61 : memref<1x64x128xf32, #tpu.memory_space<vmem>> -> memref<64x128xf32, #tpu.memory_space<vmem>>
        %dma_wait3A_63 = arith.constant 9736 : i32
        %dma_wait3A_64 = arith.constant 0 : i32
        %dma_wait3A_65 = tpu.memref_slice %arg8[%dma_wait3A_63, %dma_wait3A_64] : memref<10000x128xf32, #tpu.memory_space<vmem_shared>> -> memref<64x128xf32, #tpu.memory_space<vmem_shared>>
        %dma_wait3A_66 = arith.constant 9736 : i32
        %dma_wait3A_67 = arith.constant 0 : i32
        %dma_wait3A_68 = tpu.memref_slice %arg8[%dma_wait3A_66, %dma_wait3A_67] : memref<10000x128xf32, #tpu.memory_space<vmem_shared>> -> memref<64x128xf32, #tpu.memory_space<vmem_shared>>
        %dma_wait3A_69 = arith.constant 0 : i32
        %dma_wait3A_70 = arith.constant 0 : i32
        %dma_wait3A_71 = tpu.memref_slice %arg10[%run_scoped3A_41, %dma_wait3A_69, %dma_wait3A_70] : memref<6x64x128xf32, #tpu.memory_space<vmem>> -> memref<1x64x128xf32, #tpu.memory_space<vmem>>
        %dma_wait3A_72 = tpu.memref_squeeze %dma_wait3A_71 : memref<1x64x128xf32, #tpu.memory_space<vmem>> -> memref<64x128xf32, #tpu.memory_space<vmem>>
        tpu.wait_dma2 semaphore(%run_scoped3A_46 : memref<!tpu.dma_semaphore, #tpu.memory_space<semaphore_mem>>) src(%dma_wait3A_72 : memref<64x128xf32, #tpu.memory_space<vmem>>) dst(%dma_wait3A_68 : memref<64x128xf32, #tpu.memory_space<vmem_shared>>)
        tpu.yield
      }) : () -> ()
      %run_scoped3A_42 = arith.constant 0 : i32
      "tpu.region"() ({
        %run_scoped3A_46 = tpu.sem_alloc : memref<!tpu.dma_semaphore, #tpu.memory_space<semaphore_mem>>
        %dma_start3A = arith.constant 0 : i32
        %dma_start3A_47 = arith.constant 0 : i32
        %dma_start3A_48 = tpu.memref_slice %arg10[%run_scoped3A_42, %dma_start3A, %dma_start3A_47] : memref<6x64x128xf32, #tpu.memory_space<vmem>> -> memref<1x64x128xf32, #tpu.memory_space<vmem>>
        %dma_start3A_49 = tpu.memref_squeeze %dma_start3A_48 : memref<1x64x128xf32, #tpu.memory_space<vmem>> -> memref<64x128xf32, #tpu.memory_space<vmem>>
        %dma_start3A_50 = arith.constant 9800 : i32
        %dma_start3A_51 = arith.constant 0 : i32
        %dma_start3A_52 = tpu.memref_slice %arg8[%dma_start3A_50, %dma_start3A_51] : memref<10000x128xf32, #tpu.memory_space<vmem_shared>> -> memref<64x128xf32, #tpu.memory_space<vmem_shared>>
        %dma_start3A_53 = arith.constant 9800 : i32
        %dma_start3A_54 = arith.constant 0 : i32
        %dma_start3A_55 = tpu.memref_slice %arg8[%dma_start3A_53, %dma_start3A_54] : memref<10000x128xf32, #tpu.memory_space<vmem_shared>> -> memref<64x128xf32, #tpu.memory_space<vmem_shared>>
        %dma_start3A_56 = arith.constant 0 : i32
        %dma_start3A_57 = arith.constant 0 : i32
        %dma_start3A_58 = tpu.memref_slice %arg10[%run_scoped3A_42, %dma_start3A_56, %dma_start3A_57] : memref<6x64x128xf32, #tpu.memory_space<vmem>> -> memref<1x64x128xf32, #tpu.memory_space<vmem>>
        %dma_start3A_59 = tpu.memref_squeeze %dma_start3A_58 : memref<1x64x128xf32, #tpu.memory_space<vmem>> -> memref<64x128xf32, #tpu.memory_space<vmem>>
        tpu.enqueue_dma source(%dma_start3A_59 : memref<64x128xf32, #tpu.memory_space<vmem>>) target(%dma_start3A_55 : memref<64x128xf32, #tpu.memory_space<vmem_shared>>) target_semaphore(%run_scoped3A_46 : memref<!tpu.dma_semaphore, #tpu.memory_space<semaphore_mem>>)
        %dma_wait3A = arith.constant 0 : i32
        %dma_wait3A_60 = arith.constant 0 : i32
        %dma_wait3A_61 = tpu.memref_slice %arg10[%run_scoped3A_42, %dma_wait3A, %dma_wait3A_60] : memref<6x64x128xf32, #tpu.memory_space<vmem>> -> memref<1x64x128xf32, #tpu.memory_space<vmem>>
        %dma_wait3A_62 = tpu.memref_squeeze %dma_wait3A_61 : memref<1x64x128xf32, #tpu.memory_space<vmem>> -> memref<64x128xf32, #tpu.memory_space<vmem>>
        %dma_wait3A_63 = arith.constant 9800 : i32
        %dma_wait3A_64 = arith.constant 0 : i32
        %dma_wait3A_65 = tpu.memref_slice %arg8[%dma_wait3A_63, %dma_wait3A_64] : memref<10000x128xf32, #tpu.memory_space<vmem_shared>> -> memref<64x128xf32, #tpu.memory_space<vmem_shared>>
        %dma_wait3A_66 = arith.constant 9800 : i32
        %dma_wait3A_67 = arith.constant 0 : i32
        %dma_wait3A_68 = tpu.memref_slice %arg8[%dma_wait3A_66, %dma_wait3A_67] : memref<10000x128xf32, #tpu.memory_space<vmem_shared>> -> memref<64x128xf32, #tpu.memory_space<vmem_shared>>
        %dma_wait3A_69 = arith.constant 0 : i32
        %dma_wait3A_70 = arith.constant 0 : i32
        %dma_wait3A_71 = tpu.memref_slice %arg10[%run_scoped3A_42, %dma_wait3A_69, %dma_wait3A_70] : memref<6x64x128xf32, #tpu.memory_space<vmem>> -> memref<1x64x128xf32, #tpu.memory_space<vmem>>
        %dma_wait3A_72 = tpu.memref_squeeze %dma_wait3A_71 : memref<1x64x128xf32, #tpu.memory_space<vmem>> -> memref<64x128xf32, #tpu.memory_space<vmem>>
        tpu.wait_dma2 semaphore(%run_scoped3A_46 : memref<!tpu.dma_semaphore, #tpu.memory_space<semaphore_mem>>) src(%dma_wait3A_72 : memref<64x128xf32, #tpu.memory_space<vmem>>) dst(%dma_wait3A_68 : memref<64x128xf32, #tpu.memory_space<vmem_shared>>)
        tpu.yield
      }) : () -> ()
      %run_scoped3A_43 = arith.constant 0 : i32
      "tpu.region"() ({
        %run_scoped3A_46 = tpu.sem_alloc : memref<!tpu.dma_semaphore, #tpu.memory_space<semaphore_mem>>
        %dma_start3A = arith.constant 0 : i32
        %dma_start3A_47 = arith.constant 0 : i32
        %dma_start3A_48 = tpu.memref_slice %arg10[%run_scoped3A_43, %dma_start3A, %dma_start3A_47] : memref<6x64x128xf32, #tpu.memory_space<vmem>> -> memref<1x64x128xf32, #tpu.memory_space<vmem>>
        %dma_start3A_49 = tpu.memref_squeeze %dma_start3A_48 : memref<1x64x128xf32, #tpu.memory_space<vmem>> -> memref<64x128xf32, #tpu.memory_space<vmem>>
        %dma_start3A_50 = arith.constant 9864 : i32
        %dma_start3A_51 = arith.constant 0 : i32
        %dma_start3A_52 = tpu.memref_slice %arg8[%dma_start3A_50, %dma_start3A_51] : memref<10000x128xf32, #tpu.memory_space<vmem_shared>> -> memref<64x128xf32, #tpu.memory_space<vmem_shared>>
        %dma_start3A_53 = arith.constant 9864 : i32
        %dma_start3A_54 = arith.constant 0 : i32
        %dma_start3A_55 = tpu.memref_slice %arg8[%dma_start3A_53, %dma_start3A_54] : memref<10000x128xf32, #tpu.memory_space<vmem_shared>> -> memref<64x128xf32, #tpu.memory_space<vmem_shared>>
        %dma_start3A_56 = arith.constant 0 : i32
        %dma_start3A_57 = arith.constant 0 : i32
        %dma_start3A_58 = tpu.memref_slice %arg10[%run_scoped3A_43, %dma_start3A_56, %dma_start3A_57] : memref<6x64x128xf32, #tpu.memory_space<vmem>> -> memref<1x64x128xf32, #tpu.memory_space<vmem>>
        %dma_start3A_59 = tpu.memref_squeeze %dma_start3A_58 : memref<1x64x128xf32, #tpu.memory_space<vmem>> -> memref<64x128xf32, #tpu.memory_space<vmem>>
        tpu.enqueue_dma source(%dma_start3A_59 : memref<64x128xf32, #tpu.memory_space<vmem>>) target(%dma_start3A_55 : memref<64x128xf32, #tpu.memory_space<vmem_shared>>) target_semaphore(%run_scoped3A_46 : memref<!tpu.dma_semaphore, #tpu.memory_space<semaphore_mem>>)
        %dma_wait3A = arith.constant 0 : i32
        %dma_wait3A_60 = arith.constant 0 : i32
        %dma_wait3A_61 = tpu.memref_slice %arg10[%run_scoped3A_43, %dma_wait3A, %dma_wait3A_60] : memref<6x64x128xf32, #tpu.memory_space<vmem>> -> memref<1x64x128xf32, #tpu.memory_space<vmem>>
        %dma_wait3A_62 = tpu.memref_squeeze %dma_wait3A_61 : memref<1x64x128xf32, #tpu.memory_space<vmem>> -> memref<64x128xf32, #tpu.memory_space<vmem>>
        %dma_wait3A_63 = arith.constant 9864 : i32
        %dma_wait3A_64 = arith.constant 0 : i32
        %dma_wait3A_65 = tpu.memref_slice %arg8[%dma_wait3A_63, %dma_wait3A_64] : memref<10000x128xf32, #tpu.memory_space<vmem_shared>> -> memref<64x128xf32, #tpu.memory_space<vmem_shared>>
        %dma_wait3A_66 = arith.constant 9864 : i32
        %dma_wait3A_67 = arith.constant 0 : i32
        %dma_wait3A_68 = tpu.memref_slice %arg8[%dma_wait3A_66, %dma_wait3A_67] : memref<10000x128xf32, #tpu.memory_space<vmem_shared>> -> memref<64x128xf32, #tpu.memory_space<vmem_shared>>
        %dma_wait3A_69 = arith.constant 0 : i32
        %dma_wait3A_70 = arith.constant 0 : i32
        %dma_wait3A_71 = tpu.memref_slice %arg10[%run_scoped3A_43, %dma_wait3A_69, %dma_wait3A_70] : memref<6x64x128xf32, #tpu.memory_space<vmem>> -> memref<1x64x128xf32, #tpu.memory_space<vmem>>
        %dma_wait3A_72 = tpu.memref_squeeze %dma_wait3A_71 : memref<1x64x128xf32, #tpu.memory_space<vmem>> -> memref<64x128xf32, #tpu.memory_space<vmem>>
        tpu.wait_dma2 semaphore(%run_scoped3A_46 : memref<!tpu.dma_semaphore, #tpu.memory_space<semaphore_mem>>) src(%dma_wait3A_72 : memref<64x128xf32, #tpu.memory_space<vmem>>) dst(%dma_wait3A_68 : memref<64x128xf32, #tpu.memory_space<vmem_shared>>)
        tpu.yield
      }) : () -> ()
      %run_scoped3A_44 = arith.constant 0 : i32
      "tpu.region"() ({
        %run_scoped3A_46 = tpu.sem_alloc : memref<!tpu.dma_semaphore, #tpu.memory_space<semaphore_mem>>
        %dma_start3A = arith.constant 0 : i32
        %dma_start3A_47 = arith.constant 0 : i32
        %dma_start3A_48 = tpu.memref_slice %arg10[%run_scoped3A_44, %dma_start3A, %dma_start3A_47] : memref<6x64x128xf32, #tpu.memory_space<vmem>> -> memref<1x64x128xf32, #tpu.memory_space<vmem>>
        %dma_start3A_49 = tpu.memref_squeeze %dma_start3A_48 : memref<1x64x128xf32, #tpu.memory_space<vmem>> -> memref<64x128xf32, #tpu.memory_space<vmem>>
        %dma_start3A_50 = arith.constant 9928 : i32
        %dma_start3A_51 = arith.constant 0 : i32
        %dma_start3A_52 = tpu.memref_slice %arg8[%dma_start3A_50, %dma_start3A_51] : memref<10000x128xf32, #tpu.memory_space<vmem_shared>> -> memref<64x128xf32, #tpu.memory_space<vmem_shared>>
        %dma_start3A_53 = arith.constant 9928 : i32
        %dma_start3A_54 = arith.constant 0 : i32
        %dma_start3A_55 = tpu.memref_slice %arg8[%dma_start3A_53, %dma_start3A_54] : memref<10000x128xf32, #tpu.memory_space<vmem_shared>> -> memref<64x128xf32, #tpu.memory_space<vmem_shared>>
        %dma_start3A_56 = arith.constant 0 : i32
        %dma_start3A_57 = arith.constant 0 : i32
        %dma_start3A_58 = tpu.memref_slice %arg10[%run_scoped3A_44, %dma_start3A_56, %dma_start3A_57] : memref<6x64x128xf32, #tpu.memory_space<vmem>> -> memref<1x64x128xf32, #tpu.memory_space<vmem>>
        %dma_start3A_59 = tpu.memref_squeeze %dma_start3A_58 : memref<1x64x128xf32, #tpu.memory_space<vmem>> -> memref<64x128xf32, #tpu.memory_space<vmem>>
        tpu.enqueue_dma source(%dma_start3A_59 : memref<64x128xf32, #tpu.memory_space<vmem>>) target(%dma_start3A_55 : memref<64x128xf32, #tpu.memory_space<vmem_shared>>) target_semaphore(%run_scoped3A_46 : memref<!tpu.dma_semaphore, #tpu.memory_space<semaphore_mem>>)
        %dma_wait3A = arith.constant 0 : i32
        %dma_wait3A_60 = arith.constant 0 : i32
        %dma_wait3A_61 = tpu.memref_slice %arg10[%run_scoped3A_44, %dma_wait3A, %dma_wait3A_60] : memref<6x64x128xf32, #tpu.memory_space<vmem>> -> memref<1x64x128xf32, #tpu.memory_space<vmem>>
        %dma_wait3A_62 = tpu.memref_squeeze %dma_wait3A_61 : memref<1x64x128xf32, #tpu.memory_space<vmem>> -> memref<64x128xf32, #tpu.memory_space<vmem>>
        %dma_wait3A_63 = arith.constant 9928 : i32
        %dma_wait3A_64 = arith.constant 0 : i32
        %dma_wait3A_65 = tpu.memref_slice %arg8[%dma_wait3A_63, %dma_wait3A_64] : memref<10000x128xf32, #tpu.memory_space<vmem_shared>> -> memref<64x128xf32, #tpu.memory_space<vmem_shared>>
        %dma_wait3A_66 = arith.constant 9928 : i32
        %dma_wait3A_67 = arith.constant 0 : i32
        %dma_wait3A_68 = tpu.memref_slice %arg8[%dma_wait3A_66, %dma_wait3A_67] : memref<10000x128xf32, #tpu.memory_space<vmem_shared>> -> memref<64x128xf32, #tpu.memory_space<vmem_shared>>
        %dma_wait3A_69 = arith.constant 0 : i32
        %dma_wait3A_70 = arith.constant 0 : i32
        %dma_wait3A_71 = tpu.memref_slice %arg10[%run_scoped3A_44, %dma_wait3A_69, %dma_wait3A_70] : memref<6x64x128xf32, #tpu.memory_space<vmem>> -> memref<1x64x128xf32, #tpu.memory_space<vmem>>
        %dma_wait3A_72 = tpu.memref_squeeze %dma_wait3A_71 : memref<1x64x128xf32, #tpu.memory_space<vmem>> -> memref<64x128xf32, #tpu.memory_space<vmem>>
        tpu.wait_dma2 semaphore(%run_scoped3A_46 : memref<!tpu.dma_semaphore, #tpu.memory_space<semaphore_mem>>) src(%dma_wait3A_72 : memref<64x128xf32, #tpu.memory_space<vmem>>) dst(%dma_wait3A_68 : memref<64x128xf32, #tpu.memory_space<vmem_shared>>)
        tpu.yield
      }) : () -> ()
      %run_scoped3A_45 = arith.constant 0 : i32
      "tpu.region"() ({
        %run_scoped3A_46 = tpu.sem_alloc : memref<!tpu.dma_semaphore, #tpu.memory_space<semaphore_mem>>
        %dma_start3A = arith.constant 0 : i32
        %dma_start3A_47 = arith.constant 0 : i32
        %dma_start3A_48 = tpu.memref_slice %arg10[%run_scoped3A_45, %dma_start3A, %dma_start3A_47] : memref<6x64x128xf32, #tpu.memory_space<vmem>> -> memref<1x8x128xf32, #tpu.memory_space<vmem>>
        %dma_start3A_49 = tpu.memref_squeeze %dma_start3A_48 : memref<1x8x128xf32, #tpu.memory_space<vmem>> -> memref<8x128xf32, #tpu.memory_space<vmem>>
        %dma_start3A_50 = arith.constant 9992 : i32
        %dma_start3A_51 = arith.constant 0 : i32
        %dma_start3A_52 = tpu.memref_slice %arg8[%dma_start3A_50, %dma_start3A_51] : memref<10000x128xf32, #tpu.memory_space<vmem_shared>> -> memref<8x128xf32, #tpu.memory_space<vmem_shared>>
        %dma_start3A_53 = arith.constant 9992 : i32
        %dma_start3A_54 = arith.constant 0 : i32
        %dma_start3A_55 = tpu.memref_slice %arg8[%dma_start3A_53, %dma_start3A_54] : memref<10000x128xf32, #tpu.memory_space<vmem_shared>> -> memref<8x128xf32, #tpu.memory_space<vmem_shared>>
        %dma_start3A_56 = arith.constant 0 : i32
        %dma_start3A_57 = arith.constant 0 : i32
        %dma_start3A_58 = tpu.memref_slice %arg10[%run_scoped3A_45, %dma_start3A_56, %dma_start3A_57] : memref<6x64x128xf32, #tpu.memory_space<vmem>> -> memref<1x8x128xf32, #tpu.memory_space<vmem>>
        %dma_start3A_59 = tpu.memref_squeeze %dma_start3A_58 : memref<1x8x128xf32, #tpu.memory_space<vmem>> -> memref<8x128xf32, #tpu.memory_space<vmem>>
        tpu.enqueue_dma source(%dma_start3A_59 : memref<8x128xf32, #tpu.memory_space<vmem>>) target(%dma_start3A_55 : memref<8x128xf32, #tpu.memory_space<vmem_shared>>) target_semaphore(%run_scoped3A_46 : memref<!tpu.dma_semaphore, #tpu.memory_space<semaphore_mem>>)
        %dma_wait3A = arith.constant 0 : i32
        %dma_wait3A_60 = arith.constant 0 : i32
        %dma_wait3A_61 = tpu.memref_slice %arg10[%run_scoped3A_45, %dma_wait3A, %dma_wait3A_60] : memref<6x64x128xf32, #tpu.memory_space<vmem>> -> memref<1x8x128xf32, #tpu.memory_space<vmem>>
        %dma_wait3A_62 = tpu.memref_squeeze %dma_wait3A_61 : memref<1x8x128xf32, #tpu.memory_space<vmem>> -> memref<8x128xf32, #tpu.memory_space<vmem>>
        %dma_wait3A_63 = arith.constant 9992 : i32
        %dma_wait3A_64 = arith.constant 0 : i32
        %dma_wait3A_65 = tpu.memref_slice %arg8[%dma_wait3A_63, %dma_wait3A_64] : memref<10000x128xf32, #tpu.memory_space<vmem_shared>> -> memref<8x128xf32, #tpu.memory_space<vmem_shared>>
        %dma_wait3A_66 = arith.constant 9992 : i32
        %dma_wait3A_67 = arith.constant 0 : i32
        %dma_wait3A_68 = tpu.memref_slice %arg8[%dma_wait3A_66, %dma_wait3A_67] : memref<10000x128xf32, #tpu.memory_space<vmem_shared>> -> memref<8x128xf32, #tpu.memory_space<vmem_shared>>
        %dma_wait3A_69 = arith.constant 0 : i32
        %dma_wait3A_70 = arith.constant 0 : i32
        %dma_wait3A_71 = tpu.memref_slice %arg10[%run_scoped3A_45, %dma_wait3A_69, %dma_wait3A_70] : memref<6x64x128xf32, #tpu.memory_space<vmem>> -> memref<1x8x128xf32, #tpu.memory_space<vmem>>
        %dma_wait3A_72 = tpu.memref_squeeze %dma_wait3A_71 : memref<1x8x128xf32, #tpu.memory_space<vmem>> -> memref<8x128xf32, #tpu.memory_space<vmem>>
        tpu.wait_dma2 semaphore(%run_scoped3A_46 : memref<!tpu.dma_semaphore, #tpu.memory_space<semaphore_mem>>) src(%dma_wait3A_72 : memref<8x128xf32, #tpu.memory_space<vmem>>) dst(%dma_wait3A_68 : memref<8x128xf32, #tpu.memory_space<vmem_shared>>)
        tpu.yield
      }) : () -> ()
    } else {
    }
    %barrier3A = arith.constant 0 : index
    tpu.barrier barrier_id(%barrier3A)
    %mul3A = arith.constant 312 : i32
    %mul3A_12 = arith.muli %arg1, %mul3A : i32
    %min3A = arith.constant 8 : i32
    %min3A_13 = arith.minsi %arg1, %min3A : i32
    %add3A = arith.addi %mul3A_12, %min3A_13 : i32
    %lt3A_14 = arith.constant 8 : i32
    %lt3A_15 = arith.cmpi slt, %arg1, %lt3A_14 : i32
    %jit3A = arith.constant 313 : i32
    %jit3A_16 = arith.constant 312 : i32
    %select_n3A = arith.select %lt3A_15, %jit3A, %jit3A_16 : i32
    %eq3A_17 = arith.constant 0 : i32
    %eq3A_18 = arith.cmpi eq, %arg0, %eq3A_17 : i32
    %convert_element_type3A_19 = arith.extui %eq3A_18 : i1 to i32
    %cond3A_20 = arith.constant 0 : i32
    %cond3A_21 = arith.cmpi ne, %convert_element_type3A_19, %cond3A_20 : i32
    scf.if %cond3A_21 {
      %add3A_38 = arith.constant 0 : i32
      %add3A_39 = arith.addi %add3A, %add3A_38 : i32
      %mul3A_40 = arith.constant 64 : i32
      %mul3A_41 = arith.muli %add3A_39, %mul3A_40 : i32
      %add3A_42 = arith.constant 320000 : i32
      %add3A_43 = arith.addi %add3A_42, %mul3A_41 : i32
      %dma_start3A = arith.constant 0 : i32
      %dma_start3A_44 = arith.constant 0 : i32
      %dma_start3A_45 = tpu.memref_slice %arg9[%dma_start3A, %dma_start3A_44] : memref<6x64xi32, #tpu.memory_space<vmem>> -> memref<1x64xi32, #tpu.memory_space<vmem>>
      %dma_start3A_46 = tpu.memref_squeeze %dma_start3A_45 : memref<1x64xi32, #tpu.memory_space<vmem>> -> memref<64xi32, #tpu.memory_space<vmem>>
      %dma_start3A_47 = tpu.memref_slice %arg2[%add3A_43] : memref<640000xi32, #tpu.memory_space<hbm>> -> memref<64xi32, #tpu.memory_space<hbm>>
      %dma_start3A_48 = arith.constant 0 : i32
      %dma_start3A_49 = tpu.memref_slice %arg9[%dma_start3A, %dma_start3A_48] : memref<6x64xi32, #tpu.memory_space<vmem>> -> memref<1x64xi32, #tpu.memory_space<vmem>>
      %dma_start3A_50 = tpu.memref_squeeze %dma_start3A_49 : memref<1x64xi32, #tpu.memory_space<vmem>> -> memref<64xi32, #tpu.memory_space<vmem>>
      %dma_start3A_51 = tpu.memref_slice %arg2[%add3A_43] : memref<640000xi32, #tpu.memory_space<hbm>> -> memref<64xi32, #tpu.memory_space<hbm>>
      tpu.enqueue_dma source(%dma_start3A_51 : memref<64xi32, #tpu.memory_space<hbm>>) target(%dma_start3A_50 : memref<64xi32, #tpu.memory_space<vmem>>) target_semaphore(%arg11 : memref<!tpu.dma_semaphore, #tpu.memory_space<semaphore_mem>>)
      %add3A_52 = arith.constant 0 : i32
      %add3A_53 = arith.addi %add3A, %add3A_52 : i32
      %dma_start3A_54 = arith.constant 0 : i32
      %dma_start3A_55 = arith.constant 0 : i32
      %dma_start3A_56 = arith.constant 0 : i32
      %dma_start3A_57 = tpu.memref_slice %arg10[%dma_start3A_54, %dma_start3A_55, %dma_start3A_56] : memref<6x64x128xf32, #tpu.memory_space<vmem>> -> memref<1x64x128xf32, #tpu.memory_space<vmem>>
      %dma_start3A_58 = tpu.memref_squeeze %dma_start3A_57 : memref<1x64x128xf32, #tpu.memory_space<vmem>> -> memref<64x128xf32, #tpu.memory_space<vmem>>
      %dma_start3A_59 = arith.constant 0 : i32
      %dma_start3A_60 = arith.constant 0 : i32
      %dma_start3A_61 = tpu.memref_slice %arg4[%add3A_53, %dma_start3A_59, %dma_start3A_60] : memref<5000x64x128xf32, #tpu.memory_space<hbm>> -> memref<1x64x128xf32, #tpu.memory_space<hbm>>
      %dma_start3A_62 = tpu.memref_squeeze %dma_start3A_61 : memref<1x64x128xf32, #tpu.memory_space<hbm>> -> memref<64x128xf32, #tpu.memory_space<hbm>>
      %dma_start3A_63 = arith.constant 0 : i32
      %dma_start3A_64 = arith.constant 0 : i32
      %dma_start3A_65 = tpu.memref_slice %arg10[%dma_start3A_54, %dma_start3A_63, %dma_start3A_64] : memref<6x64x128xf32, #tpu.memory_space<vmem>> -> memref<1x64x128xf32, #tpu.memory_space<vmem>>
      %dma_start3A_66 = tpu.memref_squeeze %dma_start3A_65 : memref<1x64x128xf32, #tpu.memory_space<vmem>> -> memref<64x128xf32, #tpu.memory_space<vmem>>
      %dma_start3A_67 = arith.constant 0 : i32
      %dma_start3A_68 = arith.constant 0 : i32
      %dma_start3A_69 = tpu.memref_slice %arg4[%add3A_53, %dma_start3A_67, %dma_start3A_68] : memref<5000x64x128xf32, #tpu.memory_space<hbm>> -> memref<1x64x128xf32, #tpu.memory_space<hbm>>
      %dma_start3A_70 = tpu.memref_squeeze %dma_start3A_69 : memref<1x64x128xf32, #tpu.memory_space<hbm>> -> memref<64x128xf32, #tpu.memory_space<hbm>>
      tpu.enqueue_dma source(%dma_start3A_70 : memref<64x128xf32, #tpu.memory_space<hbm>>) target(%dma_start3A_66 : memref<64x128xf32, #tpu.memory_space<vmem>>) target_semaphore(%arg11 : memref<!tpu.dma_semaphore, #tpu.memory_space<semaphore_mem>>)
      %add3A_71 = arith.constant 1 : i32
      %add3A_72 = arith.addi %add3A, %add3A_71 : i32
      %mul3A_73 = arith.constant 64 : i32
      %mul3A_74 = arith.muli %add3A_72, %mul3A_73 : i32
      %add3A_75 = arith.constant 320000 : i32
      %add3A_76 = arith.addi %add3A_75, %mul3A_74 : i32
      %dma_start3A_77 = arith.constant 1 : i32
      %dma_start3A_78 = arith.constant 0 : i32
      %dma_start3A_79 = tpu.memref_slice %arg9[%dma_start3A_77, %dma_start3A_78] : memref<6x64xi32, #tpu.memory_space<vmem>> -> memref<1x64xi32, #tpu.memory_space<vmem>>
      %dma_start3A_80 = tpu.memref_squeeze %dma_start3A_79 : memref<1x64xi32, #tpu.memory_space<vmem>> -> memref<64xi32, #tpu.memory_space<vmem>>
      %dma_start3A_81 = tpu.memref_slice %arg2[%add3A_76] : memref<640000xi32, #tpu.memory_space<hbm>> -> memref<64xi32, #tpu.memory_space<hbm>>
      %dma_start3A_82 = arith.constant 0 : i32
      %dma_start3A_83 = tpu.memref_slice %arg9[%dma_start3A_77, %dma_start3A_82] : memref<6x64xi32, #tpu.memory_space<vmem>> -> memref<1x64xi32, #tpu.memory_space<vmem>>
      %dma_start3A_84 = tpu.memref_squeeze %dma_start3A_83 : memref<1x64xi32, #tpu.memory_space<vmem>> -> memref<64xi32, #tpu.memory_space<vmem>>
      %dma_start3A_85 = tpu.memref_slice %arg2[%add3A_76] : memref<640000xi32, #tpu.memory_space<hbm>> -> memref<64xi32, #tpu.memory_space<hbm>>
      tpu.enqueue_dma source(%dma_start3A_85 : memref<64xi32, #tpu.memory_space<hbm>>) target(%dma_start3A_84 : memref<64xi32, #tpu.memory_space<vmem>>) target_semaphore(%arg12 : memref<!tpu.dma_semaphore, #tpu.memory_space<semaphore_mem>>)
      %add3A_86 = arith.constant 1 : i32
      %add3A_87 = arith.addi %add3A, %add3A_86 : i32
      %dma_start3A_88 = arith.constant 1 : i32
      %dma_start3A_89 = arith.constant 0 : i32
      %dma_start3A_90 = arith.constant 0 : i32
      %dma_start3A_91 = tpu.memref_slice %arg10[%dma_start3A_88, %dma_start3A_89, %dma_start3A_90] : memref<6x64x128xf32, #tpu.memory_space<vmem>> -> memref<1x64x128xf32, #tpu.memory_space<vmem>>
      %dma_start3A_92 = tpu.memref_squeeze %dma_start3A_91 : memref<1x64x128xf32, #tpu.memory_space<vmem>> -> memref<64x128xf32, #tpu.memory_space<vmem>>
      %dma_start3A_93 = arith.constant 0 : i32
      %dma_start3A_94 = arith.constant 0 : i32
      %dma_start3A_95 = tpu.memref_slice %arg4[%add3A_87, %dma_start3A_93, %dma_start3A_94] : memref<5000x64x128xf32, #tpu.memory_space<hbm>> -> memref<1x64x128xf32, #tpu.memory_space<hbm>>
      %dma_start3A_96 = tpu.memref_squeeze %dma_start3A_95 : memref<1x64x128xf32, #tpu.memory_space<hbm>> -> memref<64x128xf32, #tpu.memory_space<hbm>>
      %dma_start3A_97 = arith.constant 0 : i32
      %dma_start3A_98 = arith.constant 0 : i32
      %dma_start3A_99 = tpu.memref_slice %arg10[%dma_start3A_88, %dma_start3A_97, %dma_start3A_98] : memref<6x64x128xf32, #tpu.memory_space<vmem>> -> memref<1x64x128xf32, #tpu.memory_space<vmem>>
      %dma_start3A_100 = tpu.memref_squeeze %dma_start3A_99 : memref<1x64x128xf32, #tpu.memory_space<vmem>> -> memref<64x128xf32, #tpu.memory_space<vmem>>
      %dma_start3A_101 = arith.constant 0 : i32
      %dma_start3A_102 = arith.constant 0 : i32
      %dma_start3A_103 = tpu.memref_slice %arg4[%add3A_87, %dma_start3A_101, %dma_start3A_102] : memref<5000x64x128xf32, #tpu.memory_space<hbm>> -> memref<1x64x128xf32, #tpu.memory_space<hbm>>
      %dma_start3A_104 = tpu.memref_squeeze %dma_start3A_103 : memref<1x64x128xf32, #tpu.memory_space<hbm>> -> memref<64x128xf32, #tpu.memory_space<hbm>>
      tpu.enqueue_dma source(%dma_start3A_104 : memref<64x128xf32, #tpu.memory_space<hbm>>) target(%dma_start3A_100 : memref<64x128xf32, #tpu.memory_space<vmem>>) target_semaphore(%arg12 : memref<!tpu.dma_semaphore, #tpu.memory_space<semaphore_mem>>)
      %add3A_105 = arith.constant 2 : i32
      %add3A_106 = arith.addi %add3A, %add3A_105 : i32
      %mul3A_107 = arith.constant 64 : i32
      %mul3A_108 = arith.muli %add3A_106, %mul3A_107 : i32
      %add3A_109 = arith.constant 320000 : i32
      %add3A_110 = arith.addi %add3A_109, %mul3A_108 : i32
      %dma_start3A_111 = arith.constant 2 : i32
      %dma_start3A_112 = arith.constant 0 : i32
      %dma_start3A_113 = tpu.memref_slice %arg9[%dma_start3A_111, %dma_start3A_112] : memref<6x64xi32, #tpu.memory_space<vmem>> -> memref<1x64xi32, #tpu.memory_space<vmem>>
      %dma_start3A_114 = tpu.memref_squeeze %dma_start3A_113 : memref<1x64xi32, #tpu.memory_space<vmem>> -> memref<64xi32, #tpu.memory_space<vmem>>
      %dma_start3A_115 = tpu.memref_slice %arg2[%add3A_110] : memref<640000xi32, #tpu.memory_space<hbm>> -> memref<64xi32, #tpu.memory_space<hbm>>
      %dma_start3A_116 = arith.constant 0 : i32
      %dma_start3A_117 = tpu.memref_slice %arg9[%dma_start3A_111, %dma_start3A_116] : memref<6x64xi32, #tpu.memory_space<vmem>> -> memref<1x64xi32, #tpu.memory_space<vmem>>
      %dma_start3A_118 = tpu.memref_squeeze %dma_start3A_117 : memref<1x64xi32, #tpu.memory_space<vmem>> -> memref<64xi32, #tpu.memory_space<vmem>>
      %dma_start3A_119 = tpu.memref_slice %arg2[%add3A_110] : memref<640000xi32, #tpu.memory_space<hbm>> -> memref<64xi32, #tpu.memory_space<hbm>>
      tpu.enqueue_dma source(%dma_start3A_119 : memref<64xi32, #tpu.memory_space<hbm>>) target(%dma_start3A_118 : memref<64xi32, #tpu.memory_space<vmem>>) target_semaphore(%arg13 : memref<!tpu.dma_semaphore, #tpu.memory_space<semaphore_mem>>)
      %add3A_120 = arith.constant 2 : i32
      %add3A_121 = arith.addi %add3A, %add3A_120 : i32
      %dma_start3A_122 = arith.constant 2 : i32
      %dma_start3A_123 = arith.constant 0 : i32
      %dma_start3A_124 = arith.constant 0 : i32
      %dma_start3A_125 = tpu.memref_slice %arg10[%dma_start3A_122, %dma_start3A_123, %dma_start3A_124] : memref<6x64x128xf32, #tpu.memory_space<vmem>> -> memref<1x64x128xf32, #tpu.memory_space<vmem>>
      %dma_start3A_126 = tpu.memref_squeeze %dma_start3A_125 : memref<1x64x128xf32, #tpu.memory_space<vmem>> -> memref<64x128xf32, #tpu.memory_space<vmem>>
      %dma_start3A_127 = arith.constant 0 : i32
      %dma_start3A_128 = arith.constant 0 : i32
      %dma_start3A_129 = tpu.memref_slice %arg4[%add3A_121, %dma_start3A_127, %dma_start3A_128] : memref<5000x64x128xf32, #tpu.memory_space<hbm>> -> memref<1x64x128xf32, #tpu.memory_space<hbm>>
      %dma_start3A_130 = tpu.memref_squeeze %dma_start3A_129 : memref<1x64x128xf32, #tpu.memory_space<hbm>> -> memref<64x128xf32, #tpu.memory_space<hbm>>
      %dma_start3A_131 = arith.constant 0 : i32
      %dma_start3A_132 = arith.constant 0 : i32
      %dma_start3A_133 = tpu.memref_slice %arg10[%dma_start3A_122, %dma_start3A_131, %dma_start3A_132] : memref<6x64x128xf32, #tpu.memory_space<vmem>> -> memref<1x64x128xf32, #tpu.memory_space<vmem>>
      %dma_start3A_134 = tpu.memref_squeeze %dma_start3A_133 : memref<1x64x128xf32, #tpu.memory_space<vmem>> -> memref<64x128xf32, #tpu.memory_space<vmem>>
      %dma_start3A_135 = arith.constant 0 : i32
      %dma_start3A_136 = arith.constant 0 : i32
      %dma_start3A_137 = tpu.memref_slice %arg4[%add3A_121, %dma_start3A_135, %dma_start3A_136] : memref<5000x64x128xf32, #tpu.memory_space<hbm>> -> memref<1x64x128xf32, #tpu.memory_space<hbm>>
      %dma_start3A_138 = tpu.memref_squeeze %dma_start3A_137 : memref<1x64x128xf32, #tpu.memory_space<hbm>> -> memref<64x128xf32, #tpu.memory_space<hbm>>
      tpu.enqueue_dma source(%dma_start3A_138 : memref<64x128xf32, #tpu.memory_space<hbm>>) target(%dma_start3A_134 : memref<64x128xf32, #tpu.memory_space<vmem>>) target_semaphore(%arg13 : memref<!tpu.dma_semaphore, #tpu.memory_space<semaphore_mem>>)
      %add3A_139 = arith.constant 3 : i32
      %add3A_140 = arith.addi %add3A, %add3A_139 : i32
      %mul3A_141 = arith.constant 64 : i32
      %mul3A_142 = arith.muli %add3A_140, %mul3A_141 : i32
      %add3A_143 = arith.constant 320000 : i32
      %add3A_144 = arith.addi %add3A_143, %mul3A_142 : i32
      %dma_start3A_145 = arith.constant 3 : i32
      %dma_start3A_146 = arith.constant 0 : i32
      %dma_start3A_147 = tpu.memref_slice %arg9[%dma_start3A_145, %dma_start3A_146] : memref<6x64xi32, #tpu.memory_space<vmem>> -> memref<1x64xi32, #tpu.memory_space<vmem>>
      %dma_start3A_148 = tpu.memref_squeeze %dma_start3A_147 : memref<1x64xi32, #tpu.memory_space<vmem>> -> memref<64xi32, #tpu.memory_space<vmem>>
      %dma_start3A_149 = tpu.memref_slice %arg2[%add3A_144] : memref<640000xi32, #tpu.memory_space<hbm>> -> memref<64xi32, #tpu.memory_space<hbm>>
      %dma_start3A_150 = arith.constant 0 : i32
      %dma_start3A_151 = tpu.memref_slice %arg9[%dma_start3A_145, %dma_start3A_150] : memref<6x64xi32, #tpu.memory_space<vmem>> -> memref<1x64xi32, #tpu.memory_space<vmem>>
      %dma_start3A_152 = tpu.memref_squeeze %dma_start3A_151 : memref<1x64xi32, #tpu.memory_space<vmem>> -> memref<64xi32, #tpu.memory_space<vmem>>
      %dma_start3A_153 = tpu.memref_slice %arg2[%add3A_144] : memref<640000xi32, #tpu.memory_space<hbm>> -> memref<64xi32, #tpu.memory_space<hbm>>
      tpu.enqueue_dma source(%dma_start3A_153 : memref<64xi32, #tpu.memory_space<hbm>>) target(%dma_start3A_152 : memref<64xi32, #tpu.memory_space<vmem>>) target_semaphore(%arg14 : memref<!tpu.dma_semaphore, #tpu.memory_space<semaphore_mem>>)
      %add3A_154 = arith.constant 3 : i32
      %add3A_155 = arith.addi %add3A, %add3A_154 : i32
      %dma_start3A_156 = arith.constant 3 : i32
      %dma_start3A_157 = arith.constant 0 : i32
      %dma_start3A_158 = arith.constant 0 : i32
      %dma_start3A_159 = tpu.memref_slice %arg10[%dma_start3A_156, %dma_start3A_157, %dma_start3A_158] : memref<6x64x128xf32, #tpu.memory_space<vmem>> -> memref<1x64x128xf32, #tpu.memory_space<vmem>>
      %dma_start3A_160 = tpu.memref_squeeze %dma_start3A_159 : memref<1x64x128xf32, #tpu.memory_space<vmem>> -> memref<64x128xf32, #tpu.memory_space<vmem>>
      %dma_start3A_161 = arith.constant 0 : i32
      %dma_start3A_162 = arith.constant 0 : i32
      %dma_start3A_163 = tpu.memref_slice %arg4[%add3A_155, %dma_start3A_161, %dma_start3A_162] : memref<5000x64x128xf32, #tpu.memory_space<hbm>> -> memref<1x64x128xf32, #tpu.memory_space<hbm>>
      %dma_start3A_164 = tpu.memref_squeeze %dma_start3A_163 : memref<1x64x128xf32, #tpu.memory_space<hbm>> -> memref<64x128xf32, #tpu.memory_space<hbm>>
      %dma_start3A_165 = arith.constant 0 : i32
      %dma_start3A_166 = arith.constant 0 : i32
      %dma_start3A_167 = tpu.memref_slice %arg10[%dma_start3A_156, %dma_start3A_165, %dma_start3A_166] : memref<6x64x128xf32, #tpu.memory_space<vmem>> -> memref<1x64x128xf32, #tpu.memory_space<vmem>>
      %dma_start3A_168 = tpu.memref_squeeze %dma_start3A_167 : memref<1x64x128xf32, #tpu.memory_space<vmem>> -> memref<64x128xf32, #tpu.memory_space<vmem>>
      %dma_start3A_169 = arith.constant 0 : i32
      %dma_start3A_170 = arith.constant 0 : i32
      %dma_start3A_171 = tpu.memref_slice %arg4[%add3A_155, %dma_start3A_169, %dma_start3A_170] : memref<5000x64x128xf32, #tpu.memory_space<hbm>> -> memref<1x64x128xf32, #tpu.memory_space<hbm>>
      %dma_start3A_172 = tpu.memref_squeeze %dma_start3A_171 : memref<1x64x128xf32, #tpu.memory_space<hbm>> -> memref<64x128xf32, #tpu.memory_space<hbm>>
      tpu.enqueue_dma source(%dma_start3A_172 : memref<64x128xf32, #tpu.memory_space<hbm>>) target(%dma_start3A_168 : memref<64x128xf32, #tpu.memory_space<vmem>>) target_semaphore(%arg14 : memref<!tpu.dma_semaphore, #tpu.memory_space<semaphore_mem>>)
      %add3A_173 = arith.constant 4 : i32
      %add3A_174 = arith.addi %add3A, %add3A_173 : i32
      %mul3A_175 = arith.constant 64 : i32
      %mul3A_176 = arith.muli %add3A_174, %mul3A_175 : i32
      %add3A_177 = arith.constant 320000 : i32
      %add3A_178 = arith.addi %add3A_177, %mul3A_176 : i32
      %dma_start3A_179 = arith.constant 4 : i32
      %dma_start3A_180 = arith.constant 0 : i32
      %dma_start3A_181 = tpu.memref_slice %arg9[%dma_start3A_179, %dma_start3A_180] : memref<6x64xi32, #tpu.memory_space<vmem>> -> memref<1x64xi32, #tpu.memory_space<vmem>>
      %dma_start3A_182 = tpu.memref_squeeze %dma_start3A_181 : memref<1x64xi32, #tpu.memory_space<vmem>> -> memref<64xi32, #tpu.memory_space<vmem>>
      %dma_start3A_183 = tpu.memref_slice %arg2[%add3A_178] : memref<640000xi32, #tpu.memory_space<hbm>> -> memref<64xi32, #tpu.memory_space<hbm>>
      %dma_start3A_184 = arith.constant 0 : i32
      %dma_start3A_185 = tpu.memref_slice %arg9[%dma_start3A_179, %dma_start3A_184] : memref<6x64xi32, #tpu.memory_space<vmem>> -> memref<1x64xi32, #tpu.memory_space<vmem>>
      %dma_start3A_186 = tpu.memref_squeeze %dma_start3A_185 : memref<1x64xi32, #tpu.memory_space<vmem>> -> memref<64xi32, #tpu.memory_space<vmem>>
      %dma_start3A_187 = tpu.memref_slice %arg2[%add3A_178] : memref<640000xi32, #tpu.memory_space<hbm>> -> memref<64xi32, #tpu.memory_space<hbm>>
      tpu.enqueue_dma source(%dma_start3A_187 : memref<64xi32, #tpu.memory_space<hbm>>) target(%dma_start3A_186 : memref<64xi32, #tpu.memory_space<vmem>>) target_semaphore(%arg15 : memref<!tpu.dma_semaphore, #tpu.memory_space<semaphore_mem>>)
      %add3A_188 = arith.constant 4 : i32
      %add3A_189 = arith.addi %add3A, %add3A_188 : i32
      %dma_start3A_190 = arith.constant 4 : i32
      %dma_start3A_191 = arith.constant 0 : i32
      %dma_start3A_192 = arith.constant 0 : i32
      %dma_start3A_193 = tpu.memref_slice %arg10[%dma_start3A_190, %dma_start3A_191, %dma_start3A_192] : memref<6x64x128xf32, #tpu.memory_space<vmem>> -> memref<1x64x128xf32, #tpu.memory_space<vmem>>
      %dma_start3A_194 = tpu.memref_squeeze %dma_start3A_193 : memref<1x64x128xf32, #tpu.memory_space<vmem>> -> memref<64x128xf32, #tpu.memory_space<vmem>>
      %dma_start3A_195 = arith.constant 0 : i32
      %dma_start3A_196 = arith.constant 0 : i32
      %dma_start3A_197 = tpu.memref_slice %arg4[%add3A_189, %dma_start3A_195, %dma_start3A_196] : memref<5000x64x128xf32, #tpu.memory_space<hbm>> -> memref<1x64x128xf32, #tpu.memory_space<hbm>>
      %dma_start3A_198 = tpu.memref_squeeze %dma_start3A_197 : memref<1x64x128xf32, #tpu.memory_space<hbm>> -> memref<64x128xf32, #tpu.memory_space<hbm>>
      %dma_start3A_199 = arith.constant 0 : i32
      %dma_start3A_200 = arith.constant 0 : i32
      %dma_start3A_201 = tpu.memref_slice %arg10[%dma_start3A_190, %dma_start3A_199, %dma_start3A_200] : memref<6x64x128xf32, #tpu.memory_space<vmem>> -> memref<1x64x128xf32, #tpu.memory_space<vmem>>
      %dma_start3A_202 = tpu.memref_squeeze %dma_start3A_201 : memref<1x64x128xf32, #tpu.memory_space<vmem>> -> memref<64x128xf32, #tpu.memory_space<vmem>>
      %dma_start3A_203 = arith.constant 0 : i32
      %dma_start3A_204 = arith.constant 0 : i32
      %dma_start3A_205 = tpu.memref_slice %arg4[%add3A_189, %dma_start3A_203, %dma_start3A_204] : memref<5000x64x128xf32, #tpu.memory_space<hbm>> -> memref<1x64x128xf32, #tpu.memory_space<hbm>>
      %dma_start3A_206 = tpu.memref_squeeze %dma_start3A_205 : memref<1x64x128xf32, #tpu.memory_space<hbm>> -> memref<64x128xf32, #tpu.memory_space<hbm>>
      tpu.enqueue_dma source(%dma_start3A_206 : memref<64x128xf32, #tpu.memory_space<hbm>>) target(%dma_start3A_202 : memref<64x128xf32, #tpu.memory_space<vmem>>) target_semaphore(%arg15 : memref<!tpu.dma_semaphore, #tpu.memory_space<semaphore_mem>>)
      %while3A = arith.constant 0 : i32
      %while3A_207 = arith.constant 0 : i32
      %while3A_208 = arith.subi %select_n3A, %while3A : i32
      %while3A_209 = arith.addi %while3A, %while3A_208 : i32
      %while3A_210 = arith.constant 1 : i32
      %while3A_211 = arith.divsi %while3A_208, %while3A_210 : i32
      %while3A_212 = arith.muli %while3A_211, %while3A_210 : i32
      %while3A_213 = arith.addi %while3A, %while3A_212 : i32
      %while3A_214 = arith.constant 1 : i32
      %while3A_215 = scf.for %while3A_289 = %while3A to %while3A_213 step %while3A_214 iter_args(%while3A_290 = %while3A_207) -> (i32)  : i32 {
        %jit3A_291 = arith.constant 6 : i32
        %eq3A_292 = arith.constant 0 : i32
        %eq3A_293 = arith.cmpi eq, %jit3A_291, %eq3A_292 : i32
        %jit3A_294 = arith.constant 1 : i32
        %select_n3A_295 = arith.select %eq3A_293, %jit3A_294, %jit3A_291 : i32
        %rem3A = arith.remsi %while3A_289, %select_n3A_295 : i32
        %ne3A = arith.constant 0 : i32
        %ne3A_296 = arith.cmpi ne, %rem3A, %ne3A : i32
        %lt3A_297 = arith.constant 0 : i32
        %lt3A_298 = arith.cmpi slt, %rem3A, %lt3A_297 : i32
        %lt3A_299 = arith.constant 0 : i32
        %lt3A_300 = arith.cmpi slt, %select_n3A_295, %lt3A_299 : i32
        %ne3A_301 = arith.xori %lt3A_298, %lt3A_300 : i1
        %and3A = arith.andi %ne3A_301, %ne3A_296 : i1
        %add3A_302 = arith.addi %rem3A, %select_n3A_295 : i32
        %select_n3A_303 = arith.select %and3A, %add3A_302, %rem3A : i32
        %eq3A_304 = arith.constant 0 : i32
        %eq3A_305 = arith.cmpi eq, %select_n3A_303, %eq3A_304 : i32
        %convert_element_type3A_306 = arith.extui %eq3A_305 : i1 to i32
        %cond3A_307 = arith.constant 0 : i32
        %cond3A_308 = arith.cmpi ne, %convert_element_type3A_306, %cond3A_307 : i32
        scf.if %cond3A_308 {
          %add3A_415 = arith.addi %add3A, %while3A_289 : i32
          %mul3A_416 = arith.constant 64 : i32
          %mul3A_417 = arith.muli %add3A_415, %mul3A_416 : i32
          %add3A_418 = arith.constant 320000 : i32
          %add3A_419 = arith.addi %add3A_418, %mul3A_417 : i32
          %dma_wait3A_420 = arith.constant 0 : i32
          %dma_wait3A_421 = arith.constant 0 : i32
          %dma_wait3A_422 = tpu.memref_slice %arg9[%dma_wait3A_420, %dma_wait3A_421] : memref<6x64xi32, #tpu.memory_space<vmem>> -> memref<1x64xi32, #tpu.memory_space<vmem>>
          %dma_wait3A_423 = tpu.memref_squeeze %dma_wait3A_422 : memref<1x64xi32, #tpu.memory_space<vmem>> -> memref<64xi32, #tpu.memory_space<vmem>>
          %dma_wait3A_424 = tpu.memref_slice %arg2[%add3A_419] : memref<640000xi32, #tpu.memory_space<hbm>> -> memref<64xi32, #tpu.memory_space<hbm>>
          %dma_wait3A_425 = arith.constant 0 : i32
          %dma_wait3A_426 = tpu.memref_slice %arg9[%dma_wait3A_420, %dma_wait3A_425] : memref<6x64xi32, #tpu.memory_space<vmem>> -> memref<1x64xi32, #tpu.memory_space<vmem>>
          %dma_wait3A_427 = tpu.memref_squeeze %dma_wait3A_426 : memref<1x64xi32, #tpu.memory_space<vmem>> -> memref<64xi32, #tpu.memory_space<vmem>>
          %dma_wait3A_428 = tpu.memref_slice %arg2[%add3A_419] : memref<640000xi32, #tpu.memory_space<hbm>> -> memref<64xi32, #tpu.memory_space<hbm>>
          tpu.wait_dma2 semaphore(%arg11 : memref<!tpu.dma_semaphore, #tpu.memory_space<semaphore_mem>>) src(%dma_wait3A_428 : memref<64xi32, #tpu.memory_space<hbm>>) dst(%dma_wait3A_427 : memref<64xi32, #tpu.memory_space<vmem>>)
          %add3A_429 = arith.addi %add3A, %while3A_289 : i32
          %dma_wait3A_430 = arith.constant 0 : i32
          %dma_wait3A_431 = arith.constant 0 : i32
          %dma_wait3A_432 = arith.constant 0 : i32
          %dma_wait3A_433 = tpu.memref_slice %arg10[%dma_wait3A_430, %dma_wait3A_431, %dma_wait3A_432] : memref<6x64x128xf32, #tpu.memory_space<vmem>> -> memref<1x64x128xf32, #tpu.memory_space<vmem>>
          %dma_wait3A_434 = tpu.memref_squeeze %dma_wait3A_433 : memref<1x64x128xf32, #tpu.memory_space<vmem>> -> memref<64x128xf32, #tpu.memory_space<vmem>>
          %dma_wait3A_435 = arith.constant 0 : i32
          %dma_wait3A_436 = arith.constant 0 : i32
          %dma_wait3A_437 = tpu.memref_slice %arg4[%add3A_429, %dma_wait3A_435, %dma_wait3A_436] : memref<5000x64x128xf32, #tpu.memory_space<hbm>> -> memref<1x64x128xf32, #tpu.memory_space<hbm>>
          %dma_wait3A_438 = tpu.memref_squeeze %dma_wait3A_437 : memref<1x64x128xf32, #tpu.memory_space<hbm>> -> memref<64x128xf32, #tpu.memory_space<hbm>>
          %dma_wait3A_439 = arith.constant 0 : i32
          %dma_wait3A_440 = arith.constant 0 : i32
          %dma_wait3A_441 = tpu.memref_slice %arg10[%dma_wait3A_430, %dma_wait3A_439, %dma_wait3A_440] : memref<6x64x128xf32, #tpu.memory_space<vmem>> -> memref<1x64x128xf32, #tpu.memory_space<vmem>>
          %dma_wait3A_442 = tpu.memref_squeeze %dma_wait3A_441 : memref<1x64x128xf32, #tpu.memory_space<vmem>> -> memref<64x128xf32, #tpu.memory_space<vmem>>
          %dma_wait3A_443 = arith.constant 0 : i32
          %dma_wait3A_444 = arith.constant 0 : i32
          %dma_wait3A_445 = tpu.memref_slice %arg4[%add3A_429, %dma_wait3A_443, %dma_wait3A_444] : memref<5000x64x128xf32, #tpu.memory_space<hbm>> -> memref<1x64x128xf32, #tpu.memory_space<hbm>>
          %dma_wait3A_446 = tpu.memref_squeeze %dma_wait3A_445 : memref<1x64x128xf32, #tpu.memory_space<hbm>> -> memref<64x128xf32, #tpu.memory_space<hbm>>
          tpu.wait_dma2 semaphore(%arg11 : memref<!tpu.dma_semaphore, #tpu.memory_space<semaphore_mem>>) src(%dma_wait3A_446 : memref<64x128xf32, #tpu.memory_space<hbm>>) dst(%dma_wait3A_442 : memref<64x128xf32, #tpu.memory_space<vmem>>)
          %dma_start3A_447 = arith.constant 0 : i32
          %dma_start3A_448 = arith.constant 0 : i32
          %dma_start3A_449 = arith.constant 0 : i32
          %dma_start3A_450 = arith.constant 0 : i32
          %dma_start3A_451 = tpu.memref_slice %arg10[%dma_start3A_447, %dma_start3A_449, %dma_start3A_450] : memref<6x64x128xf32, #tpu.memory_space<vmem>> -> memref<1x64x128xf32, #tpu.memory_space<vmem>>
          %dma_start3A_452 = tpu.memref_squeeze %dma_start3A_451 : memref<1x64x128xf32, #tpu.memory_space<vmem>> -> memref<64x128xf32, #tpu.memory_space<vmem>>
          %dma_start3A_453 = arith.constant 0 : i32
          %dma_start3A_454 = tpu.memref_slice %arg9[%dma_start3A_448, %dma_start3A_453] : memref<6x64xi32, #tpu.memory_space<vmem>> -> memref<1x64xi32, #tpu.memory_space<vmem>>
          %dma_start3A_455 = tpu.memref_squeeze %dma_start3A_454 : memref<1x64xi32, #tpu.memory_space<vmem>> -> memref<64xi32, #tpu.memory_space<vmem>>
          %dma_start3A_456 = arith.constant 0 : i32
          %dma_start3A_457 = arith.constant 0 : i32
          %dma_start3A_458 = tpu.memref_slice %arg8[%dma_start3A_456, %dma_start3A_457] : memref<10000x128xf32, #tpu.memory_space<vmem_shared>> -> memref<10000x128xf32, #tpu.memory_space<vmem_shared>>
          tpu.enqueue_indirect_dma source(%dma_start3A_452 : memref<64x128xf32, #tpu.memory_space<vmem>>) target(%dma_start3A_458 : memref<10000x128xf32, #tpu.memory_space<vmem_shared>>) offsets(%dma_start3A_455 : memref<64xi32, #tpu.memory_space<vmem>>) semaphore(%arg17 : memref<!tpu.dma_semaphore, #tpu.memory_space<semaphore_mem>>) {add = true}
          %add3A_459 = arith.constant 6 : i32
          %add3A_460 = arith.addi %while3A_289, %add3A_459 : i32
          %sub3A = arith.constant 1 : i32
          %sub3A_461 = arith.subi %add3A_460, %sub3A : i32
          %lt3A_462 = arith.cmpi slt, %sub3A_461, %select_n3A : i32
          %convert_element_type3A_463 = arith.extui %lt3A_462 : i1 to i32
          %cond3A_464 = arith.constant 0 : i32
          %cond3A_465 = arith.cmpi ne, %convert_element_type3A_463, %cond3A_464 : i32
          scf.if %cond3A_465 {
            %ge3A = arith.constant 1 : i32
            %ge3A_466 = arith.cmpi sge, %while3A_289, %ge3A : i32
            %convert_element_type3A_467 = arith.extui %ge3A_466 : i1 to i32
            %cond3A_468 = arith.constant 0 : i32
            %cond3A_469 = arith.cmpi ne, %convert_element_type3A_467, %cond3A_468 : i32
            scf.if %cond3A_469 {
              %dma_wait3A_502 = arith.constant 5 : i32
              %dma_wait3A_503 = arith.constant 5 : i32
              %dma_wait3A_504 = arith.constant 0 : i32
              %dma_wait3A_505 = arith.constant 0 : i32
              %dma_wait3A_506 = tpu.memref_slice %arg10[%dma_wait3A_502, %dma_wait3A_504, %dma_wait3A_505] : memref<6x64x128xf32, #tpu.memory_space<vmem>> -> memref<1x64x128xf32, #tpu.memory_space<vmem>>
              %dma_wait3A_507 = tpu.memref_squeeze %dma_wait3A_506 : memref<1x64x128xf32, #tpu.memory_space<vmem>> -> memref<64x128xf32, #tpu.memory_space<vmem>>
              %dma_wait3A_508 = arith.constant 0 : i32
              %dma_wait3A_509 = tpu.memref_slice %arg9[%dma_wait3A_503, %dma_wait3A_508] : memref<6x64xi32, #tpu.memory_space<vmem>> -> memref<1x64xi32, #tpu.memory_space<vmem>>
              %dma_wait3A_510 = tpu.memref_squeeze %dma_wait3A_509 : memref<1x64xi32, #tpu.memory_space<vmem>> -> memref<64xi32, #tpu.memory_space<vmem>>
              %dma_wait3A_511 = arith.constant 0 : i32
              %dma_wait3A_512 = arith.constant 0 : i32
              %dma_wait3A_513 = tpu.memref_slice %arg8[%dma_wait3A_511, %dma_wait3A_512] : memref<10000x128xf32, #tpu.memory_space<vmem_shared>> -> memref<10000x128xf32, #tpu.memory_space<vmem_shared>>
              tpu.wait_indirect_dma semaphore(%arg22 : memref<!tpu.dma_semaphore, #tpu.memory_space<semaphore_mem>>) src(%dma_wait3A_507 : memref<64x128xf32, #tpu.memory_space<vmem>>) dst(%dma_wait3A_513 : memref<10000x128xf32, #tpu.memory_space<vmem_shared>>)
            } else {
            }
            %add3A_470 = arith.addi %add3A, %sub3A_461 : i32
            %mul3A_471 = arith.constant 64 : i32
            %mul3A_472 = arith.muli %add3A_470, %mul3A_471 : i32
            %add3A_473 = arith.constant 320000 : i32
            %add3A_474 = arith.addi %add3A_473, %mul3A_472 : i32
            %dma_start3A_475 = arith.constant 5 : i32
            %dma_start3A_476 = arith.constant 0 : i32
            %dma_start3A_477 = tpu.memref_slice %arg9[%dma_start3A_475, %dma_start3A_476] : memref<6x64xi32, #tpu.memory_space<vmem>> -> memref<1x64xi32, #tpu.memory_space<vmem>>
            %dma_start3A_478 = tpu.memref_squeeze %dma_start3A_477 : memref<1x64xi32, #tpu.memory_space<vmem>> -> memref<64xi32, #tpu.memory_space<vmem>>
            %dma_start3A_479 = tpu.memref_slice %arg2[%add3A_474] : memref<640000xi32, #tpu.memory_space<hbm>> -> memref<64xi32, #tpu.memory_space<hbm>>
            %dma_start3A_480 = arith.constant 0 : i32
            %dma_start3A_481 = tpu.memref_slice %arg9[%dma_start3A_475, %dma_start3A_480] : memref<6x64xi32, #tpu.memory_space<vmem>> -> memref<1x64xi32, #tpu.memory_space<vmem>>
            %dma_start3A_482 = tpu.memref_squeeze %dma_start3A_481 : memref<1x64xi32, #tpu.memory_space<vmem>> -> memref<64xi32, #tpu.memory_space<vmem>>
            %dma_start3A_483 = tpu.memref_slice %arg2[%add3A_474] : memref<640000xi32, #tpu.memory_space<hbm>> -> memref<64xi32, #tpu.memory_space<hbm>>
            tpu.enqueue_dma source(%dma_start3A_483 : memref<64xi32, #tpu.memory_space<hbm>>) target(%dma_start3A_482 : memref<64xi32, #tpu.memory_space<vmem>>) target_semaphore(%arg16 : memref<!tpu.dma_semaphore, #tpu.memory_space<semaphore_mem>>)
            %add3A_484 = arith.addi %add3A, %sub3A_461 : i32
            %dma_start3A_485 = arith.constant 5 : i32
            %dma_start3A_486 = arith.constant 0 : i32
            %dma_start3A_487 = arith.constant 0 : i32
            %dma_start3A_488 = tpu.memref_slice %arg10[%dma_start3A_485, %dma_start3A_486, %dma_start3A_487] : memref<6x64x128xf32, #tpu.memory_space<vmem>> -> memref<1x64x128xf32, #tpu.memory_space<vmem>>
            %dma_start3A_489 = tpu.memref_squeeze %dma_start3A_488 : memref<1x64x128xf32, #tpu.memory_space<vmem>> -> memref<64x128xf32, #tpu.memory_space<vmem>>
            %dma_start3A_490 = arith.constant 0 : i32
            %dma_start3A_491 = arith.constant 0 : i32
            %dma_start3A_492 = tpu.memref_slice %arg4[%add3A_484, %dma_start3A_490, %dma_start3A_491] : memref<5000x64x128xf32, #tpu.memory_space<hbm>> -> memref<1x64x128xf32, #tpu.memory_space<hbm>>
            %dma_start3A_493 = tpu.memref_squeeze %dma_start3A_492 : memref<1x64x128xf32, #tpu.memory_space<hbm>> -> memref<64x128xf32, #tpu.memory_space<hbm>>
            %dma_start3A_494 = arith.constant 0 : i32
            %dma_start3A_495 = arith.constant 0 : i32
            %dma_start3A_496 = tpu.memref_slice %arg10[%dma_start3A_485, %dma_start3A_494, %dma_start3A_495] : memref<6x64x128xf32, #tpu.memory_space<vmem>> -> memref<1x64x128xf32, #tpu.memory_space<vmem>>
            %dma_start3A_497 = tpu.memref_squeeze %dma_start3A_496 : memref<1x64x128xf32, #tpu.memory_space<vmem>> -> memref<64x128xf32, #tpu.memory_space<vmem>>
            %dma_start3A_498 = arith.constant 0 : i32
            %dma_start3A_499 = arith.constant 0 : i32
            %dma_start3A_500 = tpu.memref_slice %arg4[%add3A_484, %dma_start3A_498, %dma_start3A_499] : memref<5000x64x128xf32, #tpu.memory_space<hbm>> -> memref<1x64x128xf32, #tpu.memory_space<hbm>>
            %dma_start3A_501 = tpu.memref_squeeze %dma_start3A_500 : memref<1x64x128xf32, #tpu.memory_space<hbm>> -> memref<64x128xf32, #tpu.memory_space<hbm>>
            tpu.enqueue_dma source(%dma_start3A_501 : memref<64x128xf32, #tpu.memory_space<hbm>>) target(%dma_start3A_497 : memref<64x128xf32, #tpu.memory_space<vmem>>) target_semaphore(%arg16 : memref<!tpu.dma_semaphore, #tpu.memory_space<semaphore_mem>>)
          } else {
          }
        } else {
        }
        %jit3A_309 = arith.constant 6 : i32
        %eq3A_310 = arith.constant 0 : i32
        %eq3A_311 = arith.cmpi eq, %jit3A_309, %eq3A_310 : i32
        %jit3A_312 = arith.constant 1 : i32
        %select_n3A_313 = arith.select %eq3A_311, %jit3A_312, %jit3A_309 : i32
        %rem3A_314 = arith.remsi %while3A_289, %select_n3A_313 : i32
        %ne3A_315 = arith.constant 0 : i32
        %ne3A_316 = arith.cmpi ne, %rem3A_314, %ne3A_315 : i32
        %lt3A_317 = arith.constant 0 : i32
        %lt3A_318 = arith.cmpi slt, %rem3A_314, %lt3A_317 : i32
        %lt3A_319 = arith.constant 0 : i32
        %lt3A_320 = arith.cmpi slt, %select_n3A_313, %lt3A_319 : i32
        %ne3A_321 = arith.xori %lt3A_318, %lt3A_320 : i1
        %and3A_322 = arith.andi %ne3A_321, %ne3A_316 : i1
        %add3A_323 = arith.addi %rem3A_314, %select_n3A_313 : i32
        %select_n3A_324 = arith.select %and3A_322, %add3A_323, %rem3A_314 : i32
        %eq3A_325 = arith.constant 1 : i32
        %eq3A_326 = arith.cmpi eq, %select_n3A_324, %eq3A_325 : i32
        %convert_element_type3A_327 = arith.extui %eq3A_326 : i1 to i32
        %cond3A_328 = arith.constant 0 : i32
        %cond3A_329 = arith.cmpi ne, %convert_element_type3A_327, %cond3A_328 : i32
        scf.if %cond3A_329 {
          %add3A_415 = arith.addi %add3A, %while3A_289 : i32
          %mul3A_416 = arith.constant 64 : i32
          %mul3A_417 = arith.muli %add3A_415, %mul3A_416 : i32
          %add3A_418 = arith.constant 320000 : i32
          %add3A_419 = arith.addi %add3A_418, %mul3A_417 : i32
          %dma_wait3A_420 = arith.constant 1 : i32
          %dma_wait3A_421 = arith.constant 0 : i32
          %dma_wait3A_422 = tpu.memref_slice %arg9[%dma_wait3A_420, %dma_wait3A_421] : memref<6x64xi32, #tpu.memory_space<vmem>> -> memref<1x64xi32, #tpu.memory_space<vmem>>
          %dma_wait3A_423 = tpu.memref_squeeze %dma_wait3A_422 : memref<1x64xi32, #tpu.memory_space<vmem>> -> memref<64xi32, #tpu.memory_space<vmem>>
          %dma_wait3A_424 = tpu.memref_slice %arg2[%add3A_419] : memref<640000xi32, #tpu.memory_space<hbm>> -> memref<64xi32, #tpu.memory_space<hbm>>
          %dma_wait3A_425 = arith.constant 0 : i32
          %dma_wait3A_426 = tpu.memref_slice %arg9[%dma_wait3A_420, %dma_wait3A_425] : memref<6x64xi32, #tpu.memory_space<vmem>> -> memref<1x64xi32, #tpu.memory_space<vmem>>
          %dma_wait3A_427 = tpu.memref_squeeze %dma_wait3A_426 : memref<1x64xi32, #tpu.memory_space<vmem>> -> memref<64xi32, #tpu.memory_space<vmem>>
          %dma_wait3A_428 = tpu.memref_slice %arg2[%add3A_419] : memref<640000xi32, #tpu.memory_space<hbm>> -> memref<64xi32, #tpu.memory_space<hbm>>
          tpu.wait_dma2 semaphore(%arg12 : memref<!tpu.dma_semaphore, #tpu.memory_space<semaphore_mem>>) src(%dma_wait3A_428 : memref<64xi32, #tpu.memory_space<hbm>>) dst(%dma_wait3A_427 : memref<64xi32, #tpu.memory_space<vmem>>)
          %add3A_429 = arith.addi %add3A, %while3A_289 : i32
          %dma_wait3A_430 = arith.constant 1 : i32
          %dma_wait3A_431 = arith.constant 0 : i32
          %dma_wait3A_432 = arith.constant 0 : i32
          %dma_wait3A_433 = tpu.memref_slice %arg10[%dma_wait3A_430, %dma_wait3A_431, %dma_wait3A_432] : memref<6x64x128xf32, #tpu.memory_space<vmem>> -> memref<1x64x128xf32, #tpu.memory_space<vmem>>
          %dma_wait3A_434 = tpu.memref_squeeze %dma_wait3A_433 : memref<1x64x128xf32, #tpu.memory_space<vmem>> -> memref<64x128xf32, #tpu.memory_space<vmem>>
          %dma_wait3A_435 = arith.constant 0 : i32
          %dma_wait3A_436 = arith.constant 0 : i32
          %dma_wait3A_437 = tpu.memref_slice %arg4[%add3A_429, %dma_wait3A_435, %dma_wait3A_436] : memref<5000x64x128xf32, #tpu.memory_space<hbm>> -> memref<1x64x128xf32, #tpu.memory_space<hbm>>
          %dma_wait3A_438 = tpu.memref_squeeze %dma_wait3A_437 : memref<1x64x128xf32, #tpu.memory_space<hbm>> -> memref<64x128xf32, #tpu.memory_space<hbm>>
          %dma_wait3A_439 = arith.constant 0 : i32
          %dma_wait3A_440 = arith.constant 0 : i32
          %dma_wait3A_441 = tpu.memref_slice %arg10[%dma_wait3A_430, %dma_wait3A_439, %dma_wait3A_440] : memref<6x64x128xf32, #tpu.memory_space<vmem>> -> memref<1x64x128xf32, #tpu.memory_space<vmem>>
          %dma_wait3A_442 = tpu.memref_squeeze %dma_wait3A_441 : memref<1x64x128xf32, #tpu.memory_space<vmem>> -> memref<64x128xf32, #tpu.memory_space<vmem>>
          %dma_wait3A_443 = arith.constant 0 : i32
          %dma_wait3A_444 = arith.constant 0 : i32
          %dma_wait3A_445 = tpu.memref_slice %arg4[%add3A_429, %dma_wait3A_443, %dma_wait3A_444] : memref<5000x64x128xf32, #tpu.memory_space<hbm>> -> memref<1x64x128xf32, #tpu.memory_space<hbm>>
          %dma_wait3A_446 = tpu.memref_squeeze %dma_wait3A_445 : memref<1x64x128xf32, #tpu.memory_space<hbm>> -> memref<64x128xf32, #tpu.memory_space<hbm>>
          tpu.wait_dma2 semaphore(%arg12 : memref<!tpu.dma_semaphore, #tpu.memory_space<semaphore_mem>>) src(%dma_wait3A_446 : memref<64x128xf32, #tpu.memory_space<hbm>>) dst(%dma_wait3A_442 : memref<64x128xf32, #tpu.memory_space<vmem>>)
          %dma_start3A_447 = arith.constant 1 : i32
          %dma_start3A_448 = arith.constant 1 : i32
          %dma_start3A_449 = arith.constant 0 : i32
          %dma_start3A_450 = arith.constant 0 : i32
          %dma_start3A_451 = tpu.memref_slice %arg10[%dma_start3A_447, %dma_start3A_449, %dma_start3A_450] : memref<6x64x128xf32, #tpu.memory_space<vmem>> -> memref<1x64x128xf32, #tpu.memory_space<vmem>>
          %dma_start3A_452 = tpu.memref_squeeze %dma_start3A_451 : memref<1x64x128xf32, #tpu.memory_space<vmem>> -> memref<64x128xf32, #tpu.memory_space<vmem>>
          %dma_start3A_453 = arith.constant 0 : i32
          %dma_start3A_454 = tpu.memref_slice %arg9[%dma_start3A_448, %dma_start3A_453] : memref<6x64xi32, #tpu.memory_space<vmem>> -> memref<1x64xi32, #tpu.memory_space<vmem>>
          %dma_start3A_455 = tpu.memref_squeeze %dma_start3A_454 : memref<1x64xi32, #tpu.memory_space<vmem>> -> memref<64xi32, #tpu.memory_space<vmem>>
          %dma_start3A_456 = arith.constant 0 : i32
          %dma_start3A_457 = arith.constant 0 : i32
          %dma_start3A_458 = tpu.memref_slice %arg8[%dma_start3A_456, %dma_start3A_457] : memref<10000x128xf32, #tpu.memory_space<vmem_shared>> -> memref<10000x128xf32, #tpu.memory_space<vmem_shared>>
          tpu.enqueue_indirect_dma source(%dma_start3A_452 : memref<64x128xf32, #tpu.memory_space<vmem>>) target(%dma_start3A_458 : memref<10000x128xf32, #tpu.memory_space<vmem_shared>>) offsets(%dma_start3A_455 : memref<64xi32, #tpu.memory_space<vmem>>) semaphore(%arg18 : memref<!tpu.dma_semaphore, #tpu.memory_space<semaphore_mem>>) {add = true}
          %add3A_459 = arith.constant 6 : i32
          %add3A_460 = arith.addi %while3A_289, %add3A_459 : i32
          %sub3A = arith.constant 1 : i32
          %sub3A_461 = arith.subi %add3A_460, %sub3A : i32
          %lt3A_462 = arith.cmpi slt, %sub3A_461, %select_n3A : i32
          %convert_element_type3A_463 = arith.extui %lt3A_462 : i1 to i32
          %cond3A_464 = arith.constant 0 : i32
          %cond3A_465 = arith.cmpi ne, %convert_element_type3A_463, %cond3A_464 : i32
          scf.if %cond3A_465 {
            %ge3A = arith.constant 1 : i32
            %ge3A_466 = arith.cmpi sge, %while3A_289, %ge3A : i32
            %convert_element_type3A_467 = arith.extui %ge3A_466 : i1 to i32
            %cond3A_468 = arith.constant 0 : i32
            %cond3A_469 = arith.cmpi ne, %convert_element_type3A_467, %cond3A_468 : i32
            scf.if %cond3A_469 {
              %dma_wait3A_502 = arith.constant 0 : i32
              %dma_wait3A_503 = arith.constant 0 : i32
              %dma_wait3A_504 = arith.constant 0 : i32
              %dma_wait3A_505 = arith.constant 0 : i32
              %dma_wait3A_506 = tpu.memref_slice %arg10[%dma_wait3A_502, %dma_wait3A_504, %dma_wait3A_505] : memref<6x64x128xf32, #tpu.memory_space<vmem>> -> memref<1x64x128xf32, #tpu.memory_space<vmem>>
              %dma_wait3A_507 = tpu.memref_squeeze %dma_wait3A_506 : memref<1x64x128xf32, #tpu.memory_space<vmem>> -> memref<64x128xf32, #tpu.memory_space<vmem>>
              %dma_wait3A_508 = arith.constant 0 : i32
              %dma_wait3A_509 = tpu.memref_slice %arg9[%dma_wait3A_503, %dma_wait3A_508] : memref<6x64xi32, #tpu.memory_space<vmem>> -> memref<1x64xi32, #tpu.memory_space<vmem>>
              %dma_wait3A_510 = tpu.memref_squeeze %dma_wait3A_509 : memref<1x64xi32, #tpu.memory_space<vmem>> -> memref<64xi32, #tpu.memory_space<vmem>>
              %dma_wait3A_511 = arith.constant 0 : i32
              %dma_wait3A_512 = arith.constant 0 : i32
              %dma_wait3A_513 = tpu.memref_slice %arg8[%dma_wait3A_511, %dma_wait3A_512] : memref<10000x128xf32, #tpu.memory_space<vmem_shared>> -> memref<10000x128xf32, #tpu.memory_space<vmem_shared>>
              tpu.wait_indirect_dma semaphore(%arg17 : memref<!tpu.dma_semaphore, #tpu.memory_space<semaphore_mem>>) src(%dma_wait3A_507 : memref<64x128xf32, #tpu.memory_space<vmem>>) dst(%dma_wait3A_513 : memref<10000x128xf32, #tpu.memory_space<vmem_shared>>)
            } else {
            }
            %add3A_470 = arith.addi %add3A, %sub3A_461 : i32
            %mul3A_471 = arith.constant 64 : i32
            %mul3A_472 = arith.muli %add3A_470, %mul3A_471 : i32
            %add3A_473 = arith.constant 320000 : i32
            %add3A_474 = arith.addi %add3A_473, %mul3A_472 : i32
            %dma_start3A_475 = arith.constant 0 : i32
            %dma_start3A_476 = arith.constant 0 : i32
            %dma_start3A_477 = tpu.memref_slice %arg9[%dma_start3A_475, %dma_start3A_476] : memref<6x64xi32, #tpu.memory_space<vmem>> -> memref<1x64xi32, #tpu.memory_space<vmem>>
            %dma_start3A_478 = tpu.memref_squeeze %dma_start3A_477 : memref<1x64xi32, #tpu.memory_space<vmem>> -> memref<64xi32, #tpu.memory_space<vmem>>
            %dma_start3A_479 = tpu.memref_slice %arg2[%add3A_474] : memref<640000xi32, #tpu.memory_space<hbm>> -> memref<64xi32, #tpu.memory_space<hbm>>
            %dma_start3A_480 = arith.constant 0 : i32
            %dma_start3A_481 = tpu.memref_slice %arg9[%dma_start3A_475, %dma_start3A_480] : memref<6x64xi32, #tpu.memory_space<vmem>> -> memref<1x64xi32, #tpu.memory_space<vmem>>
            %dma_start3A_482 = tpu.memref_squeeze %dma_start3A_481 : memref<1x64xi32, #tpu.memory_space<vmem>> -> memref<64xi32, #tpu.memory_space<vmem>>
            %dma_start3A_483 = tpu.memref_slice %arg2[%add3A_474] : memref<640000xi32, #tpu.memory_space<hbm>> -> memref<64xi32, #tpu.memory_space<hbm>>
            tpu.enqueue_dma source(%dma_start3A_483 : memref<64xi32, #tpu.memory_space<hbm>>) target(%dma_start3A_482 : memref<64xi32, #tpu.memory_space<vmem>>) target_semaphore(%arg11 : memref<!tpu.dma_semaphore, #tpu.memory_space<semaphore_mem>>)
            %add3A_484 = arith.addi %add3A, %sub3A_461 : i32
            %dma_start3A_485 = arith.constant 0 : i32
            %dma_start3A_486 = arith.constant 0 : i32
            %dma_start3A_487 = arith.constant 0 : i32
            %dma_start3A_488 = tpu.memref_slice %arg10[%dma_start3A_485, %dma_start3A_486, %dma_start3A_487] : memref<6x64x128xf32, #tpu.memory_space<vmem>> -> memref<1x64x128xf32, #tpu.memory_space<vmem>>
            %dma_start3A_489 = tpu.memref_squeeze %dma_start3A_488 : memref<1x64x128xf32, #tpu.memory_space<vmem>> -> memref<64x128xf32, #tpu.memory_space<vmem>>
            %dma_start3A_490 = arith.constant 0 : i32
            %dma_start3A_491 = arith.constant 0 : i32
            %dma_start3A_492 = tpu.memref_slice %arg4[%add3A_484, %dma_start3A_490, %dma_start3A_491] : memref<5000x64x128xf32, #tpu.memory_space<hbm>> -> memref<1x64x128xf32, #tpu.memory_space<hbm>>
            %dma_start3A_493 = tpu.memref_squeeze %dma_start3A_492 : memref<1x64x128xf32, #tpu.memory_space<hbm>> -> memref<64x128xf32, #tpu.memory_space<hbm>>
            %dma_start3A_494 = arith.constant 0 : i32
            %dma_start3A_495 = arith.constant 0 : i32
            %dma_start3A_496 = tpu.memref_slice %arg10[%dma_start3A_485, %dma_start3A_494, %dma_start3A_495] : memref<6x64x128xf32, #tpu.memory_space<vmem>> -> memref<1x64x128xf32, #tpu.memory_space<vmem>>
            %dma_start3A_497 = tpu.memref_squeeze %dma_start3A_496 : memref<1x64x128xf32, #tpu.memory_space<vmem>> -> memref<64x128xf32, #tpu.memory_space<vmem>>
            %dma_start3A_498 = arith.constant 0 : i32
            %dma_start3A_499 = arith.constant 0 : i32
            %dma_start3A_500 = tpu.memref_slice %arg4[%add3A_484, %dma_start3A_498, %dma_start3A_499] : memref<5000x64x128xf32, #tpu.memory_space<hbm>> -> memref<1x64x128xf32, #tpu.memory_space<hbm>>
            %dma_start3A_501 = tpu.memref_squeeze %dma_start3A_500 : memref<1x64x128xf32, #tpu.memory_space<hbm>> -> memref<64x128xf32, #tpu.memory_space<hbm>>
            tpu.enqueue_dma source(%dma_start3A_501 : memref<64x128xf32, #tpu.memory_space<hbm>>) target(%dma_start3A_497 : memref<64x128xf32, #tpu.memory_space<vmem>>) target_semaphore(%arg11 : memref<!tpu.dma_semaphore, #tpu.memory_space<semaphore_mem>>)
          } else {
          }
        } else {
        }
        %jit3A_330 = arith.constant 6 : i32
        %eq3A_331 = arith.constant 0 : i32
        %eq3A_332 = arith.cmpi eq, %jit3A_330, %eq3A_331 : i32
        %jit3A_333 = arith.constant 1 : i32
        %select_n3A_334 = arith.select %eq3A_332, %jit3A_333, %jit3A_330 : i32
        %rem3A_335 = arith.remsi %while3A_289, %select_n3A_334 : i32
        %ne3A_336 = arith.constant 0 : i32
        %ne3A_337 = arith.cmpi ne, %rem3A_335, %ne3A_336 : i32
        %lt3A_338 = arith.constant 0 : i32
        %lt3A_339 = arith.cmpi slt, %rem3A_335, %lt3A_338 : i32
        %lt3A_340 = arith.constant 0 : i32
        %lt3A_341 = arith.cmpi slt, %select_n3A_334, %lt3A_340 : i32
        %ne3A_342 = arith.xori %lt3A_339, %lt3A_341 : i1
        %and3A_343 = arith.andi %ne3A_342, %ne3A_337 : i1
        %add3A_344 = arith.addi %rem3A_335, %select_n3A_334 : i32
        %select_n3A_345 = arith.select %and3A_343, %add3A_344, %rem3A_335 : i32
        %eq3A_346 = arith.constant 2 : i32
        %eq3A_347 = arith.cmpi eq, %select_n3A_345, %eq3A_346 : i32
        %convert_element_type3A_348 = arith.extui %eq3A_347 : i1 to i32
        %cond3A_349 = arith.constant 0 : i32
        %cond3A_350 = arith.cmpi ne, %convert_element_type3A_348, %cond3A_349 : i32
        scf.if %cond3A_350 {
          %add3A_415 = arith.addi %add3A, %while3A_289 : i32
          %mul3A_416 = arith.constant 64 : i32
          %mul3A_417 = arith.muli %add3A_415, %mul3A_416 : i32
          %add3A_418 = arith.constant 320000 : i32
          %add3A_419 = arith.addi %add3A_418, %mul3A_417 : i32
          %dma_wait3A_420 = arith.constant 2 : i32
          %dma_wait3A_421 = arith.constant 0 : i32
          %dma_wait3A_422 = tpu.memref_slice %arg9[%dma_wait3A_420, %dma_wait3A_421] : memref<6x64xi32, #tpu.memory_space<vmem>> -> memref<1x64xi32, #tpu.memory_space<vmem>>
          %dma_wait3A_423 = tpu.memref_squeeze %dma_wait3A_422 : memref<1x64xi32, #tpu.memory_space<vmem>> -> memref<64xi32, #tpu.memory_space<vmem>>
          %dma_wait3A_424 = tpu.memref_slice %arg2[%add3A_419] : memref<640000xi32, #tpu.memory_space<hbm>> -> memref<64xi32, #tpu.memory_space<hbm>>
          %dma_wait3A_425 = arith.constant 0 : i32
          %dma_wait3A_426 = tpu.memref_slice %arg9[%dma_wait3A_420, %dma_wait3A_425] : memref<6x64xi32, #tpu.memory_space<vmem>> -> memref<1x64xi32, #tpu.memory_space<vmem>>
          %dma_wait3A_427 = tpu.memref_squeeze %dma_wait3A_426 : memref<1x64xi32, #tpu.memory_space<vmem>> -> memref<64xi32, #tpu.memory_space<vmem>>
          %dma_wait3A_428 = tpu.memref_slice %arg2[%add3A_419] : memref<640000xi32, #tpu.memory_space<hbm>> -> memref<64xi32, #tpu.memory_space<hbm>>
          tpu.wait_dma2 semaphore(%arg13 : memref<!tpu.dma_semaphore, #tpu.memory_space<semaphore_mem>>) src(%dma_wait3A_428 : memref<64xi32, #tpu.memory_space<hbm>>) dst(%dma_wait3A_427 : memref<64xi32, #tpu.memory_space<vmem>>)
          %add3A_429 = arith.addi %add3A, %while3A_289 : i32
          %dma_wait3A_430 = arith.constant 2 : i32
          %dma_wait3A_431 = arith.constant 0 : i32
          %dma_wait3A_432 = arith.constant 0 : i32
          %dma_wait3A_433 = tpu.memref_slice %arg10[%dma_wait3A_430, %dma_wait3A_431, %dma_wait3A_432] : memref<6x64x128xf32, #tpu.memory_space<vmem>> -> memref<1x64x128xf32, #tpu.memory_space<vmem>>
          %dma_wait3A_434 = tpu.memref_squeeze %dma_wait3A_433 : memref<1x64x128xf32, #tpu.memory_space<vmem>> -> memref<64x128xf32, #tpu.memory_space<vmem>>
          %dma_wait3A_435 = arith.constant 0 : i32
          %dma_wait3A_436 = arith.constant 0 : i32
          %dma_wait3A_437 = tpu.memref_slice %arg4[%add3A_429, %dma_wait3A_435, %dma_wait3A_436] : memref<5000x64x128xf32, #tpu.memory_space<hbm>> -> memref<1x64x128xf32, #tpu.memory_space<hbm>>
          %dma_wait3A_438 = tpu.memref_squeeze %dma_wait3A_437 : memref<1x64x128xf32, #tpu.memory_space<hbm>> -> memref<64x128xf32, #tpu.memory_space<hbm>>
          %dma_wait3A_439 = arith.constant 0 : i32
          %dma_wait3A_440 = arith.constant 0 : i32
          %dma_wait3A_441 = tpu.memref_slice %arg10[%dma_wait3A_430, %dma_wait3A_439, %dma_wait3A_440] : memref<6x64x128xf32, #tpu.memory_space<vmem>> -> memref<1x64x128xf32, #tpu.memory_space<vmem>>
          %dma_wait3A_442 = tpu.memref_squeeze %dma_wait3A_441 : memref<1x64x128xf32, #tpu.memory_space<vmem>> -> memref<64x128xf32, #tpu.memory_space<vmem>>
          %dma_wait3A_443 = arith.constant 0 : i32
          %dma_wait3A_444 = arith.constant 0 : i32
          %dma_wait3A_445 = tpu.memref_slice %arg4[%add3A_429, %dma_wait3A_443, %dma_wait3A_444] : memref<5000x64x128xf32, #tpu.memory_space<hbm>> -> memref<1x64x128xf32, #tpu.memory_space<hbm>>
          %dma_wait3A_446 = tpu.memref_squeeze %dma_wait3A_445 : memref<1x64x128xf32, #tpu.memory_space<hbm>> -> memref<64x128xf32, #tpu.memory_space<hbm>>
          tpu.wait_dma2 semaphore(%arg13 : memref<!tpu.dma_semaphore, #tpu.memory_space<semaphore_mem>>) src(%dma_wait3A_446 : memref<64x128xf32, #tpu.memory_space<hbm>>) dst(%dma_wait3A_442 : memref<64x128xf32, #tpu.memory_space<vmem>>)
          %dma_start3A_447 = arith.constant 2 : i32
          %dma_start3A_448 = arith.constant 2 : i32
          %dma_start3A_449 = arith.constant 0 : i32
          %dma_start3A_450 = arith.constant 0 : i32
          %dma_start3A_451 = tpu.memref_slice %arg10[%dma_start3A_447, %dma_start3A_449, %dma_start3A_450] : memref<6x64x128xf32, #tpu.memory_space<vmem>> -> memref<1x64x128xf32, #tpu.memory_space<vmem>>
          %dma_start3A_452 = tpu.memref_squeeze %dma_start3A_451 : memref<1x64x128xf32, #tpu.memory_space<vmem>> -> memref<64x128xf32, #tpu.memory_space<vmem>>
          %dma_start3A_453 = arith.constant 0 : i32
          %dma_start3A_454 = tpu.memref_slice %arg9[%dma_start3A_448, %dma_start3A_453] : memref<6x64xi32, #tpu.memory_space<vmem>> -> memref<1x64xi32, #tpu.memory_space<vmem>>
          %dma_start3A_455 = tpu.memref_squeeze %dma_start3A_454 : memref<1x64xi32, #tpu.memory_space<vmem>> -> memref<64xi32, #tpu.memory_space<vmem>>
          %dma_start3A_456 = arith.constant 0 : i32
          %dma_start3A_457 = arith.constant 0 : i32
          %dma_start3A_458 = tpu.memref_slice %arg8[%dma_start3A_456, %dma_start3A_457] : memref<10000x128xf32, #tpu.memory_space<vmem_shared>> -> memref<10000x128xf32, #tpu.memory_space<vmem_shared>>
          tpu.enqueue_indirect_dma source(%dma_start3A_452 : memref<64x128xf32, #tpu.memory_space<vmem>>) target(%dma_start3A_458 : memref<10000x128xf32, #tpu.memory_space<vmem_shared>>) offsets(%dma_start3A_455 : memref<64xi32, #tpu.memory_space<vmem>>) semaphore(%arg19 : memref<!tpu.dma_semaphore, #tpu.memory_space<semaphore_mem>>) {add = true}
          %add3A_459 = arith.constant 6 : i32
          %add3A_460 = arith.addi %while3A_289, %add3A_459 : i32
          %sub3A = arith.constant 1 : i32
          %sub3A_461 = arith.subi %add3A_460, %sub3A : i32
          %lt3A_462 = arith.cmpi slt, %sub3A_461, %select_n3A : i32
          %convert_element_type3A_463 = arith.extui %lt3A_462 : i1 to i32
          %cond3A_464 = arith.constant 0 : i32
          %cond3A_465 = arith.cmpi ne, %convert_element_type3A_463, %cond3A_464 : i32
          scf.if %cond3A_465 {
            %ge3A = arith.constant 1 : i32
            %ge3A_466 = arith.cmpi sge, %while3A_289, %ge3A : i32
            %convert_element_type3A_467 = arith.extui %ge3A_466 : i1 to i32
            %cond3A_468 = arith.constant 0 : i32
            %cond3A_469 = arith.cmpi ne, %convert_element_type3A_467, %cond3A_468 : i32
            scf.if %cond3A_469 {
              %dma_wait3A_502 = arith.constant 1 : i32
              %dma_wait3A_503 = arith.constant 1 : i32
              %dma_wait3A_504 = arith.constant 0 : i32
              %dma_wait3A_505 = arith.constant 0 : i32
              %dma_wait3A_506 = tpu.memref_slice %arg10[%dma_wait3A_502, %dma_wait3A_504, %dma_wait3A_505] : memref<6x64x128xf32, #tpu.memory_space<vmem>> -> memref<1x64x128xf32, #tpu.memory_space<vmem>>
              %dma_wait3A_507 = tpu.memref_squeeze %dma_wait3A_506 : memref<1x64x128xf32, #tpu.memory_space<vmem>> -> memref<64x128xf32, #tpu.memory_space<vmem>>
              %dma_wait3A_508 = arith.constant 0 : i32
              %dma_wait3A_509 = tpu.memref_slice %arg9[%dma_wait3A_503, %dma_wait3A_508] : memref<6x64xi32, #tpu.memory_space<vmem>> -> memref<1x64xi32, #tpu.memory_space<vmem>>
              %dma_wait3A_510 = tpu.memref_squeeze %dma_wait3A_509 : memref<1x64xi32, #tpu.memory_space<vmem>> -> memref<64xi32, #tpu.memory_space<vmem>>
              %dma_wait3A_511 = arith.constant 0 : i32
              %dma_wait3A_512 = arith.constant 0 : i32
              %dma_wait3A_513 = tpu.memref_slice %arg8[%dma_wait3A_511, %dma_wait3A_512] : memref<10000x128xf32, #tpu.memory_space<vmem_shared>> -> memref<10000x128xf32, #tpu.memory_space<vmem_shared>>
              tpu.wait_indirect_dma semaphore(%arg18 : memref<!tpu.dma_semaphore, #tpu.memory_space<semaphore_mem>>) src(%dma_wait3A_507 : memref<64x128xf32, #tpu.memory_space<vmem>>) dst(%dma_wait3A_513 : memref<10000x128xf32, #tpu.memory_space<vmem_shared>>)
            } else {
            }
            %add3A_470 = arith.addi %add3A, %sub3A_461 : i32
            %mul3A_471 = arith.constant 64 : i32
            %mul3A_472 = arith.muli %add3A_470, %mul3A_471 : i32
            %add3A_473 = arith.constant 320000 : i32
            %add3A_474 = arith.addi %add3A_473, %mul3A_472 : i32
            %dma_start3A_475 = arith.constant 1 : i32
            %dma_start3A_476 = arith.constant 0 : i32
            %dma_start3A_477 = tpu.memref_slice %arg9[%dma_start3A_475, %dma_start3A_476] : memref<6x64xi32, #tpu.memory_space<vmem>> -> memref<1x64xi32, #tpu.memory_space<vmem>>
            %dma_start3A_478 = tpu.memref_squeeze %dma_start3A_477 : memref<1x64xi32, #tpu.memory_space<vmem>> -> memref<64xi32, #tpu.memory_space<vmem>>
            %dma_start3A_479 = tpu.memref_slice %arg2[%add3A_474] : memref<640000xi32, #tpu.memory_space<hbm>> -> memref<64xi32, #tpu.memory_space<hbm>>
            %dma_start3A_480 = arith.constant 0 : i32
            %dma_start3A_481 = tpu.memref_slice %arg9[%dma_start3A_475, %dma_start3A_480] : memref<6x64xi32, #tpu.memory_space<vmem>> -> memref<1x64xi32, #tpu.memory_space<vmem>>
            %dma_start3A_482 = tpu.memref_squeeze %dma_start3A_481 : memref<1x64xi32, #tpu.memory_space<vmem>> -> memref<64xi32, #tpu.memory_space<vmem>>
            %dma_start3A_483 = tpu.memref_slice %arg2[%add3A_474] : memref<640000xi32, #tpu.memory_space<hbm>> -> memref<64xi32, #tpu.memory_space<hbm>>
            tpu.enqueue_dma source(%dma_start3A_483 : memref<64xi32, #tpu.memory_space<hbm>>) target(%dma_start3A_482 : memref<64xi32, #tpu.memory_space<vmem>>) target_semaphore(%arg12 : memref<!tpu.dma_semaphore, #tpu.memory_space<semaphore_mem>>)
            %add3A_484 = arith.addi %add3A, %sub3A_461 : i32
            %dma_start3A_485 = arith.constant 1 : i32
            %dma_start3A_486 = arith.constant 0 : i32
            %dma_start3A_487 = arith.constant 0 : i32
            %dma_start3A_488 = tpu.memref_slice %arg10[%dma_start3A_485, %dma_start3A_486, %dma_start3A_487] : memref<6x64x128xf32, #tpu.memory_space<vmem>> -> memref<1x64x128xf32, #tpu.memory_space<vmem>>
            %dma_start3A_489 = tpu.memref_squeeze %dma_start3A_488 : memref<1x64x128xf32, #tpu.memory_space<vmem>> -> memref<64x128xf32, #tpu.memory_space<vmem>>
            %dma_start3A_490 = arith.constant 0 : i32
            %dma_start3A_491 = arith.constant 0 : i32
            %dma_start3A_492 = tpu.memref_slice %arg4[%add3A_484, %dma_start3A_490, %dma_start3A_491] : memref<5000x64x128xf32, #tpu.memory_space<hbm>> -> memref<1x64x128xf32, #tpu.memory_space<hbm>>
            %dma_start3A_493 = tpu.memref_squeeze %dma_start3A_492 : memref<1x64x128xf32, #tpu.memory_space<hbm>> -> memref<64x128xf32, #tpu.memory_space<hbm>>
            %dma_start3A_494 = arith.constant 0 : i32
            %dma_start3A_495 = arith.constant 0 : i32
            %dma_start3A_496 = tpu.memref_slice %arg10[%dma_start3A_485, %dma_start3A_494, %dma_start3A_495] : memref<6x64x128xf32, #tpu.memory_space<vmem>> -> memref<1x64x128xf32, #tpu.memory_space<vmem>>
            %dma_start3A_497 = tpu.memref_squeeze %dma_start3A_496 : memref<1x64x128xf32, #tpu.memory_space<vmem>> -> memref<64x128xf32, #tpu.memory_space<vmem>>
            %dma_start3A_498 = arith.constant 0 : i32
            %dma_start3A_499 = arith.constant 0 : i32
            %dma_start3A_500 = tpu.memref_slice %arg4[%add3A_484, %dma_start3A_498, %dma_start3A_499] : memref<5000x64x128xf32, #tpu.memory_space<hbm>> -> memref<1x64x128xf32, #tpu.memory_space<hbm>>
            %dma_start3A_501 = tpu.memref_squeeze %dma_start3A_500 : memref<1x64x128xf32, #tpu.memory_space<hbm>> -> memref<64x128xf32, #tpu.memory_space<hbm>>
            tpu.enqueue_dma source(%dma_start3A_501 : memref<64x128xf32, #tpu.memory_space<hbm>>) target(%dma_start3A_497 : memref<64x128xf32, #tpu.memory_space<vmem>>) target_semaphore(%arg12 : memref<!tpu.dma_semaphore, #tpu.memory_space<semaphore_mem>>)
          } else {
          }
        } else {
        }
        %jit3A_351 = arith.constant 6 : i32
        %eq3A_352 = arith.constant 0 : i32
        %eq3A_353 = arith.cmpi eq, %jit3A_351, %eq3A_352 : i32
        %jit3A_354 = arith.constant 1 : i32
        %select_n3A_355 = arith.select %eq3A_353, %jit3A_354, %jit3A_351 : i32
        %rem3A_356 = arith.remsi %while3A_289, %select_n3A_355 : i32
        %ne3A_357 = arith.constant 0 : i32
        %ne3A_358 = arith.cmpi ne, %rem3A_356, %ne3A_357 : i32
        %lt3A_359 = arith.constant 0 : i32
        %lt3A_360 = arith.cmpi slt, %rem3A_356, %lt3A_359 : i32
        %lt3A_361 = arith.constant 0 : i32
        %lt3A_362 = arith.cmpi slt, %select_n3A_355, %lt3A_361 : i32
        %ne3A_363 = arith.xori %lt3A_360, %lt3A_362 : i1
        %and3A_364 = arith.andi %ne3A_363, %ne3A_358 : i1
        %add3A_365 = arith.addi %rem3A_356, %select_n3A_355 : i32
        %select_n3A_366 = arith.select %and3A_364, %add3A_365, %rem3A_356 : i32
        %eq3A_367 = arith.constant 3 : i32
        %eq3A_368 = arith.cmpi eq, %select_n3A_366, %eq3A_367 : i32
        %convert_element_type3A_369 = arith.extui %eq3A_368 : i1 to i32
        %cond3A_370 = arith.constant 0 : i32
        %cond3A_371 = arith.cmpi ne, %convert_element_type3A_369, %cond3A_370 : i32
        scf.if %cond3A_371 {
          %add3A_415 = arith.addi %add3A, %while3A_289 : i32
          %mul3A_416 = arith.constant 64 : i32
          %mul3A_417 = arith.muli %add3A_415, %mul3A_416 : i32
          %add3A_418 = arith.constant 320000 : i32
          %add3A_419 = arith.addi %add3A_418, %mul3A_417 : i32
          %dma_wait3A_420 = arith.constant 3 : i32
          %dma_wait3A_421 = arith.constant 0 : i32
          %dma_wait3A_422 = tpu.memref_slice %arg9[%dma_wait3A_420, %dma_wait3A_421] : memref<6x64xi32, #tpu.memory_space<vmem>> -> memref<1x64xi32, #tpu.memory_space<vmem>>
          %dma_wait3A_423 = tpu.memref_squeeze %dma_wait3A_422 : memref<1x64xi32, #tpu.memory_space<vmem>> -> memref<64xi32, #tpu.memory_space<vmem>>
          %dma_wait3A_424 = tpu.memref_slice %arg2[%add3A_419] : memref<640000xi32, #tpu.memory_space<hbm>> -> memref<64xi32, #tpu.memory_space<hbm>>
          %dma_wait3A_425 = arith.constant 0 : i32
          %dma_wait3A_426 = tpu.memref_slice %arg9[%dma_wait3A_420, %dma_wait3A_425] : memref<6x64xi32, #tpu.memory_space<vmem>> -> memref<1x64xi32, #tpu.memory_space<vmem>>
          %dma_wait3A_427 = tpu.memref_squeeze %dma_wait3A_426 : memref<1x64xi32, #tpu.memory_space<vmem>> -> memref<64xi32, #tpu.memory_space<vmem>>
          %dma_wait3A_428 = tpu.memref_slice %arg2[%add3A_419] : memref<640000xi32, #tpu.memory_space<hbm>> -> memref<64xi32, #tpu.memory_space<hbm>>
          tpu.wait_dma2 semaphore(%arg14 : memref<!tpu.dma_semaphore, #tpu.memory_space<semaphore_mem>>) src(%dma_wait3A_428 : memref<64xi32, #tpu.memory_space<hbm>>) dst(%dma_wait3A_427 : memref<64xi32, #tpu.memory_space<vmem>>)
          %add3A_429 = arith.addi %add3A, %while3A_289 : i32
          %dma_wait3A_430 = arith.constant 3 : i32
          %dma_wait3A_431 = arith.constant 0 : i32
          %dma_wait3A_432 = arith.constant 0 : i32
          %dma_wait3A_433 = tpu.memref_slice %arg10[%dma_wait3A_430, %dma_wait3A_431, %dma_wait3A_432] : memref<6x64x128xf32, #tpu.memory_space<vmem>> -> memref<1x64x128xf32, #tpu.memory_space<vmem>>
          %dma_wait3A_434 = tpu.memref_squeeze %dma_wait3A_433 : memref<1x64x128xf32, #tpu.memory_space<vmem>> -> memref<64x128xf32, #tpu.memory_space<vmem>>
          %dma_wait3A_435 = arith.constant 0 : i32
          %dma_wait3A_436 = arith.constant 0 : i32
          %dma_wait3A_437 = tpu.memref_slice %arg4[%add3A_429, %dma_wait3A_435, %dma_wait3A_436] : memref<5000x64x128xf32, #tpu.memory_space<hbm>> -> memref<1x64x128xf32, #tpu.memory_space<hbm>>
          %dma_wait3A_438 = tpu.memref_squeeze %dma_wait3A_437 : memref<1x64x128xf32, #tpu.memory_space<hbm>> -> memref<64x128xf32, #tpu.memory_space<hbm>>
          %dma_wait3A_439 = arith.constant 0 : i32
          %dma_wait3A_440 = arith.constant 0 : i32
          %dma_wait3A_441 = tpu.memref_slice %arg10[%dma_wait3A_430, %dma_wait3A_439, %dma_wait3A_440] : memref<6x64x128xf32, #tpu.memory_space<vmem>> -> memref<1x64x128xf32, #tpu.memory_space<vmem>>
          %dma_wait3A_442 = tpu.memref_squeeze %dma_wait3A_441 : memref<1x64x128xf32, #tpu.memory_space<vmem>> -> memref<64x128xf32, #tpu.memory_space<vmem>>
          %dma_wait3A_443 = arith.constant 0 : i32
          %dma_wait3A_444 = arith.constant 0 : i32
          %dma_wait3A_445 = tpu.memref_slice %arg4[%add3A_429, %dma_wait3A_443, %dma_wait3A_444] : memref<5000x64x128xf32, #tpu.memory_space<hbm>> -> memref<1x64x128xf32, #tpu.memory_space<hbm>>
          %dma_wait3A_446 = tpu.memref_squeeze %dma_wait3A_445 : memref<1x64x128xf32, #tpu.memory_space<hbm>> -> memref<64x128xf32, #tpu.memory_space<hbm>>
          tpu.wait_dma2 semaphore(%arg14 : memref<!tpu.dma_semaphore, #tpu.memory_space<semaphore_mem>>) src(%dma_wait3A_446 : memref<64x128xf32, #tpu.memory_space<hbm>>) dst(%dma_wait3A_442 : memref<64x128xf32, #tpu.memory_space<vmem>>)
          %dma_start3A_447 = arith.constant 3 : i32
          %dma_start3A_448 = arith.constant 3 : i32
          %dma_start3A_449 = arith.constant 0 : i32
          %dma_start3A_450 = arith.constant 0 : i32
          %dma_start3A_451 = tpu.memref_slice %arg10[%dma_start3A_447, %dma_start3A_449, %dma_start3A_450] : memref<6x64x128xf32, #tpu.memory_space<vmem>> -> memref<1x64x128xf32, #tpu.memory_space<vmem>>
          %dma_start3A_452 = tpu.memref_squeeze %dma_start3A_451 : memref<1x64x128xf32, #tpu.memory_space<vmem>> -> memref<64x128xf32, #tpu.memory_space<vmem>>
          %dma_start3A_453 = arith.constant 0 : i32
          %dma_start3A_454 = tpu.memref_slice %arg9[%dma_start3A_448, %dma_start3A_453] : memref<6x64xi32, #tpu.memory_space<vmem>> -> memref<1x64xi32, #tpu.memory_space<vmem>>
          %dma_start3A_455 = tpu.memref_squeeze %dma_start3A_454 : memref<1x64xi32, #tpu.memory_space<vmem>> -> memref<64xi32, #tpu.memory_space<vmem>>
          %dma_start3A_456 = arith.constant 0 : i32
          %dma_start3A_457 = arith.constant 0 : i32
          %dma_start3A_458 = tpu.memref_slice %arg8[%dma_start3A_456, %dma_start3A_457] : memref<10000x128xf32, #tpu.memory_space<vmem_shared>> -> memref<10000x128xf32, #tpu.memory_space<vmem_shared>>
          tpu.enqueue_indirect_dma source(%dma_start3A_452 : memref<64x128xf32, #tpu.memory_space<vmem>>) target(%dma_start3A_458 : memref<10000x128xf32, #tpu.memory_space<vmem_shared>>) offsets(%dma_start3A_455 : memref<64xi32, #tpu.memory_space<vmem>>) semaphore(%arg20 : memref<!tpu.dma_semaphore, #tpu.memory_space<semaphore_mem>>) {add = true}
          %add3A_459 = arith.constant 6 : i32
          %add3A_460 = arith.addi %while3A_289, %add3A_459 : i32
          %sub3A = arith.constant 1 : i32
          %sub3A_461 = arith.subi %add3A_460, %sub3A : i32
          %lt3A_462 = arith.cmpi slt, %sub3A_461, %select_n3A : i32
          %convert_element_type3A_463 = arith.extui %lt3A_462 : i1 to i32
          %cond3A_464 = arith.constant 0 : i32
          %cond3A_465 = arith.cmpi ne, %convert_element_type3A_463, %cond3A_464 : i32
          scf.if %cond3A_465 {
            %ge3A = arith.constant 1 : i32
            %ge3A_466 = arith.cmpi sge, %while3A_289, %ge3A : i32
            %convert_element_type3A_467 = arith.extui %ge3A_466 : i1 to i32
            %cond3A_468 = arith.constant 0 : i32
            %cond3A_469 = arith.cmpi ne, %convert_element_type3A_467, %cond3A_468 : i32
            scf.if %cond3A_469 {
              %dma_wait3A_502 = arith.constant 2 : i32
              %dma_wait3A_503 = arith.constant 2 : i32
              %dma_wait3A_504 = arith.constant 0 : i32
              %dma_wait3A_505 = arith.constant 0 : i32
              %dma_wait3A_506 = tpu.memref_slice %arg10[%dma_wait3A_502, %dma_wait3A_504, %dma_wait3A_505] : memref<6x64x128xf32, #tpu.memory_space<vmem>> -> memref<1x64x128xf32, #tpu.memory_space<vmem>>
              %dma_wait3A_507 = tpu.memref_squeeze %dma_wait3A_506 : memref<1x64x128xf32, #tpu.memory_space<vmem>> -> memref<64x128xf32, #tpu.memory_space<vmem>>
              %dma_wait3A_508 = arith.constant 0 : i32
              %dma_wait3A_509 = tpu.memref_slice %arg9[%dma_wait3A_503, %dma_wait3A_508] : memref<6x64xi32, #tpu.memory_space<vmem>> -> memref<1x64xi32, #tpu.memory_space<vmem>>
              %dma_wait3A_510 = tpu.memref_squeeze %dma_wait3A_509 : memref<1x64xi32, #tpu.memory_space<vmem>> -> memref<64xi32, #tpu.memory_space<vmem>>
              %dma_wait3A_511 = arith.constant 0 : i32
              %dma_wait3A_512 = arith.constant 0 : i32
              %dma_wait3A_513 = tpu.memref_slice %arg8[%dma_wait3A_511, %dma_wait3A_512] : memref<10000x128xf32, #tpu.memory_space<vmem_shared>> -> memref<10000x128xf32, #tpu.memory_space<vmem_shared>>
              tpu.wait_indirect_dma semaphore(%arg19 : memref<!tpu.dma_semaphore, #tpu.memory_space<semaphore_mem>>) src(%dma_wait3A_507 : memref<64x128xf32, #tpu.memory_space<vmem>>) dst(%dma_wait3A_513 : memref<10000x128xf32, #tpu.memory_space<vmem_shared>>)
            } else {
            }
            %add3A_470 = arith.addi %add3A, %sub3A_461 : i32
            %mul3A_471 = arith.constant 64 : i32
            %mul3A_472 = arith.muli %add3A_470, %mul3A_471 : i32
            %add3A_473 = arith.constant 320000 : i32
            %add3A_474 = arith.addi %add3A_473, %mul3A_472 : i32
            %dma_start3A_475 = arith.constant 2 : i32
            %dma_start3A_476 = arith.constant 0 : i32
            %dma_start3A_477 = tpu.memref_slice %arg9[%dma_start3A_475, %dma_start3A_476] : memref<6x64xi32, #tpu.memory_space<vmem>> -> memref<1x64xi32, #tpu.memory_space<vmem>>
            %dma_start3A_478 = tpu.memref_squeeze %dma_start3A_477 : memref<1x64xi32, #tpu.memory_space<vmem>> -> memref<64xi32, #tpu.memory_space<vmem>>
            %dma_start3A_479 = tpu.memref_slice %arg2[%add3A_474] : memref<640000xi32, #tpu.memory_space<hbm>> -> memref<64xi32, #tpu.memory_space<hbm>>
            %dma_start3A_480 = arith.constant 0 : i32
            %dma_start3A_481 = tpu.memref_slice %arg9[%dma_start3A_475, %dma_start3A_480] : memref<6x64xi32, #tpu.memory_space<vmem>> -> memref<1x64xi32, #tpu.memory_space<vmem>>
            %dma_start3A_482 = tpu.memref_squeeze %dma_start3A_481 : memref<1x64xi32, #tpu.memory_space<vmem>> -> memref<64xi32, #tpu.memory_space<vmem>>
            %dma_start3A_483 = tpu.memref_slice %arg2[%add3A_474] : memref<640000xi32, #tpu.memory_space<hbm>> -> memref<64xi32, #tpu.memory_space<hbm>>
            tpu.enqueue_dma source(%dma_start3A_483 : memref<64xi32, #tpu.memory_space<hbm>>) target(%dma_start3A_482 : memref<64xi32, #tpu.memory_space<vmem>>) target_semaphore(%arg13 : memref<!tpu.dma_semaphore, #tpu.memory_space<semaphore_mem>>)
            %add3A_484 = arith.addi %add3A, %sub3A_461 : i32
            %dma_start3A_485 = arith.constant 2 : i32
            %dma_start3A_486 = arith.constant 0 : i32
            %dma_start3A_487 = arith.constant 0 : i32
            %dma_start3A_488 = tpu.memref_slice %arg10[%dma_start3A_485, %dma_start3A_486, %dma_start3A_487] : memref<6x64x128xf32, #tpu.memory_space<vmem>> -> memref<1x64x128xf32, #tpu.memory_space<vmem>>
            %dma_start3A_489 = tpu.memref_squeeze %dma_start3A_488 : memref<1x64x128xf32, #tpu.memory_space<vmem>> -> memref<64x128xf32, #tpu.memory_space<vmem>>
            %dma_start3A_490 = arith.constant 0 : i32
            %dma_start3A_491 = arith.constant 0 : i32
            %dma_start3A_492 = tpu.memref_slice %arg4[%add3A_484, %dma_start3A_490, %dma_start3A_491] : memref<5000x64x128xf32, #tpu.memory_space<hbm>> -> memref<1x64x128xf32, #tpu.memory_space<hbm>>
            %dma_start3A_493 = tpu.memref_squeeze %dma_start3A_492 : memref<1x64x128xf32, #tpu.memory_space<hbm>> -> memref<64x128xf32, #tpu.memory_space<hbm>>
            %dma_start3A_494 = arith.constant 0 : i32
            %dma_start3A_495 = arith.constant 0 : i32
            %dma_start3A_496 = tpu.memref_slice %arg10[%dma_start3A_485, %dma_start3A_494, %dma_start3A_495] : memref<6x64x128xf32, #tpu.memory_space<vmem>> -> memref<1x64x128xf32, #tpu.memory_space<vmem>>
            %dma_start3A_497 = tpu.memref_squeeze %dma_start3A_496 : memref<1x64x128xf32, #tpu.memory_space<vmem>> -> memref<64x128xf32, #tpu.memory_space<vmem>>
            %dma_start3A_498 = arith.constant 0 : i32
            %dma_start3A_499 = arith.constant 0 : i32
            %dma_start3A_500 = tpu.memref_slice %arg4[%add3A_484, %dma_start3A_498, %dma_start3A_499] : memref<5000x64x128xf32, #tpu.memory_space<hbm>> -> memref<1x64x128xf32, #tpu.memory_space<hbm>>
            %dma_start3A_501 = tpu.memref_squeeze %dma_start3A_500 : memref<1x64x128xf32, #tpu.memory_space<hbm>> -> memref<64x128xf32, #tpu.memory_space<hbm>>
            tpu.enqueue_dma source(%dma_start3A_501 : memref<64x128xf32, #tpu.memory_space<hbm>>) target(%dma_start3A_497 : memref<64x128xf32, #tpu.memory_space<vmem>>) target_semaphore(%arg13 : memref<!tpu.dma_semaphore, #tpu.memory_space<semaphore_mem>>)
          } else {
          }
        } else {
        }
        %jit3A_372 = arith.constant 6 : i32
        %eq3A_373 = arith.constant 0 : i32
        %eq3A_374 = arith.cmpi eq, %jit3A_372, %eq3A_373 : i32
        %jit3A_375 = arith.constant 1 : i32
        %select_n3A_376 = arith.select %eq3A_374, %jit3A_375, %jit3A_372 : i32
        %rem3A_377 = arith.remsi %while3A_289, %select_n3A_376 : i32
        %ne3A_378 = arith.constant 0 : i32
        %ne3A_379 = arith.cmpi ne, %rem3A_377, %ne3A_378 : i32
        %lt3A_380 = arith.constant 0 : i32
        %lt3A_381 = arith.cmpi slt, %rem3A_377, %lt3A_380 : i32
        %lt3A_382 = arith.constant 0 : i32
        %lt3A_383 = arith.cmpi slt, %select_n3A_376, %lt3A_382 : i32
        %ne3A_384 = arith.xori %lt3A_381, %lt3A_383 : i1
        %and3A_385 = arith.andi %ne3A_384, %ne3A_379 : i1
        %add3A_386 = arith.addi %rem3A_377, %select_n3A_376 : i32
        %select_n3A_387 = arith.select %and3A_385, %add3A_386, %rem3A_377 : i32
        %eq3A_388 = arith.constant 4 : i32
        %eq3A_389 = arith.cmpi eq, %select_n3A_387, %eq3A_388 : i32
        %convert_element_type3A_390 = arith.extui %eq3A_389 : i1 to i32
        %cond3A_391 = arith.constant 0 : i32
        %cond3A_392 = arith.cmpi ne, %convert_element_type3A_390, %cond3A_391 : i32
        scf.if %cond3A_392 {
          %add3A_415 = arith.addi %add3A, %while3A_289 : i32
          %mul3A_416 = arith.constant 64 : i32
          %mul3A_417 = arith.muli %add3A_415, %mul3A_416 : i32
          %add3A_418 = arith.constant 320000 : i32
          %add3A_419 = arith.addi %add3A_418, %mul3A_417 : i32
          %dma_wait3A_420 = arith.constant 4 : i32
          %dma_wait3A_421 = arith.constant 0 : i32
          %dma_wait3A_422 = tpu.memref_slice %arg9[%dma_wait3A_420, %dma_wait3A_421] : memref<6x64xi32, #tpu.memory_space<vmem>> -> memref<1x64xi32, #tpu.memory_space<vmem>>
          %dma_wait3A_423 = tpu.memref_squeeze %dma_wait3A_422 : memref<1x64xi32, #tpu.memory_space<vmem>> -> memref<64xi32, #tpu.memory_space<vmem>>
          %dma_wait3A_424 = tpu.memref_slice %arg2[%add3A_419] : memref<640000xi32, #tpu.memory_space<hbm>> -> memref<64xi32, #tpu.memory_space<hbm>>
          %dma_wait3A_425 = arith.constant 0 : i32
          %dma_wait3A_426 = tpu.memref_slice %arg9[%dma_wait3A_420, %dma_wait3A_425] : memref<6x64xi32, #tpu.memory_space<vmem>> -> memref<1x64xi32, #tpu.memory_space<vmem>>
          %dma_wait3A_427 = tpu.memref_squeeze %dma_wait3A_426 : memref<1x64xi32, #tpu.memory_space<vmem>> -> memref<64xi32, #tpu.memory_space<vmem>>
          %dma_wait3A_428 = tpu.memref_slice %arg2[%add3A_419] : memref<640000xi32, #tpu.memory_space<hbm>> -> memref<64xi32, #tpu.memory_space<hbm>>
          tpu.wait_dma2 semaphore(%arg15 : memref<!tpu.dma_semaphore, #tpu.memory_space<semaphore_mem>>) src(%dma_wait3A_428 : memref<64xi32, #tpu.memory_space<hbm>>) dst(%dma_wait3A_427 : memref<64xi32, #tpu.memory_space<vmem>>)
          %add3A_429 = arith.addi %add3A, %while3A_289 : i32
          %dma_wait3A_430 = arith.constant 4 : i32
          %dma_wait3A_431 = arith.constant 0 : i32
          %dma_wait3A_432 = arith.constant 0 : i32
          %dma_wait3A_433 = tpu.memref_slice %arg10[%dma_wait3A_430, %dma_wait3A_431, %dma_wait3A_432] : memref<6x64x128xf32, #tpu.memory_space<vmem>> -> memref<1x64x128xf32, #tpu.memory_space<vmem>>
          %dma_wait3A_434 = tpu.memref_squeeze %dma_wait3A_433 : memref<1x64x128xf32, #tpu.memory_space<vmem>> -> memref<64x128xf32, #tpu.memory_space<vmem>>
          %dma_wait3A_435 = arith.constant 0 : i32
          %dma_wait3A_436 = arith.constant 0 : i32
          %dma_wait3A_437 = tpu.memref_slice %arg4[%add3A_429, %dma_wait3A_435, %dma_wait3A_436] : memref<5000x64x128xf32, #tpu.memory_space<hbm>> -> memref<1x64x128xf32, #tpu.memory_space<hbm>>
          %dma_wait3A_438 = tpu.memref_squeeze %dma_wait3A_437 : memref<1x64x128xf32, #tpu.memory_space<hbm>> -> memref<64x128xf32, #tpu.memory_space<hbm>>
          %dma_wait3A_439 = arith.constant 0 : i32
          %dma_wait3A_440 = arith.constant 0 : i32
          %dma_wait3A_441 = tpu.memref_slice %arg10[%dma_wait3A_430, %dma_wait3A_439, %dma_wait3A_440] : memref<6x64x128xf32, #tpu.memory_space<vmem>> -> memref<1x64x128xf32, #tpu.memory_space<vmem>>
          %dma_wait3A_442 = tpu.memref_squeeze %dma_wait3A_441 : memref<1x64x128xf32, #tpu.memory_space<vmem>> -> memref<64x128xf32, #tpu.memory_space<vmem>>
          %dma_wait3A_443 = arith.constant 0 : i32
          %dma_wait3A_444 = arith.constant 0 : i32
          %dma_wait3A_445 = tpu.memref_slice %arg4[%add3A_429, %dma_wait3A_443, %dma_wait3A_444] : memref<5000x64x128xf32, #tpu.memory_space<hbm>> -> memref<1x64x128xf32, #tpu.memory_space<hbm>>
          %dma_wait3A_446 = tpu.memref_squeeze %dma_wait3A_445 : memref<1x64x128xf32, #tpu.memory_space<hbm>> -> memref<64x128xf32, #tpu.memory_space<hbm>>
          tpu.wait_dma2 semaphore(%arg15 : memref<!tpu.dma_semaphore, #tpu.memory_space<semaphore_mem>>) src(%dma_wait3A_446 : memref<64x128xf32, #tpu.memory_space<hbm>>) dst(%dma_wait3A_442 : memref<64x128xf32, #tpu.memory_space<vmem>>)
          %dma_start3A_447 = arith.constant 4 : i32
          %dma_start3A_448 = arith.constant 4 : i32
          %dma_start3A_449 = arith.constant 0 : i32
          %dma_start3A_450 = arith.constant 0 : i32
          %dma_start3A_451 = tpu.memref_slice %arg10[%dma_start3A_447, %dma_start3A_449, %dma_start3A_450] : memref<6x64x128xf32, #tpu.memory_space<vmem>> -> memref<1x64x128xf32, #tpu.memory_space<vmem>>
          %dma_start3A_452 = tpu.memref_squeeze %dma_start3A_451 : memref<1x64x128xf32, #tpu.memory_space<vmem>> -> memref<64x128xf32, #tpu.memory_space<vmem>>
          %dma_start3A_453 = arith.constant 0 : i32
          %dma_start3A_454 = tpu.memref_slice %arg9[%dma_start3A_448, %dma_start3A_453] : memref<6x64xi32, #tpu.memory_space<vmem>> -> memref<1x64xi32, #tpu.memory_space<vmem>>
          %dma_start3A_455 = tpu.memref_squeeze %dma_start3A_454 : memref<1x64xi32, #tpu.memory_space<vmem>> -> memref<64xi32, #tpu.memory_space<vmem>>
          %dma_start3A_456 = arith.constant 0 : i32
          %dma_start3A_457 = arith.constant 0 : i32
          %dma_start3A_458 = tpu.memref_slice %arg8[%dma_start3A_456, %dma_start3A_457] : memref<10000x128xf32, #tpu.memory_space<vmem_shared>> -> memref<10000x128xf32, #tpu.memory_space<vmem_shared>>
          tpu.enqueue_indirect_dma source(%dma_start3A_452 : memref<64x128xf32, #tpu.memory_space<vmem>>) target(%dma_start3A_458 : memref<10000x128xf32, #tpu.memory_space<vmem_shared>>) offsets(%dma_start3A_455 : memref<64xi32, #tpu.memory_space<vmem>>) semaphore(%arg21 : memref<!tpu.dma_semaphore, #tpu.memory_space<semaphore_mem>>) {add = true}
          %add3A_459 = arith.constant 6 : i32
          %add3A_460 = arith.addi %while3A_289, %add3A_459 : i32
          %sub3A = arith.constant 1 : i32
          %sub3A_461 = arith.subi %add3A_460, %sub3A : i32
          %lt3A_462 = arith.cmpi slt, %sub3A_461, %select_n3A : i32
          %convert_element_type3A_463 = arith.extui %lt3A_462 : i1 to i32
          %cond3A_464 = arith.constant 0 : i32
          %cond3A_465 = arith.cmpi ne, %convert_element_type3A_463, %cond3A_464 : i32
          scf.if %cond3A_465 {
            %ge3A = arith.constant 1 : i32
            %ge3A_466 = arith.cmpi sge, %while3A_289, %ge3A : i32
            %convert_element_type3A_467 = arith.extui %ge3A_466 : i1 to i32
            %cond3A_468 = arith.constant 0 : i32
            %cond3A_469 = arith.cmpi ne, %convert_element_type3A_467, %cond3A_468 : i32
            scf.if %cond3A_469 {
              %dma_wait3A_502 = arith.constant 3 : i32
              %dma_wait3A_503 = arith.constant 3 : i32
              %dma_wait3A_504 = arith.constant 0 : i32
              %dma_wait3A_505 = arith.constant 0 : i32
              %dma_wait3A_506 = tpu.memref_slice %arg10[%dma_wait3A_502, %dma_wait3A_504, %dma_wait3A_505] : memref<6x64x128xf32, #tpu.memory_space<vmem>> -> memref<1x64x128xf32, #tpu.memory_space<vmem>>
              %dma_wait3A_507 = tpu.memref_squeeze %dma_wait3A_506 : memref<1x64x128xf32, #tpu.memory_space<vmem>> -> memref<64x128xf32, #tpu.memory_space<vmem>>
              %dma_wait3A_508 = arith.constant 0 : i32
              %dma_wait3A_509 = tpu.memref_slice %arg9[%dma_wait3A_503, %dma_wait3A_508] : memref<6x64xi32, #tpu.memory_space<vmem>> -> memref<1x64xi32, #tpu.memory_space<vmem>>
              %dma_wait3A_510 = tpu.memref_squeeze %dma_wait3A_509 : memref<1x64xi32, #tpu.memory_space<vmem>> -> memref<64xi32, #tpu.memory_space<vmem>>
              %dma_wait3A_511 = arith.constant 0 : i32
              %dma_wait3A_512 = arith.constant 0 : i32
              %dma_wait3A_513 = tpu.memref_slice %arg8[%dma_wait3A_511, %dma_wait3A_512] : memref<10000x128xf32, #tpu.memory_space<vmem_shared>> -> memref<10000x128xf32, #tpu.memory_space<vmem_shared>>
              tpu.wait_indirect_dma semaphore(%arg20 : memref<!tpu.dma_semaphore, #tpu.memory_space<semaphore_mem>>) src(%dma_wait3A_507 : memref<64x128xf32, #tpu.memory_space<vmem>>) dst(%dma_wait3A_513 : memref<10000x128xf32, #tpu.memory_space<vmem_shared>>)
            } else {
            }
            %add3A_470 = arith.addi %add3A, %sub3A_461 : i32
            %mul3A_471 = arith.constant 64 : i32
            %mul3A_472 = arith.muli %add3A_470, %mul3A_471 : i32
            %add3A_473 = arith.constant 320000 : i32
            %add3A_474 = arith.addi %add3A_473, %mul3A_472 : i32
            %dma_start3A_475 = arith.constant 3 : i32
            %dma_start3A_476 = arith.constant 0 : i32
            %dma_start3A_477 = tpu.memref_slice %arg9[%dma_start3A_475, %dma_start3A_476] : memref<6x64xi32, #tpu.memory_space<vmem>> -> memref<1x64xi32, #tpu.memory_space<vmem>>
            %dma_start3A_478 = tpu.memref_squeeze %dma_start3A_477 : memref<1x64xi32, #tpu.memory_space<vmem>> -> memref<64xi32, #tpu.memory_space<vmem>>
            %dma_start3A_479 = tpu.memref_slice %arg2[%add3A_474] : memref<640000xi32, #tpu.memory_space<hbm>> -> memref<64xi32, #tpu.memory_space<hbm>>
            %dma_start3A_480 = arith.constant 0 : i32
            %dma_start3A_481 = tpu.memref_slice %arg9[%dma_start3A_475, %dma_start3A_480] : memref<6x64xi32, #tpu.memory_space<vmem>> -> memref<1x64xi32, #tpu.memory_space<vmem>>
            %dma_start3A_482 = tpu.memref_squeeze %dma_start3A_481 : memref<1x64xi32, #tpu.memory_space<vmem>> -> memref<64xi32, #tpu.memory_space<vmem>>
            %dma_start3A_483 = tpu.memref_slice %arg2[%add3A_474] : memref<640000xi32, #tpu.memory_space<hbm>> -> memref<64xi32, #tpu.memory_space<hbm>>
            tpu.enqueue_dma source(%dma_start3A_483 : memref<64xi32, #tpu.memory_space<hbm>>) target(%dma_start3A_482 : memref<64xi32, #tpu.memory_space<vmem>>) target_semaphore(%arg14 : memref<!tpu.dma_semaphore, #tpu.memory_space<semaphore_mem>>)
            %add3A_484 = arith.addi %add3A, %sub3A_461 : i32
            %dma_start3A_485 = arith.constant 3 : i32
            %dma_start3A_486 = arith.constant 0 : i32
            %dma_start3A_487 = arith.constant 0 : i32
            %dma_start3A_488 = tpu.memref_slice %arg10[%dma_start3A_485, %dma_start3A_486, %dma_start3A_487] : memref<6x64x128xf32, #tpu.memory_space<vmem>> -> memref<1x64x128xf32, #tpu.memory_space<vmem>>
            %dma_start3A_489 = tpu.memref_squeeze %dma_start3A_488 : memref<1x64x128xf32, #tpu.memory_space<vmem>> -> memref<64x128xf32, #tpu.memory_space<vmem>>
            %dma_start3A_490 = arith.constant 0 : i32
            %dma_start3A_491 = arith.constant 0 : i32
            %dma_start3A_492 = tpu.memref_slice %arg4[%add3A_484, %dma_start3A_490, %dma_start3A_491] : memref<5000x64x128xf32, #tpu.memory_space<hbm>> -> memref<1x64x128xf32, #tpu.memory_space<hbm>>
            %dma_start3A_493 = tpu.memref_squeeze %dma_start3A_492 : memref<1x64x128xf32, #tpu.memory_space<hbm>> -> memref<64x128xf32, #tpu.memory_space<hbm>>
            %dma_start3A_494 = arith.constant 0 : i32
            %dma_start3A_495 = arith.constant 0 : i32
            %dma_start3A_496 = tpu.memref_slice %arg10[%dma_start3A_485, %dma_start3A_494, %dma_start3A_495] : memref<6x64x128xf32, #tpu.memory_space<vmem>> -> memref<1x64x128xf32, #tpu.memory_space<vmem>>
            %dma_start3A_497 = tpu.memref_squeeze %dma_start3A_496 : memref<1x64x128xf32, #tpu.memory_space<vmem>> -> memref<64x128xf32, #tpu.memory_space<vmem>>
            %dma_start3A_498 = arith.constant 0 : i32
            %dma_start3A_499 = arith.constant 0 : i32
            %dma_start3A_500 = tpu.memref_slice %arg4[%add3A_484, %dma_start3A_498, %dma_start3A_499] : memref<5000x64x128xf32, #tpu.memory_space<hbm>> -> memref<1x64x128xf32, #tpu.memory_space<hbm>>
            %dma_start3A_501 = tpu.memref_squeeze %dma_start3A_500 : memref<1x64x128xf32, #tpu.memory_space<hbm>> -> memref<64x128xf32, #tpu.memory_space<hbm>>
            tpu.enqueue_dma source(%dma_start3A_501 : memref<64x128xf32, #tpu.memory_space<hbm>>) target(%dma_start3A_497 : memref<64x128xf32, #tpu.memory_space<vmem>>) target_semaphore(%arg14 : memref<!tpu.dma_semaphore, #tpu.memory_space<semaphore_mem>>)
          } else {
          }
        } else {
        }
        %jit3A_393 = arith.constant 6 : i32
        %eq3A_394 = arith.constant 0 : i32
        %eq3A_395 = arith.cmpi eq, %jit3A_393, %eq3A_394 : i32
        %jit3A_396 = arith.constant 1 : i32
        %select_n3A_397 = arith.select %eq3A_395, %jit3A_396, %jit3A_393 : i32
        %rem3A_398 = arith.remsi %while3A_289, %select_n3A_397 : i32
        %ne3A_399 = arith.constant 0 : i32
        %ne3A_400 = arith.cmpi ne, %rem3A_398, %ne3A_399 : i32
        %lt3A_401 = arith.constant 0 : i32
        %lt3A_402 = arith.cmpi slt, %rem3A_398, %lt3A_401 : i32
        %lt3A_403 = arith.constant 0 : i32
        %lt3A_404 = arith.cmpi slt, %select_n3A_397, %lt3A_403 : i32
        %ne3A_405 = arith.xori %lt3A_402, %lt3A_404 : i1
        %and3A_406 = arith.andi %ne3A_405, %ne3A_400 : i1
        %add3A_407 = arith.addi %rem3A_398, %select_n3A_397 : i32
        %select_n3A_408 = arith.select %and3A_406, %add3A_407, %rem3A_398 : i32
        %eq3A_409 = arith.constant 5 : i32
        %eq3A_410 = arith.cmpi eq, %select_n3A_408, %eq3A_409 : i32
        %convert_element_type3A_411 = arith.extui %eq3A_410 : i1 to i32
        %cond3A_412 = arith.constant 0 : i32
        %cond3A_413 = arith.cmpi ne, %convert_element_type3A_411, %cond3A_412 : i32
        scf.if %cond3A_413 {
          %add3A_415 = arith.addi %add3A, %while3A_289 : i32
          %mul3A_416 = arith.constant 64 : i32
          %mul3A_417 = arith.muli %add3A_415, %mul3A_416 : i32
          %add3A_418 = arith.constant 320000 : i32
          %add3A_419 = arith.addi %add3A_418, %mul3A_417 : i32
          %dma_wait3A_420 = arith.constant 5 : i32
          %dma_wait3A_421 = arith.constant 0 : i32
          %dma_wait3A_422 = tpu.memref_slice %arg9[%dma_wait3A_420, %dma_wait3A_421] : memref<6x64xi32, #tpu.memory_space<vmem>> -> memref<1x64xi32, #tpu.memory_space<vmem>>
          %dma_wait3A_423 = tpu.memref_squeeze %dma_wait3A_422 : memref<1x64xi32, #tpu.memory_space<vmem>> -> memref<64xi32, #tpu.memory_space<vmem>>
          %dma_wait3A_424 = tpu.memref_slice %arg2[%add3A_419] : memref<640000xi32, #tpu.memory_space<hbm>> -> memref<64xi32, #tpu.memory_space<hbm>>
          %dma_wait3A_425 = arith.constant 0 : i32
          %dma_wait3A_426 = tpu.memref_slice %arg9[%dma_wait3A_420, %dma_wait3A_425] : memref<6x64xi32, #tpu.memory_space<vmem>> -> memref<1x64xi32, #tpu.memory_space<vmem>>
          %dma_wait3A_427 = tpu.memref_squeeze %dma_wait3A_426 : memref<1x64xi32, #tpu.memory_space<vmem>> -> memref<64xi32, #tpu.memory_space<vmem>>
          %dma_wait3A_428 = tpu.memref_slice %arg2[%add3A_419] : memref<640000xi32, #tpu.memory_space<hbm>> -> memref<64xi32, #tpu.memory_space<hbm>>
          tpu.wait_dma2 semaphore(%arg16 : memref<!tpu.dma_semaphore, #tpu.memory_space<semaphore_mem>>) src(%dma_wait3A_428 : memref<64xi32, #tpu.memory_space<hbm>>) dst(%dma_wait3A_427 : memref<64xi32, #tpu.memory_space<vmem>>)
          %add3A_429 = arith.addi %add3A, %while3A_289 : i32
          %dma_wait3A_430 = arith.constant 5 : i32
          %dma_wait3A_431 = arith.constant 0 : i32
          %dma_wait3A_432 = arith.constant 0 : i32
          %dma_wait3A_433 = tpu.memref_slice %arg10[%dma_wait3A_430, %dma_wait3A_431, %dma_wait3A_432] : memref<6x64x128xf32, #tpu.memory_space<vmem>> -> memref<1x64x128xf32, #tpu.memory_space<vmem>>
          %dma_wait3A_434 = tpu.memref_squeeze %dma_wait3A_433 : memref<1x64x128xf32, #tpu.memory_space<vmem>> -> memref<64x128xf32, #tpu.memory_space<vmem>>
          %dma_wait3A_435 = arith.constant 0 : i32
          %dma_wait3A_436 = arith.constant 0 : i32
          %dma_wait3A_437 = tpu.memref_slice %arg4[%add3A_429, %dma_wait3A_435, %dma_wait3A_436] : memref<5000x64x128xf32, #tpu.memory_space<hbm>> -> memref<1x64x128xf32, #tpu.memory_space<hbm>>
          %dma_wait3A_438 = tpu.memref_squeeze %dma_wait3A_437 : memref<1x64x128xf32, #tpu.memory_space<hbm>> -> memref<64x128xf32, #tpu.memory_space<hbm>>
          %dma_wait3A_439 = arith.constant 0 : i32
          %dma_wait3A_440 = arith.constant 0 : i32
          %dma_wait3A_441 = tpu.memref_slice %arg10[%dma_wait3A_430, %dma_wait3A_439, %dma_wait3A_440] : memref<6x64x128xf32, #tpu.memory_space<vmem>> -> memref<1x64x128xf32, #tpu.memory_space<vmem>>
          %dma_wait3A_442 = tpu.memref_squeeze %dma_wait3A_441 : memref<1x64x128xf32, #tpu.memory_space<vmem>> -> memref<64x128xf32, #tpu.memory_space<vmem>>
          %dma_wait3A_443 = arith.constant 0 : i32
          %dma_wait3A_444 = arith.constant 0 : i32
          %dma_wait3A_445 = tpu.memref_slice %arg4[%add3A_429, %dma_wait3A_443, %dma_wait3A_444] : memref<5000x64x128xf32, #tpu.memory_space<hbm>> -> memref<1x64x128xf32, #tpu.memory_space<hbm>>
          %dma_wait3A_446 = tpu.memref_squeeze %dma_wait3A_445 : memref<1x64x128xf32, #tpu.memory_space<hbm>> -> memref<64x128xf32, #tpu.memory_space<hbm>>
          tpu.wait_dma2 semaphore(%arg16 : memref<!tpu.dma_semaphore, #tpu.memory_space<semaphore_mem>>) src(%dma_wait3A_446 : memref<64x128xf32, #tpu.memory_space<hbm>>) dst(%dma_wait3A_442 : memref<64x128xf32, #tpu.memory_space<vmem>>)
          %dma_start3A_447 = arith.constant 5 : i32
          %dma_start3A_448 = arith.constant 5 : i32
          %dma_start3A_449 = arith.constant 0 : i32
          %dma_start3A_450 = arith.constant 0 : i32
          %dma_start3A_451 = tpu.memref_slice %arg10[%dma_start3A_447, %dma_start3A_449, %dma_start3A_450] : memref<6x64x128xf32, #tpu.memory_space<vmem>> -> memref<1x64x128xf32, #tpu.memory_space<vmem>>
          %dma_start3A_452 = tpu.memref_squeeze %dma_start3A_451 : memref<1x64x128xf32, #tpu.memory_space<vmem>> -> memref<64x128xf32, #tpu.memory_space<vmem>>
          %dma_start3A_453 = arith.constant 0 : i32
          %dma_start3A_454 = tpu.memref_slice %arg9[%dma_start3A_448, %dma_start3A_453] : memref<6x64xi32, #tpu.memory_space<vmem>> -> memref<1x64xi32, #tpu.memory_space<vmem>>
          %dma_start3A_455 = tpu.memref_squeeze %dma_start3A_454 : memref<1x64xi32, #tpu.memory_space<vmem>> -> memref<64xi32, #tpu.memory_space<vmem>>
          %dma_start3A_456 = arith.constant 0 : i32
          %dma_start3A_457 = arith.constant 0 : i32
          %dma_start3A_458 = tpu.memref_slice %arg8[%dma_start3A_456, %dma_start3A_457] : memref<10000x128xf32, #tpu.memory_space<vmem_shared>> -> memref<10000x128xf32, #tpu.memory_space<vmem_shared>>
          tpu.enqueue_indirect_dma source(%dma_start3A_452 : memref<64x128xf32, #tpu.memory_space<vmem>>) target(%dma_start3A_458 : memref<10000x128xf32, #tpu.memory_space<vmem_shared>>) offsets(%dma_start3A_455 : memref<64xi32, #tpu.memory_space<vmem>>) semaphore(%arg22 : memref<!tpu.dma_semaphore, #tpu.memory_space<semaphore_mem>>) {add = true}
          %add3A_459 = arith.constant 6 : i32
          %add3A_460 = arith.addi %while3A_289, %add3A_459 : i32
          %sub3A = arith.constant 1 : i32
          %sub3A_461 = arith.subi %add3A_460, %sub3A : i32
          %lt3A_462 = arith.cmpi slt, %sub3A_461, %select_n3A : i32
          %convert_element_type3A_463 = arith.extui %lt3A_462 : i1 to i32
          %cond3A_464 = arith.constant 0 : i32
          %cond3A_465 = arith.cmpi ne, %convert_element_type3A_463, %cond3A_464 : i32
          scf.if %cond3A_465 {
            %ge3A = arith.constant 1 : i32
            %ge3A_466 = arith.cmpi sge, %while3A_289, %ge3A : i32
            %convert_element_type3A_467 = arith.extui %ge3A_466 : i1 to i32
            %cond3A_468 = arith.constant 0 : i32
            %cond3A_469 = arith.cmpi ne, %convert_element_type3A_467, %cond3A_468 : i32
            scf.if %cond3A_469 {
              %dma_wait3A_502 = arith.constant 4 : i32
              %dma_wait3A_503 = arith.constant 4 : i32
              %dma_wait3A_504 = arith.constant 0 : i32
              %dma_wait3A_505 = arith.constant 0 : i32
              %dma_wait3A_506 = tpu.memref_slice %arg10[%dma_wait3A_502, %dma_wait3A_504, %dma_wait3A_505] : memref<6x64x128xf32, #tpu.memory_space<vmem>> -> memref<1x64x128xf32, #tpu.memory_space<vmem>>
              %dma_wait3A_507 = tpu.memref_squeeze %dma_wait3A_506 : memref<1x64x128xf32, #tpu.memory_space<vmem>> -> memref<64x128xf32, #tpu.memory_space<vmem>>
              %dma_wait3A_508 = arith.constant 0 : i32
              %dma_wait3A_509 = tpu.memref_slice %arg9[%dma_wait3A_503, %dma_wait3A_508] : memref<6x64xi32, #tpu.memory_space<vmem>> -> memref<1x64xi32, #tpu.memory_space<vmem>>
              %dma_wait3A_510 = tpu.memref_squeeze %dma_wait3A_509 : memref<1x64xi32, #tpu.memory_space<vmem>> -> memref<64xi32, #tpu.memory_space<vmem>>
              %dma_wait3A_511 = arith.constant 0 : i32
              %dma_wait3A_512 = arith.constant 0 : i32
              %dma_wait3A_513 = tpu.memref_slice %arg8[%dma_wait3A_511, %dma_wait3A_512] : memref<10000x128xf32, #tpu.memory_space<vmem_shared>> -> memref<10000x128xf32, #tpu.memory_space<vmem_shared>>
              tpu.wait_indirect_dma semaphore(%arg21 : memref<!tpu.dma_semaphore, #tpu.memory_space<semaphore_mem>>) src(%dma_wait3A_507 : memref<64x128xf32, #tpu.memory_space<vmem>>) dst(%dma_wait3A_513 : memref<10000x128xf32, #tpu.memory_space<vmem_shared>>)
            } else {
            }
            %add3A_470 = arith.addi %add3A, %sub3A_461 : i32
            %mul3A_471 = arith.constant 64 : i32
            %mul3A_472 = arith.muli %add3A_470, %mul3A_471 : i32
            %add3A_473 = arith.constant 320000 : i32
            %add3A_474 = arith.addi %add3A_473, %mul3A_472 : i32
            %dma_start3A_475 = arith.constant 4 : i32
            %dma_start3A_476 = arith.constant 0 : i32
            %dma_start3A_477 = tpu.memref_slice %arg9[%dma_start3A_475, %dma_start3A_476] : memref<6x64xi32, #tpu.memory_space<vmem>> -> memref<1x64xi32, #tpu.memory_space<vmem>>
            %dma_start3A_478 = tpu.memref_squeeze %dma_start3A_477 : memref<1x64xi32, #tpu.memory_space<vmem>> -> memref<64xi32, #tpu.memory_space<vmem>>
            %dma_start3A_479 = tpu.memref_slice %arg2[%add3A_474] : memref<640000xi32, #tpu.memory_space<hbm>> -> memref<64xi32, #tpu.memory_space<hbm>>
            %dma_start3A_480 = arith.constant 0 : i32
            %dma_start3A_481 = tpu.memref_slice %arg9[%dma_start3A_475, %dma_start3A_480] : memref<6x64xi32, #tpu.memory_space<vmem>> -> memref<1x64xi32, #tpu.memory_space<vmem>>
            %dma_start3A_482 = tpu.memref_squeeze %dma_start3A_481 : memref<1x64xi32, #tpu.memory_space<vmem>> -> memref<64xi32, #tpu.memory_space<vmem>>
            %dma_start3A_483 = tpu.memref_slice %arg2[%add3A_474] : memref<640000xi32, #tpu.memory_space<hbm>> -> memref<64xi32, #tpu.memory_space<hbm>>
            tpu.enqueue_dma source(%dma_start3A_483 : memref<64xi32, #tpu.memory_space<hbm>>) target(%dma_start3A_482 : memref<64xi32, #tpu.memory_space<vmem>>) target_semaphore(%arg15 : memref<!tpu.dma_semaphore, #tpu.memory_space<semaphore_mem>>)
            %add3A_484 = arith.addi %add3A, %sub3A_461 : i32
            %dma_start3A_485 = arith.constant 4 : i32
            %dma_start3A_486 = arith.constant 0 : i32
            %dma_start3A_487 = arith.constant 0 : i32
            %dma_start3A_488 = tpu.memref_slice %arg10[%dma_start3A_485, %dma_start3A_486, %dma_start3A_487] : memref<6x64x128xf32, #tpu.memory_space<vmem>> -> memref<1x64x128xf32, #tpu.memory_space<vmem>>
            %dma_start3A_489 = tpu.memref_squeeze %dma_start3A_488 : memref<1x64x128xf32, #tpu.memory_space<vmem>> -> memref<64x128xf32, #tpu.memory_space<vmem>>
            %dma_start3A_490 = arith.constant 0 : i32
            %dma_start3A_491 = arith.constant 0 : i32
            %dma_start3A_492 = tpu.memref_slice %arg4[%add3A_484, %dma_start3A_490, %dma_start3A_491] : memref<5000x64x128xf32, #tpu.memory_space<hbm>> -> memref<1x64x128xf32, #tpu.memory_space<hbm>>
            %dma_start3A_493 = tpu.memref_squeeze %dma_start3A_492 : memref<1x64x128xf32, #tpu.memory_space<hbm>> -> memref<64x128xf32, #tpu.memory_space<hbm>>
            %dma_start3A_494 = arith.constant 0 : i32
            %dma_start3A_495 = arith.constant 0 : i32
            %dma_start3A_496 = tpu.memref_slice %arg10[%dma_start3A_485, %dma_start3A_494, %dma_start3A_495] : memref<6x64x128xf32, #tpu.memory_space<vmem>> -> memref<1x64x128xf32, #tpu.memory_space<vmem>>
            %dma_start3A_497 = tpu.memref_squeeze %dma_start3A_496 : memref<1x64x128xf32, #tpu.memory_space<vmem>> -> memref<64x128xf32, #tpu.memory_space<vmem>>
            %dma_start3A_498 = arith.constant 0 : i32
            %dma_start3A_499 = arith.constant 0 : i32
            %dma_start3A_500 = tpu.memref_slice %arg4[%add3A_484, %dma_start3A_498, %dma_start3A_499] : memref<5000x64x128xf32, #tpu.memory_space<hbm>> -> memref<1x64x128xf32, #tpu.memory_space<hbm>>
            %dma_start3A_501 = tpu.memref_squeeze %dma_start3A_500 : memref<1x64x128xf32, #tpu.memory_space<hbm>> -> memref<64x128xf32, #tpu.memory_space<hbm>>
            tpu.enqueue_dma source(%dma_start3A_501 : memref<64x128xf32, #tpu.memory_space<hbm>>) target(%dma_start3A_497 : memref<64x128xf32, #tpu.memory_space<vmem>>) target_semaphore(%arg15 : memref<!tpu.dma_semaphore, #tpu.memory_space<semaphore_mem>>)
          } else {
          }
        } else {
        }
        %while3A_414 = arith.constant 0 : i32
        scf.yield %while3A_414 : i32
      }
      %while3A_216 = arith.constant 1 : i32
      %while3A_217 = scf.for %while3A_289 = %while3A_213 to %while3A_209 step %while3A_216 iter_args(%while3A_290 = %while3A_215) -> (i32)  : i32 {
        %jit3A_291 = arith.constant 6 : i32
        %eq3A_292 = arith.constant 0 : i32
        %eq3A_293 = arith.cmpi eq, %jit3A_291, %eq3A_292 : i32
        %jit3A_294 = arith.constant 1 : i32
        %select_n3A_295 = arith.select %eq3A_293, %jit3A_294, %jit3A_291 : i32
        %rem3A = arith.remsi %while3A_289, %select_n3A_295 : i32
        %ne3A = arith.constant 0 : i32
        %ne3A_296 = arith.cmpi ne, %rem3A, %ne3A : i32
        %lt3A_297 = arith.constant 0 : i32
        %lt3A_298 = arith.cmpi slt, %rem3A, %lt3A_297 : i32
        %lt3A_299 = arith.constant 0 : i32
        %lt3A_300 = arith.cmpi slt, %select_n3A_295, %lt3A_299 : i32
        %ne3A_301 = arith.xori %lt3A_298, %lt3A_300 : i1
        %and3A = arith.andi %ne3A_301, %ne3A_296 : i1
        %add3A_302 = arith.addi %rem3A, %select_n3A_295 : i32
        %select_n3A_303 = arith.select %and3A, %add3A_302, %rem3A : i32
        %eq3A_304 = arith.constant 0 : i32
        %eq3A_305 = arith.cmpi eq, %select_n3A_303, %eq3A_304 : i32
        %convert_element_type3A_306 = arith.extui %eq3A_305 : i1 to i32
        %cond3A_307 = arith.constant 0 : i32
        %cond3A_308 = arith.cmpi ne, %convert_element_type3A_306, %cond3A_307 : i32
        scf.if %cond3A_308 {
          %add3A_415 = arith.addi %add3A, %while3A_289 : i32
          %mul3A_416 = arith.constant 64 : i32
          %mul3A_417 = arith.muli %add3A_415, %mul3A_416 : i32
          %add3A_418 = arith.constant 320000 : i32
          %add3A_419 = arith.addi %add3A_418, %mul3A_417 : i32
          %dma_wait3A_420 = arith.constant 0 : i32
          %dma_wait3A_421 = arith.constant 0 : i32
          %dma_wait3A_422 = tpu.memref_slice %arg9[%dma_wait3A_420, %dma_wait3A_421] : memref<6x64xi32, #tpu.memory_space<vmem>> -> memref<1x64xi32, #tpu.memory_space<vmem>>
          %dma_wait3A_423 = tpu.memref_squeeze %dma_wait3A_422 : memref<1x64xi32, #tpu.memory_space<vmem>> -> memref<64xi32, #tpu.memory_space<vmem>>
          %dma_wait3A_424 = tpu.memref_slice %arg2[%add3A_419] : memref<640000xi32, #tpu.memory_space<hbm>> -> memref<64xi32, #tpu.memory_space<hbm>>
          %dma_wait3A_425 = arith.constant 0 : i32
          %dma_wait3A_426 = tpu.memref_slice %arg9[%dma_wait3A_420, %dma_wait3A_425] : memref<6x64xi32, #tpu.memory_space<vmem>> -> memref<1x64xi32, #tpu.memory_space<vmem>>
          %dma_wait3A_427 = tpu.memref_squeeze %dma_wait3A_426 : memref<1x64xi32, #tpu.memory_space<vmem>> -> memref<64xi32, #tpu.memory_space<vmem>>
          %dma_wait3A_428 = tpu.memref_slice %arg2[%add3A_419] : memref<640000xi32, #tpu.memory_space<hbm>> -> memref<64xi32, #tpu.memory_space<hbm>>
          tpu.wait_dma2 semaphore(%arg11 : memref<!tpu.dma_semaphore, #tpu.memory_space<semaphore_mem>>) src(%dma_wait3A_428 : memref<64xi32, #tpu.memory_space<hbm>>) dst(%dma_wait3A_427 : memref<64xi32, #tpu.memory_space<vmem>>)
          %add3A_429 = arith.addi %add3A, %while3A_289 : i32
          %dma_wait3A_430 = arith.constant 0 : i32
          %dma_wait3A_431 = arith.constant 0 : i32
          %dma_wait3A_432 = arith.constant 0 : i32
          %dma_wait3A_433 = tpu.memref_slice %arg10[%dma_wait3A_430, %dma_wait3A_431, %dma_wait3A_432] : memref<6x64x128xf32, #tpu.memory_space<vmem>> -> memref<1x64x128xf32, #tpu.memory_space<vmem>>
          %dma_wait3A_434 = tpu.memref_squeeze %dma_wait3A_433 : memref<1x64x128xf32, #tpu.memory_space<vmem>> -> memref<64x128xf32, #tpu.memory_space<vmem>>
          %dma_wait3A_435 = arith.constant 0 : i32
          %dma_wait3A_436 = arith.constant 0 : i32
          %dma_wait3A_437 = tpu.memref_slice %arg4[%add3A_429, %dma_wait3A_435, %dma_wait3A_436] : memref<5000x64x128xf32, #tpu.memory_space<hbm>> -> memref<1x64x128xf32, #tpu.memory_space<hbm>>
          %dma_wait3A_438 = tpu.memref_squeeze %dma_wait3A_437 : memref<1x64x128xf32, #tpu.memory_space<hbm>> -> memref<64x128xf32, #tpu.memory_space<hbm>>
          %dma_wait3A_439 = arith.constant 0 : i32
          %dma_wait3A_440 = arith.constant 0 : i32
          %dma_wait3A_441 = tpu.memref_slice %arg10[%dma_wait3A_430, %dma_wait3A_439, %dma_wait3A_440] : memref<6x64x128xf32, #tpu.memory_space<vmem>> -> memref<1x64x128xf32, #tpu.memory_space<vmem>>
          %dma_wait3A_442 = tpu.memref_squeeze %dma_wait3A_441 : memref<1x64x128xf32, #tpu.memory_space<vmem>> -> memref<64x128xf32, #tpu.memory_space<vmem>>
          %dma_wait3A_443 = arith.constant 0 : i32
          %dma_wait3A_444 = arith.constant 0 : i32
          %dma_wait3A_445 = tpu.memref_slice %arg4[%add3A_429, %dma_wait3A_443, %dma_wait3A_444] : memref<5000x64x128xf32, #tpu.memory_space<hbm>> -> memref<1x64x128xf32, #tpu.memory_space<hbm>>
          %dma_wait3A_446 = tpu.memref_squeeze %dma_wait3A_445 : memref<1x64x128xf32, #tpu.memory_space<hbm>> -> memref<64x128xf32, #tpu.memory_space<hbm>>
          tpu.wait_dma2 semaphore(%arg11 : memref<!tpu.dma_semaphore, #tpu.memory_space<semaphore_mem>>) src(%dma_wait3A_446 : memref<64x128xf32, #tpu.memory_space<hbm>>) dst(%dma_wait3A_442 : memref<64x128xf32, #tpu.memory_space<vmem>>)
          %dma_start3A_447 = arith.constant 0 : i32
          %dma_start3A_448 = arith.constant 0 : i32
          %dma_start3A_449 = arith.constant 0 : i32
          %dma_start3A_450 = arith.constant 0 : i32
          %dma_start3A_451 = tpu.memref_slice %arg10[%dma_start3A_447, %dma_start3A_449, %dma_start3A_450] : memref<6x64x128xf32, #tpu.memory_space<vmem>> -> memref<1x64x128xf32, #tpu.memory_space<vmem>>
          %dma_start3A_452 = tpu.memref_squeeze %dma_start3A_451 : memref<1x64x128xf32, #tpu.memory_space<vmem>> -> memref<64x128xf32, #tpu.memory_space<vmem>>
          %dma_start3A_453 = arith.constant 0 : i32
          %dma_start3A_454 = tpu.memref_slice %arg9[%dma_start3A_448, %dma_start3A_453] : memref<6x64xi32, #tpu.memory_space<vmem>> -> memref<1x64xi32, #tpu.memory_space<vmem>>
          %dma_start3A_455 = tpu.memref_squeeze %dma_start3A_454 : memref<1x64xi32, #tpu.memory_space<vmem>> -> memref<64xi32, #tpu.memory_space<vmem>>
          %dma_start3A_456 = arith.constant 0 : i32
          %dma_start3A_457 = arith.constant 0 : i32
          %dma_start3A_458 = tpu.memref_slice %arg8[%dma_start3A_456, %dma_start3A_457] : memref<10000x128xf32, #tpu.memory_space<vmem_shared>> -> memref<10000x128xf32, #tpu.memory_space<vmem_shared>>
          tpu.enqueue_indirect_dma source(%dma_start3A_452 : memref<64x128xf32, #tpu.memory_space<vmem>>) target(%dma_start3A_458 : memref<10000x128xf32, #tpu.memory_space<vmem_shared>>) offsets(%dma_start3A_455 : memref<64xi32, #tpu.memory_space<vmem>>) semaphore(%arg17 : memref<!tpu.dma_semaphore, #tpu.memory_space<semaphore_mem>>) {add = true}
          %add3A_459 = arith.constant 6 : i32
          %add3A_460 = arith.addi %while3A_289, %add3A_459 : i32
          %sub3A = arith.constant 1 : i32
          %sub3A_461 = arith.subi %add3A_460, %sub3A : i32
          %lt3A_462 = arith.cmpi slt, %sub3A_461, %select_n3A : i32
          %convert_element_type3A_463 = arith.extui %lt3A_462 : i1 to i32
          %cond3A_464 = arith.constant 0 : i32
          %cond3A_465 = arith.cmpi ne, %convert_element_type3A_463, %cond3A_464 : i32
          scf.if %cond3A_465 {
            %ge3A = arith.constant 1 : i32
            %ge3A_466 = arith.cmpi sge, %while3A_289, %ge3A : i32
            %convert_element_type3A_467 = arith.extui %ge3A_466 : i1 to i32
            %cond3A_468 = arith.constant 0 : i32
            %cond3A_469 = arith.cmpi ne, %convert_element_type3A_467, %cond3A_468 : i32
            scf.if %cond3A_469 {
              %dma_wait3A_502 = arith.constant 5 : i32
              %dma_wait3A_503 = arith.constant 5 : i32
              %dma_wait3A_504 = arith.constant 0 : i32
              %dma_wait3A_505 = arith.constant 0 : i32
              %dma_wait3A_506 = tpu.memref_slice %arg10[%dma_wait3A_502, %dma_wait3A_504, %dma_wait3A_505] : memref<6x64x128xf32, #tpu.memory_space<vmem>> -> memref<1x64x128xf32, #tpu.memory_space<vmem>>
              %dma_wait3A_507 = tpu.memref_squeeze %dma_wait3A_506 : memref<1x64x128xf32, #tpu.memory_space<vmem>> -> memref<64x128xf32, #tpu.memory_space<vmem>>
              %dma_wait3A_508 = arith.constant 0 : i32
              %dma_wait3A_509 = tpu.memref_slice %arg9[%dma_wait3A_503, %dma_wait3A_508] : memref<6x64xi32, #tpu.memory_space<vmem>> -> memref<1x64xi32, #tpu.memory_space<vmem>>
              %dma_wait3A_510 = tpu.memref_squeeze %dma_wait3A_509 : memref<1x64xi32, #tpu.memory_space<vmem>> -> memref<64xi32, #tpu.memory_space<vmem>>
              %dma_wait3A_511 = arith.constant 0 : i32
              %dma_wait3A_512 = arith.constant 0 : i32
              %dma_wait3A_513 = tpu.memref_slice %arg8[%dma_wait3A_511, %dma_wait3A_512] : memref<10000x128xf32, #tpu.memory_space<vmem_shared>> -> memref<10000x128xf32, #tpu.memory_space<vmem_shared>>
              tpu.wait_indirect_dma semaphore(%arg22 : memref<!tpu.dma_semaphore, #tpu.memory_space<semaphore_mem>>) src(%dma_wait3A_507 : memref<64x128xf32, #tpu.memory_space<vmem>>) dst(%dma_wait3A_513 : memref<10000x128xf32, #tpu.memory_space<vmem_shared>>)
            } else {
            }
            %add3A_470 = arith.addi %add3A, %sub3A_461 : i32
            %mul3A_471 = arith.constant 64 : i32
            %mul3A_472 = arith.muli %add3A_470, %mul3A_471 : i32
            %add3A_473 = arith.constant 320000 : i32
            %add3A_474 = arith.addi %add3A_473, %mul3A_472 : i32
            %dma_start3A_475 = arith.constant 5 : i32
            %dma_start3A_476 = arith.constant 0 : i32
            %dma_start3A_477 = tpu.memref_slice %arg9[%dma_start3A_475, %dma_start3A_476] : memref<6x64xi32, #tpu.memory_space<vmem>> -> memref<1x64xi32, #tpu.memory_space<vmem>>
            %dma_start3A_478 = tpu.memref_squeeze %dma_start3A_477 : memref<1x64xi32, #tpu.memory_space<vmem>> -> memref<64xi32, #tpu.memory_space<vmem>>
            %dma_start3A_479 = tpu.memref_slice %arg2[%add3A_474] : memref<640000xi32, #tpu.memory_space<hbm>> -> memref<64xi32, #tpu.memory_space<hbm>>
            %dma_start3A_480 = arith.constant 0 : i32
            %dma_start3A_481 = tpu.memref_slice %arg9[%dma_start3A_475, %dma_start3A_480] : memref<6x64xi32, #tpu.memory_space<vmem>> -> memref<1x64xi32, #tpu.memory_space<vmem>>
            %dma_start3A_482 = tpu.memref_squeeze %dma_start3A_481 : memref<1x64xi32, #tpu.memory_space<vmem>> -> memref<64xi32, #tpu.memory_space<vmem>>
            %dma_start3A_483 = tpu.memref_slice %arg2[%add3A_474] : memref<640000xi32, #tpu.memory_space<hbm>> -> memref<64xi32, #tpu.memory_space<hbm>>
            tpu.enqueue_dma source(%dma_start3A_483 : memref<64xi32, #tpu.memory_space<hbm>>) target(%dma_start3A_482 : memref<64xi32, #tpu.memory_space<vmem>>) target_semaphore(%arg16 : memref<!tpu.dma_semaphore, #tpu.memory_space<semaphore_mem>>)
            %add3A_484 = arith.addi %add3A, %sub3A_461 : i32
            %dma_start3A_485 = arith.constant 5 : i32
            %dma_start3A_486 = arith.constant 0 : i32
            %dma_start3A_487 = arith.constant 0 : i32
            %dma_start3A_488 = tpu.memref_slice %arg10[%dma_start3A_485, %dma_start3A_486, %dma_start3A_487] : memref<6x64x128xf32, #tpu.memory_space<vmem>> -> memref<1x64x128xf32, #tpu.memory_space<vmem>>
            %dma_start3A_489 = tpu.memref_squeeze %dma_start3A_488 : memref<1x64x128xf32, #tpu.memory_space<vmem>> -> memref<64x128xf32, #tpu.memory_space<vmem>>
            %dma_start3A_490 = arith.constant 0 : i32
            %dma_start3A_491 = arith.constant 0 : i32
            %dma_start3A_492 = tpu.memref_slice %arg4[%add3A_484, %dma_start3A_490, %dma_start3A_491] : memref<5000x64x128xf32, #tpu.memory_space<hbm>> -> memref<1x64x128xf32, #tpu.memory_space<hbm>>
            %dma_start3A_493 = tpu.memref_squeeze %dma_start3A_492 : memref<1x64x128xf32, #tpu.memory_space<hbm>> -> memref<64x128xf32, #tpu.memory_space<hbm>>
            %dma_start3A_494 = arith.constant 0 : i32
            %dma_start3A_495 = arith.constant 0 : i32
            %dma_start3A_496 = tpu.memref_slice %arg10[%dma_start3A_485, %dma_start3A_494, %dma_start3A_495] : memref<6x64x128xf32, #tpu.memory_space<vmem>> -> memref<1x64x128xf32, #tpu.memory_space<vmem>>
            %dma_start3A_497 = tpu.memref_squeeze %dma_start3A_496 : memref<1x64x128xf32, #tpu.memory_space<vmem>> -> memref<64x128xf32, #tpu.memory_space<vmem>>
            %dma_start3A_498 = arith.constant 0 : i32
            %dma_start3A_499 = arith.constant 0 : i32
            %dma_start3A_500 = tpu.memref_slice %arg4[%add3A_484, %dma_start3A_498, %dma_start3A_499] : memref<5000x64x128xf32, #tpu.memory_space<hbm>> -> memref<1x64x128xf32, #tpu.memory_space<hbm>>
            %dma_start3A_501 = tpu.memref_squeeze %dma_start3A_500 : memref<1x64x128xf32, #tpu.memory_space<hbm>> -> memref<64x128xf32, #tpu.memory_space<hbm>>
            tpu.enqueue_dma source(%dma_start3A_501 : memref<64x128xf32, #tpu.memory_space<hbm>>) target(%dma_start3A_497 : memref<64x128xf32, #tpu.memory_space<vmem>>) target_semaphore(%arg16 : memref<!tpu.dma_semaphore, #tpu.memory_space<semaphore_mem>>)
          } else {
          }
        } else {
        }
        %jit3A_309 = arith.constant 6 : i32
        %eq3A_310 = arith.constant 0 : i32
        %eq3A_311 = arith.cmpi eq, %jit3A_309, %eq3A_310 : i32
        %jit3A_312 = arith.constant 1 : i32
        %select_n3A_313 = arith.select %eq3A_311, %jit3A_312, %jit3A_309 : i32
        %rem3A_314 = arith.remsi %while3A_289, %select_n3A_313 : i32
        %ne3A_315 = arith.constant 0 : i32
        %ne3A_316 = arith.cmpi ne, %rem3A_314, %ne3A_315 : i32
        %lt3A_317 = arith.constant 0 : i32
        %lt3A_318 = arith.cmpi slt, %rem3A_314, %lt3A_317 : i32
        %lt3A_319 = arith.constant 0 : i32
        %lt3A_320 = arith.cmpi slt, %select_n3A_313, %lt3A_319 : i32
        %ne3A_321 = arith.xori %lt3A_318, %lt3A_320 : i1
        %and3A_322 = arith.andi %ne3A_321, %ne3A_316 : i1
        %add3A_323 = arith.addi %rem3A_314, %select_n3A_313 : i32
        %select_n3A_324 = arith.select %and3A_322, %add3A_323, %rem3A_314 : i32
        %eq3A_325 = arith.constant 1 : i32
        %eq3A_326 = arith.cmpi eq, %select_n3A_324, %eq3A_325 : i32
        %convert_element_type3A_327 = arith.extui %eq3A_326 : i1 to i32
        %cond3A_328 = arith.constant 0 : i32
        %cond3A_329 = arith.cmpi ne, %convert_element_type3A_327, %cond3A_328 : i32
        scf.if %cond3A_329 {
          %add3A_415 = arith.addi %add3A, %while3A_289 : i32
          %mul3A_416 = arith.constant 64 : i32
          %mul3A_417 = arith.muli %add3A_415, %mul3A_416 : i32
          %add3A_418 = arith.constant 320000 : i32
          %add3A_419 = arith.addi %add3A_418, %mul3A_417 : i32
          %dma_wait3A_420 = arith.constant 1 : i32
          %dma_wait3A_421 = arith.constant 0 : i32
          %dma_wait3A_422 = tpu.memref_slice %arg9[%dma_wait3A_420, %dma_wait3A_421] : memref<6x64xi32, #tpu.memory_space<vmem>> -> memref<1x64xi32, #tpu.memory_space<vmem>>
          %dma_wait3A_423 = tpu.memref_squeeze %dma_wait3A_422 : memref<1x64xi32, #tpu.memory_space<vmem>> -> memref<64xi32, #tpu.memory_space<vmem>>
          %dma_wait3A_424 = tpu.memref_slice %arg2[%add3A_419] : memref<640000xi32, #tpu.memory_space<hbm>> -> memref<64xi32, #tpu.memory_space<hbm>>
          %dma_wait3A_425 = arith.constant 0 : i32
          %dma_wait3A_426 = tpu.memref_slice %arg9[%dma_wait3A_420, %dma_wait3A_425] : memref<6x64xi32, #tpu.memory_space<vmem>> -> memref<1x64xi32, #tpu.memory_space<vmem>>
          %dma_wait3A_427 = tpu.memref_squeeze %dma_wait3A_426 : memref<1x64xi32, #tpu.memory_space<vmem>> -> memref<64xi32, #tpu.memory_space<vmem>>
          %dma_wait3A_428 = tpu.memref_slice %arg2[%add3A_419] : memref<640000xi32, #tpu.memory_space<hbm>> -> memref<64xi32, #tpu.memory_space<hbm>>
          tpu.wait_dma2 semaphore(%arg12 : memref<!tpu.dma_semaphore, #tpu.memory_space<semaphore_mem>>) src(%dma_wait3A_428 : memref<64xi32, #tpu.memory_space<hbm>>) dst(%dma_wait3A_427 : memref<64xi32, #tpu.memory_space<vmem>>)
          %add3A_429 = arith.addi %add3A, %while3A_289 : i32
          %dma_wait3A_430 = arith.constant 1 : i32
          %dma_wait3A_431 = arith.constant 0 : i32
          %dma_wait3A_432 = arith.constant 0 : i32
          %dma_wait3A_433 = tpu.memref_slice %arg10[%dma_wait3A_430, %dma_wait3A_431, %dma_wait3A_432] : memref<6x64x128xf32, #tpu.memory_space<vmem>> -> memref<1x64x128xf32, #tpu.memory_space<vmem>>
          %dma_wait3A_434 = tpu.memref_squeeze %dma_wait3A_433 : memref<1x64x128xf32, #tpu.memory_space<vmem>> -> memref<64x128xf32, #tpu.memory_space<vmem>>
          %dma_wait3A_435 = arith.constant 0 : i32
          %dma_wait3A_436 = arith.constant 0 : i32
          %dma_wait3A_437 = tpu.memref_slice %arg4[%add3A_429, %dma_wait3A_435, %dma_wait3A_436] : memref<5000x64x128xf32, #tpu.memory_space<hbm>> -> memref<1x64x128xf32, #tpu.memory_space<hbm>>
          %dma_wait3A_438 = tpu.memref_squeeze %dma_wait3A_437 : memref<1x64x128xf32, #tpu.memory_space<hbm>> -> memref<64x128xf32, #tpu.memory_space<hbm>>
          %dma_wait3A_439 = arith.constant 0 : i32
          %dma_wait3A_440 = arith.constant 0 : i32
          %dma_wait3A_441 = tpu.memref_slice %arg10[%dma_wait3A_430, %dma_wait3A_439, %dma_wait3A_440] : memref<6x64x128xf32, #tpu.memory_space<vmem>> -> memref<1x64x128xf32, #tpu.memory_space<vmem>>
          %dma_wait3A_442 = tpu.memref_squeeze %dma_wait3A_441 : memref<1x64x128xf32, #tpu.memory_space<vmem>> -> memref<64x128xf32, #tpu.memory_space<vmem>>
          %dma_wait3A_443 = arith.constant 0 : i32
          %dma_wait3A_444 = arith.constant 0 : i32
          %dma_wait3A_445 = tpu.memref_slice %arg4[%add3A_429, %dma_wait3A_443, %dma_wait3A_444] : memref<5000x64x128xf32, #tpu.memory_space<hbm>> -> memref<1x64x128xf32, #tpu.memory_space<hbm>>
          %dma_wait3A_446 = tpu.memref_squeeze %dma_wait3A_445 : memref<1x64x128xf32, #tpu.memory_space<hbm>> -> memref<64x128xf32, #tpu.memory_space<hbm>>
          tpu.wait_dma2 semaphore(%arg12 : memref<!tpu.dma_semaphore, #tpu.memory_space<semaphore_mem>>) src(%dma_wait3A_446 : memref<64x128xf32, #tpu.memory_space<hbm>>) dst(%dma_wait3A_442 : memref<64x128xf32, #tpu.memory_space<vmem>>)
          %dma_start3A_447 = arith.constant 1 : i32
          %dma_start3A_448 = arith.constant 1 : i32
          %dma_start3A_449 = arith.constant 0 : i32
          %dma_start3A_450 = arith.constant 0 : i32
          %dma_start3A_451 = tpu.memref_slice %arg10[%dma_start3A_447, %dma_start3A_449, %dma_start3A_450] : memref<6x64x128xf32, #tpu.memory_space<vmem>> -> memref<1x64x128xf32, #tpu.memory_space<vmem>>
          %dma_start3A_452 = tpu.memref_squeeze %dma_start3A_451 : memref<1x64x128xf32, #tpu.memory_space<vmem>> -> memref<64x128xf32, #tpu.memory_space<vmem>>
          %dma_start3A_453 = arith.constant 0 : i32
          %dma_start3A_454 = tpu.memref_slice %arg9[%dma_start3A_448, %dma_start3A_453] : memref<6x64xi32, #tpu.memory_space<vmem>> -> memref<1x64xi32, #tpu.memory_space<vmem>>
          %dma_start3A_455 = tpu.memref_squeeze %dma_start3A_454 : memref<1x64xi32, #tpu.memory_space<vmem>> -> memref<64xi32, #tpu.memory_space<vmem>>
          %dma_start3A_456 = arith.constant 0 : i32
          %dma_start3A_457 = arith.constant 0 : i32
          %dma_start3A_458 = tpu.memref_slice %arg8[%dma_start3A_456, %dma_start3A_457] : memref<10000x128xf32, #tpu.memory_space<vmem_shared>> -> memref<10000x128xf32, #tpu.memory_space<vmem_shared>>
          tpu.enqueue_indirect_dma source(%dma_start3A_452 : memref<64x128xf32, #tpu.memory_space<vmem>>) target(%dma_start3A_458 : memref<10000x128xf32, #tpu.memory_space<vmem_shared>>) offsets(%dma_start3A_455 : memref<64xi32, #tpu.memory_space<vmem>>) semaphore(%arg18 : memref<!tpu.dma_semaphore, #tpu.memory_space<semaphore_mem>>) {add = true}
          %add3A_459 = arith.constant 6 : i32
          %add3A_460 = arith.addi %while3A_289, %add3A_459 : i32
          %sub3A = arith.constant 1 : i32
          %sub3A_461 = arith.subi %add3A_460, %sub3A : i32
          %lt3A_462 = arith.cmpi slt, %sub3A_461, %select_n3A : i32
          %convert_element_type3A_463 = arith.extui %lt3A_462 : i1 to i32
          %cond3A_464 = arith.constant 0 : i32
          %cond3A_465 = arith.cmpi ne, %convert_element_type3A_463, %cond3A_464 : i32
          scf.if %cond3A_465 {
            %ge3A = arith.constant 1 : i32
            %ge3A_466 = arith.cmpi sge, %while3A_289, %ge3A : i32
            %convert_element_type3A_467 = arith.extui %ge3A_466 : i1 to i32
            %cond3A_468 = arith.constant 0 : i32
            %cond3A_469 = arith.cmpi ne, %convert_element_type3A_467, %cond3A_468 : i32
            scf.if %cond3A_469 {
              %dma_wait3A_502 = arith.constant 0 : i32
              %dma_wait3A_503 = arith.constant 0 : i32
              %dma_wait3A_504 = arith.constant 0 : i32
              %dma_wait3A_505 = arith.constant 0 : i32
              %dma_wait3A_506 = tpu.memref_slice %arg10[%dma_wait3A_502, %dma_wait3A_504, %dma_wait3A_505] : memref<6x64x128xf32, #tpu.memory_space<vmem>> -> memref<1x64x128xf32, #tpu.memory_space<vmem>>
              %dma_wait3A_507 = tpu.memref_squeeze %dma_wait3A_506 : memref<1x64x128xf32, #tpu.memory_space<vmem>> -> memref<64x128xf32, #tpu.memory_space<vmem>>
              %dma_wait3A_508 = arith.constant 0 : i32
              %dma_wait3A_509 = tpu.memref_slice %arg9[%dma_wait3A_503, %dma_wait3A_508] : memref<6x64xi32, #tpu.memory_space<vmem>> -> memref<1x64xi32, #tpu.memory_space<vmem>>
              %dma_wait3A_510 = tpu.memref_squeeze %dma_wait3A_509 : memref<1x64xi32, #tpu.memory_space<vmem>> -> memref<64xi32, #tpu.memory_space<vmem>>
              %dma_wait3A_511 = arith.constant 0 : i32
              %dma_wait3A_512 = arith.constant 0 : i32
              %dma_wait3A_513 = tpu.memref_slice %arg8[%dma_wait3A_511, %dma_wait3A_512] : memref<10000x128xf32, #tpu.memory_space<vmem_shared>> -> memref<10000x128xf32, #tpu.memory_space<vmem_shared>>
              tpu.wait_indirect_dma semaphore(%arg17 : memref<!tpu.dma_semaphore, #tpu.memory_space<semaphore_mem>>) src(%dma_wait3A_507 : memref<64x128xf32, #tpu.memory_space<vmem>>) dst(%dma_wait3A_513 : memref<10000x128xf32, #tpu.memory_space<vmem_shared>>)
            } else {
            }
            %add3A_470 = arith.addi %add3A, %sub3A_461 : i32
            %mul3A_471 = arith.constant 64 : i32
            %mul3A_472 = arith.muli %add3A_470, %mul3A_471 : i32
            %add3A_473 = arith.constant 320000 : i32
            %add3A_474 = arith.addi %add3A_473, %mul3A_472 : i32
            %dma_start3A_475 = arith.constant 0 : i32
            %dma_start3A_476 = arith.constant 0 : i32
            %dma_start3A_477 = tpu.memref_slice %arg9[%dma_start3A_475, %dma_start3A_476] : memref<6x64xi32, #tpu.memory_space<vmem>> -> memref<1x64xi32, #tpu.memory_space<vmem>>
            %dma_start3A_478 = tpu.memref_squeeze %dma_start3A_477 : memref<1x64xi32, #tpu.memory_space<vmem>> -> memref<64xi32, #tpu.memory_space<vmem>>
            %dma_start3A_479 = tpu.memref_slice %arg2[%add3A_474] : memref<640000xi32, #tpu.memory_space<hbm>> -> memref<64xi32, #tpu.memory_space<hbm>>
            %dma_start3A_480 = arith.constant 0 : i32
            %dma_start3A_481 = tpu.memref_slice %arg9[%dma_start3A_475, %dma_start3A_480] : memref<6x64xi32, #tpu.memory_space<vmem>> -> memref<1x64xi32, #tpu.memory_space<vmem>>
            %dma_start3A_482 = tpu.memref_squeeze %dma_start3A_481 : memref<1x64xi32, #tpu.memory_space<vmem>> -> memref<64xi32, #tpu.memory_space<vmem>>
            %dma_start3A_483 = tpu.memref_slice %arg2[%add3A_474] : memref<640000xi32, #tpu.memory_space<hbm>> -> memref<64xi32, #tpu.memory_space<hbm>>
            tpu.enqueue_dma source(%dma_start3A_483 : memref<64xi32, #tpu.memory_space<hbm>>) target(%dma_start3A_482 : memref<64xi32, #tpu.memory_space<vmem>>) target_semaphore(%arg11 : memref<!tpu.dma_semaphore, #tpu.memory_space<semaphore_mem>>)
            %add3A_484 = arith.addi %add3A, %sub3A_461 : i32
            %dma_start3A_485 = arith.constant 0 : i32
            %dma_start3A_486 = arith.constant 0 : i32
            %dma_start3A_487 = arith.constant 0 : i32
            %dma_start3A_488 = tpu.memref_slice %arg10[%dma_start3A_485, %dma_start3A_486, %dma_start3A_487] : memref<6x64x128xf32, #tpu.memory_space<vmem>> -> memref<1x64x128xf32, #tpu.memory_space<vmem>>
            %dma_start3A_489 = tpu.memref_squeeze %dma_start3A_488 : memref<1x64x128xf32, #tpu.memory_space<vmem>> -> memref<64x128xf32, #tpu.memory_space<vmem>>
            %dma_start3A_490 = arith.constant 0 : i32
            %dma_start3A_491 = arith.constant 0 : i32
            %dma_start3A_492 = tpu.memref_slice %arg4[%add3A_484, %dma_start3A_490, %dma_start3A_491] : memref<5000x64x128xf32, #tpu.memory_space<hbm>> -> memref<1x64x128xf32, #tpu.memory_space<hbm>>
            %dma_start3A_493 = tpu.memref_squeeze %dma_start3A_492 : memref<1x64x128xf32, #tpu.memory_space<hbm>> -> memref<64x128xf32, #tpu.memory_space<hbm>>
            %dma_start3A_494 = arith.constant 0 : i32
            %dma_start3A_495 = arith.constant 0 : i32
            %dma_start3A_496 = tpu.memref_slice %arg10[%dma_start3A_485, %dma_start3A_494, %dma_start3A_495] : memref<6x64x128xf32, #tpu.memory_space<vmem>> -> memref<1x64x128xf32, #tpu.memory_space<vmem>>
            %dma_start3A_497 = tpu.memref_squeeze %dma_start3A_496 : memref<1x64x128xf32, #tpu.memory_space<vmem>> -> memref<64x128xf32, #tpu.memory_space<vmem>>
            %dma_start3A_498 = arith.constant 0 : i32
            %dma_start3A_499 = arith.constant 0 : i32
            %dma_start3A_500 = tpu.memref_slice %arg4[%add3A_484, %dma_start3A_498, %dma_start3A_499] : memref<5000x64x128xf32, #tpu.memory_space<hbm>> -> memref<1x64x128xf32, #tpu.memory_space<hbm>>
            %dma_start3A_501 = tpu.memref_squeeze %dma_start3A_500 : memref<1x64x128xf32, #tpu.memory_space<hbm>> -> memref<64x128xf32, #tpu.memory_space<hbm>>
            tpu.enqueue_dma source(%dma_start3A_501 : memref<64x128xf32, #tpu.memory_space<hbm>>) target(%dma_start3A_497 : memref<64x128xf32, #tpu.memory_space<vmem>>) target_semaphore(%arg11 : memref<!tpu.dma_semaphore, #tpu.memory_space<semaphore_mem>>)
          } else {
          }
        } else {
        }
        %jit3A_330 = arith.constant 6 : i32
        %eq3A_331 = arith.constant 0 : i32
        %eq3A_332 = arith.cmpi eq, %jit3A_330, %eq3A_331 : i32
        %jit3A_333 = arith.constant 1 : i32
        %select_n3A_334 = arith.select %eq3A_332, %jit3A_333, %jit3A_330 : i32
        %rem3A_335 = arith.remsi %while3A_289, %select_n3A_334 : i32
        %ne3A_336 = arith.constant 0 : i32
        %ne3A_337 = arith.cmpi ne, %rem3A_335, %ne3A_336 : i32
        %lt3A_338 = arith.constant 0 : i32
        %lt3A_339 = arith.cmpi slt, %rem3A_335, %lt3A_338 : i32
        %lt3A_340 = arith.constant 0 : i32
        %lt3A_341 = arith.cmpi slt, %select_n3A_334, %lt3A_340 : i32
        %ne3A_342 = arith.xori %lt3A_339, %lt3A_341 : i1
        %and3A_343 = arith.andi %ne3A_342, %ne3A_337 : i1
        %add3A_344 = arith.addi %rem3A_335, %select_n3A_334 : i32
        %select_n3A_345 = arith.select %and3A_343, %add3A_344, %rem3A_335 : i32
        %eq3A_346 = arith.constant 2 : i32
        %eq3A_347 = arith.cmpi eq, %select_n3A_345, %eq3A_346 : i32
        %convert_element_type3A_348 = arith.extui %eq3A_347 : i1 to i32
        %cond3A_349 = arith.constant 0 : i32
        %cond3A_350 = arith.cmpi ne, %convert_element_type3A_348, %cond3A_349 : i32
        scf.if %cond3A_350 {
          %add3A_415 = arith.addi %add3A, %while3A_289 : i32
          %mul3A_416 = arith.constant 64 : i32
          %mul3A_417 = arith.muli %add3A_415, %mul3A_416 : i32
          %add3A_418 = arith.constant 320000 : i32
          %add3A_419 = arith.addi %add3A_418, %mul3A_417 : i32
          %dma_wait3A_420 = arith.constant 2 : i32
          %dma_wait3A_421 = arith.constant 0 : i32
          %dma_wait3A_422 = tpu.memref_slice %arg9[%dma_wait3A_420, %dma_wait3A_421] : memref<6x64xi32, #tpu.memory_space<vmem>> -> memref<1x64xi32, #tpu.memory_space<vmem>>
          %dma_wait3A_423 = tpu.memref_squeeze %dma_wait3A_422 : memref<1x64xi32, #tpu.memory_space<vmem>> -> memref<64xi32, #tpu.memory_space<vmem>>
          %dma_wait3A_424 = tpu.memref_slice %arg2[%add3A_419] : memref<640000xi32, #tpu.memory_space<hbm>> -> memref<64xi32, #tpu.memory_space<hbm>>
          %dma_wait3A_425 = arith.constant 0 : i32
          %dma_wait3A_426 = tpu.memref_slice %arg9[%dma_wait3A_420, %dma_wait3A_425] : memref<6x64xi32, #tpu.memory_space<vmem>> -> memref<1x64xi32, #tpu.memory_space<vmem>>
          %dma_wait3A_427 = tpu.memref_squeeze %dma_wait3A_426 : memref<1x64xi32, #tpu.memory_space<vmem>> -> memref<64xi32, #tpu.memory_space<vmem>>
          %dma_wait3A_428 = tpu.memref_slice %arg2[%add3A_419] : memref<640000xi32, #tpu.memory_space<hbm>> -> memref<64xi32, #tpu.memory_space<hbm>>
          tpu.wait_dma2 semaphore(%arg13 : memref<!tpu.dma_semaphore, #tpu.memory_space<semaphore_mem>>) src(%dma_wait3A_428 : memref<64xi32, #tpu.memory_space<hbm>>) dst(%dma_wait3A_427 : memref<64xi32, #tpu.memory_space<vmem>>)
          %add3A_429 = arith.addi %add3A, %while3A_289 : i32
          %dma_wait3A_430 = arith.constant 2 : i32
          %dma_wait3A_431 = arith.constant 0 : i32
          %dma_wait3A_432 = arith.constant 0 : i32
          %dma_wait3A_433 = tpu.memref_slice %arg10[%dma_wait3A_430, %dma_wait3A_431, %dma_wait3A_432] : memref<6x64x128xf32, #tpu.memory_space<vmem>> -> memref<1x64x128xf32, #tpu.memory_space<vmem>>
          %dma_wait3A_434 = tpu.memref_squeeze %dma_wait3A_433 : memref<1x64x128xf32, #tpu.memory_space<vmem>> -> memref<64x128xf32, #tpu.memory_space<vmem>>
          %dma_wait3A_435 = arith.constant 0 : i32
          %dma_wait3A_436 = arith.constant 0 : i32
          %dma_wait3A_437 = tpu.memref_slice %arg4[%add3A_429, %dma_wait3A_435, %dma_wait3A_436] : memref<5000x64x128xf32, #tpu.memory_space<hbm>> -> memref<1x64x128xf32, #tpu.memory_space<hbm>>
          %dma_wait3A_438 = tpu.memref_squeeze %dma_wait3A_437 : memref<1x64x128xf32, #tpu.memory_space<hbm>> -> memref<64x128xf32, #tpu.memory_space<hbm>>
          %dma_wait3A_439 = arith.constant 0 : i32
          %dma_wait3A_440 = arith.constant 0 : i32
          %dma_wait3A_441 = tpu.memref_slice %arg10[%dma_wait3A_430, %dma_wait3A_439, %dma_wait3A_440] : memref<6x64x128xf32, #tpu.memory_space<vmem>> -> memref<1x64x128xf32, #tpu.memory_space<vmem>>
          %dma_wait3A_442 = tpu.memref_squeeze %dma_wait3A_441 : memref<1x64x128xf32, #tpu.memory_space<vmem>> -> memref<64x128xf32, #tpu.memory_space<vmem>>
          %dma_wait3A_443 = arith.constant 0 : i32
          %dma_wait3A_444 = arith.constant 0 : i32
          %dma_wait3A_445 = tpu.memref_slice %arg4[%add3A_429, %dma_wait3A_443, %dma_wait3A_444] : memref<5000x64x128xf32, #tpu.memory_space<hbm>> -> memref<1x64x128xf32, #tpu.memory_space<hbm>>
          %dma_wait3A_446 = tpu.memref_squeeze %dma_wait3A_445 : memref<1x64x128xf32, #tpu.memory_space<hbm>> -> memref<64x128xf32, #tpu.memory_space<hbm>>
          tpu.wait_dma2 semaphore(%arg13 : memref<!tpu.dma_semaphore, #tpu.memory_space<semaphore_mem>>) src(%dma_wait3A_446 : memref<64x128xf32, #tpu.memory_space<hbm>>) dst(%dma_wait3A_442 : memref<64x128xf32, #tpu.memory_space<vmem>>)
          %dma_start3A_447 = arith.constant 2 : i32
          %dma_start3A_448 = arith.constant 2 : i32
          %dma_start3A_449 = arith.constant 0 : i32
          %dma_start3A_450 = arith.constant 0 : i32
          %dma_start3A_451 = tpu.memref_slice %arg10[%dma_start3A_447, %dma_start3A_449, %dma_start3A_450] : memref<6x64x128xf32, #tpu.memory_space<vmem>> -> memref<1x64x128xf32, #tpu.memory_space<vmem>>
          %dma_start3A_452 = tpu.memref_squeeze %dma_start3A_451 : memref<1x64x128xf32, #tpu.memory_space<vmem>> -> memref<64x128xf32, #tpu.memory_space<vmem>>
          %dma_start3A_453 = arith.constant 0 : i32
          %dma_start3A_454 = tpu.memref_slice %arg9[%dma_start3A_448, %dma_start3A_453] : memref<6x64xi32, #tpu.memory_space<vmem>> -> memref<1x64xi32, #tpu.memory_space<vmem>>
          %dma_start3A_455 = tpu.memref_squeeze %dma_start3A_454 : memref<1x64xi32, #tpu.memory_space<vmem>> -> memref<64xi32, #tpu.memory_space<vmem>>
          %dma_start3A_456 = arith.constant 0 : i32
          %dma_start3A_457 = arith.constant 0 : i32
          %dma_start3A_458 = tpu.memref_slice %arg8[%dma_start3A_456, %dma_start3A_457] : memref<10000x128xf32, #tpu.memory_space<vmem_shared>> -> memref<10000x128xf32, #tpu.memory_space<vmem_shared>>
          tpu.enqueue_indirect_dma source(%dma_start3A_452 : memref<64x128xf32, #tpu.memory_space<vmem>>) target(%dma_start3A_458 : memref<10000x128xf32, #tpu.memory_space<vmem_shared>>) offsets(%dma_start3A_455 : memref<64xi32, #tpu.memory_space<vmem>>) semaphore(%arg19 : memref<!tpu.dma_semaphore, #tpu.memory_space<semaphore_mem>>) {add = true}
          %add3A_459 = arith.constant 6 : i32
          %add3A_460 = arith.addi %while3A_289, %add3A_459 : i32
          %sub3A = arith.constant 1 : i32
          %sub3A_461 = arith.subi %add3A_460, %sub3A : i32
          %lt3A_462 = arith.cmpi slt, %sub3A_461, %select_n3A : i32
          %convert_element_type3A_463 = arith.extui %lt3A_462 : i1 to i32
          %cond3A_464 = arith.constant 0 : i32
          %cond3A_465 = arith.cmpi ne, %convert_element_type3A_463, %cond3A_464 : i32
          scf.if %cond3A_465 {
            %ge3A = arith.constant 1 : i32
            %ge3A_466 = arith.cmpi sge, %while3A_289, %ge3A : i32
            %convert_element_type3A_467 = arith.extui %ge3A_466 : i1 to i32
            %cond3A_468 = arith.constant 0 : i32
            %cond3A_469 = arith.cmpi ne, %convert_element_type3A_467, %cond3A_468 : i32
            scf.if %cond3A_469 {
              %dma_wait3A_502 = arith.constant 1 : i32
              %dma_wait3A_503 = arith.constant 1 : i32
              %dma_wait3A_504 = arith.constant 0 : i32
              %dma_wait3A_505 = arith.constant 0 : i32
              %dma_wait3A_506 = tpu.memref_slice %arg10[%dma_wait3A_502, %dma_wait3A_504, %dma_wait3A_505] : memref<6x64x128xf32, #tpu.memory_space<vmem>> -> memref<1x64x128xf32, #tpu.memory_space<vmem>>
              %dma_wait3A_507 = tpu.memref_squeeze %dma_wait3A_506 : memref<1x64x128xf32, #tpu.memory_space<vmem>> -> memref<64x128xf32, #tpu.memory_space<vmem>>
              %dma_wait3A_508 = arith.constant 0 : i32
              %dma_wait3A_509 = tpu.memref_slice %arg9[%dma_wait3A_503, %dma_wait3A_508] : memref<6x64xi32, #tpu.memory_space<vmem>> -> memref<1x64xi32, #tpu.memory_space<vmem>>
              %dma_wait3A_510 = tpu.memref_squeeze %dma_wait3A_509 : memref<1x64xi32, #tpu.memory_space<vmem>> -> memref<64xi32, #tpu.memory_space<vmem>>
              %dma_wait3A_511 = arith.constant 0 : i32
              %dma_wait3A_512 = arith.constant 0 : i32
              %dma_wait3A_513 = tpu.memref_slice %arg8[%dma_wait3A_511, %dma_wait3A_512] : memref<10000x128xf32, #tpu.memory_space<vmem_shared>> -> memref<10000x128xf32, #tpu.memory_space<vmem_shared>>
              tpu.wait_indirect_dma semaphore(%arg18 : memref<!tpu.dma_semaphore, #tpu.memory_space<semaphore_mem>>) src(%dma_wait3A_507 : memref<64x128xf32, #tpu.memory_space<vmem>>) dst(%dma_wait3A_513 : memref<10000x128xf32, #tpu.memory_space<vmem_shared>>)
            } else {
            }
            %add3A_470 = arith.addi %add3A, %sub3A_461 : i32
            %mul3A_471 = arith.constant 64 : i32
            %mul3A_472 = arith.muli %add3A_470, %mul3A_471 : i32
            %add3A_473 = arith.constant 320000 : i32
            %add3A_474 = arith.addi %add3A_473, %mul3A_472 : i32
            %dma_start3A_475 = arith.constant 1 : i32
            %dma_start3A_476 = arith.constant 0 : i32
            %dma_start3A_477 = tpu.memref_slice %arg9[%dma_start3A_475, %dma_start3A_476] : memref<6x64xi32, #tpu.memory_space<vmem>> -> memref<1x64xi32, #tpu.memory_space<vmem>>
            %dma_start3A_478 = tpu.memref_squeeze %dma_start3A_477 : memref<1x64xi32, #tpu.memory_space<vmem>> -> memref<64xi32, #tpu.memory_space<vmem>>
            %dma_start3A_479 = tpu.memref_slice %arg2[%add3A_474] : memref<640000xi32, #tpu.memory_space<hbm>> -> memref<64xi32, #tpu.memory_space<hbm>>
            %dma_start3A_480 = arith.constant 0 : i32
            %dma_start3A_481 = tpu.memref_slice %arg9[%dma_start3A_475, %dma_start3A_480] : memref<6x64xi32, #tpu.memory_space<vmem>> -> memref<1x64xi32, #tpu.memory_space<vmem>>
            %dma_start3A_482 = tpu.memref_squeeze %dma_start3A_481 : memref<1x64xi32, #tpu.memory_space<vmem>> -> memref<64xi32, #tpu.memory_space<vmem>>
            %dma_start3A_483 = tpu.memref_slice %arg2[%add3A_474] : memref<640000xi32, #tpu.memory_space<hbm>> -> memref<64xi32, #tpu.memory_space<hbm>>
            tpu.enqueue_dma source(%dma_start3A_483 : memref<64xi32, #tpu.memory_space<hbm>>) target(%dma_start3A_482 : memref<64xi32, #tpu.memory_space<vmem>>) target_semaphore(%arg12 : memref<!tpu.dma_semaphore, #tpu.memory_space<semaphore_mem>>)
            %add3A_484 = arith.addi %add3A, %sub3A_461 : i32
            %dma_start3A_485 = arith.constant 1 : i32
            %dma_start3A_486 = arith.constant 0 : i32
            %dma_start3A_487 = arith.constant 0 : i32
            %dma_start3A_488 = tpu.memref_slice %arg10[%dma_start3A_485, %dma_start3A_486, %dma_start3A_487] : memref<6x64x128xf32, #tpu.memory_space<vmem>> -> memref<1x64x128xf32, #tpu.memory_space<vmem>>
            %dma_start3A_489 = tpu.memref_squeeze %dma_start3A_488 : memref<1x64x128xf32, #tpu.memory_space<vmem>> -> memref<64x128xf32, #tpu.memory_space<vmem>>
            %dma_start3A_490 = arith.constant 0 : i32
            %dma_start3A_491 = arith.constant 0 : i32
            %dma_start3A_492 = tpu.memref_slice %arg4[%add3A_484, %dma_start3A_490, %dma_start3A_491] : memref<5000x64x128xf32, #tpu.memory_space<hbm>> -> memref<1x64x128xf32, #tpu.memory_space<hbm>>
            %dma_start3A_493 = tpu.memref_squeeze %dma_start3A_492 : memref<1x64x128xf32, #tpu.memory_space<hbm>> -> memref<64x128xf32, #tpu.memory_space<hbm>>
            %dma_start3A_494 = arith.constant 0 : i32
            %dma_start3A_495 = arith.constant 0 : i32
            %dma_start3A_496 = tpu.memref_slice %arg10[%dma_start3A_485, %dma_start3A_494, %dma_start3A_495] : memref<6x64x128xf32, #tpu.memory_space<vmem>> -> memref<1x64x128xf32, #tpu.memory_space<vmem>>
            %dma_start3A_497 = tpu.memref_squeeze %dma_start3A_496 : memref<1x64x128xf32, #tpu.memory_space<vmem>> -> memref<64x128xf32, #tpu.memory_space<vmem>>
            %dma_start3A_498 = arith.constant 0 : i32
            %dma_start3A_499 = arith.constant 0 : i32
            %dma_start3A_500 = tpu.memref_slice %arg4[%add3A_484, %dma_start3A_498, %dma_start3A_499] : memref<5000x64x128xf32, #tpu.memory_space<hbm>> -> memref<1x64x128xf32, #tpu.memory_space<hbm>>
            %dma_start3A_501 = tpu.memref_squeeze %dma_start3A_500 : memref<1x64x128xf32, #tpu.memory_space<hbm>> -> memref<64x128xf32, #tpu.memory_space<hbm>>
            tpu.enqueue_dma source(%dma_start3A_501 : memref<64x128xf32, #tpu.memory_space<hbm>>) target(%dma_start3A_497 : memref<64x128xf32, #tpu.memory_space<vmem>>) target_semaphore(%arg12 : memref<!tpu.dma_semaphore, #tpu.memory_space<semaphore_mem>>)
          } else {
          }
        } else {
        }
        %jit3A_351 = arith.constant 6 : i32
        %eq3A_352 = arith.constant 0 : i32
        %eq3A_353 = arith.cmpi eq, %jit3A_351, %eq3A_352 : i32
        %jit3A_354 = arith.constant 1 : i32
        %select_n3A_355 = arith.select %eq3A_353, %jit3A_354, %jit3A_351 : i32
        %rem3A_356 = arith.remsi %while3A_289, %select_n3A_355 : i32
        %ne3A_357 = arith.constant 0 : i32
        %ne3A_358 = arith.cmpi ne, %rem3A_356, %ne3A_357 : i32
        %lt3A_359 = arith.constant 0 : i32
        %lt3A_360 = arith.cmpi slt, %rem3A_356, %lt3A_359 : i32
        %lt3A_361 = arith.constant 0 : i32
        %lt3A_362 = arith.cmpi slt, %select_n3A_355, %lt3A_361 : i32
        %ne3A_363 = arith.xori %lt3A_360, %lt3A_362 : i1
        %and3A_364 = arith.andi %ne3A_363, %ne3A_358 : i1
        %add3A_365 = arith.addi %rem3A_356, %select_n3A_355 : i32
        %select_n3A_366 = arith.select %and3A_364, %add3A_365, %rem3A_356 : i32
        %eq3A_367 = arith.constant 3 : i32
        %eq3A_368 = arith.cmpi eq, %select_n3A_366, %eq3A_367 : i32
        %convert_element_type3A_369 = arith.extui %eq3A_368 : i1 to i32
        %cond3A_370 = arith.constant 0 : i32
        %cond3A_371 = arith.cmpi ne, %convert_element_type3A_369, %cond3A_370 : i32
        scf.if %cond3A_371 {
          %add3A_415 = arith.addi %add3A, %while3A_289 : i32
          %mul3A_416 = arith.constant 64 : i32
          %mul3A_417 = arith.muli %add3A_415, %mul3A_416 : i32
          %add3A_418 = arith.constant 320000 : i32
          %add3A_419 = arith.addi %add3A_418, %mul3A_417 : i32
          %dma_wait3A_420 = arith.constant 3 : i32
          %dma_wait3A_421 = arith.constant 0 : i32
          %dma_wait3A_422 = tpu.memref_slice %arg9[%dma_wait3A_420, %dma_wait3A_421] : memref<6x64xi32, #tpu.memory_space<vmem>> -> memref<1x64xi32, #tpu.memory_space<vmem>>
          %dma_wait3A_423 = tpu.memref_squeeze %dma_wait3A_422 : memref<1x64xi32, #tpu.memory_space<vmem>> -> memref<64xi32, #tpu.memory_space<vmem>>
          %dma_wait3A_424 = tpu.memref_slice %arg2[%add3A_419] : memref<640000xi32, #tpu.memory_space<hbm>> -> memref<64xi32, #tpu.memory_space<hbm>>
          %dma_wait3A_425 = arith.constant 0 : i32
          %dma_wait3A_426 = tpu.memref_slice %arg9[%dma_wait3A_420, %dma_wait3A_425] : memref<6x64xi32, #tpu.memory_space<vmem>> -> memref<1x64xi32, #tpu.memory_space<vmem>>
          %dma_wait3A_427 = tpu.memref_squeeze %dma_wait3A_426 : memref<1x64xi32, #tpu.memory_space<vmem>> -> memref<64xi32, #tpu.memory_space<vmem>>
          %dma_wait3A_428 = tpu.memref_slice %arg2[%add3A_419] : memref<640000xi32, #tpu.memory_space<hbm>> -> memref<64xi32, #tpu.memory_space<hbm>>
          tpu.wait_dma2 semaphore(%arg14 : memref<!tpu.dma_semaphore, #tpu.memory_space<semaphore_mem>>) src(%dma_wait3A_428 : memref<64xi32, #tpu.memory_space<hbm>>) dst(%dma_wait3A_427 : memref<64xi32, #tpu.memory_space<vmem>>)
          %add3A_429 = arith.addi %add3A, %while3A_289 : i32
          %dma_wait3A_430 = arith.constant 3 : i32
          %dma_wait3A_431 = arith.constant 0 : i32
          %dma_wait3A_432 = arith.constant 0 : i32
          %dma_wait3A_433 = tpu.memref_slice %arg10[%dma_wait3A_430, %dma_wait3A_431, %dma_wait3A_432] : memref<6x64x128xf32, #tpu.memory_space<vmem>> -> memref<1x64x128xf32, #tpu.memory_space<vmem>>
          %dma_wait3A_434 = tpu.memref_squeeze %dma_wait3A_433 : memref<1x64x128xf32, #tpu.memory_space<vmem>> -> memref<64x128xf32, #tpu.memory_space<vmem>>
          %dma_wait3A_435 = arith.constant 0 : i32
          %dma_wait3A_436 = arith.constant 0 : i32
          %dma_wait3A_437 = tpu.memref_slice %arg4[%add3A_429, %dma_wait3A_435, %dma_wait3A_436] : memref<5000x64x128xf32, #tpu.memory_space<hbm>> -> memref<1x64x128xf32, #tpu.memory_space<hbm>>
          %dma_wait3A_438 = tpu.memref_squeeze %dma_wait3A_437 : memref<1x64x128xf32, #tpu.memory_space<hbm>> -> memref<64x128xf32, #tpu.memory_space<hbm>>
          %dma_wait3A_439 = arith.constant 0 : i32
          %dma_wait3A_440 = arith.constant 0 : i32
          %dma_wait3A_441 = tpu.memref_slice %arg10[%dma_wait3A_430, %dma_wait3A_439, %dma_wait3A_440] : memref<6x64x128xf32, #tpu.memory_space<vmem>> -> memref<1x64x128xf32, #tpu.memory_space<vmem>>
          %dma_wait3A_442 = tpu.memref_squeeze %dma_wait3A_441 : memref<1x64x128xf32, #tpu.memory_space<vmem>> -> memref<64x128xf32, #tpu.memory_space<vmem>>
          %dma_wait3A_443 = arith.constant 0 : i32
          %dma_wait3A_444 = arith.constant 0 : i32
          %dma_wait3A_445 = tpu.memref_slice %arg4[%add3A_429, %dma_wait3A_443, %dma_wait3A_444] : memref<5000x64x128xf32, #tpu.memory_space<hbm>> -> memref<1x64x128xf32, #tpu.memory_space<hbm>>
          %dma_wait3A_446 = tpu.memref_squeeze %dma_wait3A_445 : memref<1x64x128xf32, #tpu.memory_space<hbm>> -> memref<64x128xf32, #tpu.memory_space<hbm>>
          tpu.wait_dma2 semaphore(%arg14 : memref<!tpu.dma_semaphore, #tpu.memory_space<semaphore_mem>>) src(%dma_wait3A_446 : memref<64x128xf32, #tpu.memory_space<hbm>>) dst(%dma_wait3A_442 : memref<64x128xf32, #tpu.memory_space<vmem>>)
          %dma_start3A_447 = arith.constant 3 : i32
          %dma_start3A_448 = arith.constant 3 : i32
          %dma_start3A_449 = arith.constant 0 : i32
          %dma_start3A_450 = arith.constant 0 : i32
          %dma_start3A_451 = tpu.memref_slice %arg10[%dma_start3A_447, %dma_start3A_449, %dma_start3A_450] : memref<6x64x128xf32, #tpu.memory_space<vmem>> -> memref<1x64x128xf32, #tpu.memory_space<vmem>>
          %dma_start3A_452 = tpu.memref_squeeze %dma_start3A_451 : memref<1x64x128xf32, #tpu.memory_space<vmem>> -> memref<64x128xf32, #tpu.memory_space<vmem>>
          %dma_start3A_453 = arith.constant 0 : i32
          %dma_start3A_454 = tpu.memref_slice %arg9[%dma_start3A_448, %dma_start3A_453] : memref<6x64xi32, #tpu.memory_space<vmem>> -> memref<1x64xi32, #tpu.memory_space<vmem>>
          %dma_start3A_455 = tpu.memref_squeeze %dma_start3A_454 : memref<1x64xi32, #tpu.memory_space<vmem>> -> memref<64xi32, #tpu.memory_space<vmem>>
          %dma_start3A_456 = arith.constant 0 : i32
          %dma_start3A_457 = arith.constant 0 : i32
          %dma_start3A_458 = tpu.memref_slice %arg8[%dma_start3A_456, %dma_start3A_457] : memref<10000x128xf32, #tpu.memory_space<vmem_shared>> -> memref<10000x128xf32, #tpu.memory_space<vmem_shared>>
          tpu.enqueue_indirect_dma source(%dma_start3A_452 : memref<64x128xf32, #tpu.memory_space<vmem>>) target(%dma_start3A_458 : memref<10000x128xf32, #tpu.memory_space<vmem_shared>>) offsets(%dma_start3A_455 : memref<64xi32, #tpu.memory_space<vmem>>) semaphore(%arg20 : memref<!tpu.dma_semaphore, #tpu.memory_space<semaphore_mem>>) {add = true}
          %add3A_459 = arith.constant 6 : i32
          %add3A_460 = arith.addi %while3A_289, %add3A_459 : i32
          %sub3A = arith.constant 1 : i32
          %sub3A_461 = arith.subi %add3A_460, %sub3A : i32
          %lt3A_462 = arith.cmpi slt, %sub3A_461, %select_n3A : i32
          %convert_element_type3A_463 = arith.extui %lt3A_462 : i1 to i32
          %cond3A_464 = arith.constant 0 : i32
          %cond3A_465 = arith.cmpi ne, %convert_element_type3A_463, %cond3A_464 : i32
          scf.if %cond3A_465 {
            %ge3A = arith.constant 1 : i32
            %ge3A_466 = arith.cmpi sge, %while3A_289, %ge3A : i32
            %convert_element_type3A_467 = arith.extui %ge3A_466 : i1 to i32
            %cond3A_468 = arith.constant 0 : i32
            %cond3A_469 = arith.cmpi ne, %convert_element_type3A_467, %cond3A_468 : i32
            scf.if %cond3A_469 {
              %dma_wait3A_502 = arith.constant 2 : i32
              %dma_wait3A_503 = arith.constant 2 : i32
              %dma_wait3A_504 = arith.constant 0 : i32
              %dma_wait3A_505 = arith.constant 0 : i32
              %dma_wait3A_506 = tpu.memref_slice %arg10[%dma_wait3A_502, %dma_wait3A_504, %dma_wait3A_505] : memref<6x64x128xf32, #tpu.memory_space<vmem>> -> memref<1x64x128xf32, #tpu.memory_space<vmem>>
              %dma_wait3A_507 = tpu.memref_squeeze %dma_wait3A_506 : memref<1x64x128xf32, #tpu.memory_space<vmem>> -> memref<64x128xf32, #tpu.memory_space<vmem>>
              %dma_wait3A_508 = arith.constant 0 : i32
              %dma_wait3A_509 = tpu.memref_slice %arg9[%dma_wait3A_503, %dma_wait3A_508] : memref<6x64xi32, #tpu.memory_space<vmem>> -> memref<1x64xi32, #tpu.memory_space<vmem>>
              %dma_wait3A_510 = tpu.memref_squeeze %dma_wait3A_509 : memref<1x64xi32, #tpu.memory_space<vmem>> -> memref<64xi32, #tpu.memory_space<vmem>>
              %dma_wait3A_511 = arith.constant 0 : i32
              %dma_wait3A_512 = arith.constant 0 : i32
              %dma_wait3A_513 = tpu.memref_slice %arg8[%dma_wait3A_511, %dma_wait3A_512] : memref<10000x128xf32, #tpu.memory_space<vmem_shared>> -> memref<10000x128xf32, #tpu.memory_space<vmem_shared>>
              tpu.wait_indirect_dma semaphore(%arg19 : memref<!tpu.dma_semaphore, #tpu.memory_space<semaphore_mem>>) src(%dma_wait3A_507 : memref<64x128xf32, #tpu.memory_space<vmem>>) dst(%dma_wait3A_513 : memref<10000x128xf32, #tpu.memory_space<vmem_shared>>)
            } else {
            }
            %add3A_470 = arith.addi %add3A, %sub3A_461 : i32
            %mul3A_471 = arith.constant 64 : i32
            %mul3A_472 = arith.muli %add3A_470, %mul3A_471 : i32
            %add3A_473 = arith.constant 320000 : i32
            %add3A_474 = arith.addi %add3A_473, %mul3A_472 : i32
            %dma_start3A_475 = arith.constant 2 : i32
            %dma_start3A_476 = arith.constant 0 : i32
            %dma_start3A_477 = tpu.memref_slice %arg9[%dma_start3A_475, %dma_start3A_476] : memref<6x64xi32, #tpu.memory_space<vmem>> -> memref<1x64xi32, #tpu.memory_space<vmem>>
            %dma_start3A_478 = tpu.memref_squeeze %dma_start3A_477 : memref<1x64xi32, #tpu.memory_space<vmem>> -> memref<64xi32, #tpu.memory_space<vmem>>
            %dma_start3A_479 = tpu.memref_slice %arg2[%add3A_474] : memref<640000xi32, #tpu.memory_space<hbm>> -> memref<64xi32, #tpu.memory_space<hbm>>
            %dma_start3A_480 = arith.constant 0 : i32
            %dma_start3A_481 = tpu.memref_slice %arg9[%dma_start3A_475, %dma_start3A_480] : memref<6x64xi32, #tpu.memory_space<vmem>> -> memref<1x64xi32, #tpu.memory_space<vmem>>
            %dma_start3A_482 = tpu.memref_squeeze %dma_start3A_481 : memref<1x64xi32, #tpu.memory_space<vmem>> -> memref<64xi32, #tpu.memory_space<vmem>>
            %dma_start3A_483 = tpu.memref_slice %arg2[%add3A_474] : memref<640000xi32, #tpu.memory_space<hbm>> -> memref<64xi32, #tpu.memory_space<hbm>>
            tpu.enqueue_dma source(%dma_start3A_483 : memref<64xi32, #tpu.memory_space<hbm>>) target(%dma_start3A_482 : memref<64xi32, #tpu.memory_space<vmem>>) target_semaphore(%arg13 : memref<!tpu.dma_semaphore, #tpu.memory_space<semaphore_mem>>)
            %add3A_484 = arith.addi %add3A, %sub3A_461 : i32
            %dma_start3A_485 = arith.constant 2 : i32
            %dma_start3A_486 = arith.constant 0 : i32
            %dma_start3A_487 = arith.constant 0 : i32
            %dma_start3A_488 = tpu.memref_slice %arg10[%dma_start3A_485, %dma_start3A_486, %dma_start3A_487] : memref<6x64x128xf32, #tpu.memory_space<vmem>> -> memref<1x64x128xf32, #tpu.memory_space<vmem>>
            %dma_start3A_489 = tpu.memref_squeeze %dma_start3A_488 : memref<1x64x128xf32, #tpu.memory_space<vmem>> -> memref<64x128xf32, #tpu.memory_space<vmem>>
            %dma_start3A_490 = arith.constant 0 : i32
            %dma_start3A_491 = arith.constant 0 : i32
            %dma_start3A_492 = tpu.memref_slice %arg4[%add3A_484, %dma_start3A_490, %dma_start3A_491] : memref<5000x64x128xf32, #tpu.memory_space<hbm>> -> memref<1x64x128xf32, #tpu.memory_space<hbm>>
            %dma_start3A_493 = tpu.memref_squeeze %dma_start3A_492 : memref<1x64x128xf32, #tpu.memory_space<hbm>> -> memref<64x128xf32, #tpu.memory_space<hbm>>
            %dma_start3A_494 = arith.constant 0 : i32
            %dma_start3A_495 = arith.constant 0 : i32
            %dma_start3A_496 = tpu.memref_slice %arg10[%dma_start3A_485, %dma_start3A_494, %dma_start3A_495] : memref<6x64x128xf32, #tpu.memory_space<vmem>> -> memref<1x64x128xf32, #tpu.memory_space<vmem>>
            %dma_start3A_497 = tpu.memref_squeeze %dma_start3A_496 : memref<1x64x128xf32, #tpu.memory_space<vmem>> -> memref<64x128xf32, #tpu.memory_space<vmem>>
            %dma_start3A_498 = arith.constant 0 : i32
            %dma_start3A_499 = arith.constant 0 : i32
            %dma_start3A_500 = tpu.memref_slice %arg4[%add3A_484, %dma_start3A_498, %dma_start3A_499] : memref<5000x64x128xf32, #tpu.memory_space<hbm>> -> memref<1x64x128xf32, #tpu.memory_space<hbm>>
            %dma_start3A_501 = tpu.memref_squeeze %dma_start3A_500 : memref<1x64x128xf32, #tpu.memory_space<hbm>> -> memref<64x128xf32, #tpu.memory_space<hbm>>
            tpu.enqueue_dma source(%dma_start3A_501 : memref<64x128xf32, #tpu.memory_space<hbm>>) target(%dma_start3A_497 : memref<64x128xf32, #tpu.memory_space<vmem>>) target_semaphore(%arg13 : memref<!tpu.dma_semaphore, #tpu.memory_space<semaphore_mem>>)
          } else {
          }
        } else {
        }
        %jit3A_372 = arith.constant 6 : i32
        %eq3A_373 = arith.constant 0 : i32
        %eq3A_374 = arith.cmpi eq, %jit3A_372, %eq3A_373 : i32
        %jit3A_375 = arith.constant 1 : i32
        %select_n3A_376 = arith.select %eq3A_374, %jit3A_375, %jit3A_372 : i32
        %rem3A_377 = arith.remsi %while3A_289, %select_n3A_376 : i32
        %ne3A_378 = arith.constant 0 : i32
        %ne3A_379 = arith.cmpi ne, %rem3A_377, %ne3A_378 : i32
        %lt3A_380 = arith.constant 0 : i32
        %lt3A_381 = arith.cmpi slt, %rem3A_377, %lt3A_380 : i32
        %lt3A_382 = arith.constant 0 : i32
        %lt3A_383 = arith.cmpi slt, %select_n3A_376, %lt3A_382 : i32
        %ne3A_384 = arith.xori %lt3A_381, %lt3A_383 : i1
        %and3A_385 = arith.andi %ne3A_384, %ne3A_379 : i1
        %add3A_386 = arith.addi %rem3A_377, %select_n3A_376 : i32
        %select_n3A_387 = arith.select %and3A_385, %add3A_386, %rem3A_377 : i32
        %eq3A_388 = arith.constant 4 : i32
        %eq3A_389 = arith.cmpi eq, %select_n3A_387, %eq3A_388 : i32
        %convert_element_type3A_390 = arith.extui %eq3A_389 : i1 to i32
        %cond3A_391 = arith.constant 0 : i32
        %cond3A_392 = arith.cmpi ne, %convert_element_type3A_390, %cond3A_391 : i32
        scf.if %cond3A_392 {
          %add3A_415 = arith.addi %add3A, %while3A_289 : i32
          %mul3A_416 = arith.constant 64 : i32
          %mul3A_417 = arith.muli %add3A_415, %mul3A_416 : i32
          %add3A_418 = arith.constant 320000 : i32
          %add3A_419 = arith.addi %add3A_418, %mul3A_417 : i32
          %dma_wait3A_420 = arith.constant 4 : i32
          %dma_wait3A_421 = arith.constant 0 : i32
          %dma_wait3A_422 = tpu.memref_slice %arg9[%dma_wait3A_420, %dma_wait3A_421] : memref<6x64xi32, #tpu.memory_space<vmem>> -> memref<1x64xi32, #tpu.memory_space<vmem>>
          %dma_wait3A_423 = tpu.memref_squeeze %dma_wait3A_422 : memref<1x64xi32, #tpu.memory_space<vmem>> -> memref<64xi32, #tpu.memory_space<vmem>>
          %dma_wait3A_424 = tpu.memref_slice %arg2[%add3A_419] : memref<640000xi32, #tpu.memory_space<hbm>> -> memref<64xi32, #tpu.memory_space<hbm>>
          %dma_wait3A_425 = arith.constant 0 : i32
          %dma_wait3A_426 = tpu.memref_slice %arg9[%dma_wait3A_420, %dma_wait3A_425] : memref<6x64xi32, #tpu.memory_space<vmem>> -> memref<1x64xi32, #tpu.memory_space<vmem>>
          %dma_wait3A_427 = tpu.memref_squeeze %dma_wait3A_426 : memref<1x64xi32, #tpu.memory_space<vmem>> -> memref<64xi32, #tpu.memory_space<vmem>>
          %dma_wait3A_428 = tpu.memref_slice %arg2[%add3A_419] : memref<640000xi32, #tpu.memory_space<hbm>> -> memref<64xi32, #tpu.memory_space<hbm>>
          tpu.wait_dma2 semaphore(%arg15 : memref<!tpu.dma_semaphore, #tpu.memory_space<semaphore_mem>>) src(%dma_wait3A_428 : memref<64xi32, #tpu.memory_space<hbm>>) dst(%dma_wait3A_427 : memref<64xi32, #tpu.memory_space<vmem>>)
          %add3A_429 = arith.addi %add3A, %while3A_289 : i32
          %dma_wait3A_430 = arith.constant 4 : i32
          %dma_wait3A_431 = arith.constant 0 : i32
          %dma_wait3A_432 = arith.constant 0 : i32
          %dma_wait3A_433 = tpu.memref_slice %arg10[%dma_wait3A_430, %dma_wait3A_431, %dma_wait3A_432] : memref<6x64x128xf32, #tpu.memory_space<vmem>> -> memref<1x64x128xf32, #tpu.memory_space<vmem>>
          %dma_wait3A_434 = tpu.memref_squeeze %dma_wait3A_433 : memref<1x64x128xf32, #tpu.memory_space<vmem>> -> memref<64x128xf32, #tpu.memory_space<vmem>>
          %dma_wait3A_435 = arith.constant 0 : i32
          %dma_wait3A_436 = arith.constant 0 : i32
          %dma_wait3A_437 = tpu.memref_slice %arg4[%add3A_429, %dma_wait3A_435, %dma_wait3A_436] : memref<5000x64x128xf32, #tpu.memory_space<hbm>> -> memref<1x64x128xf32, #tpu.memory_space<hbm>>
          %dma_wait3A_438 = tpu.memref_squeeze %dma_wait3A_437 : memref<1x64x128xf32, #tpu.memory_space<hbm>> -> memref<64x128xf32, #tpu.memory_space<hbm>>
          %dma_wait3A_439 = arith.constant 0 : i32
          %dma_wait3A_440 = arith.constant 0 : i32
          %dma_wait3A_441 = tpu.memref_slice %arg10[%dma_wait3A_430, %dma_wait3A_439, %dma_wait3A_440] : memref<6x64x128xf32, #tpu.memory_space<vmem>> -> memref<1x64x128xf32, #tpu.memory_space<vmem>>
          %dma_wait3A_442 = tpu.memref_squeeze %dma_wait3A_441 : memref<1x64x128xf32, #tpu.memory_space<vmem>> -> memref<64x128xf32, #tpu.memory_space<vmem>>
          %dma_wait3A_443 = arith.constant 0 : i32
          %dma_wait3A_444 = arith.constant 0 : i32
          %dma_wait3A_445 = tpu.memref_slice %arg4[%add3A_429, %dma_wait3A_443, %dma_wait3A_444] : memref<5000x64x128xf32, #tpu.memory_space<hbm>> -> memref<1x64x128xf32, #tpu.memory_space<hbm>>
          %dma_wait3A_446 = tpu.memref_squeeze %dma_wait3A_445 : memref<1x64x128xf32, #tpu.memory_space<hbm>> -> memref<64x128xf32, #tpu.memory_space<hbm>>
          tpu.wait_dma2 semaphore(%arg15 : memref<!tpu.dma_semaphore, #tpu.memory_space<semaphore_mem>>) src(%dma_wait3A_446 : memref<64x128xf32, #tpu.memory_space<hbm>>) dst(%dma_wait3A_442 : memref<64x128xf32, #tpu.memory_space<vmem>>)
          %dma_start3A_447 = arith.constant 4 : i32
          %dma_start3A_448 = arith.constant 4 : i32
          %dma_start3A_449 = arith.constant 0 : i32
          %dma_start3A_450 = arith.constant 0 : i32
          %dma_start3A_451 = tpu.memref_slice %arg10[%dma_start3A_447, %dma_start3A_449, %dma_start3A_450] : memref<6x64x128xf32, #tpu.memory_space<vmem>> -> memref<1x64x128xf32, #tpu.memory_space<vmem>>
          %dma_start3A_452 = tpu.memref_squeeze %dma_start3A_451 : memref<1x64x128xf32, #tpu.memory_space<vmem>> -> memref<64x128xf32, #tpu.memory_space<vmem>>
          %dma_start3A_453 = arith.constant 0 : i32
          %dma_start3A_454 = tpu.memref_slice %arg9[%dma_start3A_448, %dma_start3A_453] : memref<6x64xi32, #tpu.memory_space<vmem>> -> memref<1x64xi32, #tpu.memory_space<vmem>>
          %dma_start3A_455 = tpu.memref_squeeze %dma_start3A_454 : memref<1x64xi32, #tpu.memory_space<vmem>> -> memref<64xi32, #tpu.memory_space<vmem>>
          %dma_start3A_456 = arith.constant 0 : i32
          %dma_start3A_457 = arith.constant 0 : i32
          %dma_start3A_458 = tpu.memref_slice %arg8[%dma_start3A_456, %dma_start3A_457] : memref<10000x128xf32, #tpu.memory_space<vmem_shared>> -> memref<10000x128xf32, #tpu.memory_space<vmem_shared>>
          tpu.enqueue_indirect_dma source(%dma_start3A_452 : memref<64x128xf32, #tpu.memory_space<vmem>>) target(%dma_start3A_458 : memref<10000x128xf32, #tpu.memory_space<vmem_shared>>) offsets(%dma_start3A_455 : memref<64xi32, #tpu.memory_space<vmem>>) semaphore(%arg21 : memref<!tpu.dma_semaphore, #tpu.memory_space<semaphore_mem>>) {add = true}
          %add3A_459 = arith.constant 6 : i32
          %add3A_460 = arith.addi %while3A_289, %add3A_459 : i32
          %sub3A = arith.constant 1 : i32
          %sub3A_461 = arith.subi %add3A_460, %sub3A : i32
          %lt3A_462 = arith.cmpi slt, %sub3A_461, %select_n3A : i32
          %convert_element_type3A_463 = arith.extui %lt3A_462 : i1 to i32
          %cond3A_464 = arith.constant 0 : i32
          %cond3A_465 = arith.cmpi ne, %convert_element_type3A_463, %cond3A_464 : i32
          scf.if %cond3A_465 {
            %ge3A = arith.constant 1 : i32
            %ge3A_466 = arith.cmpi sge, %while3A_289, %ge3A : i32
            %convert_element_type3A_467 = arith.extui %ge3A_466 : i1 to i32
            %cond3A_468 = arith.constant 0 : i32
            %cond3A_469 = arith.cmpi ne, %convert_element_type3A_467, %cond3A_468 : i32
            scf.if %cond3A_469 {
              %dma_wait3A_502 = arith.constant 3 : i32
              %dma_wait3A_503 = arith.constant 3 : i32
              %dma_wait3A_504 = arith.constant 0 : i32
              %dma_wait3A_505 = arith.constant 0 : i32
              %dma_wait3A_506 = tpu.memref_slice %arg10[%dma_wait3A_502, %dma_wait3A_504, %dma_wait3A_505] : memref<6x64x128xf32, #tpu.memory_space<vmem>> -> memref<1x64x128xf32, #tpu.memory_space<vmem>>
              %dma_wait3A_507 = tpu.memref_squeeze %dma_wait3A_506 : memref<1x64x128xf32, #tpu.memory_space<vmem>> -> memref<64x128xf32, #tpu.memory_space<vmem>>
              %dma_wait3A_508 = arith.constant 0 : i32
              %dma_wait3A_509 = tpu.memref_slice %arg9[%dma_wait3A_503, %dma_wait3A_508] : memref<6x64xi32, #tpu.memory_space<vmem>> -> memref<1x64xi32, #tpu.memory_space<vmem>>
              %dma_wait3A_510 = tpu.memref_squeeze %dma_wait3A_509 : memref<1x64xi32, #tpu.memory_space<vmem>> -> memref<64xi32, #tpu.memory_space<vmem>>
              %dma_wait3A_511 = arith.constant 0 : i32
              %dma_wait3A_512 = arith.constant 0 : i32
              %dma_wait3A_513 = tpu.memref_slice %arg8[%dma_wait3A_511, %dma_wait3A_512] : memref<10000x128xf32, #tpu.memory_space<vmem_shared>> -> memref<10000x128xf32, #tpu.memory_space<vmem_shared>>
              tpu.wait_indirect_dma semaphore(%arg20 : memref<!tpu.dma_semaphore, #tpu.memory_space<semaphore_mem>>) src(%dma_wait3A_507 : memref<64x128xf32, #tpu.memory_space<vmem>>) dst(%dma_wait3A_513 : memref<10000x128xf32, #tpu.memory_space<vmem_shared>>)
            } else {
            }
            %add3A_470 = arith.addi %add3A, %sub3A_461 : i32
            %mul3A_471 = arith.constant 64 : i32
            %mul3A_472 = arith.muli %add3A_470, %mul3A_471 : i32
            %add3A_473 = arith.constant 320000 : i32
            %add3A_474 = arith.addi %add3A_473, %mul3A_472 : i32
            %dma_start3A_475 = arith.constant 3 : i32
            %dma_start3A_476 = arith.constant 0 : i32
            %dma_start3A_477 = tpu.memref_slice %arg9[%dma_start3A_475, %dma_start3A_476] : memref<6x64xi32, #tpu.memory_space<vmem>> -> memref<1x64xi32, #tpu.memory_space<vmem>>
            %dma_start3A_478 = tpu.memref_squeeze %dma_start3A_477 : memref<1x64xi32, #tpu.memory_space<vmem>> -> memref<64xi32, #tpu.memory_space<vmem>>
            %dma_start3A_479 = tpu.memref_slice %arg2[%add3A_474] : memref<640000xi32, #tpu.memory_space<hbm>> -> memref<64xi32, #tpu.memory_space<hbm>>
            %dma_start3A_480 = arith.constant 0 : i32
            %dma_start3A_481 = tpu.memref_slice %arg9[%dma_start3A_475, %dma_start3A_480] : memref<6x64xi32, #tpu.memory_space<vmem>> -> memref<1x64xi32, #tpu.memory_space<vmem>>
            %dma_start3A_482 = tpu.memref_squeeze %dma_start3A_481 : memref<1x64xi32, #tpu.memory_space<vmem>> -> memref<64xi32, #tpu.memory_space<vmem>>
            %dma_start3A_483 = tpu.memref_slice %arg2[%add3A_474] : memref<640000xi32, #tpu.memory_space<hbm>> -> memref<64xi32, #tpu.memory_space<hbm>>
            tpu.enqueue_dma source(%dma_start3A_483 : memref<64xi32, #tpu.memory_space<hbm>>) target(%dma_start3A_482 : memref<64xi32, #tpu.memory_space<vmem>>) target_semaphore(%arg14 : memref<!tpu.dma_semaphore, #tpu.memory_space<semaphore_mem>>)
            %add3A_484 = arith.addi %add3A, %sub3A_461 : i32
            %dma_start3A_485 = arith.constant 3 : i32
            %dma_start3A_486 = arith.constant 0 : i32
            %dma_start3A_487 = arith.constant 0 : i32
            %dma_start3A_488 = tpu.memref_slice %arg10[%dma_start3A_485, %dma_start3A_486, %dma_start3A_487] : memref<6x64x128xf32, #tpu.memory_space<vmem>> -> memref<1x64x128xf32, #tpu.memory_space<vmem>>
            %dma_start3A_489 = tpu.memref_squeeze %dma_start3A_488 : memref<1x64x128xf32, #tpu.memory_space<vmem>> -> memref<64x128xf32, #tpu.memory_space<vmem>>
            %dma_start3A_490 = arith.constant 0 : i32
            %dma_start3A_491 = arith.constant 0 : i32
            %dma_start3A_492 = tpu.memref_slice %arg4[%add3A_484, %dma_start3A_490, %dma_start3A_491] : memref<5000x64x128xf32, #tpu.memory_space<hbm>> -> memref<1x64x128xf32, #tpu.memory_space<hbm>>
            %dma_start3A_493 = tpu.memref_squeeze %dma_start3A_492 : memref<1x64x128xf32, #tpu.memory_space<hbm>> -> memref<64x128xf32, #tpu.memory_space<hbm>>
            %dma_start3A_494 = arith.constant 0 : i32
            %dma_start3A_495 = arith.constant 0 : i32
            %dma_start3A_496 = tpu.memref_slice %arg10[%dma_start3A_485, %dma_start3A_494, %dma_start3A_495] : memref<6x64x128xf32, #tpu.memory_space<vmem>> -> memref<1x64x128xf32, #tpu.memory_space<vmem>>
            %dma_start3A_497 = tpu.memref_squeeze %dma_start3A_496 : memref<1x64x128xf32, #tpu.memory_space<vmem>> -> memref<64x128xf32, #tpu.memory_space<vmem>>
            %dma_start3A_498 = arith.constant 0 : i32
            %dma_start3A_499 = arith.constant 0 : i32
            %dma_start3A_500 = tpu.memref_slice %arg4[%add3A_484, %dma_start3A_498, %dma_start3A_499] : memref<5000x64x128xf32, #tpu.memory_space<hbm>> -> memref<1x64x128xf32, #tpu.memory_space<hbm>>
            %dma_start3A_501 = tpu.memref_squeeze %dma_start3A_500 : memref<1x64x128xf32, #tpu.memory_space<hbm>> -> memref<64x128xf32, #tpu.memory_space<hbm>>
            tpu.enqueue_dma source(%dma_start3A_501 : memref<64x128xf32, #tpu.memory_space<hbm>>) target(%dma_start3A_497 : memref<64x128xf32, #tpu.memory_space<vmem>>) target_semaphore(%arg14 : memref<!tpu.dma_semaphore, #tpu.memory_space<semaphore_mem>>)
          } else {
          }
        } else {
        }
        %jit3A_393 = arith.constant 6 : i32
        %eq3A_394 = arith.constant 0 : i32
        %eq3A_395 = arith.cmpi eq, %jit3A_393, %eq3A_394 : i32
        %jit3A_396 = arith.constant 1 : i32
        %select_n3A_397 = arith.select %eq3A_395, %jit3A_396, %jit3A_393 : i32
        %rem3A_398 = arith.remsi %while3A_289, %select_n3A_397 : i32
        %ne3A_399 = arith.constant 0 : i32
        %ne3A_400 = arith.cmpi ne, %rem3A_398, %ne3A_399 : i32
        %lt3A_401 = arith.constant 0 : i32
        %lt3A_402 = arith.cmpi slt, %rem3A_398, %lt3A_401 : i32
        %lt3A_403 = arith.constant 0 : i32
        %lt3A_404 = arith.cmpi slt, %select_n3A_397, %lt3A_403 : i32
        %ne3A_405 = arith.xori %lt3A_402, %lt3A_404 : i1
        %and3A_406 = arith.andi %ne3A_405, %ne3A_400 : i1
        %add3A_407 = arith.addi %rem3A_398, %select_n3A_397 : i32
        %select_n3A_408 = arith.select %and3A_406, %add3A_407, %rem3A_398 : i32
        %eq3A_409 = arith.constant 5 : i32
        %eq3A_410 = arith.cmpi eq, %select_n3A_408, %eq3A_409 : i32
        %convert_element_type3A_411 = arith.extui %eq3A_410 : i1 to i32
        %cond3A_412 = arith.constant 0 : i32
        %cond3A_413 = arith.cmpi ne, %convert_element_type3A_411, %cond3A_412 : i32
        scf.if %cond3A_413 {
          %add3A_415 = arith.addi %add3A, %while3A_289 : i32
          %mul3A_416 = arith.constant 64 : i32
          %mul3A_417 = arith.muli %add3A_415, %mul3A_416 : i32
          %add3A_418 = arith.constant 320000 : i32
          %add3A_419 = arith.addi %add3A_418, %mul3A_417 : i32
          %dma_wait3A_420 = arith.constant 5 : i32
          %dma_wait3A_421 = arith.constant 0 : i32
          %dma_wait3A_422 = tpu.memref_slice %arg9[%dma_wait3A_420, %dma_wait3A_421] : memref<6x64xi32, #tpu.memory_space<vmem>> -> memref<1x64xi32, #tpu.memory_space<vmem>>
          %dma_wait3A_423 = tpu.memref_squeeze %dma_wait3A_422 : memref<1x64xi32, #tpu.memory_space<vmem>> -> memref<64xi32, #tpu.memory_space<vmem>>
          %dma_wait3A_424 = tpu.memref_slice %arg2[%add3A_419] : memref<640000xi32, #tpu.memory_space<hbm>> -> memref<64xi32, #tpu.memory_space<hbm>>
          %dma_wait3A_425 = arith.constant 0 : i32
          %dma_wait3A_426 = tpu.memref_slice %arg9[%dma_wait3A_420, %dma_wait3A_425] : memref<6x64xi32, #tpu.memory_space<vmem>> -> memref<1x64xi32, #tpu.memory_space<vmem>>
          %dma_wait3A_427 = tpu.memref_squeeze %dma_wait3A_426 : memref<1x64xi32, #tpu.memory_space<vmem>> -> memref<64xi32, #tpu.memory_space<vmem>>
          %dma_wait3A_428 = tpu.memref_slice %arg2[%add3A_419] : memref<640000xi32, #tpu.memory_space<hbm>> -> memref<64xi32, #tpu.memory_space<hbm>>
          tpu.wait_dma2 semaphore(%arg16 : memref<!tpu.dma_semaphore, #tpu.memory_space<semaphore_mem>>) src(%dma_wait3A_428 : memref<64xi32, #tpu.memory_space<hbm>>) dst(%dma_wait3A_427 : memref<64xi32, #tpu.memory_space<vmem>>)
          %add3A_429 = arith.addi %add3A, %while3A_289 : i32
          %dma_wait3A_430 = arith.constant 5 : i32
          %dma_wait3A_431 = arith.constant 0 : i32
          %dma_wait3A_432 = arith.constant 0 : i32
          %dma_wait3A_433 = tpu.memref_slice %arg10[%dma_wait3A_430, %dma_wait3A_431, %dma_wait3A_432] : memref<6x64x128xf32, #tpu.memory_space<vmem>> -> memref<1x64x128xf32, #tpu.memory_space<vmem>>
          %dma_wait3A_434 = tpu.memref_squeeze %dma_wait3A_433 : memref<1x64x128xf32, #tpu.memory_space<vmem>> -> memref<64x128xf32, #tpu.memory_space<vmem>>
          %dma_wait3A_435 = arith.constant 0 : i32
          %dma_wait3A_436 = arith.constant 0 : i32
          %dma_wait3A_437 = tpu.memref_slice %arg4[%add3A_429, %dma_wait3A_435, %dma_wait3A_436] : memref<5000x64x128xf32, #tpu.memory_space<hbm>> -> memref<1x64x128xf32, #tpu.memory_space<hbm>>
          %dma_wait3A_438 = tpu.memref_squeeze %dma_wait3A_437 : memref<1x64x128xf32, #tpu.memory_space<hbm>> -> memref<64x128xf32, #tpu.memory_space<hbm>>
          %dma_wait3A_439 = arith.constant 0 : i32
          %dma_wait3A_440 = arith.constant 0 : i32
          %dma_wait3A_441 = tpu.memref_slice %arg10[%dma_wait3A_430, %dma_wait3A_439, %dma_wait3A_440] : memref<6x64x128xf32, #tpu.memory_space<vmem>> -> memref<1x64x128xf32, #tpu.memory_space<vmem>>
          %dma_wait3A_442 = tpu.memref_squeeze %dma_wait3A_441 : memref<1x64x128xf32, #tpu.memory_space<vmem>> -> memref<64x128xf32, #tpu.memory_space<vmem>>
          %dma_wait3A_443 = arith.constant 0 : i32
          %dma_wait3A_444 = arith.constant 0 : i32
          %dma_wait3A_445 = tpu.memref_slice %arg4[%add3A_429, %dma_wait3A_443, %dma_wait3A_444] : memref<5000x64x128xf32, #tpu.memory_space<hbm>> -> memref<1x64x128xf32, #tpu.memory_space<hbm>>
          %dma_wait3A_446 = tpu.memref_squeeze %dma_wait3A_445 : memref<1x64x128xf32, #tpu.memory_space<hbm>> -> memref<64x128xf32, #tpu.memory_space<hbm>>
          tpu.wait_dma2 semaphore(%arg16 : memref<!tpu.dma_semaphore, #tpu.memory_space<semaphore_mem>>) src(%dma_wait3A_446 : memref<64x128xf32, #tpu.memory_space<hbm>>) dst(%dma_wait3A_442 : memref<64x128xf32, #tpu.memory_space<vmem>>)
          %dma_start3A_447 = arith.constant 5 : i32
          %dma_start3A_448 = arith.constant 5 : i32
          %dma_start3A_449 = arith.constant 0 : i32
          %dma_start3A_450 = arith.constant 0 : i32
          %dma_start3A_451 = tpu.memref_slice %arg10[%dma_start3A_447, %dma_start3A_449, %dma_start3A_450] : memref<6x64x128xf32, #tpu.memory_space<vmem>> -> memref<1x64x128xf32, #tpu.memory_space<vmem>>
          %dma_start3A_452 = tpu.memref_squeeze %dma_start3A_451 : memref<1x64x128xf32, #tpu.memory_space<vmem>> -> memref<64x128xf32, #tpu.memory_space<vmem>>
          %dma_start3A_453 = arith.constant 0 : i32
          %dma_start3A_454 = tpu.memref_slice %arg9[%dma_start3A_448, %dma_start3A_453] : memref<6x64xi32, #tpu.memory_space<vmem>> -> memref<1x64xi32, #tpu.memory_space<vmem>>
          %dma_start3A_455 = tpu.memref_squeeze %dma_start3A_454 : memref<1x64xi32, #tpu.memory_space<vmem>> -> memref<64xi32, #tpu.memory_space<vmem>>
          %dma_start3A_456 = arith.constant 0 : i32
          %dma_start3A_457 = arith.constant 0 : i32
          %dma_start3A_458 = tpu.memref_slice %arg8[%dma_start3A_456, %dma_start3A_457] : memref<10000x128xf32, #tpu.memory_space<vmem_shared>> -> memref<10000x128xf32, #tpu.memory_space<vmem_shared>>
          tpu.enqueue_indirect_dma source(%dma_start3A_452 : memref<64x128xf32, #tpu.memory_space<vmem>>) target(%dma_start3A_458 : memref<10000x128xf32, #tpu.memory_space<vmem_shared>>) offsets(%dma_start3A_455 : memref<64xi32, #tpu.memory_space<vmem>>) semaphore(%arg22 : memref<!tpu.dma_semaphore, #tpu.memory_space<semaphore_mem>>) {add = true}
          %add3A_459 = arith.constant 6 : i32
          %add3A_460 = arith.addi %while3A_289, %add3A_459 : i32
          %sub3A = arith.constant 1 : i32
          %sub3A_461 = arith.subi %add3A_460, %sub3A : i32
          %lt3A_462 = arith.cmpi slt, %sub3A_461, %select_n3A : i32
          %convert_element_type3A_463 = arith.extui %lt3A_462 : i1 to i32
          %cond3A_464 = arith.constant 0 : i32
          %cond3A_465 = arith.cmpi ne, %convert_element_type3A_463, %cond3A_464 : i32
          scf.if %cond3A_465 {
            %ge3A = arith.constant 1 : i32
            %ge3A_466 = arith.cmpi sge, %while3A_289, %ge3A : i32
            %convert_element_type3A_467 = arith.extui %ge3A_466 : i1 to i32
            %cond3A_468 = arith.constant 0 : i32
            %cond3A_469 = arith.cmpi ne, %convert_element_type3A_467, %cond3A_468 : i32
            scf.if %cond3A_469 {
              %dma_wait3A_502 = arith.constant 4 : i32
              %dma_wait3A_503 = arith.constant 4 : i32
              %dma_wait3A_504 = arith.constant 0 : i32
              %dma_wait3A_505 = arith.constant 0 : i32
              %dma_wait3A_506 = tpu.memref_slice %arg10[%dma_wait3A_502, %dma_wait3A_504, %dma_wait3A_505] : memref<6x64x128xf32, #tpu.memory_space<vmem>> -> memref<1x64x128xf32, #tpu.memory_space<vmem>>
              %dma_wait3A_507 = tpu.memref_squeeze %dma_wait3A_506 : memref<1x64x128xf32, #tpu.memory_space<vmem>> -> memref<64x128xf32, #tpu.memory_space<vmem>>
              %dma_wait3A_508 = arith.constant 0 : i32
              %dma_wait3A_509 = tpu.memref_slice %arg9[%dma_wait3A_503, %dma_wait3A_508] : memref<6x64xi32, #tpu.memory_space<vmem>> -> memref<1x64xi32, #tpu.memory_space<vmem>>
              %dma_wait3A_510 = tpu.memref_squeeze %dma_wait3A_509 : memref<1x64xi32, #tpu.memory_space<vmem>> -> memref<64xi32, #tpu.memory_space<vmem>>
              %dma_wait3A_511 = arith.constant 0 : i32
              %dma_wait3A_512 = arith.constant 0 : i32
              %dma_wait3A_513 = tpu.memref_slice %arg8[%dma_wait3A_511, %dma_wait3A_512] : memref<10000x128xf32, #tpu.memory_space<vmem_shared>> -> memref<10000x128xf32, #tpu.memory_space<vmem_shared>>
              tpu.wait_indirect_dma semaphore(%arg21 : memref<!tpu.dma_semaphore, #tpu.memory_space<semaphore_mem>>) src(%dma_wait3A_507 : memref<64x128xf32, #tpu.memory_space<vmem>>) dst(%dma_wait3A_513 : memref<10000x128xf32, #tpu.memory_space<vmem_shared>>)
            } else {
            }
            %add3A_470 = arith.addi %add3A, %sub3A_461 : i32
            %mul3A_471 = arith.constant 64 : i32
            %mul3A_472 = arith.muli %add3A_470, %mul3A_471 : i32
            %add3A_473 = arith.constant 320000 : i32
            %add3A_474 = arith.addi %add3A_473, %mul3A_472 : i32
            %dma_start3A_475 = arith.constant 4 : i32
            %dma_start3A_476 = arith.constant 0 : i32
            %dma_start3A_477 = tpu.memref_slice %arg9[%dma_start3A_475, %dma_start3A_476] : memref<6x64xi32, #tpu.memory_space<vmem>> -> memref<1x64xi32, #tpu.memory_space<vmem>>
            %dma_start3A_478 = tpu.memref_squeeze %dma_start3A_477 : memref<1x64xi32, #tpu.memory_space<vmem>> -> memref<64xi32, #tpu.memory_space<vmem>>
            %dma_start3A_479 = tpu.memref_slice %arg2[%add3A_474] : memref<640000xi32, #tpu.memory_space<hbm>> -> memref<64xi32, #tpu.memory_space<hbm>>
            %dma_start3A_480 = arith.constant 0 : i32
            %dma_start3A_481 = tpu.memref_slice %arg9[%dma_start3A_475, %dma_start3A_480] : memref<6x64xi32, #tpu.memory_space<vmem>> -> memref<1x64xi32, #tpu.memory_space<vmem>>
            %dma_start3A_482 = tpu.memref_squeeze %dma_start3A_481 : memref<1x64xi32, #tpu.memory_space<vmem>> -> memref<64xi32, #tpu.memory_space<vmem>>
            %dma_start3A_483 = tpu.memref_slice %arg2[%add3A_474] : memref<640000xi32, #tpu.memory_space<hbm>> -> memref<64xi32, #tpu.memory_space<hbm>>
            tpu.enqueue_dma source(%dma_start3A_483 : memref<64xi32, #tpu.memory_space<hbm>>) target(%dma_start3A_482 : memref<64xi32, #tpu.memory_space<vmem>>) target_semaphore(%arg15 : memref<!tpu.dma_semaphore, #tpu.memory_space<semaphore_mem>>)
            %add3A_484 = arith.addi %add3A, %sub3A_461 : i32
            %dma_start3A_485 = arith.constant 4 : i32
            %dma_start3A_486 = arith.constant 0 : i32
            %dma_start3A_487 = arith.constant 0 : i32
            %dma_start3A_488 = tpu.memref_slice %arg10[%dma_start3A_485, %dma_start3A_486, %dma_start3A_487] : memref<6x64x128xf32, #tpu.memory_space<vmem>> -> memref<1x64x128xf32, #tpu.memory_space<vmem>>
            %dma_start3A_489 = tpu.memref_squeeze %dma_start3A_488 : memref<1x64x128xf32, #tpu.memory_space<vmem>> -> memref<64x128xf32, #tpu.memory_space<vmem>>
            %dma_start3A_490 = arith.constant 0 : i32
            %dma_start3A_491 = arith.constant 0 : i32
            %dma_start3A_492 = tpu.memref_slice %arg4[%add3A_484, %dma_start3A_490, %dma_start3A_491] : memref<5000x64x128xf32, #tpu.memory_space<hbm>> -> memref<1x64x128xf32, #tpu.memory_space<hbm>>
            %dma_start3A_493 = tpu.memref_squeeze %dma_start3A_492 : memref<1x64x128xf32, #tpu.memory_space<hbm>> -> memref<64x128xf32, #tpu.memory_space<hbm>>
            %dma_start3A_494 = arith.constant 0 : i32
            %dma_start3A_495 = arith.constant 0 : i32
            %dma_start3A_496 = tpu.memref_slice %arg10[%dma_start3A_485, %dma_start3A_494, %dma_start3A_495] : memref<6x64x128xf32, #tpu.memory_space<vmem>> -> memref<1x64x128xf32, #tpu.memory_space<vmem>>
            %dma_start3A_497 = tpu.memref_squeeze %dma_start3A_496 : memref<1x64x128xf32, #tpu.memory_space<vmem>> -> memref<64x128xf32, #tpu.memory_space<vmem>>
            %dma_start3A_498 = arith.constant 0 : i32
            %dma_start3A_499 = arith.constant 0 : i32
            %dma_start3A_500 = tpu.memref_slice %arg4[%add3A_484, %dma_start3A_498, %dma_start3A_499] : memref<5000x64x128xf32, #tpu.memory_space<hbm>> -> memref<1x64x128xf32, #tpu.memory_space<hbm>>
            %dma_start3A_501 = tpu.memref_squeeze %dma_start3A_500 : memref<1x64x128xf32, #tpu.memory_space<hbm>> -> memref<64x128xf32, #tpu.memory_space<hbm>>
            tpu.enqueue_dma source(%dma_start3A_501 : memref<64x128xf32, #tpu.memory_space<hbm>>) target(%dma_start3A_497 : memref<64x128xf32, #tpu.memory_space<vmem>>) target_semaphore(%arg15 : memref<!tpu.dma_semaphore, #tpu.memory_space<semaphore_mem>>)
          } else {
          }
        } else {
        }
        %while3A_414 = arith.constant 0 : i32
        scf.yield %while3A_414 : i32
      }
      %dma_wait3A = arith.constant 0 : i32
      %dma_wait3A_218 = arith.constant 0 : i32
      %dma_wait3A_219 = arith.constant 0 : i32
      %dma_wait3A_220 = arith.constant 0 : i32
      %dma_wait3A_221 = tpu.memref_slice %arg10[%dma_wait3A, %dma_wait3A_219, %dma_wait3A_220] : memref<6x64x128xf32, #tpu.memory_space<vmem>> -> memref<1x64x128xf32, #tpu.memory_space<vmem>>
      %dma_wait3A_222 = tpu.memref_squeeze %dma_wait3A_221 : memref<1x64x128xf32, #tpu.memory_space<vmem>> -> memref<64x128xf32, #tpu.memory_space<vmem>>
      %dma_wait3A_223 = arith.constant 0 : i32
      %dma_wait3A_224 = tpu.memref_slice %arg9[%dma_wait3A_218, %dma_wait3A_223] : memref<6x64xi32, #tpu.memory_space<vmem>> -> memref<1x64xi32, #tpu.memory_space<vmem>>
      %dma_wait3A_225 = tpu.memref_squeeze %dma_wait3A_224 : memref<1x64xi32, #tpu.memory_space<vmem>> -> memref<64xi32, #tpu.memory_space<vmem>>
      %dma_wait3A_226 = arith.constant 0 : i32
      %dma_wait3A_227 = arith.constant 0 : i32
      %dma_wait3A_228 = tpu.memref_slice %arg8[%dma_wait3A_226, %dma_wait3A_227] : memref<10000x128xf32, #tpu.memory_space<vmem_shared>> -> memref<10000x128xf32, #tpu.memory_space<vmem_shared>>
      tpu.wait_indirect_dma semaphore(%arg17 : memref<!tpu.dma_semaphore, #tpu.memory_space<semaphore_mem>>) src(%dma_wait3A_222 : memref<64x128xf32, #tpu.memory_space<vmem>>) dst(%dma_wait3A_228 : memref<10000x128xf32, #tpu.memory_space<vmem_shared>>)
      %dma_wait3A_229 = arith.constant 1 : i32
      %dma_wait3A_230 = arith.constant 1 : i32
      %dma_wait3A_231 = arith.constant 0 : i32
      %dma_wait3A_232 = arith.constant 0 : i32
      %dma_wait3A_233 = tpu.memref_slice %arg10[%dma_wait3A_229, %dma_wait3A_231, %dma_wait3A_232] : memref<6x64x128xf32, #tpu.memory_space<vmem>> -> memref<1x64x128xf32, #tpu.memory_space<vmem>>
      %dma_wait3A_234 = tpu.memref_squeeze %dma_wait3A_233 : memref<1x64x128xf32, #tpu.memory_space<vmem>> -> memref<64x128xf32, #tpu.memory_space<vmem>>
      %dma_wait3A_235 = arith.constant 0 : i32
      %dma_wait3A_236 = tpu.memref_slice %arg9[%dma_wait3A_230, %dma_wait3A_235] : memref<6x64xi32, #tpu.memory_space<vmem>> -> memref<1x64xi32, #tpu.memory_space<vmem>>
      %dma_wait3A_237 = tpu.memref_squeeze %dma_wait3A_236 : memref<1x64xi32, #tpu.memory_space<vmem>> -> memref<64xi32, #tpu.memory_space<vmem>>
      %dma_wait3A_238 = arith.constant 0 : i32
      %dma_wait3A_239 = arith.constant 0 : i32
      %dma_wait3A_240 = tpu.memref_slice %arg8[%dma_wait3A_238, %dma_wait3A_239] : memref<10000x128xf32, #tpu.memory_space<vmem_shared>> -> memref<10000x128xf32, #tpu.memory_space<vmem_shared>>
      tpu.wait_indirect_dma semaphore(%arg18 : memref<!tpu.dma_semaphore, #tpu.memory_space<semaphore_mem>>) src(%dma_wait3A_234 : memref<64x128xf32, #tpu.memory_space<vmem>>) dst(%dma_wait3A_240 : memref<10000x128xf32, #tpu.memory_space<vmem_shared>>)
      %dma_wait3A_241 = arith.constant 2 : i32
      %dma_wait3A_242 = arith.constant 2 : i32
      %dma_wait3A_243 = arith.constant 0 : i32
      %dma_wait3A_244 = arith.constant 0 : i32
      %dma_wait3A_245 = tpu.memref_slice %arg10[%dma_wait3A_241, %dma_wait3A_243, %dma_wait3A_244] : memref<6x64x128xf32, #tpu.memory_space<vmem>> -> memref<1x64x128xf32, #tpu.memory_space<vmem>>
      %dma_wait3A_246 = tpu.memref_squeeze %dma_wait3A_245 : memref<1x64x128xf32, #tpu.memory_space<vmem>> -> memref<64x128xf32, #tpu.memory_space<vmem>>
      %dma_wait3A_247 = arith.constant 0 : i32
      %dma_wait3A_248 = tpu.memref_slice %arg9[%dma_wait3A_242, %dma_wait3A_247] : memref<6x64xi32, #tpu.memory_space<vmem>> -> memref<1x64xi32, #tpu.memory_space<vmem>>
      %dma_wait3A_249 = tpu.memref_squeeze %dma_wait3A_248 : memref<1x64xi32, #tpu.memory_space<vmem>> -> memref<64xi32, #tpu.memory_space<vmem>>
      %dma_wait3A_250 = arith.constant 0 : i32
      %dma_wait3A_251 = arith.constant 0 : i32
      %dma_wait3A_252 = tpu.memref_slice %arg8[%dma_wait3A_250, %dma_wait3A_251] : memref<10000x128xf32, #tpu.memory_space<vmem_shared>> -> memref<10000x128xf32, #tpu.memory_space<vmem_shared>>
      tpu.wait_indirect_dma semaphore(%arg19 : memref<!tpu.dma_semaphore, #tpu.memory_space<semaphore_mem>>) src(%dma_wait3A_246 : memref<64x128xf32, #tpu.memory_space<vmem>>) dst(%dma_wait3A_252 : memref<10000x128xf32, #tpu.memory_space<vmem_shared>>)
      %dma_wait3A_253 = arith.constant 3 : i32
      %dma_wait3A_254 = arith.constant 3 : i32
      %dma_wait3A_255 = arith.constant 0 : i32
      %dma_wait3A_256 = arith.constant 0 : i32
      %dma_wait3A_257 = tpu.memref_slice %arg10[%dma_wait3A_253, %dma_wait3A_255, %dma_wait3A_256] : memref<6x64x128xf32, #tpu.memory_space<vmem>> -> memref<1x64x128xf32, #tpu.memory_space<vmem>>
      %dma_wait3A_258 = tpu.memref_squeeze %dma_wait3A_257 : memref<1x64x128xf32, #tpu.memory_space<vmem>> -> memref<64x128xf32, #tpu.memory_space<vmem>>
      %dma_wait3A_259 = arith.constant 0 : i32
      %dma_wait3A_260 = tpu.memref_slice %arg9[%dma_wait3A_254, %dma_wait3A_259] : memref<6x64xi32, #tpu.memory_space<vmem>> -> memref<1x64xi32, #tpu.memory_space<vmem>>
      %dma_wait3A_261 = tpu.memref_squeeze %dma_wait3A_260 : memref<1x64xi32, #tpu.memory_space<vmem>> -> memref<64xi32, #tpu.memory_space<vmem>>
      %dma_wait3A_262 = arith.constant 0 : i32
      %dma_wait3A_263 = arith.constant 0 : i32
      %dma_wait3A_264 = tpu.memref_slice %arg8[%dma_wait3A_262, %dma_wait3A_263] : memref<10000x128xf32, #tpu.memory_space<vmem_shared>> -> memref<10000x128xf32, #tpu.memory_space<vmem_shared>>
      tpu.wait_indirect_dma semaphore(%arg20 : memref<!tpu.dma_semaphore, #tpu.memory_space<semaphore_mem>>) src(%dma_wait3A_258 : memref<64x128xf32, #tpu.memory_space<vmem>>) dst(%dma_wait3A_264 : memref<10000x128xf32, #tpu.memory_space<vmem_shared>>)
      %dma_wait3A_265 = arith.constant 4 : i32
      %dma_wait3A_266 = arith.constant 4 : i32
      %dma_wait3A_267 = arith.constant 0 : i32
      %dma_wait3A_268 = arith.constant 0 : i32
      %dma_wait3A_269 = tpu.memref_slice %arg10[%dma_wait3A_265, %dma_wait3A_267, %dma_wait3A_268] : memref<6x64x128xf32, #tpu.memory_space<vmem>> -> memref<1x64x128xf32, #tpu.memory_space<vmem>>
      %dma_wait3A_270 = tpu.memref_squeeze %dma_wait3A_269 : memref<1x64x128xf32, #tpu.memory_space<vmem>> -> memref<64x128xf32, #tpu.memory_space<vmem>>
      %dma_wait3A_271 = arith.constant 0 : i32
      %dma_wait3A_272 = tpu.memref_slice %arg9[%dma_wait3A_266, %dma_wait3A_271] : memref<6x64xi32, #tpu.memory_space<vmem>> -> memref<1x64xi32, #tpu.memory_space<vmem>>
      %dma_wait3A_273 = tpu.memref_squeeze %dma_wait3A_272 : memref<1x64xi32, #tpu.memory_space<vmem>> -> memref<64xi32, #tpu.memory_space<vmem>>
      %dma_wait3A_274 = arith.constant 0 : i32
      %dma_wait3A_275 = arith.constant 0 : i32
      %dma_wait3A_276 = tpu.memref_slice %arg8[%dma_wait3A_274, %dma_wait3A_275] : memref<10000x128xf32, #tpu.memory_space<vmem_shared>> -> memref<10000x128xf32, #tpu.memory_space<vmem_shared>>
      tpu.wait_indirect_dma semaphore(%arg21 : memref<!tpu.dma_semaphore, #tpu.memory_space<semaphore_mem>>) src(%dma_wait3A_270 : memref<64x128xf32, #tpu.memory_space<vmem>>) dst(%dma_wait3A_276 : memref<10000x128xf32, #tpu.memory_space<vmem_shared>>)
      %dma_wait3A_277 = arith.constant 5 : i32
      %dma_wait3A_278 = arith.constant 5 : i32
      %dma_wait3A_279 = arith.constant 0 : i32
      %dma_wait3A_280 = arith.constant 0 : i32
      %dma_wait3A_281 = tpu.memref_slice %arg10[%dma_wait3A_277, %dma_wait3A_279, %dma_wait3A_280] : memref<6x64x128xf32, #tpu.memory_space<vmem>> -> memref<1x64x128xf32, #tpu.memory_space<vmem>>
      %dma_wait3A_282 = tpu.memref_squeeze %dma_wait3A_281 : memref<1x64x128xf32, #tpu.memory_space<vmem>> -> memref<64x128xf32, #tpu.memory_space<vmem>>
      %dma_wait3A_283 = arith.constant 0 : i32
      %dma_wait3A_284 = tpu.memref_slice %arg9[%dma_wait3A_278, %dma_wait3A_283] : memref<6x64xi32, #tpu.memory_space<vmem>> -> memref<1x64xi32, #tpu.memory_space<vmem>>
      %dma_wait3A_285 = tpu.memref_squeeze %dma_wait3A_284 : memref<1x64xi32, #tpu.memory_space<vmem>> -> memref<64xi32, #tpu.memory_space<vmem>>
      %dma_wait3A_286 = arith.constant 0 : i32
      %dma_wait3A_287 = arith.constant 0 : i32
      %dma_wait3A_288 = tpu.memref_slice %arg8[%dma_wait3A_286, %dma_wait3A_287] : memref<10000x128xf32, #tpu.memory_space<vmem_shared>> -> memref<10000x128xf32, #tpu.memory_space<vmem_shared>>
      tpu.wait_indirect_dma semaphore(%arg22 : memref<!tpu.dma_semaphore, #tpu.memory_space<semaphore_mem>>) src(%dma_wait3A_282 : memref<64x128xf32, #tpu.memory_space<vmem>>) dst(%dma_wait3A_288 : memref<10000x128xf32, #tpu.memory_space<vmem_shared>>)
    } else {
    }
    %eq3A_22 = arith.constant 1 : i32
    %eq3A_23 = arith.cmpi eq, %arg0, %eq3A_22 : i32
    %convert_element_type3A_24 = arith.extui %eq3A_23 : i1 to i32
    %cond3A_25 = arith.constant 0 : i32
    %cond3A_26 = arith.cmpi ne, %convert_element_type3A_24, %cond3A_25 : i32
    scf.if %cond3A_26 {
      %add3A_38 = arith.constant 0 : i32
      %add3A_39 = arith.addi %add3A, %add3A_38 : i32
      %mul3A_40 = arith.constant 64 : i32
      %mul3A_41 = arith.muli %add3A_39, %mul3A_40 : i32
      %add3A_42 = arith.constant 320000 : i32
      %add3A_43 = arith.addi %add3A_42, %mul3A_41 : i32
      %dma_start3A = arith.constant 0 : i32
      %dma_start3A_44 = arith.constant 0 : i32
      %dma_start3A_45 = tpu.memref_slice %arg9[%dma_start3A, %dma_start3A_44] : memref<6x64xi32, #tpu.memory_space<vmem>> -> memref<1x64xi32, #tpu.memory_space<vmem>>
      %dma_start3A_46 = tpu.memref_squeeze %dma_start3A_45 : memref<1x64xi32, #tpu.memory_space<vmem>> -> memref<64xi32, #tpu.memory_space<vmem>>
      %dma_start3A_47 = tpu.memref_slice %arg3[%add3A_43] : memref<640000xi32, #tpu.memory_space<hbm>> -> memref<64xi32, #tpu.memory_space<hbm>>
      %dma_start3A_48 = arith.constant 0 : i32
      %dma_start3A_49 = tpu.memref_slice %arg9[%dma_start3A, %dma_start3A_48] : memref<6x64xi32, #tpu.memory_space<vmem>> -> memref<1x64xi32, #tpu.memory_space<vmem>>
      %dma_start3A_50 = tpu.memref_squeeze %dma_start3A_49 : memref<1x64xi32, #tpu.memory_space<vmem>> -> memref<64xi32, #tpu.memory_space<vmem>>
      %dma_start3A_51 = tpu.memref_slice %arg3[%add3A_43] : memref<640000xi32, #tpu.memory_space<hbm>> -> memref<64xi32, #tpu.memory_space<hbm>>
      tpu.enqueue_dma source(%dma_start3A_51 : memref<64xi32, #tpu.memory_space<hbm>>) target(%dma_start3A_50 : memref<64xi32, #tpu.memory_space<vmem>>) target_semaphore(%arg11 : memref<!tpu.dma_semaphore, #tpu.memory_space<semaphore_mem>>)
      %add3A_52 = arith.constant 0 : i32
      %add3A_53 = arith.addi %add3A, %add3A_52 : i32
      %dma_start3A_54 = arith.constant 0 : i32
      %dma_start3A_55 = arith.constant 0 : i32
      %dma_start3A_56 = arith.constant 0 : i32
      %dma_start3A_57 = tpu.memref_slice %arg10[%dma_start3A_54, %dma_start3A_55, %dma_start3A_56] : memref<6x64x128xf32, #tpu.memory_space<vmem>> -> memref<1x64x128xf32, #tpu.memory_space<vmem>>
      %dma_start3A_58 = tpu.memref_squeeze %dma_start3A_57 : memref<1x64x128xf32, #tpu.memory_space<vmem>> -> memref<64x128xf32, #tpu.memory_space<vmem>>
      %dma_start3A_59 = arith.constant 0 : i32
      %dma_start3A_60 = arith.constant 0 : i32
      %dma_start3A_61 = tpu.memref_slice %arg5[%add3A_53, %dma_start3A_59, %dma_start3A_60] : memref<5000x64x128xf32, #tpu.memory_space<hbm>> -> memref<1x64x128xf32, #tpu.memory_space<hbm>>
      %dma_start3A_62 = tpu.memref_squeeze %dma_start3A_61 : memref<1x64x128xf32, #tpu.memory_space<hbm>> -> memref<64x128xf32, #tpu.memory_space<hbm>>
      %dma_start3A_63 = arith.constant 0 : i32
      %dma_start3A_64 = arith.constant 0 : i32
      %dma_start3A_65 = tpu.memref_slice %arg10[%dma_start3A_54, %dma_start3A_63, %dma_start3A_64] : memref<6x64x128xf32, #tpu.memory_space<vmem>> -> memref<1x64x128xf32, #tpu.memory_space<vmem>>
      %dma_start3A_66 = tpu.memref_squeeze %dma_start3A_65 : memref<1x64x128xf32, #tpu.memory_space<vmem>> -> memref<64x128xf32, #tpu.memory_space<vmem>>
      %dma_start3A_67 = arith.constant 0 : i32
      %dma_start3A_68 = arith.constant 0 : i32
      %dma_start3A_69 = tpu.memref_slice %arg5[%add3A_53, %dma_start3A_67, %dma_start3A_68] : memref<5000x64x128xf32, #tpu.memory_space<hbm>> -> memref<1x64x128xf32, #tpu.memory_space<hbm>>
      %dma_start3A_70 = tpu.memref_squeeze %dma_start3A_69 : memref<1x64x128xf32, #tpu.memory_space<hbm>> -> memref<64x128xf32, #tpu.memory_space<hbm>>
      tpu.enqueue_dma source(%dma_start3A_70 : memref<64x128xf32, #tpu.memory_space<hbm>>) target(%dma_start3A_66 : memref<64x128xf32, #tpu.memory_space<vmem>>) target_semaphore(%arg11 : memref<!tpu.dma_semaphore, #tpu.memory_space<semaphore_mem>>)
      %add3A_71 = arith.constant 1 : i32
      %add3A_72 = arith.addi %add3A, %add3A_71 : i32
      %mul3A_73 = arith.constant 64 : i32
      %mul3A_74 = arith.muli %add3A_72, %mul3A_73 : i32
      %add3A_75 = arith.constant 320000 : i32
      %add3A_76 = arith.addi %add3A_75, %mul3A_74 : i32
      %dma_start3A_77 = arith.constant 1 : i32
      %dma_start3A_78 = arith.constant 0 : i32
      %dma_start3A_79 = tpu.memref_slice %arg9[%dma_start3A_77, %dma_start3A_78] : memref<6x64xi32, #tpu.memory_space<vmem>> -> memref<1x64xi32, #tpu.memory_space<vmem>>
      %dma_start3A_80 = tpu.memref_squeeze %dma_start3A_79 : memref<1x64xi32, #tpu.memory_space<vmem>> -> memref<64xi32, #tpu.memory_space<vmem>>
      %dma_start3A_81 = tpu.memref_slice %arg3[%add3A_76] : memref<640000xi32, #tpu.memory_space<hbm>> -> memref<64xi32, #tpu.memory_space<hbm>>
      %dma_start3A_82 = arith.constant 0 : i32
      %dma_start3A_83 = tpu.memref_slice %arg9[%dma_start3A_77, %dma_start3A_82] : memref<6x64xi32, #tpu.memory_space<vmem>> -> memref<1x64xi32, #tpu.memory_space<vmem>>
      %dma_start3A_84 = tpu.memref_squeeze %dma_start3A_83 : memref<1x64xi32, #tpu.memory_space<vmem>> -> memref<64xi32, #tpu.memory_space<vmem>>
      %dma_start3A_85 = tpu.memref_slice %arg3[%add3A_76] : memref<640000xi32, #tpu.memory_space<hbm>> -> memref<64xi32, #tpu.memory_space<hbm>>
      tpu.enqueue_dma source(%dma_start3A_85 : memref<64xi32, #tpu.memory_space<hbm>>) target(%dma_start3A_84 : memref<64xi32, #tpu.memory_space<vmem>>) target_semaphore(%arg12 : memref<!tpu.dma_semaphore, #tpu.memory_space<semaphore_mem>>)
      %add3A_86 = arith.constant 1 : i32
      %add3A_87 = arith.addi %add3A, %add3A_86 : i32
      %dma_start3A_88 = arith.constant 1 : i32
      %dma_start3A_89 = arith.constant 0 : i32
      %dma_start3A_90 = arith.constant 0 : i32
      %dma_start3A_91 = tpu.memref_slice %arg10[%dma_start3A_88, %dma_start3A_89, %dma_start3A_90] : memref<6x64x128xf32, #tpu.memory_space<vmem>> -> memref<1x64x128xf32, #tpu.memory_space<vmem>>
      %dma_start3A_92 = tpu.memref_squeeze %dma_start3A_91 : memref<1x64x128xf32, #tpu.memory_space<vmem>> -> memref<64x128xf32, #tpu.memory_space<vmem>>
      %dma_start3A_93 = arith.constant 0 : i32
      %dma_start3A_94 = arith.constant 0 : i32
      %dma_start3A_95 = tpu.memref_slice %arg5[%add3A_87, %dma_start3A_93, %dma_start3A_94] : memref<5000x64x128xf32, #tpu.memory_space<hbm>> -> memref<1x64x128xf32, #tpu.memory_space<hbm>>
      %dma_start3A_96 = tpu.memref_squeeze %dma_start3A_95 : memref<1x64x128xf32, #tpu.memory_space<hbm>> -> memref<64x128xf32, #tpu.memory_space<hbm>>
      %dma_start3A_97 = arith.constant 0 : i32
      %dma_start3A_98 = arith.constant 0 : i32
      %dma_start3A_99 = tpu.memref_slice %arg10[%dma_start3A_88, %dma_start3A_97, %dma_start3A_98] : memref<6x64x128xf32, #tpu.memory_space<vmem>> -> memref<1x64x128xf32, #tpu.memory_space<vmem>>
      %dma_start3A_100 = tpu.memref_squeeze %dma_start3A_99 : memref<1x64x128xf32, #tpu.memory_space<vmem>> -> memref<64x128xf32, #tpu.memory_space<vmem>>
      %dma_start3A_101 = arith.constant 0 : i32
      %dma_start3A_102 = arith.constant 0 : i32
      %dma_start3A_103 = tpu.memref_slice %arg5[%add3A_87, %dma_start3A_101, %dma_start3A_102] : memref<5000x64x128xf32, #tpu.memory_space<hbm>> -> memref<1x64x128xf32, #tpu.memory_space<hbm>>
      %dma_start3A_104 = tpu.memref_squeeze %dma_start3A_103 : memref<1x64x128xf32, #tpu.memory_space<hbm>> -> memref<64x128xf32, #tpu.memory_space<hbm>>
      tpu.enqueue_dma source(%dma_start3A_104 : memref<64x128xf32, #tpu.memory_space<hbm>>) target(%dma_start3A_100 : memref<64x128xf32, #tpu.memory_space<vmem>>) target_semaphore(%arg12 : memref<!tpu.dma_semaphore, #tpu.memory_space<semaphore_mem>>)
      %add3A_105 = arith.constant 2 : i32
      %add3A_106 = arith.addi %add3A, %add3A_105 : i32
      %mul3A_107 = arith.constant 64 : i32
      %mul3A_108 = arith.muli %add3A_106, %mul3A_107 : i32
      %add3A_109 = arith.constant 320000 : i32
      %add3A_110 = arith.addi %add3A_109, %mul3A_108 : i32
      %dma_start3A_111 = arith.constant 2 : i32
      %dma_start3A_112 = arith.constant 0 : i32
      %dma_start3A_113 = tpu.memref_slice %arg9[%dma_start3A_111, %dma_start3A_112] : memref<6x64xi32, #tpu.memory_space<vmem>> -> memref<1x64xi32, #tpu.memory_space<vmem>>
      %dma_start3A_114 = tpu.memref_squeeze %dma_start3A_113 : memref<1x64xi32, #tpu.memory_space<vmem>> -> memref<64xi32, #tpu.memory_space<vmem>>
      %dma_start3A_115 = tpu.memref_slice %arg3[%add3A_110] : memref<640000xi32, #tpu.memory_space<hbm>> -> memref<64xi32, #tpu.memory_space<hbm>>
      %dma_start3A_116 = arith.constant 0 : i32
      %dma_start3A_117 = tpu.memref_slice %arg9[%dma_start3A_111, %dma_start3A_116] : memref<6x64xi32, #tpu.memory_space<vmem>> -> memref<1x64xi32, #tpu.memory_space<vmem>>
      %dma_start3A_118 = tpu.memref_squeeze %dma_start3A_117 : memref<1x64xi32, #tpu.memory_space<vmem>> -> memref<64xi32, #tpu.memory_space<vmem>>
      %dma_start3A_119 = tpu.memref_slice %arg3[%add3A_110] : memref<640000xi32, #tpu.memory_space<hbm>> -> memref<64xi32, #tpu.memory_space<hbm>>
      tpu.enqueue_dma source(%dma_start3A_119 : memref<64xi32, #tpu.memory_space<hbm>>) target(%dma_start3A_118 : memref<64xi32, #tpu.memory_space<vmem>>) target_semaphore(%arg13 : memref<!tpu.dma_semaphore, #tpu.memory_space<semaphore_mem>>)
      %add3A_120 = arith.constant 2 : i32
      %add3A_121 = arith.addi %add3A, %add3A_120 : i32
      %dma_start3A_122 = arith.constant 2 : i32
      %dma_start3A_123 = arith.constant 0 : i32
      %dma_start3A_124 = arith.constant 0 : i32
      %dma_start3A_125 = tpu.memref_slice %arg10[%dma_start3A_122, %dma_start3A_123, %dma_start3A_124] : memref<6x64x128xf32, #tpu.memory_space<vmem>> -> memref<1x64x128xf32, #tpu.memory_space<vmem>>
      %dma_start3A_126 = tpu.memref_squeeze %dma_start3A_125 : memref<1x64x128xf32, #tpu.memory_space<vmem>> -> memref<64x128xf32, #tpu.memory_space<vmem>>
      %dma_start3A_127 = arith.constant 0 : i32
      %dma_start3A_128 = arith.constant 0 : i32
      %dma_start3A_129 = tpu.memref_slice %arg5[%add3A_121, %dma_start3A_127, %dma_start3A_128] : memref<5000x64x128xf32, #tpu.memory_space<hbm>> -> memref<1x64x128xf32, #tpu.memory_space<hbm>>
      %dma_start3A_130 = tpu.memref_squeeze %dma_start3A_129 : memref<1x64x128xf32, #tpu.memory_space<hbm>> -> memref<64x128xf32, #tpu.memory_space<hbm>>
      %dma_start3A_131 = arith.constant 0 : i32
      %dma_start3A_132 = arith.constant 0 : i32
      %dma_start3A_133 = tpu.memref_slice %arg10[%dma_start3A_122, %dma_start3A_131, %dma_start3A_132] : memref<6x64x128xf32, #tpu.memory_space<vmem>> -> memref<1x64x128xf32, #tpu.memory_space<vmem>>
      %dma_start3A_134 = tpu.memref_squeeze %dma_start3A_133 : memref<1x64x128xf32, #tpu.memory_space<vmem>> -> memref<64x128xf32, #tpu.memory_space<vmem>>
      %dma_start3A_135 = arith.constant 0 : i32
      %dma_start3A_136 = arith.constant 0 : i32
      %dma_start3A_137 = tpu.memref_slice %arg5[%add3A_121, %dma_start3A_135, %dma_start3A_136] : memref<5000x64x128xf32, #tpu.memory_space<hbm>> -> memref<1x64x128xf32, #tpu.memory_space<hbm>>
      %dma_start3A_138 = tpu.memref_squeeze %dma_start3A_137 : memref<1x64x128xf32, #tpu.memory_space<hbm>> -> memref<64x128xf32, #tpu.memory_space<hbm>>
      tpu.enqueue_dma source(%dma_start3A_138 : memref<64x128xf32, #tpu.memory_space<hbm>>) target(%dma_start3A_134 : memref<64x128xf32, #tpu.memory_space<vmem>>) target_semaphore(%arg13 : memref<!tpu.dma_semaphore, #tpu.memory_space<semaphore_mem>>)
      %add3A_139 = arith.constant 3 : i32
      %add3A_140 = arith.addi %add3A, %add3A_139 : i32
      %mul3A_141 = arith.constant 64 : i32
      %mul3A_142 = arith.muli %add3A_140, %mul3A_141 : i32
      %add3A_143 = arith.constant 320000 : i32
      %add3A_144 = arith.addi %add3A_143, %mul3A_142 : i32
      %dma_start3A_145 = arith.constant 3 : i32
      %dma_start3A_146 = arith.constant 0 : i32
      %dma_start3A_147 = tpu.memref_slice %arg9[%dma_start3A_145, %dma_start3A_146] : memref<6x64xi32, #tpu.memory_space<vmem>> -> memref<1x64xi32, #tpu.memory_space<vmem>>
      %dma_start3A_148 = tpu.memref_squeeze %dma_start3A_147 : memref<1x64xi32, #tpu.memory_space<vmem>> -> memref<64xi32, #tpu.memory_space<vmem>>
      %dma_start3A_149 = tpu.memref_slice %arg3[%add3A_144] : memref<640000xi32, #tpu.memory_space<hbm>> -> memref<64xi32, #tpu.memory_space<hbm>>
      %dma_start3A_150 = arith.constant 0 : i32
      %dma_start3A_151 = tpu.memref_slice %arg9[%dma_start3A_145, %dma_start3A_150] : memref<6x64xi32, #tpu.memory_space<vmem>> -> memref<1x64xi32, #tpu.memory_space<vmem>>
      %dma_start3A_152 = tpu.memref_squeeze %dma_start3A_151 : memref<1x64xi32, #tpu.memory_space<vmem>> -> memref<64xi32, #tpu.memory_space<vmem>>
      %dma_start3A_153 = tpu.memref_slice %arg3[%add3A_144] : memref<640000xi32, #tpu.memory_space<hbm>> -> memref<64xi32, #tpu.memory_space<hbm>>
      tpu.enqueue_dma source(%dma_start3A_153 : memref<64xi32, #tpu.memory_space<hbm>>) target(%dma_start3A_152 : memref<64xi32, #tpu.memory_space<vmem>>) target_semaphore(%arg14 : memref<!tpu.dma_semaphore, #tpu.memory_space<semaphore_mem>>)
      %add3A_154 = arith.constant 3 : i32
      %add3A_155 = arith.addi %add3A, %add3A_154 : i32
      %dma_start3A_156 = arith.constant 3 : i32
      %dma_start3A_157 = arith.constant 0 : i32
      %dma_start3A_158 = arith.constant 0 : i32
      %dma_start3A_159 = tpu.memref_slice %arg10[%dma_start3A_156, %dma_start3A_157, %dma_start3A_158] : memref<6x64x128xf32, #tpu.memory_space<vmem>> -> memref<1x64x128xf32, #tpu.memory_space<vmem>>
      %dma_start3A_160 = tpu.memref_squeeze %dma_start3A_159 : memref<1x64x128xf32, #tpu.memory_space<vmem>> -> memref<64x128xf32, #tpu.memory_space<vmem>>
      %dma_start3A_161 = arith.constant 0 : i32
      %dma_start3A_162 = arith.constant 0 : i32
      %dma_start3A_163 = tpu.memref_slice %arg5[%add3A_155, %dma_start3A_161, %dma_start3A_162] : memref<5000x64x128xf32, #tpu.memory_space<hbm>> -> memref<1x64x128xf32, #tpu.memory_space<hbm>>
      %dma_start3A_164 = tpu.memref_squeeze %dma_start3A_163 : memref<1x64x128xf32, #tpu.memory_space<hbm>> -> memref<64x128xf32, #tpu.memory_space<hbm>>
      %dma_start3A_165 = arith.constant 0 : i32
      %dma_start3A_166 = arith.constant 0 : i32
      %dma_start3A_167 = tpu.memref_slice %arg10[%dma_start3A_156, %dma_start3A_165, %dma_start3A_166] : memref<6x64x128xf32, #tpu.memory_space<vmem>> -> memref<1x64x128xf32, #tpu.memory_space<vmem>>
      %dma_start3A_168 = tpu.memref_squeeze %dma_start3A_167 : memref<1x64x128xf32, #tpu.memory_space<vmem>> -> memref<64x128xf32, #tpu.memory_space<vmem>>
      %dma_start3A_169 = arith.constant 0 : i32
      %dma_start3A_170 = arith.constant 0 : i32
      %dma_start3A_171 = tpu.memref_slice %arg5[%add3A_155, %dma_start3A_169, %dma_start3A_170] : memref<5000x64x128xf32, #tpu.memory_space<hbm>> -> memref<1x64x128xf32, #tpu.memory_space<hbm>>
      %dma_start3A_172 = tpu.memref_squeeze %dma_start3A_171 : memref<1x64x128xf32, #tpu.memory_space<hbm>> -> memref<64x128xf32, #tpu.memory_space<hbm>>
      tpu.enqueue_dma source(%dma_start3A_172 : memref<64x128xf32, #tpu.memory_space<hbm>>) target(%dma_start3A_168 : memref<64x128xf32, #tpu.memory_space<vmem>>) target_semaphore(%arg14 : memref<!tpu.dma_semaphore, #tpu.memory_space<semaphore_mem>>)
      %add3A_173 = arith.constant 4 : i32
      %add3A_174 = arith.addi %add3A, %add3A_173 : i32
      %mul3A_175 = arith.constant 64 : i32
      %mul3A_176 = arith.muli %add3A_174, %mul3A_175 : i32
      %add3A_177 = arith.constant 320000 : i32
      %add3A_178 = arith.addi %add3A_177, %mul3A_176 : i32
      %dma_start3A_179 = arith.constant 4 : i32
      %dma_start3A_180 = arith.constant 0 : i32
      %dma_start3A_181 = tpu.memref_slice %arg9[%dma_start3A_179, %dma_start3A_180] : memref<6x64xi32, #tpu.memory_space<vmem>> -> memref<1x64xi32, #tpu.memory_space<vmem>>
      %dma_start3A_182 = tpu.memref_squeeze %dma_start3A_181 : memref<1x64xi32, #tpu.memory_space<vmem>> -> memref<64xi32, #tpu.memory_space<vmem>>
      %dma_start3A_183 = tpu.memref_slice %arg3[%add3A_178] : memref<640000xi32, #tpu.memory_space<hbm>> -> memref<64xi32, #tpu.memory_space<hbm>>
      %dma_start3A_184 = arith.constant 0 : i32
      %dma_start3A_185 = tpu.memref_slice %arg9[%dma_start3A_179, %dma_start3A_184] : memref<6x64xi32, #tpu.memory_space<vmem>> -> memref<1x64xi32, #tpu.memory_space<vmem>>
      %dma_start3A_186 = tpu.memref_squeeze %dma_start3A_185 : memref<1x64xi32, #tpu.memory_space<vmem>> -> memref<64xi32, #tpu.memory_space<vmem>>
      %dma_start3A_187 = tpu.memref_slice %arg3[%add3A_178] : memref<640000xi32, #tpu.memory_space<hbm>> -> memref<64xi32, #tpu.memory_space<hbm>>
      tpu.enqueue_dma source(%dma_start3A_187 : memref<64xi32, #tpu.memory_space<hbm>>) target(%dma_start3A_186 : memref<64xi32, #tpu.memory_space<vmem>>) target_semaphore(%arg15 : memref<!tpu.dma_semaphore, #tpu.memory_space<semaphore_mem>>)
      %add3A_188 = arith.constant 4 : i32
      %add3A_189 = arith.addi %add3A, %add3A_188 : i32
      %dma_start3A_190 = arith.constant 4 : i32
      %dma_start3A_191 = arith.constant 0 : i32
      %dma_start3A_192 = arith.constant 0 : i32
      %dma_start3A_193 = tpu.memref_slice %arg10[%dma_start3A_190, %dma_start3A_191, %dma_start3A_192] : memref<6x64x128xf32, #tpu.memory_space<vmem>> -> memref<1x64x128xf32, #tpu.memory_space<vmem>>
      %dma_start3A_194 = tpu.memref_squeeze %dma_start3A_193 : memref<1x64x128xf32, #tpu.memory_space<vmem>> -> memref<64x128xf32, #tpu.memory_space<vmem>>
      %dma_start3A_195 = arith.constant 0 : i32
      %dma_start3A_196 = arith.constant 0 : i32
      %dma_start3A_197 = tpu.memref_slice %arg5[%add3A_189, %dma_start3A_195, %dma_start3A_196] : memref<5000x64x128xf32, #tpu.memory_space<hbm>> -> memref<1x64x128xf32, #tpu.memory_space<hbm>>
      %dma_start3A_198 = tpu.memref_squeeze %dma_start3A_197 : memref<1x64x128xf32, #tpu.memory_space<hbm>> -> memref<64x128xf32, #tpu.memory_space<hbm>>
      %dma_start3A_199 = arith.constant 0 : i32
      %dma_start3A_200 = arith.constant 0 : i32
      %dma_start3A_201 = tpu.memref_slice %arg10[%dma_start3A_190, %dma_start3A_199, %dma_start3A_200] : memref<6x64x128xf32, #tpu.memory_space<vmem>> -> memref<1x64x128xf32, #tpu.memory_space<vmem>>
      %dma_start3A_202 = tpu.memref_squeeze %dma_start3A_201 : memref<1x64x128xf32, #tpu.memory_space<vmem>> -> memref<64x128xf32, #tpu.memory_space<vmem>>
      %dma_start3A_203 = arith.constant 0 : i32
      %dma_start3A_204 = arith.constant 0 : i32
      %dma_start3A_205 = tpu.memref_slice %arg5[%add3A_189, %dma_start3A_203, %dma_start3A_204] : memref<5000x64x128xf32, #tpu.memory_space<hbm>> -> memref<1x64x128xf32, #tpu.memory_space<hbm>>
      %dma_start3A_206 = tpu.memref_squeeze %dma_start3A_205 : memref<1x64x128xf32, #tpu.memory_space<hbm>> -> memref<64x128xf32, #tpu.memory_space<hbm>>
      tpu.enqueue_dma source(%dma_start3A_206 : memref<64x128xf32, #tpu.memory_space<hbm>>) target(%dma_start3A_202 : memref<64x128xf32, #tpu.memory_space<vmem>>) target_semaphore(%arg15 : memref<!tpu.dma_semaphore, #tpu.memory_space<semaphore_mem>>)
      %while3A = arith.constant 0 : i32
      %while3A_207 = arith.constant 0 : i32
      %while3A_208 = arith.subi %select_n3A, %while3A : i32
      %while3A_209 = arith.addi %while3A, %while3A_208 : i32
      %while3A_210 = arith.constant 1 : i32
      %while3A_211 = arith.divsi %while3A_208, %while3A_210 : i32
      %while3A_212 = arith.muli %while3A_211, %while3A_210 : i32
      %while3A_213 = arith.addi %while3A, %while3A_212 : i32
      %while3A_214 = arith.constant 1 : i32
      %while3A_215 = scf.for %while3A_289 = %while3A to %while3A_213 step %while3A_214 iter_args(%while3A_290 = %while3A_207) -> (i32)  : i32 {
        %jit3A_291 = arith.constant 6 : i32
        %eq3A_292 = arith.constant 0 : i32
        %eq3A_293 = arith.cmpi eq, %jit3A_291, %eq3A_292 : i32
        %jit3A_294 = arith.constant 1 : i32
        %select_n3A_295 = arith.select %eq3A_293, %jit3A_294, %jit3A_291 : i32
        %rem3A = arith.remsi %while3A_289, %select_n3A_295 : i32
        %ne3A = arith.constant 0 : i32
        %ne3A_296 = arith.cmpi ne, %rem3A, %ne3A : i32
        %lt3A_297 = arith.constant 0 : i32
        %lt3A_298 = arith.cmpi slt, %rem3A, %lt3A_297 : i32
        %lt3A_299 = arith.constant 0 : i32
        %lt3A_300 = arith.cmpi slt, %select_n3A_295, %lt3A_299 : i32
        %ne3A_301 = arith.xori %lt3A_298, %lt3A_300 : i1
        %and3A = arith.andi %ne3A_301, %ne3A_296 : i1
        %add3A_302 = arith.addi %rem3A, %select_n3A_295 : i32
        %select_n3A_303 = arith.select %and3A, %add3A_302, %rem3A : i32
        %eq3A_304 = arith.constant 0 : i32
        %eq3A_305 = arith.cmpi eq, %select_n3A_303, %eq3A_304 : i32
        %convert_element_type3A_306 = arith.extui %eq3A_305 : i1 to i32
        %cond3A_307 = arith.constant 0 : i32
        %cond3A_308 = arith.cmpi ne, %convert_element_type3A_306, %cond3A_307 : i32
        scf.if %cond3A_308 {
          %add3A_415 = arith.addi %add3A, %while3A_289 : i32
          %mul3A_416 = arith.constant 64 : i32
          %mul3A_417 = arith.muli %add3A_415, %mul3A_416 : i32
          %add3A_418 = arith.constant 320000 : i32
          %add3A_419 = arith.addi %add3A_418, %mul3A_417 : i32
          %dma_wait3A_420 = arith.constant 0 : i32
          %dma_wait3A_421 = arith.constant 0 : i32
          %dma_wait3A_422 = tpu.memref_slice %arg9[%dma_wait3A_420, %dma_wait3A_421] : memref<6x64xi32, #tpu.memory_space<vmem>> -> memref<1x64xi32, #tpu.memory_space<vmem>>
          %dma_wait3A_423 = tpu.memref_squeeze %dma_wait3A_422 : memref<1x64xi32, #tpu.memory_space<vmem>> -> memref<64xi32, #tpu.memory_space<vmem>>
          %dma_wait3A_424 = tpu.memref_slice %arg3[%add3A_419] : memref<640000xi32, #tpu.memory_space<hbm>> -> memref<64xi32, #tpu.memory_space<hbm>>
          %dma_wait3A_425 = arith.constant 0 : i32
          %dma_wait3A_426 = tpu.memref_slice %arg9[%dma_wait3A_420, %dma_wait3A_425] : memref<6x64xi32, #tpu.memory_space<vmem>> -> memref<1x64xi32, #tpu.memory_space<vmem>>
          %dma_wait3A_427 = tpu.memref_squeeze %dma_wait3A_426 : memref<1x64xi32, #tpu.memory_space<vmem>> -> memref<64xi32, #tpu.memory_space<vmem>>
          %dma_wait3A_428 = tpu.memref_slice %arg3[%add3A_419] : memref<640000xi32, #tpu.memory_space<hbm>> -> memref<64xi32, #tpu.memory_space<hbm>>
          tpu.wait_dma2 semaphore(%arg11 : memref<!tpu.dma_semaphore, #tpu.memory_space<semaphore_mem>>) src(%dma_wait3A_428 : memref<64xi32, #tpu.memory_space<hbm>>) dst(%dma_wait3A_427 : memref<64xi32, #tpu.memory_space<vmem>>)
          %add3A_429 = arith.addi %add3A, %while3A_289 : i32
          %dma_wait3A_430 = arith.constant 0 : i32
          %dma_wait3A_431 = arith.constant 0 : i32
          %dma_wait3A_432 = arith.constant 0 : i32
          %dma_wait3A_433 = tpu.memref_slice %arg10[%dma_wait3A_430, %dma_wait3A_431, %dma_wait3A_432] : memref<6x64x128xf32, #tpu.memory_space<vmem>> -> memref<1x64x128xf32, #tpu.memory_space<vmem>>
          %dma_wait3A_434 = tpu.memref_squeeze %dma_wait3A_433 : memref<1x64x128xf32, #tpu.memory_space<vmem>> -> memref<64x128xf32, #tpu.memory_space<vmem>>
          %dma_wait3A_435 = arith.constant 0 : i32
          %dma_wait3A_436 = arith.constant 0 : i32
          %dma_wait3A_437 = tpu.memref_slice %arg5[%add3A_429, %dma_wait3A_435, %dma_wait3A_436] : memref<5000x64x128xf32, #tpu.memory_space<hbm>> -> memref<1x64x128xf32, #tpu.memory_space<hbm>>
          %dma_wait3A_438 = tpu.memref_squeeze %dma_wait3A_437 : memref<1x64x128xf32, #tpu.memory_space<hbm>> -> memref<64x128xf32, #tpu.memory_space<hbm>>
          %dma_wait3A_439 = arith.constant 0 : i32
          %dma_wait3A_440 = arith.constant 0 : i32
          %dma_wait3A_441 = tpu.memref_slice %arg10[%dma_wait3A_430, %dma_wait3A_439, %dma_wait3A_440] : memref<6x64x128xf32, #tpu.memory_space<vmem>> -> memref<1x64x128xf32, #tpu.memory_space<vmem>>
          %dma_wait3A_442 = tpu.memref_squeeze %dma_wait3A_441 : memref<1x64x128xf32, #tpu.memory_space<vmem>> -> memref<64x128xf32, #tpu.memory_space<vmem>>
          %dma_wait3A_443 = arith.constant 0 : i32
          %dma_wait3A_444 = arith.constant 0 : i32
          %dma_wait3A_445 = tpu.memref_slice %arg5[%add3A_429, %dma_wait3A_443, %dma_wait3A_444] : memref<5000x64x128xf32, #tpu.memory_space<hbm>> -> memref<1x64x128xf32, #tpu.memory_space<hbm>>
          %dma_wait3A_446 = tpu.memref_squeeze %dma_wait3A_445 : memref<1x64x128xf32, #tpu.memory_space<hbm>> -> memref<64x128xf32, #tpu.memory_space<hbm>>
          tpu.wait_dma2 semaphore(%arg11 : memref<!tpu.dma_semaphore, #tpu.memory_space<semaphore_mem>>) src(%dma_wait3A_446 : memref<64x128xf32, #tpu.memory_space<hbm>>) dst(%dma_wait3A_442 : memref<64x128xf32, #tpu.memory_space<vmem>>)
          %dma_start3A_447 = arith.constant 0 : i32
          %dma_start3A_448 = arith.constant 0 : i32
          %dma_start3A_449 = arith.constant 0 : i32
          %dma_start3A_450 = arith.constant 0 : i32
          %dma_start3A_451 = tpu.memref_slice %arg10[%dma_start3A_447, %dma_start3A_449, %dma_start3A_450] : memref<6x64x128xf32, #tpu.memory_space<vmem>> -> memref<1x64x128xf32, #tpu.memory_space<vmem>>
          %dma_start3A_452 = tpu.memref_squeeze %dma_start3A_451 : memref<1x64x128xf32, #tpu.memory_space<vmem>> -> memref<64x128xf32, #tpu.memory_space<vmem>>
          %dma_start3A_453 = arith.constant 0 : i32
          %dma_start3A_454 = tpu.memref_slice %arg9[%dma_start3A_448, %dma_start3A_453] : memref<6x64xi32, #tpu.memory_space<vmem>> -> memref<1x64xi32, #tpu.memory_space<vmem>>
          %dma_start3A_455 = tpu.memref_squeeze %dma_start3A_454 : memref<1x64xi32, #tpu.memory_space<vmem>> -> memref<64xi32, #tpu.memory_space<vmem>>
          %dma_start3A_456 = arith.constant 0 : i32
          %dma_start3A_457 = arith.constant 0 : i32
          %dma_start3A_458 = tpu.memref_slice %arg8[%dma_start3A_456, %dma_start3A_457] : memref<10000x128xf32, #tpu.memory_space<vmem_shared>> -> memref<10000x128xf32, #tpu.memory_space<vmem_shared>>
          tpu.enqueue_indirect_dma source(%dma_start3A_452 : memref<64x128xf32, #tpu.memory_space<vmem>>) target(%dma_start3A_458 : memref<10000x128xf32, #tpu.memory_space<vmem_shared>>) offsets(%dma_start3A_455 : memref<64xi32, #tpu.memory_space<vmem>>) semaphore(%arg17 : memref<!tpu.dma_semaphore, #tpu.memory_space<semaphore_mem>>) {add = true}
          %add3A_459 = arith.constant 6 : i32
          %add3A_460 = arith.addi %while3A_289, %add3A_459 : i32
          %sub3A = arith.constant 1 : i32
          %sub3A_461 = arith.subi %add3A_460, %sub3A : i32
          %lt3A_462 = arith.cmpi slt, %sub3A_461, %select_n3A : i32
          %convert_element_type3A_463 = arith.extui %lt3A_462 : i1 to i32
          %cond3A_464 = arith.constant 0 : i32
          %cond3A_465 = arith.cmpi ne, %convert_element_type3A_463, %cond3A_464 : i32
          scf.if %cond3A_465 {
            %ge3A = arith.constant 1 : i32
            %ge3A_466 = arith.cmpi sge, %while3A_289, %ge3A : i32
            %convert_element_type3A_467 = arith.extui %ge3A_466 : i1 to i32
            %cond3A_468 = arith.constant 0 : i32
            %cond3A_469 = arith.cmpi ne, %convert_element_type3A_467, %cond3A_468 : i32
            scf.if %cond3A_469 {
              %dma_wait3A_502 = arith.constant 5 : i32
              %dma_wait3A_503 = arith.constant 5 : i32
              %dma_wait3A_504 = arith.constant 0 : i32
              %dma_wait3A_505 = arith.constant 0 : i32
              %dma_wait3A_506 = tpu.memref_slice %arg10[%dma_wait3A_502, %dma_wait3A_504, %dma_wait3A_505] : memref<6x64x128xf32, #tpu.memory_space<vmem>> -> memref<1x64x128xf32, #tpu.memory_space<vmem>>
              %dma_wait3A_507 = tpu.memref_squeeze %dma_wait3A_506 : memref<1x64x128xf32, #tpu.memory_space<vmem>> -> memref<64x128xf32, #tpu.memory_space<vmem>>
              %dma_wait3A_508 = arith.constant 0 : i32
              %dma_wait3A_509 = tpu.memref_slice %arg9[%dma_wait3A_503, %dma_wait3A_508] : memref<6x64xi32, #tpu.memory_space<vmem>> -> memref<1x64xi32, #tpu.memory_space<vmem>>
              %dma_wait3A_510 = tpu.memref_squeeze %dma_wait3A_509 : memref<1x64xi32, #tpu.memory_space<vmem>> -> memref<64xi32, #tpu.memory_space<vmem>>
              %dma_wait3A_511 = arith.constant 0 : i32
              %dma_wait3A_512 = arith.constant 0 : i32
              %dma_wait3A_513 = tpu.memref_slice %arg8[%dma_wait3A_511, %dma_wait3A_512] : memref<10000x128xf32, #tpu.memory_space<vmem_shared>> -> memref<10000x128xf32, #tpu.memory_space<vmem_shared>>
              tpu.wait_indirect_dma semaphore(%arg22 : memref<!tpu.dma_semaphore, #tpu.memory_space<semaphore_mem>>) src(%dma_wait3A_507 : memref<64x128xf32, #tpu.memory_space<vmem>>) dst(%dma_wait3A_513 : memref<10000x128xf32, #tpu.memory_space<vmem_shared>>)
            } else {
            }
            %add3A_470 = arith.addi %add3A, %sub3A_461 : i32
            %mul3A_471 = arith.constant 64 : i32
            %mul3A_472 = arith.muli %add3A_470, %mul3A_471 : i32
            %add3A_473 = arith.constant 320000 : i32
            %add3A_474 = arith.addi %add3A_473, %mul3A_472 : i32
            %dma_start3A_475 = arith.constant 5 : i32
            %dma_start3A_476 = arith.constant 0 : i32
            %dma_start3A_477 = tpu.memref_slice %arg9[%dma_start3A_475, %dma_start3A_476] : memref<6x64xi32, #tpu.memory_space<vmem>> -> memref<1x64xi32, #tpu.memory_space<vmem>>
            %dma_start3A_478 = tpu.memref_squeeze %dma_start3A_477 : memref<1x64xi32, #tpu.memory_space<vmem>> -> memref<64xi32, #tpu.memory_space<vmem>>
            %dma_start3A_479 = tpu.memref_slice %arg3[%add3A_474] : memref<640000xi32, #tpu.memory_space<hbm>> -> memref<64xi32, #tpu.memory_space<hbm>>
            %dma_start3A_480 = arith.constant 0 : i32
            %dma_start3A_481 = tpu.memref_slice %arg9[%dma_start3A_475, %dma_start3A_480] : memref<6x64xi32, #tpu.memory_space<vmem>> -> memref<1x64xi32, #tpu.memory_space<vmem>>
            %dma_start3A_482 = tpu.memref_squeeze %dma_start3A_481 : memref<1x64xi32, #tpu.memory_space<vmem>> -> memref<64xi32, #tpu.memory_space<vmem>>
            %dma_start3A_483 = tpu.memref_slice %arg3[%add3A_474] : memref<640000xi32, #tpu.memory_space<hbm>> -> memref<64xi32, #tpu.memory_space<hbm>>
            tpu.enqueue_dma source(%dma_start3A_483 : memref<64xi32, #tpu.memory_space<hbm>>) target(%dma_start3A_482 : memref<64xi32, #tpu.memory_space<vmem>>) target_semaphore(%arg16 : memref<!tpu.dma_semaphore, #tpu.memory_space<semaphore_mem>>)
            %add3A_484 = arith.addi %add3A, %sub3A_461 : i32
            %dma_start3A_485 = arith.constant 5 : i32
            %dma_start3A_486 = arith.constant 0 : i32
            %dma_start3A_487 = arith.constant 0 : i32
            %dma_start3A_488 = tpu.memref_slice %arg10[%dma_start3A_485, %dma_start3A_486, %dma_start3A_487] : memref<6x64x128xf32, #tpu.memory_space<vmem>> -> memref<1x64x128xf32, #tpu.memory_space<vmem>>
            %dma_start3A_489 = tpu.memref_squeeze %dma_start3A_488 : memref<1x64x128xf32, #tpu.memory_space<vmem>> -> memref<64x128xf32, #tpu.memory_space<vmem>>
            %dma_start3A_490 = arith.constant 0 : i32
            %dma_start3A_491 = arith.constant 0 : i32
            %dma_start3A_492 = tpu.memref_slice %arg5[%add3A_484, %dma_start3A_490, %dma_start3A_491] : memref<5000x64x128xf32, #tpu.memory_space<hbm>> -> memref<1x64x128xf32, #tpu.memory_space<hbm>>
            %dma_start3A_493 = tpu.memref_squeeze %dma_start3A_492 : memref<1x64x128xf32, #tpu.memory_space<hbm>> -> memref<64x128xf32, #tpu.memory_space<hbm>>
            %dma_start3A_494 = arith.constant 0 : i32
            %dma_start3A_495 = arith.constant 0 : i32
            %dma_start3A_496 = tpu.memref_slice %arg10[%dma_start3A_485, %dma_start3A_494, %dma_start3A_495] : memref<6x64x128xf32, #tpu.memory_space<vmem>> -> memref<1x64x128xf32, #tpu.memory_space<vmem>>
            %dma_start3A_497 = tpu.memref_squeeze %dma_start3A_496 : memref<1x64x128xf32, #tpu.memory_space<vmem>> -> memref<64x128xf32, #tpu.memory_space<vmem>>
            %dma_start3A_498 = arith.constant 0 : i32
            %dma_start3A_499 = arith.constant 0 : i32
            %dma_start3A_500 = tpu.memref_slice %arg5[%add3A_484, %dma_start3A_498, %dma_start3A_499] : memref<5000x64x128xf32, #tpu.memory_space<hbm>> -> memref<1x64x128xf32, #tpu.memory_space<hbm>>
            %dma_start3A_501 = tpu.memref_squeeze %dma_start3A_500 : memref<1x64x128xf32, #tpu.memory_space<hbm>> -> memref<64x128xf32, #tpu.memory_space<hbm>>
            tpu.enqueue_dma source(%dma_start3A_501 : memref<64x128xf32, #tpu.memory_space<hbm>>) target(%dma_start3A_497 : memref<64x128xf32, #tpu.memory_space<vmem>>) target_semaphore(%arg16 : memref<!tpu.dma_semaphore, #tpu.memory_space<semaphore_mem>>)
          } else {
          }
        } else {
        }
        %jit3A_309 = arith.constant 6 : i32
        %eq3A_310 = arith.constant 0 : i32
        %eq3A_311 = arith.cmpi eq, %jit3A_309, %eq3A_310 : i32
        %jit3A_312 = arith.constant 1 : i32
        %select_n3A_313 = arith.select %eq3A_311, %jit3A_312, %jit3A_309 : i32
        %rem3A_314 = arith.remsi %while3A_289, %select_n3A_313 : i32
        %ne3A_315 = arith.constant 0 : i32
        %ne3A_316 = arith.cmpi ne, %rem3A_314, %ne3A_315 : i32
        %lt3A_317 = arith.constant 0 : i32
        %lt3A_318 = arith.cmpi slt, %rem3A_314, %lt3A_317 : i32
        %lt3A_319 = arith.constant 0 : i32
        %lt3A_320 = arith.cmpi slt, %select_n3A_313, %lt3A_319 : i32
        %ne3A_321 = arith.xori %lt3A_318, %lt3A_320 : i1
        %and3A_322 = arith.andi %ne3A_321, %ne3A_316 : i1
        %add3A_323 = arith.addi %rem3A_314, %select_n3A_313 : i32
        %select_n3A_324 = arith.select %and3A_322, %add3A_323, %rem3A_314 : i32
        %eq3A_325 = arith.constant 1 : i32
        %eq3A_326 = arith.cmpi eq, %select_n3A_324, %eq3A_325 : i32
        %convert_element_type3A_327 = arith.extui %eq3A_326 : i1 to i32
        %cond3A_328 = arith.constant 0 : i32
        %cond3A_329 = arith.cmpi ne, %convert_element_type3A_327, %cond3A_328 : i32
        scf.if %cond3A_329 {
          %add3A_415 = arith.addi %add3A, %while3A_289 : i32
          %mul3A_416 = arith.constant 64 : i32
          %mul3A_417 = arith.muli %add3A_415, %mul3A_416 : i32
          %add3A_418 = arith.constant 320000 : i32
          %add3A_419 = arith.addi %add3A_418, %mul3A_417 : i32
          %dma_wait3A_420 = arith.constant 1 : i32
          %dma_wait3A_421 = arith.constant 0 : i32
          %dma_wait3A_422 = tpu.memref_slice %arg9[%dma_wait3A_420, %dma_wait3A_421] : memref<6x64xi32, #tpu.memory_space<vmem>> -> memref<1x64xi32, #tpu.memory_space<vmem>>
          %dma_wait3A_423 = tpu.memref_squeeze %dma_wait3A_422 : memref<1x64xi32, #tpu.memory_space<vmem>> -> memref<64xi32, #tpu.memory_space<vmem>>
          %dma_wait3A_424 = tpu.memref_slice %arg3[%add3A_419] : memref<640000xi32, #tpu.memory_space<hbm>> -> memref<64xi32, #tpu.memory_space<hbm>>
          %dma_wait3A_425 = arith.constant 0 : i32
          %dma_wait3A_426 = tpu.memref_slice %arg9[%dma_wait3A_420, %dma_wait3A_425] : memref<6x64xi32, #tpu.memory_space<vmem>> -> memref<1x64xi32, #tpu.memory_space<vmem>>
          %dma_wait3A_427 = tpu.memref_squeeze %dma_wait3A_426 : memref<1x64xi32, #tpu.memory_space<vmem>> -> memref<64xi32, #tpu.memory_space<vmem>>
          %dma_wait3A_428 = tpu.memref_slice %arg3[%add3A_419] : memref<640000xi32, #tpu.memory_space<hbm>> -> memref<64xi32, #tpu.memory_space<hbm>>
          tpu.wait_dma2 semaphore(%arg12 : memref<!tpu.dma_semaphore, #tpu.memory_space<semaphore_mem>>) src(%dma_wait3A_428 : memref<64xi32, #tpu.memory_space<hbm>>) dst(%dma_wait3A_427 : memref<64xi32, #tpu.memory_space<vmem>>)
          %add3A_429 = arith.addi %add3A, %while3A_289 : i32
          %dma_wait3A_430 = arith.constant 1 : i32
          %dma_wait3A_431 = arith.constant 0 : i32
          %dma_wait3A_432 = arith.constant 0 : i32
          %dma_wait3A_433 = tpu.memref_slice %arg10[%dma_wait3A_430, %dma_wait3A_431, %dma_wait3A_432] : memref<6x64x128xf32, #tpu.memory_space<vmem>> -> memref<1x64x128xf32, #tpu.memory_space<vmem>>
          %dma_wait3A_434 = tpu.memref_squeeze %dma_wait3A_433 : memref<1x64x128xf32, #tpu.memory_space<vmem>> -> memref<64x128xf32, #tpu.memory_space<vmem>>
          %dma_wait3A_435 = arith.constant 0 : i32
          %dma_wait3A_436 = arith.constant 0 : i32
          %dma_wait3A_437 = tpu.memref_slice %arg5[%add3A_429, %dma_wait3A_435, %dma_wait3A_436] : memref<5000x64x128xf32, #tpu.memory_space<hbm>> -> memref<1x64x128xf32, #tpu.memory_space<hbm>>
          %dma_wait3A_438 = tpu.memref_squeeze %dma_wait3A_437 : memref<1x64x128xf32, #tpu.memory_space<hbm>> -> memref<64x128xf32, #tpu.memory_space<hbm>>
          %dma_wait3A_439 = arith.constant 0 : i32
          %dma_wait3A_440 = arith.constant 0 : i32
          %dma_wait3A_441 = tpu.memref_slice %arg10[%dma_wait3A_430, %dma_wait3A_439, %dma_wait3A_440] : memref<6x64x128xf32, #tpu.memory_space<vmem>> -> memref<1x64x128xf32, #tpu.memory_space<vmem>>
          %dma_wait3A_442 = tpu.memref_squeeze %dma_wait3A_441 : memref<1x64x128xf32, #tpu.memory_space<vmem>> -> memref<64x128xf32, #tpu.memory_space<vmem>>
          %dma_wait3A_443 = arith.constant 0 : i32
          %dma_wait3A_444 = arith.constant 0 : i32
          %dma_wait3A_445 = tpu.memref_slice %arg5[%add3A_429, %dma_wait3A_443, %dma_wait3A_444] : memref<5000x64x128xf32, #tpu.memory_space<hbm>> -> memref<1x64x128xf32, #tpu.memory_space<hbm>>
          %dma_wait3A_446 = tpu.memref_squeeze %dma_wait3A_445 : memref<1x64x128xf32, #tpu.memory_space<hbm>> -> memref<64x128xf32, #tpu.memory_space<hbm>>
          tpu.wait_dma2 semaphore(%arg12 : memref<!tpu.dma_semaphore, #tpu.memory_space<semaphore_mem>>) src(%dma_wait3A_446 : memref<64x128xf32, #tpu.memory_space<hbm>>) dst(%dma_wait3A_442 : memref<64x128xf32, #tpu.memory_space<vmem>>)
          %dma_start3A_447 = arith.constant 1 : i32
          %dma_start3A_448 = arith.constant 1 : i32
          %dma_start3A_449 = arith.constant 0 : i32
          %dma_start3A_450 = arith.constant 0 : i32
          %dma_start3A_451 = tpu.memref_slice %arg10[%dma_start3A_447, %dma_start3A_449, %dma_start3A_450] : memref<6x64x128xf32, #tpu.memory_space<vmem>> -> memref<1x64x128xf32, #tpu.memory_space<vmem>>
          %dma_start3A_452 = tpu.memref_squeeze %dma_start3A_451 : memref<1x64x128xf32, #tpu.memory_space<vmem>> -> memref<64x128xf32, #tpu.memory_space<vmem>>
          %dma_start3A_453 = arith.constant 0 : i32
          %dma_start3A_454 = tpu.memref_slice %arg9[%dma_start3A_448, %dma_start3A_453] : memref<6x64xi32, #tpu.memory_space<vmem>> -> memref<1x64xi32, #tpu.memory_space<vmem>>
          %dma_start3A_455 = tpu.memref_squeeze %dma_start3A_454 : memref<1x64xi32, #tpu.memory_space<vmem>> -> memref<64xi32, #tpu.memory_space<vmem>>
          %dma_start3A_456 = arith.constant 0 : i32
          %dma_start3A_457 = arith.constant 0 : i32
          %dma_start3A_458 = tpu.memref_slice %arg8[%dma_start3A_456, %dma_start3A_457] : memref<10000x128xf32, #tpu.memory_space<vmem_shared>> -> memref<10000x128xf32, #tpu.memory_space<vmem_shared>>
          tpu.enqueue_indirect_dma source(%dma_start3A_452 : memref<64x128xf32, #tpu.memory_space<vmem>>) target(%dma_start3A_458 : memref<10000x128xf32, #tpu.memory_space<vmem_shared>>) offsets(%dma_start3A_455 : memref<64xi32, #tpu.memory_space<vmem>>) semaphore(%arg18 : memref<!tpu.dma_semaphore, #tpu.memory_space<semaphore_mem>>) {add = true}
          %add3A_459 = arith.constant 6 : i32
          %add3A_460 = arith.addi %while3A_289, %add3A_459 : i32
          %sub3A = arith.constant 1 : i32
          %sub3A_461 = arith.subi %add3A_460, %sub3A : i32
          %lt3A_462 = arith.cmpi slt, %sub3A_461, %select_n3A : i32
          %convert_element_type3A_463 = arith.extui %lt3A_462 : i1 to i32
          %cond3A_464 = arith.constant 0 : i32
          %cond3A_465 = arith.cmpi ne, %convert_element_type3A_463, %cond3A_464 : i32
          scf.if %cond3A_465 {
            %ge3A = arith.constant 1 : i32
            %ge3A_466 = arith.cmpi sge, %while3A_289, %ge3A : i32
            %convert_element_type3A_467 = arith.extui %ge3A_466 : i1 to i32
            %cond3A_468 = arith.constant 0 : i32
            %cond3A_469 = arith.cmpi ne, %convert_element_type3A_467, %cond3A_468 : i32
            scf.if %cond3A_469 {
              %dma_wait3A_502 = arith.constant 0 : i32
              %dma_wait3A_503 = arith.constant 0 : i32
              %dma_wait3A_504 = arith.constant 0 : i32
              %dma_wait3A_505 = arith.constant 0 : i32
              %dma_wait3A_506 = tpu.memref_slice %arg10[%dma_wait3A_502, %dma_wait3A_504, %dma_wait3A_505] : memref<6x64x128xf32, #tpu.memory_space<vmem>> -> memref<1x64x128xf32, #tpu.memory_space<vmem>>
              %dma_wait3A_507 = tpu.memref_squeeze %dma_wait3A_506 : memref<1x64x128xf32, #tpu.memory_space<vmem>> -> memref<64x128xf32, #tpu.memory_space<vmem>>
              %dma_wait3A_508 = arith.constant 0 : i32
              %dma_wait3A_509 = tpu.memref_slice %arg9[%dma_wait3A_503, %dma_wait3A_508] : memref<6x64xi32, #tpu.memory_space<vmem>> -> memref<1x64xi32, #tpu.memory_space<vmem>>
              %dma_wait3A_510 = tpu.memref_squeeze %dma_wait3A_509 : memref<1x64xi32, #tpu.memory_space<vmem>> -> memref<64xi32, #tpu.memory_space<vmem>>
              %dma_wait3A_511 = arith.constant 0 : i32
              %dma_wait3A_512 = arith.constant 0 : i32
              %dma_wait3A_513 = tpu.memref_slice %arg8[%dma_wait3A_511, %dma_wait3A_512] : memref<10000x128xf32, #tpu.memory_space<vmem_shared>> -> memref<10000x128xf32, #tpu.memory_space<vmem_shared>>
              tpu.wait_indirect_dma semaphore(%arg17 : memref<!tpu.dma_semaphore, #tpu.memory_space<semaphore_mem>>) src(%dma_wait3A_507 : memref<64x128xf32, #tpu.memory_space<vmem>>) dst(%dma_wait3A_513 : memref<10000x128xf32, #tpu.memory_space<vmem_shared>>)
            } else {
            }
            %add3A_470 = arith.addi %add3A, %sub3A_461 : i32
            %mul3A_471 = arith.constant 64 : i32
            %mul3A_472 = arith.muli %add3A_470, %mul3A_471 : i32
            %add3A_473 = arith.constant 320000 : i32
            %add3A_474 = arith.addi %add3A_473, %mul3A_472 : i32
            %dma_start3A_475 = arith.constant 0 : i32
            %dma_start3A_476 = arith.constant 0 : i32
            %dma_start3A_477 = tpu.memref_slice %arg9[%dma_start3A_475, %dma_start3A_476] : memref<6x64xi32, #tpu.memory_space<vmem>> -> memref<1x64xi32, #tpu.memory_space<vmem>>
            %dma_start3A_478 = tpu.memref_squeeze %dma_start3A_477 : memref<1x64xi32, #tpu.memory_space<vmem>> -> memref<64xi32, #tpu.memory_space<vmem>>
            %dma_start3A_479 = tpu.memref_slice %arg3[%add3A_474] : memref<640000xi32, #tpu.memory_space<hbm>> -> memref<64xi32, #tpu.memory_space<hbm>>
            %dma_start3A_480 = arith.constant 0 : i32
            %dma_start3A_481 = tpu.memref_slice %arg9[%dma_start3A_475, %dma_start3A_480] : memref<6x64xi32, #tpu.memory_space<vmem>> -> memref<1x64xi32, #tpu.memory_space<vmem>>
            %dma_start3A_482 = tpu.memref_squeeze %dma_start3A_481 : memref<1x64xi32, #tpu.memory_space<vmem>> -> memref<64xi32, #tpu.memory_space<vmem>>
            %dma_start3A_483 = tpu.memref_slice %arg3[%add3A_474] : memref<640000xi32, #tpu.memory_space<hbm>> -> memref<64xi32, #tpu.memory_space<hbm>>
            tpu.enqueue_dma source(%dma_start3A_483 : memref<64xi32, #tpu.memory_space<hbm>>) target(%dma_start3A_482 : memref<64xi32, #tpu.memory_space<vmem>>) target_semaphore(%arg11 : memref<!tpu.dma_semaphore, #tpu.memory_space<semaphore_mem>>)
            %add3A_484 = arith.addi %add3A, %sub3A_461 : i32
            %dma_start3A_485 = arith.constant 0 : i32
            %dma_start3A_486 = arith.constant 0 : i32
            %dma_start3A_487 = arith.constant 0 : i32
            %dma_start3A_488 = tpu.memref_slice %arg10[%dma_start3A_485, %dma_start3A_486, %dma_start3A_487] : memref<6x64x128xf32, #tpu.memory_space<vmem>> -> memref<1x64x128xf32, #tpu.memory_space<vmem>>
            %dma_start3A_489 = tpu.memref_squeeze %dma_start3A_488 : memref<1x64x128xf32, #tpu.memory_space<vmem>> -> memref<64x128xf32, #tpu.memory_space<vmem>>
            %dma_start3A_490 = arith.constant 0 : i32
            %dma_start3A_491 = arith.constant 0 : i32
            %dma_start3A_492 = tpu.memref_slice %arg5[%add3A_484, %dma_start3A_490, %dma_start3A_491] : memref<5000x64x128xf32, #tpu.memory_space<hbm>> -> memref<1x64x128xf32, #tpu.memory_space<hbm>>
            %dma_start3A_493 = tpu.memref_squeeze %dma_start3A_492 : memref<1x64x128xf32, #tpu.memory_space<hbm>> -> memref<64x128xf32, #tpu.memory_space<hbm>>
            %dma_start3A_494 = arith.constant 0 : i32
            %dma_start3A_495 = arith.constant 0 : i32
            %dma_start3A_496 = tpu.memref_slice %arg10[%dma_start3A_485, %dma_start3A_494, %dma_start3A_495] : memref<6x64x128xf32, #tpu.memory_space<vmem>> -> memref<1x64x128xf32, #tpu.memory_space<vmem>>
            %dma_start3A_497 = tpu.memref_squeeze %dma_start3A_496 : memref<1x64x128xf32, #tpu.memory_space<vmem>> -> memref<64x128xf32, #tpu.memory_space<vmem>>
            %dma_start3A_498 = arith.constant 0 : i32
            %dma_start3A_499 = arith.constant 0 : i32
            %dma_start3A_500 = tpu.memref_slice %arg5[%add3A_484, %dma_start3A_498, %dma_start3A_499] : memref<5000x64x128xf32, #tpu.memory_space<hbm>> -> memref<1x64x128xf32, #tpu.memory_space<hbm>>
            %dma_start3A_501 = tpu.memref_squeeze %dma_start3A_500 : memref<1x64x128xf32, #tpu.memory_space<hbm>> -> memref<64x128xf32, #tpu.memory_space<hbm>>
            tpu.enqueue_dma source(%dma_start3A_501 : memref<64x128xf32, #tpu.memory_space<hbm>>) target(%dma_start3A_497 : memref<64x128xf32, #tpu.memory_space<vmem>>) target_semaphore(%arg11 : memref<!tpu.dma_semaphore, #tpu.memory_space<semaphore_mem>>)
          } else {
          }
        } else {
        }
        %jit3A_330 = arith.constant 6 : i32
        %eq3A_331 = arith.constant 0 : i32
        %eq3A_332 = arith.cmpi eq, %jit3A_330, %eq3A_331 : i32
        %jit3A_333 = arith.constant 1 : i32
        %select_n3A_334 = arith.select %eq3A_332, %jit3A_333, %jit3A_330 : i32
        %rem3A_335 = arith.remsi %while3A_289, %select_n3A_334 : i32
        %ne3A_336 = arith.constant 0 : i32
        %ne3A_337 = arith.cmpi ne, %rem3A_335, %ne3A_336 : i32
        %lt3A_338 = arith.constant 0 : i32
        %lt3A_339 = arith.cmpi slt, %rem3A_335, %lt3A_338 : i32
        %lt3A_340 = arith.constant 0 : i32
        %lt3A_341 = arith.cmpi slt, %select_n3A_334, %lt3A_340 : i32
        %ne3A_342 = arith.xori %lt3A_339, %lt3A_341 : i1
        %and3A_343 = arith.andi %ne3A_342, %ne3A_337 : i1
        %add3A_344 = arith.addi %rem3A_335, %select_n3A_334 : i32
        %select_n3A_345 = arith.select %and3A_343, %add3A_344, %rem3A_335 : i32
        %eq3A_346 = arith.constant 2 : i32
        %eq3A_347 = arith.cmpi eq, %select_n3A_345, %eq3A_346 : i32
        %convert_element_type3A_348 = arith.extui %eq3A_347 : i1 to i32
        %cond3A_349 = arith.constant 0 : i32
        %cond3A_350 = arith.cmpi ne, %convert_element_type3A_348, %cond3A_349 : i32
        scf.if %cond3A_350 {
          %add3A_415 = arith.addi %add3A, %while3A_289 : i32
          %mul3A_416 = arith.constant 64 : i32
          %mul3A_417 = arith.muli %add3A_415, %mul3A_416 : i32
          %add3A_418 = arith.constant 320000 : i32
          %add3A_419 = arith.addi %add3A_418, %mul3A_417 : i32
          %dma_wait3A_420 = arith.constant 2 : i32
          %dma_wait3A_421 = arith.constant 0 : i32
          %dma_wait3A_422 = tpu.memref_slice %arg9[%dma_wait3A_420, %dma_wait3A_421] : memref<6x64xi32, #tpu.memory_space<vmem>> -> memref<1x64xi32, #tpu.memory_space<vmem>>
          %dma_wait3A_423 = tpu.memref_squeeze %dma_wait3A_422 : memref<1x64xi32, #tpu.memory_space<vmem>> -> memref<64xi32, #tpu.memory_space<vmem>>
          %dma_wait3A_424 = tpu.memref_slice %arg3[%add3A_419] : memref<640000xi32, #tpu.memory_space<hbm>> -> memref<64xi32, #tpu.memory_space<hbm>>
          %dma_wait3A_425 = arith.constant 0 : i32
          %dma_wait3A_426 = tpu.memref_slice %arg9[%dma_wait3A_420, %dma_wait3A_425] : memref<6x64xi32, #tpu.memory_space<vmem>> -> memref<1x64xi32, #tpu.memory_space<vmem>>
          %dma_wait3A_427 = tpu.memref_squeeze %dma_wait3A_426 : memref<1x64xi32, #tpu.memory_space<vmem>> -> memref<64xi32, #tpu.memory_space<vmem>>
          %dma_wait3A_428 = tpu.memref_slice %arg3[%add3A_419] : memref<640000xi32, #tpu.memory_space<hbm>> -> memref<64xi32, #tpu.memory_space<hbm>>
          tpu.wait_dma2 semaphore(%arg13 : memref<!tpu.dma_semaphore, #tpu.memory_space<semaphore_mem>>) src(%dma_wait3A_428 : memref<64xi32, #tpu.memory_space<hbm>>) dst(%dma_wait3A_427 : memref<64xi32, #tpu.memory_space<vmem>>)
          %add3A_429 = arith.addi %add3A, %while3A_289 : i32
          %dma_wait3A_430 = arith.constant 2 : i32
          %dma_wait3A_431 = arith.constant 0 : i32
          %dma_wait3A_432 = arith.constant 0 : i32
          %dma_wait3A_433 = tpu.memref_slice %arg10[%dma_wait3A_430, %dma_wait3A_431, %dma_wait3A_432] : memref<6x64x128xf32, #tpu.memory_space<vmem>> -> memref<1x64x128xf32, #tpu.memory_space<vmem>>
          %dma_wait3A_434 = tpu.memref_squeeze %dma_wait3A_433 : memref<1x64x128xf32, #tpu.memory_space<vmem>> -> memref<64x128xf32, #tpu.memory_space<vmem>>
          %dma_wait3A_435 = arith.constant 0 : i32
          %dma_wait3A_436 = arith.constant 0 : i32
          %dma_wait3A_437 = tpu.memref_slice %arg5[%add3A_429, %dma_wait3A_435, %dma_wait3A_436] : memref<5000x64x128xf32, #tpu.memory_space<hbm>> -> memref<1x64x128xf32, #tpu.memory_space<hbm>>
          %dma_wait3A_438 = tpu.memref_squeeze %dma_wait3A_437 : memref<1x64x128xf32, #tpu.memory_space<hbm>> -> memref<64x128xf32, #tpu.memory_space<hbm>>
          %dma_wait3A_439 = arith.constant 0 : i32
          %dma_wait3A_440 = arith.constant 0 : i32
          %dma_wait3A_441 = tpu.memref_slice %arg10[%dma_wait3A_430, %dma_wait3A_439, %dma_wait3A_440] : memref<6x64x128xf32, #tpu.memory_space<vmem>> -> memref<1x64x128xf32, #tpu.memory_space<vmem>>
          %dma_wait3A_442 = tpu.memref_squeeze %dma_wait3A_441 : memref<1x64x128xf32, #tpu.memory_space<vmem>> -> memref<64x128xf32, #tpu.memory_space<vmem>>
          %dma_wait3A_443 = arith.constant 0 : i32
          %dma_wait3A_444 = arith.constant 0 : i32
          %dma_wait3A_445 = tpu.memref_slice %arg5[%add3A_429, %dma_wait3A_443, %dma_wait3A_444] : memref<5000x64x128xf32, #tpu.memory_space<hbm>> -> memref<1x64x128xf32, #tpu.memory_space<hbm>>
          %dma_wait3A_446 = tpu.memref_squeeze %dma_wait3A_445 : memref<1x64x128xf32, #tpu.memory_space<hbm>> -> memref<64x128xf32, #tpu.memory_space<hbm>>
          tpu.wait_dma2 semaphore(%arg13 : memref<!tpu.dma_semaphore, #tpu.memory_space<semaphore_mem>>) src(%dma_wait3A_446 : memref<64x128xf32, #tpu.memory_space<hbm>>) dst(%dma_wait3A_442 : memref<64x128xf32, #tpu.memory_space<vmem>>)
          %dma_start3A_447 = arith.constant 2 : i32
          %dma_start3A_448 = arith.constant 2 : i32
          %dma_start3A_449 = arith.constant 0 : i32
          %dma_start3A_450 = arith.constant 0 : i32
          %dma_start3A_451 = tpu.memref_slice %arg10[%dma_start3A_447, %dma_start3A_449, %dma_start3A_450] : memref<6x64x128xf32, #tpu.memory_space<vmem>> -> memref<1x64x128xf32, #tpu.memory_space<vmem>>
          %dma_start3A_452 = tpu.memref_squeeze %dma_start3A_451 : memref<1x64x128xf32, #tpu.memory_space<vmem>> -> memref<64x128xf32, #tpu.memory_space<vmem>>
          %dma_start3A_453 = arith.constant 0 : i32
          %dma_start3A_454 = tpu.memref_slice %arg9[%dma_start3A_448, %dma_start3A_453] : memref<6x64xi32, #tpu.memory_space<vmem>> -> memref<1x64xi32, #tpu.memory_space<vmem>>
          %dma_start3A_455 = tpu.memref_squeeze %dma_start3A_454 : memref<1x64xi32, #tpu.memory_space<vmem>> -> memref<64xi32, #tpu.memory_space<vmem>>
          %dma_start3A_456 = arith.constant 0 : i32
          %dma_start3A_457 = arith.constant 0 : i32
          %dma_start3A_458 = tpu.memref_slice %arg8[%dma_start3A_456, %dma_start3A_457] : memref<10000x128xf32, #tpu.memory_space<vmem_shared>> -> memref<10000x128xf32, #tpu.memory_space<vmem_shared>>
          tpu.enqueue_indirect_dma source(%dma_start3A_452 : memref<64x128xf32, #tpu.memory_space<vmem>>) target(%dma_start3A_458 : memref<10000x128xf32, #tpu.memory_space<vmem_shared>>) offsets(%dma_start3A_455 : memref<64xi32, #tpu.memory_space<vmem>>) semaphore(%arg19 : memref<!tpu.dma_semaphore, #tpu.memory_space<semaphore_mem>>) {add = true}
          %add3A_459 = arith.constant 6 : i32
          %add3A_460 = arith.addi %while3A_289, %add3A_459 : i32
          %sub3A = arith.constant 1 : i32
          %sub3A_461 = arith.subi %add3A_460, %sub3A : i32
          %lt3A_462 = arith.cmpi slt, %sub3A_461, %select_n3A : i32
          %convert_element_type3A_463 = arith.extui %lt3A_462 : i1 to i32
          %cond3A_464 = arith.constant 0 : i32
          %cond3A_465 = arith.cmpi ne, %convert_element_type3A_463, %cond3A_464 : i32
          scf.if %cond3A_465 {
            %ge3A = arith.constant 1 : i32
            %ge3A_466 = arith.cmpi sge, %while3A_289, %ge3A : i32
            %convert_element_type3A_467 = arith.extui %ge3A_466 : i1 to i32
            %cond3A_468 = arith.constant 0 : i32
            %cond3A_469 = arith.cmpi ne, %convert_element_type3A_467, %cond3A_468 : i32
            scf.if %cond3A_469 {
              %dma_wait3A_502 = arith.constant 1 : i32
              %dma_wait3A_503 = arith.constant 1 : i32
              %dma_wait3A_504 = arith.constant 0 : i32
              %dma_wait3A_505 = arith.constant 0 : i32
              %dma_wait3A_506 = tpu.memref_slice %arg10[%dma_wait3A_502, %dma_wait3A_504, %dma_wait3A_505] : memref<6x64x128xf32, #tpu.memory_space<vmem>> -> memref<1x64x128xf32, #tpu.memory_space<vmem>>
              %dma_wait3A_507 = tpu.memref_squeeze %dma_wait3A_506 : memref<1x64x128xf32, #tpu.memory_space<vmem>> -> memref<64x128xf32, #tpu.memory_space<vmem>>
              %dma_wait3A_508 = arith.constant 0 : i32
              %dma_wait3A_509 = tpu.memref_slice %arg9[%dma_wait3A_503, %dma_wait3A_508] : memref<6x64xi32, #tpu.memory_space<vmem>> -> memref<1x64xi32, #tpu.memory_space<vmem>>
              %dma_wait3A_510 = tpu.memref_squeeze %dma_wait3A_509 : memref<1x64xi32, #tpu.memory_space<vmem>> -> memref<64xi32, #tpu.memory_space<vmem>>
              %dma_wait3A_511 = arith.constant 0 : i32
              %dma_wait3A_512 = arith.constant 0 : i32
              %dma_wait3A_513 = tpu.memref_slice %arg8[%dma_wait3A_511, %dma_wait3A_512] : memref<10000x128xf32, #tpu.memory_space<vmem_shared>> -> memref<10000x128xf32, #tpu.memory_space<vmem_shared>>
              tpu.wait_indirect_dma semaphore(%arg18 : memref<!tpu.dma_semaphore, #tpu.memory_space<semaphore_mem>>) src(%dma_wait3A_507 : memref<64x128xf32, #tpu.memory_space<vmem>>) dst(%dma_wait3A_513 : memref<10000x128xf32, #tpu.memory_space<vmem_shared>>)
            } else {
            }
            %add3A_470 = arith.addi %add3A, %sub3A_461 : i32
            %mul3A_471 = arith.constant 64 : i32
            %mul3A_472 = arith.muli %add3A_470, %mul3A_471 : i32
            %add3A_473 = arith.constant 320000 : i32
            %add3A_474 = arith.addi %add3A_473, %mul3A_472 : i32
            %dma_start3A_475 = arith.constant 1 : i32
            %dma_start3A_476 = arith.constant 0 : i32
            %dma_start3A_477 = tpu.memref_slice %arg9[%dma_start3A_475, %dma_start3A_476] : memref<6x64xi32, #tpu.memory_space<vmem>> -> memref<1x64xi32, #tpu.memory_space<vmem>>
            %dma_start3A_478 = tpu.memref_squeeze %dma_start3A_477 : memref<1x64xi32, #tpu.memory_space<vmem>> -> memref<64xi32, #tpu.memory_space<vmem>>
            %dma_start3A_479 = tpu.memref_slice %arg3[%add3A_474] : memref<640000xi32, #tpu.memory_space<hbm>> -> memref<64xi32, #tpu.memory_space<hbm>>
            %dma_start3A_480 = arith.constant 0 : i32
            %dma_start3A_481 = tpu.memref_slice %arg9[%dma_start3A_475, %dma_start3A_480] : memref<6x64xi32, #tpu.memory_space<vmem>> -> memref<1x64xi32, #tpu.memory_space<vmem>>
            %dma_start3A_482 = tpu.memref_squeeze %dma_start3A_481 : memref<1x64xi32, #tpu.memory_space<vmem>> -> memref<64xi32, #tpu.memory_space<vmem>>
            %dma_start3A_483 = tpu.memref_slice %arg3[%add3A_474] : memref<640000xi32, #tpu.memory_space<hbm>> -> memref<64xi32, #tpu.memory_space<hbm>>
            tpu.enqueue_dma source(%dma_start3A_483 : memref<64xi32, #tpu.memory_space<hbm>>) target(%dma_start3A_482 : memref<64xi32, #tpu.memory_space<vmem>>) target_semaphore(%arg12 : memref<!tpu.dma_semaphore, #tpu.memory_space<semaphore_mem>>)
            %add3A_484 = arith.addi %add3A, %sub3A_461 : i32
            %dma_start3A_485 = arith.constant 1 : i32
            %dma_start3A_486 = arith.constant 0 : i32
            %dma_start3A_487 = arith.constant 0 : i32
            %dma_start3A_488 = tpu.memref_slice %arg10[%dma_start3A_485, %dma_start3A_486, %dma_start3A_487] : memref<6x64x128xf32, #tpu.memory_space<vmem>> -> memref<1x64x128xf32, #tpu.memory_space<vmem>>
            %dma_start3A_489 = tpu.memref_squeeze %dma_start3A_488 : memref<1x64x128xf32, #tpu.memory_space<vmem>> -> memref<64x128xf32, #tpu.memory_space<vmem>>
            %dma_start3A_490 = arith.constant 0 : i32
            %dma_start3A_491 = arith.constant 0 : i32
            %dma_start3A_492 = tpu.memref_slice %arg5[%add3A_484, %dma_start3A_490, %dma_start3A_491] : memref<5000x64x128xf32, #tpu.memory_space<hbm>> -> memref<1x64x128xf32, #tpu.memory_space<hbm>>
            %dma_start3A_493 = tpu.memref_squeeze %dma_start3A_492 : memref<1x64x128xf32, #tpu.memory_space<hbm>> -> memref<64x128xf32, #tpu.memory_space<hbm>>
            %dma_start3A_494 = arith.constant 0 : i32
            %dma_start3A_495 = arith.constant 0 : i32
            %dma_start3A_496 = tpu.memref_slice %arg10[%dma_start3A_485, %dma_start3A_494, %dma_start3A_495] : memref<6x64x128xf32, #tpu.memory_space<vmem>> -> memref<1x64x128xf32, #tpu.memory_space<vmem>>
            %dma_start3A_497 = tpu.memref_squeeze %dma_start3A_496 : memref<1x64x128xf32, #tpu.memory_space<vmem>> -> memref<64x128xf32, #tpu.memory_space<vmem>>
            %dma_start3A_498 = arith.constant 0 : i32
            %dma_start3A_499 = arith.constant 0 : i32
            %dma_start3A_500 = tpu.memref_slice %arg5[%add3A_484, %dma_start3A_498, %dma_start3A_499] : memref<5000x64x128xf32, #tpu.memory_space<hbm>> -> memref<1x64x128xf32, #tpu.memory_space<hbm>>
            %dma_start3A_501 = tpu.memref_squeeze %dma_start3A_500 : memref<1x64x128xf32, #tpu.memory_space<hbm>> -> memref<64x128xf32, #tpu.memory_space<hbm>>
            tpu.enqueue_dma source(%dma_start3A_501 : memref<64x128xf32, #tpu.memory_space<hbm>>) target(%dma_start3A_497 : memref<64x128xf32, #tpu.memory_space<vmem>>) target_semaphore(%arg12 : memref<!tpu.dma_semaphore, #tpu.memory_space<semaphore_mem>>)
          } else {
          }
        } else {
        }
        %jit3A_351 = arith.constant 6 : i32
        %eq3A_352 = arith.constant 0 : i32
        %eq3A_353 = arith.cmpi eq, %jit3A_351, %eq3A_352 : i32
        %jit3A_354 = arith.constant 1 : i32
        %select_n3A_355 = arith.select %eq3A_353, %jit3A_354, %jit3A_351 : i32
        %rem3A_356 = arith.remsi %while3A_289, %select_n3A_355 : i32
        %ne3A_357 = arith.constant 0 : i32
        %ne3A_358 = arith.cmpi ne, %rem3A_356, %ne3A_357 : i32
        %lt3A_359 = arith.constant 0 : i32
        %lt3A_360 = arith.cmpi slt, %rem3A_356, %lt3A_359 : i32
        %lt3A_361 = arith.constant 0 : i32
        %lt3A_362 = arith.cmpi slt, %select_n3A_355, %lt3A_361 : i32
        %ne3A_363 = arith.xori %lt3A_360, %lt3A_362 : i1
        %and3A_364 = arith.andi %ne3A_363, %ne3A_358 : i1
        %add3A_365 = arith.addi %rem3A_356, %select_n3A_355 : i32
        %select_n3A_366 = arith.select %and3A_364, %add3A_365, %rem3A_356 : i32
        %eq3A_367 = arith.constant 3 : i32
        %eq3A_368 = arith.cmpi eq, %select_n3A_366, %eq3A_367 : i32
        %convert_element_type3A_369 = arith.extui %eq3A_368 : i1 to i32
        %cond3A_370 = arith.constant 0 : i32
        %cond3A_371 = arith.cmpi ne, %convert_element_type3A_369, %cond3A_370 : i32
        scf.if %cond3A_371 {
          %add3A_415 = arith.addi %add3A, %while3A_289 : i32
          %mul3A_416 = arith.constant 64 : i32
          %mul3A_417 = arith.muli %add3A_415, %mul3A_416 : i32
          %add3A_418 = arith.constant 320000 : i32
          %add3A_419 = arith.addi %add3A_418, %mul3A_417 : i32
          %dma_wait3A_420 = arith.constant 3 : i32
          %dma_wait3A_421 = arith.constant 0 : i32
          %dma_wait3A_422 = tpu.memref_slice %arg9[%dma_wait3A_420, %dma_wait3A_421] : memref<6x64xi32, #tpu.memory_space<vmem>> -> memref<1x64xi32, #tpu.memory_space<vmem>>
          %dma_wait3A_423 = tpu.memref_squeeze %dma_wait3A_422 : memref<1x64xi32, #tpu.memory_space<vmem>> -> memref<64xi32, #tpu.memory_space<vmem>>
          %dma_wait3A_424 = tpu.memref_slice %arg3[%add3A_419] : memref<640000xi32, #tpu.memory_space<hbm>> -> memref<64xi32, #tpu.memory_space<hbm>>
          %dma_wait3A_425 = arith.constant 0 : i32
          %dma_wait3A_426 = tpu.memref_slice %arg9[%dma_wait3A_420, %dma_wait3A_425] : memref<6x64xi32, #tpu.memory_space<vmem>> -> memref<1x64xi32, #tpu.memory_space<vmem>>
          %dma_wait3A_427 = tpu.memref_squeeze %dma_wait3A_426 : memref<1x64xi32, #tpu.memory_space<vmem>> -> memref<64xi32, #tpu.memory_space<vmem>>
          %dma_wait3A_428 = tpu.memref_slice %arg3[%add3A_419] : memref<640000xi32, #tpu.memory_space<hbm>> -> memref<64xi32, #tpu.memory_space<hbm>>
          tpu.wait_dma2 semaphore(%arg14 : memref<!tpu.dma_semaphore, #tpu.memory_space<semaphore_mem>>) src(%dma_wait3A_428 : memref<64xi32, #tpu.memory_space<hbm>>) dst(%dma_wait3A_427 : memref<64xi32, #tpu.memory_space<vmem>>)
          %add3A_429 = arith.addi %add3A, %while3A_289 : i32
          %dma_wait3A_430 = arith.constant 3 : i32
          %dma_wait3A_431 = arith.constant 0 : i32
          %dma_wait3A_432 = arith.constant 0 : i32
          %dma_wait3A_433 = tpu.memref_slice %arg10[%dma_wait3A_430, %dma_wait3A_431, %dma_wait3A_432] : memref<6x64x128xf32, #tpu.memory_space<vmem>> -> memref<1x64x128xf32, #tpu.memory_space<vmem>>
          %dma_wait3A_434 = tpu.memref_squeeze %dma_wait3A_433 : memref<1x64x128xf32, #tpu.memory_space<vmem>> -> memref<64x128xf32, #tpu.memory_space<vmem>>
          %dma_wait3A_435 = arith.constant 0 : i32
          %dma_wait3A_436 = arith.constant 0 : i32
          %dma_wait3A_437 = tpu.memref_slice %arg5[%add3A_429, %dma_wait3A_435, %dma_wait3A_436] : memref<5000x64x128xf32, #tpu.memory_space<hbm>> -> memref<1x64x128xf32, #tpu.memory_space<hbm>>
          %dma_wait3A_438 = tpu.memref_squeeze %dma_wait3A_437 : memref<1x64x128xf32, #tpu.memory_space<hbm>> -> memref<64x128xf32, #tpu.memory_space<hbm>>
          %dma_wait3A_439 = arith.constant 0 : i32
          %dma_wait3A_440 = arith.constant 0 : i32
          %dma_wait3A_441 = tpu.memref_slice %arg10[%dma_wait3A_430, %dma_wait3A_439, %dma_wait3A_440] : memref<6x64x128xf32, #tpu.memory_space<vmem>> -> memref<1x64x128xf32, #tpu.memory_space<vmem>>
          %dma_wait3A_442 = tpu.memref_squeeze %dma_wait3A_441 : memref<1x64x128xf32, #tpu.memory_space<vmem>> -> memref<64x128xf32, #tpu.memory_space<vmem>>
          %dma_wait3A_443 = arith.constant 0 : i32
          %dma_wait3A_444 = arith.constant 0 : i32
          %dma_wait3A_445 = tpu.memref_slice %arg5[%add3A_429, %dma_wait3A_443, %dma_wait3A_444] : memref<5000x64x128xf32, #tpu.memory_space<hbm>> -> memref<1x64x128xf32, #tpu.memory_space<hbm>>
          %dma_wait3A_446 = tpu.memref_squeeze %dma_wait3A_445 : memref<1x64x128xf32, #tpu.memory_space<hbm>> -> memref<64x128xf32, #tpu.memory_space<hbm>>
          tpu.wait_dma2 semaphore(%arg14 : memref<!tpu.dma_semaphore, #tpu.memory_space<semaphore_mem>>) src(%dma_wait3A_446 : memref<64x128xf32, #tpu.memory_space<hbm>>) dst(%dma_wait3A_442 : memref<64x128xf32, #tpu.memory_space<vmem>>)
          %dma_start3A_447 = arith.constant 3 : i32
          %dma_start3A_448 = arith.constant 3 : i32
          %dma_start3A_449 = arith.constant 0 : i32
          %dma_start3A_450 = arith.constant 0 : i32
          %dma_start3A_451 = tpu.memref_slice %arg10[%dma_start3A_447, %dma_start3A_449, %dma_start3A_450] : memref<6x64x128xf32, #tpu.memory_space<vmem>> -> memref<1x64x128xf32, #tpu.memory_space<vmem>>
          %dma_start3A_452 = tpu.memref_squeeze %dma_start3A_451 : memref<1x64x128xf32, #tpu.memory_space<vmem>> -> memref<64x128xf32, #tpu.memory_space<vmem>>
          %dma_start3A_453 = arith.constant 0 : i32
          %dma_start3A_454 = tpu.memref_slice %arg9[%dma_start3A_448, %dma_start3A_453] : memref<6x64xi32, #tpu.memory_space<vmem>> -> memref<1x64xi32, #tpu.memory_space<vmem>>
          %dma_start3A_455 = tpu.memref_squeeze %dma_start3A_454 : memref<1x64xi32, #tpu.memory_space<vmem>> -> memref<64xi32, #tpu.memory_space<vmem>>
          %dma_start3A_456 = arith.constant 0 : i32
          %dma_start3A_457 = arith.constant 0 : i32
          %dma_start3A_458 = tpu.memref_slice %arg8[%dma_start3A_456, %dma_start3A_457] : memref<10000x128xf32, #tpu.memory_space<vmem_shared>> -> memref<10000x128xf32, #tpu.memory_space<vmem_shared>>
          tpu.enqueue_indirect_dma source(%dma_start3A_452 : memref<64x128xf32, #tpu.memory_space<vmem>>) target(%dma_start3A_458 : memref<10000x128xf32, #tpu.memory_space<vmem_shared>>) offsets(%dma_start3A_455 : memref<64xi32, #tpu.memory_space<vmem>>) semaphore(%arg20 : memref<!tpu.dma_semaphore, #tpu.memory_space<semaphore_mem>>) {add = true}
          %add3A_459 = arith.constant 6 : i32
          %add3A_460 = arith.addi %while3A_289, %add3A_459 : i32
          %sub3A = arith.constant 1 : i32
          %sub3A_461 = arith.subi %add3A_460, %sub3A : i32
          %lt3A_462 = arith.cmpi slt, %sub3A_461, %select_n3A : i32
          %convert_element_type3A_463 = arith.extui %lt3A_462 : i1 to i32
          %cond3A_464 = arith.constant 0 : i32
          %cond3A_465 = arith.cmpi ne, %convert_element_type3A_463, %cond3A_464 : i32
          scf.if %cond3A_465 {
            %ge3A = arith.constant 1 : i32
            %ge3A_466 = arith.cmpi sge, %while3A_289, %ge3A : i32
            %convert_element_type3A_467 = arith.extui %ge3A_466 : i1 to i32
            %cond3A_468 = arith.constant 0 : i32
            %cond3A_469 = arith.cmpi ne, %convert_element_type3A_467, %cond3A_468 : i32
            scf.if %cond3A_469 {
              %dma_wait3A_502 = arith.constant 2 : i32
              %dma_wait3A_503 = arith.constant 2 : i32
              %dma_wait3A_504 = arith.constant 0 : i32
              %dma_wait3A_505 = arith.constant 0 : i32
              %dma_wait3A_506 = tpu.memref_slice %arg10[%dma_wait3A_502, %dma_wait3A_504, %dma_wait3A_505] : memref<6x64x128xf32, #tpu.memory_space<vmem>> -> memref<1x64x128xf32, #tpu.memory_space<vmem>>
              %dma_wait3A_507 = tpu.memref_squeeze %dma_wait3A_506 : memref<1x64x128xf32, #tpu.memory_space<vmem>> -> memref<64x128xf32, #tpu.memory_space<vmem>>
              %dma_wait3A_508 = arith.constant 0 : i32
              %dma_wait3A_509 = tpu.memref_slice %arg9[%dma_wait3A_503, %dma_wait3A_508] : memref<6x64xi32, #tpu.memory_space<vmem>> -> memref<1x64xi32, #tpu.memory_space<vmem>>
              %dma_wait3A_510 = tpu.memref_squeeze %dma_wait3A_509 : memref<1x64xi32, #tpu.memory_space<vmem>> -> memref<64xi32, #tpu.memory_space<vmem>>
              %dma_wait3A_511 = arith.constant 0 : i32
              %dma_wait3A_512 = arith.constant 0 : i32
              %dma_wait3A_513 = tpu.memref_slice %arg8[%dma_wait3A_511, %dma_wait3A_512] : memref<10000x128xf32, #tpu.memory_space<vmem_shared>> -> memref<10000x128xf32, #tpu.memory_space<vmem_shared>>
              tpu.wait_indirect_dma semaphore(%arg19 : memref<!tpu.dma_semaphore, #tpu.memory_space<semaphore_mem>>) src(%dma_wait3A_507 : memref<64x128xf32, #tpu.memory_space<vmem>>) dst(%dma_wait3A_513 : memref<10000x128xf32, #tpu.memory_space<vmem_shared>>)
            } else {
            }
            %add3A_470 = arith.addi %add3A, %sub3A_461 : i32
            %mul3A_471 = arith.constant 64 : i32
            %mul3A_472 = arith.muli %add3A_470, %mul3A_471 : i32
            %add3A_473 = arith.constant 320000 : i32
            %add3A_474 = arith.addi %add3A_473, %mul3A_472 : i32
            %dma_start3A_475 = arith.constant 2 : i32
            %dma_start3A_476 = arith.constant 0 : i32
            %dma_start3A_477 = tpu.memref_slice %arg9[%dma_start3A_475, %dma_start3A_476] : memref<6x64xi32, #tpu.memory_space<vmem>> -> memref<1x64xi32, #tpu.memory_space<vmem>>
            %dma_start3A_478 = tpu.memref_squeeze %dma_start3A_477 : memref<1x64xi32, #tpu.memory_space<vmem>> -> memref<64xi32, #tpu.memory_space<vmem>>
            %dma_start3A_479 = tpu.memref_slice %arg3[%add3A_474] : memref<640000xi32, #tpu.memory_space<hbm>> -> memref<64xi32, #tpu.memory_space<hbm>>
            %dma_start3A_480 = arith.constant 0 : i32
            %dma_start3A_481 = tpu.memref_slice %arg9[%dma_start3A_475, %dma_start3A_480] : memref<6x64xi32, #tpu.memory_space<vmem>> -> memref<1x64xi32, #tpu.memory_space<vmem>>
            %dma_start3A_482 = tpu.memref_squeeze %dma_start3A_481 : memref<1x64xi32, #tpu.memory_space<vmem>> -> memref<64xi32, #tpu.memory_space<vmem>>
            %dma_start3A_483 = tpu.memref_slice %arg3[%add3A_474] : memref<640000xi32, #tpu.memory_space<hbm>> -> memref<64xi32, #tpu.memory_space<hbm>>
            tpu.enqueue_dma source(%dma_start3A_483 : memref<64xi32, #tpu.memory_space<hbm>>) target(%dma_start3A_482 : memref<64xi32, #tpu.memory_space<vmem>>) target_semaphore(%arg13 : memref<!tpu.dma_semaphore, #tpu.memory_space<semaphore_mem>>)
            %add3A_484 = arith.addi %add3A, %sub3A_461 : i32
            %dma_start3A_485 = arith.constant 2 : i32
            %dma_start3A_486 = arith.constant 0 : i32
            %dma_start3A_487 = arith.constant 0 : i32
            %dma_start3A_488 = tpu.memref_slice %arg10[%dma_start3A_485, %dma_start3A_486, %dma_start3A_487] : memref<6x64x128xf32, #tpu.memory_space<vmem>> -> memref<1x64x128xf32, #tpu.memory_space<vmem>>
            %dma_start3A_489 = tpu.memref_squeeze %dma_start3A_488 : memref<1x64x128xf32, #tpu.memory_space<vmem>> -> memref<64x128xf32, #tpu.memory_space<vmem>>
            %dma_start3A_490 = arith.constant 0 : i32
            %dma_start3A_491 = arith.constant 0 : i32
            %dma_start3A_492 = tpu.memref_slice %arg5[%add3A_484, %dma_start3A_490, %dma_start3A_491] : memref<5000x64x128xf32, #tpu.memory_space<hbm>> -> memref<1x64x128xf32, #tpu.memory_space<hbm>>
            %dma_start3A_493 = tpu.memref_squeeze %dma_start3A_492 : memref<1x64x128xf32, #tpu.memory_space<hbm>> -> memref<64x128xf32, #tpu.memory_space<hbm>>
            %dma_start3A_494 = arith.constant 0 : i32
            %dma_start3A_495 = arith.constant 0 : i32
            %dma_start3A_496 = tpu.memref_slice %arg10[%dma_start3A_485, %dma_start3A_494, %dma_start3A_495] : memref<6x64x128xf32, #tpu.memory_space<vmem>> -> memref<1x64x128xf32, #tpu.memory_space<vmem>>
            %dma_start3A_497 = tpu.memref_squeeze %dma_start3A_496 : memref<1x64x128xf32, #tpu.memory_space<vmem>> -> memref<64x128xf32, #tpu.memory_space<vmem>>
            %dma_start3A_498 = arith.constant 0 : i32
            %dma_start3A_499 = arith.constant 0 : i32
            %dma_start3A_500 = tpu.memref_slice %arg5[%add3A_484, %dma_start3A_498, %dma_start3A_499] : memref<5000x64x128xf32, #tpu.memory_space<hbm>> -> memref<1x64x128xf32, #tpu.memory_space<hbm>>
            %dma_start3A_501 = tpu.memref_squeeze %dma_start3A_500 : memref<1x64x128xf32, #tpu.memory_space<hbm>> -> memref<64x128xf32, #tpu.memory_space<hbm>>
            tpu.enqueue_dma source(%dma_start3A_501 : memref<64x128xf32, #tpu.memory_space<hbm>>) target(%dma_start3A_497 : memref<64x128xf32, #tpu.memory_space<vmem>>) target_semaphore(%arg13 : memref<!tpu.dma_semaphore, #tpu.memory_space<semaphore_mem>>)
          } else {
          }
        } else {
        }
        %jit3A_372 = arith.constant 6 : i32
        %eq3A_373 = arith.constant 0 : i32
        %eq3A_374 = arith.cmpi eq, %jit3A_372, %eq3A_373 : i32
        %jit3A_375 = arith.constant 1 : i32
        %select_n3A_376 = arith.select %eq3A_374, %jit3A_375, %jit3A_372 : i32
        %rem3A_377 = arith.remsi %while3A_289, %select_n3A_376 : i32
        %ne3A_378 = arith.constant 0 : i32
        %ne3A_379 = arith.cmpi ne, %rem3A_377, %ne3A_378 : i32
        %lt3A_380 = arith.constant 0 : i32
        %lt3A_381 = arith.cmpi slt, %rem3A_377, %lt3A_380 : i32
        %lt3A_382 = arith.constant 0 : i32
        %lt3A_383 = arith.cmpi slt, %select_n3A_376, %lt3A_382 : i32
        %ne3A_384 = arith.xori %lt3A_381, %lt3A_383 : i1
        %and3A_385 = arith.andi %ne3A_384, %ne3A_379 : i1
        %add3A_386 = arith.addi %rem3A_377, %select_n3A_376 : i32
        %select_n3A_387 = arith.select %and3A_385, %add3A_386, %rem3A_377 : i32
        %eq3A_388 = arith.constant 4 : i32
        %eq3A_389 = arith.cmpi eq, %select_n3A_387, %eq3A_388 : i32
        %convert_element_type3A_390 = arith.extui %eq3A_389 : i1 to i32
        %cond3A_391 = arith.constant 0 : i32
        %cond3A_392 = arith.cmpi ne, %convert_element_type3A_390, %cond3A_391 : i32
        scf.if %cond3A_392 {
          %add3A_415 = arith.addi %add3A, %while3A_289 : i32
          %mul3A_416 = arith.constant 64 : i32
          %mul3A_417 = arith.muli %add3A_415, %mul3A_416 : i32
          %add3A_418 = arith.constant 320000 : i32
          %add3A_419 = arith.addi %add3A_418, %mul3A_417 : i32
          %dma_wait3A_420 = arith.constant 4 : i32
          %dma_wait3A_421 = arith.constant 0 : i32
          %dma_wait3A_422 = tpu.memref_slice %arg9[%dma_wait3A_420, %dma_wait3A_421] : memref<6x64xi32, #tpu.memory_space<vmem>> -> memref<1x64xi32, #tpu.memory_space<vmem>>
          %dma_wait3A_423 = tpu.memref_squeeze %dma_wait3A_422 : memref<1x64xi32, #tpu.memory_space<vmem>> -> memref<64xi32, #tpu.memory_space<vmem>>
          %dma_wait3A_424 = tpu.memref_slice %arg3[%add3A_419] : memref<640000xi32, #tpu.memory_space<hbm>> -> memref<64xi32, #tpu.memory_space<hbm>>
          %dma_wait3A_425 = arith.constant 0 : i32
          %dma_wait3A_426 = tpu.memref_slice %arg9[%dma_wait3A_420, %dma_wait3A_425] : memref<6x64xi32, #tpu.memory_space<vmem>> -> memref<1x64xi32, #tpu.memory_space<vmem>>
          %dma_wait3A_427 = tpu.memref_squeeze %dma_wait3A_426 : memref<1x64xi32, #tpu.memory_space<vmem>> -> memref<64xi32, #tpu.memory_space<vmem>>
          %dma_wait3A_428 = tpu.memref_slice %arg3[%add3A_419] : memref<640000xi32, #tpu.memory_space<hbm>> -> memref<64xi32, #tpu.memory_space<hbm>>
          tpu.wait_dma2 semaphore(%arg15 : memref<!tpu.dma_semaphore, #tpu.memory_space<semaphore_mem>>) src(%dma_wait3A_428 : memref<64xi32, #tpu.memory_space<hbm>>) dst(%dma_wait3A_427 : memref<64xi32, #tpu.memory_space<vmem>>)
          %add3A_429 = arith.addi %add3A, %while3A_289 : i32
          %dma_wait3A_430 = arith.constant 4 : i32
          %dma_wait3A_431 = arith.constant 0 : i32
          %dma_wait3A_432 = arith.constant 0 : i32
          %dma_wait3A_433 = tpu.memref_slice %arg10[%dma_wait3A_430, %dma_wait3A_431, %dma_wait3A_432] : memref<6x64x128xf32, #tpu.memory_space<vmem>> -> memref<1x64x128xf32, #tpu.memory_space<vmem>>
          %dma_wait3A_434 = tpu.memref_squeeze %dma_wait3A_433 : memref<1x64x128xf32, #tpu.memory_space<vmem>> -> memref<64x128xf32, #tpu.memory_space<vmem>>
          %dma_wait3A_435 = arith.constant 0 : i32
          %dma_wait3A_436 = arith.constant 0 : i32
          %dma_wait3A_437 = tpu.memref_slice %arg5[%add3A_429, %dma_wait3A_435, %dma_wait3A_436] : memref<5000x64x128xf32, #tpu.memory_space<hbm>> -> memref<1x64x128xf32, #tpu.memory_space<hbm>>
          %dma_wait3A_438 = tpu.memref_squeeze %dma_wait3A_437 : memref<1x64x128xf32, #tpu.memory_space<hbm>> -> memref<64x128xf32, #tpu.memory_space<hbm>>
          %dma_wait3A_439 = arith.constant 0 : i32
          %dma_wait3A_440 = arith.constant 0 : i32
          %dma_wait3A_441 = tpu.memref_slice %arg10[%dma_wait3A_430, %dma_wait3A_439, %dma_wait3A_440] : memref<6x64x128xf32, #tpu.memory_space<vmem>> -> memref<1x64x128xf32, #tpu.memory_space<vmem>>
          %dma_wait3A_442 = tpu.memref_squeeze %dma_wait3A_441 : memref<1x64x128xf32, #tpu.memory_space<vmem>> -> memref<64x128xf32, #tpu.memory_space<vmem>>
          %dma_wait3A_443 = arith.constant 0 : i32
          %dma_wait3A_444 = arith.constant 0 : i32
          %dma_wait3A_445 = tpu.memref_slice %arg5[%add3A_429, %dma_wait3A_443, %dma_wait3A_444] : memref<5000x64x128xf32, #tpu.memory_space<hbm>> -> memref<1x64x128xf32, #tpu.memory_space<hbm>>
          %dma_wait3A_446 = tpu.memref_squeeze %dma_wait3A_445 : memref<1x64x128xf32, #tpu.memory_space<hbm>> -> memref<64x128xf32, #tpu.memory_space<hbm>>
          tpu.wait_dma2 semaphore(%arg15 : memref<!tpu.dma_semaphore, #tpu.memory_space<semaphore_mem>>) src(%dma_wait3A_446 : memref<64x128xf32, #tpu.memory_space<hbm>>) dst(%dma_wait3A_442 : memref<64x128xf32, #tpu.memory_space<vmem>>)
          %dma_start3A_447 = arith.constant 4 : i32
          %dma_start3A_448 = arith.constant 4 : i32
          %dma_start3A_449 = arith.constant 0 : i32
          %dma_start3A_450 = arith.constant 0 : i32
          %dma_start3A_451 = tpu.memref_slice %arg10[%dma_start3A_447, %dma_start3A_449, %dma_start3A_450] : memref<6x64x128xf32, #tpu.memory_space<vmem>> -> memref<1x64x128xf32, #tpu.memory_space<vmem>>
          %dma_start3A_452 = tpu.memref_squeeze %dma_start3A_451 : memref<1x64x128xf32, #tpu.memory_space<vmem>> -> memref<64x128xf32, #tpu.memory_space<vmem>>
          %dma_start3A_453 = arith.constant 0 : i32
          %dma_start3A_454 = tpu.memref_slice %arg9[%dma_start3A_448, %dma_start3A_453] : memref<6x64xi32, #tpu.memory_space<vmem>> -> memref<1x64xi32, #tpu.memory_space<vmem>>
          %dma_start3A_455 = tpu.memref_squeeze %dma_start3A_454 : memref<1x64xi32, #tpu.memory_space<vmem>> -> memref<64xi32, #tpu.memory_space<vmem>>
          %dma_start3A_456 = arith.constant 0 : i32
          %dma_start3A_457 = arith.constant 0 : i32
          %dma_start3A_458 = tpu.memref_slice %arg8[%dma_start3A_456, %dma_start3A_457] : memref<10000x128xf32, #tpu.memory_space<vmem_shared>> -> memref<10000x128xf32, #tpu.memory_space<vmem_shared>>
          tpu.enqueue_indirect_dma source(%dma_start3A_452 : memref<64x128xf32, #tpu.memory_space<vmem>>) target(%dma_start3A_458 : memref<10000x128xf32, #tpu.memory_space<vmem_shared>>) offsets(%dma_start3A_455 : memref<64xi32, #tpu.memory_space<vmem>>) semaphore(%arg21 : memref<!tpu.dma_semaphore, #tpu.memory_space<semaphore_mem>>) {add = true}
          %add3A_459 = arith.constant 6 : i32
          %add3A_460 = arith.addi %while3A_289, %add3A_459 : i32
          %sub3A = arith.constant 1 : i32
          %sub3A_461 = arith.subi %add3A_460, %sub3A : i32
          %lt3A_462 = arith.cmpi slt, %sub3A_461, %select_n3A : i32
          %convert_element_type3A_463 = arith.extui %lt3A_462 : i1 to i32
          %cond3A_464 = arith.constant 0 : i32
          %cond3A_465 = arith.cmpi ne, %convert_element_type3A_463, %cond3A_464 : i32
          scf.if %cond3A_465 {
            %ge3A = arith.constant 1 : i32
            %ge3A_466 = arith.cmpi sge, %while3A_289, %ge3A : i32
            %convert_element_type3A_467 = arith.extui %ge3A_466 : i1 to i32
            %cond3A_468 = arith.constant 0 : i32
            %cond3A_469 = arith.cmpi ne, %convert_element_type3A_467, %cond3A_468 : i32
            scf.if %cond3A_469 {
              %dma_wait3A_502 = arith.constant 3 : i32
              %dma_wait3A_503 = arith.constant 3 : i32
              %dma_wait3A_504 = arith.constant 0 : i32
              %dma_wait3A_505 = arith.constant 0 : i32
              %dma_wait3A_506 = tpu.memref_slice %arg10[%dma_wait3A_502, %dma_wait3A_504, %dma_wait3A_505] : memref<6x64x128xf32, #tpu.memory_space<vmem>> -> memref<1x64x128xf32, #tpu.memory_space<vmem>>
              %dma_wait3A_507 = tpu.memref_squeeze %dma_wait3A_506 : memref<1x64x128xf32, #tpu.memory_space<vmem>> -> memref<64x128xf32, #tpu.memory_space<vmem>>
              %dma_wait3A_508 = arith.constant 0 : i32
              %dma_wait3A_509 = tpu.memref_slice %arg9[%dma_wait3A_503, %dma_wait3A_508] : memref<6x64xi32, #tpu.memory_space<vmem>> -> memref<1x64xi32, #tpu.memory_space<vmem>>
              %dma_wait3A_510 = tpu.memref_squeeze %dma_wait3A_509 : memref<1x64xi32, #tpu.memory_space<vmem>> -> memref<64xi32, #tpu.memory_space<vmem>>
              %dma_wait3A_511 = arith.constant 0 : i32
              %dma_wait3A_512 = arith.constant 0 : i32
              %dma_wait3A_513 = tpu.memref_slice %arg8[%dma_wait3A_511, %dma_wait3A_512] : memref<10000x128xf32, #tpu.memory_space<vmem_shared>> -> memref<10000x128xf32, #tpu.memory_space<vmem_shared>>
              tpu.wait_indirect_dma semaphore(%arg20 : memref<!tpu.dma_semaphore, #tpu.memory_space<semaphore_mem>>) src(%dma_wait3A_507 : memref<64x128xf32, #tpu.memory_space<vmem>>) dst(%dma_wait3A_513 : memref<10000x128xf32, #tpu.memory_space<vmem_shared>>)
            } else {
            }
            %add3A_470 = arith.addi %add3A, %sub3A_461 : i32
            %mul3A_471 = arith.constant 64 : i32
            %mul3A_472 = arith.muli %add3A_470, %mul3A_471 : i32
            %add3A_473 = arith.constant 320000 : i32
            %add3A_474 = arith.addi %add3A_473, %mul3A_472 : i32
            %dma_start3A_475 = arith.constant 3 : i32
            %dma_start3A_476 = arith.constant 0 : i32
            %dma_start3A_477 = tpu.memref_slice %arg9[%dma_start3A_475, %dma_start3A_476] : memref<6x64xi32, #tpu.memory_space<vmem>> -> memref<1x64xi32, #tpu.memory_space<vmem>>
            %dma_start3A_478 = tpu.memref_squeeze %dma_start3A_477 : memref<1x64xi32, #tpu.memory_space<vmem>> -> memref<64xi32, #tpu.memory_space<vmem>>
            %dma_start3A_479 = tpu.memref_slice %arg3[%add3A_474] : memref<640000xi32, #tpu.memory_space<hbm>> -> memref<64xi32, #tpu.memory_space<hbm>>
            %dma_start3A_480 = arith.constant 0 : i32
            %dma_start3A_481 = tpu.memref_slice %arg9[%dma_start3A_475, %dma_start3A_480] : memref<6x64xi32, #tpu.memory_space<vmem>> -> memref<1x64xi32, #tpu.memory_space<vmem>>
            %dma_start3A_482 = tpu.memref_squeeze %dma_start3A_481 : memref<1x64xi32, #tpu.memory_space<vmem>> -> memref<64xi32, #tpu.memory_space<vmem>>
            %dma_start3A_483 = tpu.memref_slice %arg3[%add3A_474] : memref<640000xi32, #tpu.memory_space<hbm>> -> memref<64xi32, #tpu.memory_space<hbm>>
            tpu.enqueue_dma source(%dma_start3A_483 : memref<64xi32, #tpu.memory_space<hbm>>) target(%dma_start3A_482 : memref<64xi32, #tpu.memory_space<vmem>>) target_semaphore(%arg14 : memref<!tpu.dma_semaphore, #tpu.memory_space<semaphore_mem>>)
            %add3A_484 = arith.addi %add3A, %sub3A_461 : i32
            %dma_start3A_485 = arith.constant 3 : i32
            %dma_start3A_486 = arith.constant 0 : i32
            %dma_start3A_487 = arith.constant 0 : i32
            %dma_start3A_488 = tpu.memref_slice %arg10[%dma_start3A_485, %dma_start3A_486, %dma_start3A_487] : memref<6x64x128xf32, #tpu.memory_space<vmem>> -> memref<1x64x128xf32, #tpu.memory_space<vmem>>
            %dma_start3A_489 = tpu.memref_squeeze %dma_start3A_488 : memref<1x64x128xf32, #tpu.memory_space<vmem>> -> memref<64x128xf32, #tpu.memory_space<vmem>>
            %dma_start3A_490 = arith.constant 0 : i32
            %dma_start3A_491 = arith.constant 0 : i32
            %dma_start3A_492 = tpu.memref_slice %arg5[%add3A_484, %dma_start3A_490, %dma_start3A_491] : memref<5000x64x128xf32, #tpu.memory_space<hbm>> -> memref<1x64x128xf32, #tpu.memory_space<hbm>>
            %dma_start3A_493 = tpu.memref_squeeze %dma_start3A_492 : memref<1x64x128xf32, #tpu.memory_space<hbm>> -> memref<64x128xf32, #tpu.memory_space<hbm>>
            %dma_start3A_494 = arith.constant 0 : i32
            %dma_start3A_495 = arith.constant 0 : i32
            %dma_start3A_496 = tpu.memref_slice %arg10[%dma_start3A_485, %dma_start3A_494, %dma_start3A_495] : memref<6x64x128xf32, #tpu.memory_space<vmem>> -> memref<1x64x128xf32, #tpu.memory_space<vmem>>
            %dma_start3A_497 = tpu.memref_squeeze %dma_start3A_496 : memref<1x64x128xf32, #tpu.memory_space<vmem>> -> memref<64x128xf32, #tpu.memory_space<vmem>>
            %dma_start3A_498 = arith.constant 0 : i32
            %dma_start3A_499 = arith.constant 0 : i32
            %dma_start3A_500 = tpu.memref_slice %arg5[%add3A_484, %dma_start3A_498, %dma_start3A_499] : memref<5000x64x128xf32, #tpu.memory_space<hbm>> -> memref<1x64x128xf32, #tpu.memory_space<hbm>>
            %dma_start3A_501 = tpu.memref_squeeze %dma_start3A_500 : memref<1x64x128xf32, #tpu.memory_space<hbm>> -> memref<64x128xf32, #tpu.memory_space<hbm>>
            tpu.enqueue_dma source(%dma_start3A_501 : memref<64x128xf32, #tpu.memory_space<hbm>>) target(%dma_start3A_497 : memref<64x128xf32, #tpu.memory_space<vmem>>) target_semaphore(%arg14 : memref<!tpu.dma_semaphore, #tpu.memory_space<semaphore_mem>>)
          } else {
          }
        } else {
        }
        %jit3A_393 = arith.constant 6 : i32
        %eq3A_394 = arith.constant 0 : i32
        %eq3A_395 = arith.cmpi eq, %jit3A_393, %eq3A_394 : i32
        %jit3A_396 = arith.constant 1 : i32
        %select_n3A_397 = arith.select %eq3A_395, %jit3A_396, %jit3A_393 : i32
        %rem3A_398 = arith.remsi %while3A_289, %select_n3A_397 : i32
        %ne3A_399 = arith.constant 0 : i32
        %ne3A_400 = arith.cmpi ne, %rem3A_398, %ne3A_399 : i32
        %lt3A_401 = arith.constant 0 : i32
        %lt3A_402 = arith.cmpi slt, %rem3A_398, %lt3A_401 : i32
        %lt3A_403 = arith.constant 0 : i32
        %lt3A_404 = arith.cmpi slt, %select_n3A_397, %lt3A_403 : i32
        %ne3A_405 = arith.xori %lt3A_402, %lt3A_404 : i1
        %and3A_406 = arith.andi %ne3A_405, %ne3A_400 : i1
        %add3A_407 = arith.addi %rem3A_398, %select_n3A_397 : i32
        %select_n3A_408 = arith.select %and3A_406, %add3A_407, %rem3A_398 : i32
        %eq3A_409 = arith.constant 5 : i32
        %eq3A_410 = arith.cmpi eq, %select_n3A_408, %eq3A_409 : i32
        %convert_element_type3A_411 = arith.extui %eq3A_410 : i1 to i32
        %cond3A_412 = arith.constant 0 : i32
        %cond3A_413 = arith.cmpi ne, %convert_element_type3A_411, %cond3A_412 : i32
        scf.if %cond3A_413 {
          %add3A_415 = arith.addi %add3A, %while3A_289 : i32
          %mul3A_416 = arith.constant 64 : i32
          %mul3A_417 = arith.muli %add3A_415, %mul3A_416 : i32
          %add3A_418 = arith.constant 320000 : i32
          %add3A_419 = arith.addi %add3A_418, %mul3A_417 : i32
          %dma_wait3A_420 = arith.constant 5 : i32
          %dma_wait3A_421 = arith.constant 0 : i32
          %dma_wait3A_422 = tpu.memref_slice %arg9[%dma_wait3A_420, %dma_wait3A_421] : memref<6x64xi32, #tpu.memory_space<vmem>> -> memref<1x64xi32, #tpu.memory_space<vmem>>
          %dma_wait3A_423 = tpu.memref_squeeze %dma_wait3A_422 : memref<1x64xi32, #tpu.memory_space<vmem>> -> memref<64xi32, #tpu.memory_space<vmem>>
          %dma_wait3A_424 = tpu.memref_slice %arg3[%add3A_419] : memref<640000xi32, #tpu.memory_space<hbm>> -> memref<64xi32, #tpu.memory_space<hbm>>
          %dma_wait3A_425 = arith.constant 0 : i32
          %dma_wait3A_426 = tpu.memref_slice %arg9[%dma_wait3A_420, %dma_wait3A_425] : memref<6x64xi32, #tpu.memory_space<vmem>> -> memref<1x64xi32, #tpu.memory_space<vmem>>
          %dma_wait3A_427 = tpu.memref_squeeze %dma_wait3A_426 : memref<1x64xi32, #tpu.memory_space<vmem>> -> memref<64xi32, #tpu.memory_space<vmem>>
          %dma_wait3A_428 = tpu.memref_slice %arg3[%add3A_419] : memref<640000xi32, #tpu.memory_space<hbm>> -> memref<64xi32, #tpu.memory_space<hbm>>
          tpu.wait_dma2 semaphore(%arg16 : memref<!tpu.dma_semaphore, #tpu.memory_space<semaphore_mem>>) src(%dma_wait3A_428 : memref<64xi32, #tpu.memory_space<hbm>>) dst(%dma_wait3A_427 : memref<64xi32, #tpu.memory_space<vmem>>)
          %add3A_429 = arith.addi %add3A, %while3A_289 : i32
          %dma_wait3A_430 = arith.constant 5 : i32
          %dma_wait3A_431 = arith.constant 0 : i32
          %dma_wait3A_432 = arith.constant 0 : i32
          %dma_wait3A_433 = tpu.memref_slice %arg10[%dma_wait3A_430, %dma_wait3A_431, %dma_wait3A_432] : memref<6x64x128xf32, #tpu.memory_space<vmem>> -> memref<1x64x128xf32, #tpu.memory_space<vmem>>
          %dma_wait3A_434 = tpu.memref_squeeze %dma_wait3A_433 : memref<1x64x128xf32, #tpu.memory_space<vmem>> -> memref<64x128xf32, #tpu.memory_space<vmem>>
          %dma_wait3A_435 = arith.constant 0 : i32
          %dma_wait3A_436 = arith.constant 0 : i32
          %dma_wait3A_437 = tpu.memref_slice %arg5[%add3A_429, %dma_wait3A_435, %dma_wait3A_436] : memref<5000x64x128xf32, #tpu.memory_space<hbm>> -> memref<1x64x128xf32, #tpu.memory_space<hbm>>
          %dma_wait3A_438 = tpu.memref_squeeze %dma_wait3A_437 : memref<1x64x128xf32, #tpu.memory_space<hbm>> -> memref<64x128xf32, #tpu.memory_space<hbm>>
          %dma_wait3A_439 = arith.constant 0 : i32
          %dma_wait3A_440 = arith.constant 0 : i32
          %dma_wait3A_441 = tpu.memref_slice %arg10[%dma_wait3A_430, %dma_wait3A_439, %dma_wait3A_440] : memref<6x64x128xf32, #tpu.memory_space<vmem>> -> memref<1x64x128xf32, #tpu.memory_space<vmem>>
          %dma_wait3A_442 = tpu.memref_squeeze %dma_wait3A_441 : memref<1x64x128xf32, #tpu.memory_space<vmem>> -> memref<64x128xf32, #tpu.memory_space<vmem>>
          %dma_wait3A_443 = arith.constant 0 : i32
          %dma_wait3A_444 = arith.constant 0 : i32
          %dma_wait3A_445 = tpu.memref_slice %arg5[%add3A_429, %dma_wait3A_443, %dma_wait3A_444] : memref<5000x64x128xf32, #tpu.memory_space<hbm>> -> memref<1x64x128xf32, #tpu.memory_space<hbm>>
          %dma_wait3A_446 = tpu.memref_squeeze %dma_wait3A_445 : memref<1x64x128xf32, #tpu.memory_space<hbm>> -> memref<64x128xf32, #tpu.memory_space<hbm>>
          tpu.wait_dma2 semaphore(%arg16 : memref<!tpu.dma_semaphore, #tpu.memory_space<semaphore_mem>>) src(%dma_wait3A_446 : memref<64x128xf32, #tpu.memory_space<hbm>>) dst(%dma_wait3A_442 : memref<64x128xf32, #tpu.memory_space<vmem>>)
          %dma_start3A_447 = arith.constant 5 : i32
          %dma_start3A_448 = arith.constant 5 : i32
          %dma_start3A_449 = arith.constant 0 : i32
          %dma_start3A_450 = arith.constant 0 : i32
          %dma_start3A_451 = tpu.memref_slice %arg10[%dma_start3A_447, %dma_start3A_449, %dma_start3A_450] : memref<6x64x128xf32, #tpu.memory_space<vmem>> -> memref<1x64x128xf32, #tpu.memory_space<vmem>>
          %dma_start3A_452 = tpu.memref_squeeze %dma_start3A_451 : memref<1x64x128xf32, #tpu.memory_space<vmem>> -> memref<64x128xf32, #tpu.memory_space<vmem>>
          %dma_start3A_453 = arith.constant 0 : i32
          %dma_start3A_454 = tpu.memref_slice %arg9[%dma_start3A_448, %dma_start3A_453] : memref<6x64xi32, #tpu.memory_space<vmem>> -> memref<1x64xi32, #tpu.memory_space<vmem>>
          %dma_start3A_455 = tpu.memref_squeeze %dma_start3A_454 : memref<1x64xi32, #tpu.memory_space<vmem>> -> memref<64xi32, #tpu.memory_space<vmem>>
          %dma_start3A_456 = arith.constant 0 : i32
          %dma_start3A_457 = arith.constant 0 : i32
          %dma_start3A_458 = tpu.memref_slice %arg8[%dma_start3A_456, %dma_start3A_457] : memref<10000x128xf32, #tpu.memory_space<vmem_shared>> -> memref<10000x128xf32, #tpu.memory_space<vmem_shared>>
          tpu.enqueue_indirect_dma source(%dma_start3A_452 : memref<64x128xf32, #tpu.memory_space<vmem>>) target(%dma_start3A_458 : memref<10000x128xf32, #tpu.memory_space<vmem_shared>>) offsets(%dma_start3A_455 : memref<64xi32, #tpu.memory_space<vmem>>) semaphore(%arg22 : memref<!tpu.dma_semaphore, #tpu.memory_space<semaphore_mem>>) {add = true}
          %add3A_459 = arith.constant 6 : i32
          %add3A_460 = arith.addi %while3A_289, %add3A_459 : i32
          %sub3A = arith.constant 1 : i32
          %sub3A_461 = arith.subi %add3A_460, %sub3A : i32
          %lt3A_462 = arith.cmpi slt, %sub3A_461, %select_n3A : i32
          %convert_element_type3A_463 = arith.extui %lt3A_462 : i1 to i32
          %cond3A_464 = arith.constant 0 : i32
          %cond3A_465 = arith.cmpi ne, %convert_element_type3A_463, %cond3A_464 : i32
          scf.if %cond3A_465 {
            %ge3A = arith.constant 1 : i32
            %ge3A_466 = arith.cmpi sge, %while3A_289, %ge3A : i32
            %convert_element_type3A_467 = arith.extui %ge3A_466 : i1 to i32
            %cond3A_468 = arith.constant 0 : i32
            %cond3A_469 = arith.cmpi ne, %convert_element_type3A_467, %cond3A_468 : i32
            scf.if %cond3A_469 {
              %dma_wait3A_502 = arith.constant 4 : i32
              %dma_wait3A_503 = arith.constant 4 : i32
              %dma_wait3A_504 = arith.constant 0 : i32
              %dma_wait3A_505 = arith.constant 0 : i32
              %dma_wait3A_506 = tpu.memref_slice %arg10[%dma_wait3A_502, %dma_wait3A_504, %dma_wait3A_505] : memref<6x64x128xf32, #tpu.memory_space<vmem>> -> memref<1x64x128xf32, #tpu.memory_space<vmem>>
              %dma_wait3A_507 = tpu.memref_squeeze %dma_wait3A_506 : memref<1x64x128xf32, #tpu.memory_space<vmem>> -> memref<64x128xf32, #tpu.memory_space<vmem>>
              %dma_wait3A_508 = arith.constant 0 : i32
              %dma_wait3A_509 = tpu.memref_slice %arg9[%dma_wait3A_503, %dma_wait3A_508] : memref<6x64xi32, #tpu.memory_space<vmem>> -> memref<1x64xi32, #tpu.memory_space<vmem>>
              %dma_wait3A_510 = tpu.memref_squeeze %dma_wait3A_509 : memref<1x64xi32, #tpu.memory_space<vmem>> -> memref<64xi32, #tpu.memory_space<vmem>>
              %dma_wait3A_511 = arith.constant 0 : i32
              %dma_wait3A_512 = arith.constant 0 : i32
              %dma_wait3A_513 = tpu.memref_slice %arg8[%dma_wait3A_511, %dma_wait3A_512] : memref<10000x128xf32, #tpu.memory_space<vmem_shared>> -> memref<10000x128xf32, #tpu.memory_space<vmem_shared>>
              tpu.wait_indirect_dma semaphore(%arg21 : memref<!tpu.dma_semaphore, #tpu.memory_space<semaphore_mem>>) src(%dma_wait3A_507 : memref<64x128xf32, #tpu.memory_space<vmem>>) dst(%dma_wait3A_513 : memref<10000x128xf32, #tpu.memory_space<vmem_shared>>)
            } else {
            }
            %add3A_470 = arith.addi %add3A, %sub3A_461 : i32
            %mul3A_471 = arith.constant 64 : i32
            %mul3A_472 = arith.muli %add3A_470, %mul3A_471 : i32
            %add3A_473 = arith.constant 320000 : i32
            %add3A_474 = arith.addi %add3A_473, %mul3A_472 : i32
            %dma_start3A_475 = arith.constant 4 : i32
            %dma_start3A_476 = arith.constant 0 : i32
            %dma_start3A_477 = tpu.memref_slice %arg9[%dma_start3A_475, %dma_start3A_476] : memref<6x64xi32, #tpu.memory_space<vmem>> -> memref<1x64xi32, #tpu.memory_space<vmem>>
            %dma_start3A_478 = tpu.memref_squeeze %dma_start3A_477 : memref<1x64xi32, #tpu.memory_space<vmem>> -> memref<64xi32, #tpu.memory_space<vmem>>
            %dma_start3A_479 = tpu.memref_slice %arg3[%add3A_474] : memref<640000xi32, #tpu.memory_space<hbm>> -> memref<64xi32, #tpu.memory_space<hbm>>
            %dma_start3A_480 = arith.constant 0 : i32
            %dma_start3A_481 = tpu.memref_slice %arg9[%dma_start3A_475, %dma_start3A_480] : memref<6x64xi32, #tpu.memory_space<vmem>> -> memref<1x64xi32, #tpu.memory_space<vmem>>
            %dma_start3A_482 = tpu.memref_squeeze %dma_start3A_481 : memref<1x64xi32, #tpu.memory_space<vmem>> -> memref<64xi32, #tpu.memory_space<vmem>>
            %dma_start3A_483 = tpu.memref_slice %arg3[%add3A_474] : memref<640000xi32, #tpu.memory_space<hbm>> -> memref<64xi32, #tpu.memory_space<hbm>>
            tpu.enqueue_dma source(%dma_start3A_483 : memref<64xi32, #tpu.memory_space<hbm>>) target(%dma_start3A_482 : memref<64xi32, #tpu.memory_space<vmem>>) target_semaphore(%arg15 : memref<!tpu.dma_semaphore, #tpu.memory_space<semaphore_mem>>)
            %add3A_484 = arith.addi %add3A, %sub3A_461 : i32
            %dma_start3A_485 = arith.constant 4 : i32
            %dma_start3A_486 = arith.constant 0 : i32
            %dma_start3A_487 = arith.constant 0 : i32
            %dma_start3A_488 = tpu.memref_slice %arg10[%dma_start3A_485, %dma_start3A_486, %dma_start3A_487] : memref<6x64x128xf32, #tpu.memory_space<vmem>> -> memref<1x64x128xf32, #tpu.memory_space<vmem>>
            %dma_start3A_489 = tpu.memref_squeeze %dma_start3A_488 : memref<1x64x128xf32, #tpu.memory_space<vmem>> -> memref<64x128xf32, #tpu.memory_space<vmem>>
            %dma_start3A_490 = arith.constant 0 : i32
            %dma_start3A_491 = arith.constant 0 : i32
            %dma_start3A_492 = tpu.memref_slice %arg5[%add3A_484, %dma_start3A_490, %dma_start3A_491] : memref<5000x64x128xf32, #tpu.memory_space<hbm>> -> memref<1x64x128xf32, #tpu.memory_space<hbm>>
            %dma_start3A_493 = tpu.memref_squeeze %dma_start3A_492 : memref<1x64x128xf32, #tpu.memory_space<hbm>> -> memref<64x128xf32, #tpu.memory_space<hbm>>
            %dma_start3A_494 = arith.constant 0 : i32
            %dma_start3A_495 = arith.constant 0 : i32
            %dma_start3A_496 = tpu.memref_slice %arg10[%dma_start3A_485, %dma_start3A_494, %dma_start3A_495] : memref<6x64x128xf32, #tpu.memory_space<vmem>> -> memref<1x64x128xf32, #tpu.memory_space<vmem>>
            %dma_start3A_497 = tpu.memref_squeeze %dma_start3A_496 : memref<1x64x128xf32, #tpu.memory_space<vmem>> -> memref<64x128xf32, #tpu.memory_space<vmem>>
            %dma_start3A_498 = arith.constant 0 : i32
            %dma_start3A_499 = arith.constant 0 : i32
            %dma_start3A_500 = tpu.memref_slice %arg5[%add3A_484, %dma_start3A_498, %dma_start3A_499] : memref<5000x64x128xf32, #tpu.memory_space<hbm>> -> memref<1x64x128xf32, #tpu.memory_space<hbm>>
            %dma_start3A_501 = tpu.memref_squeeze %dma_start3A_500 : memref<1x64x128xf32, #tpu.memory_space<hbm>> -> memref<64x128xf32, #tpu.memory_space<hbm>>
            tpu.enqueue_dma source(%dma_start3A_501 : memref<64x128xf32, #tpu.memory_space<hbm>>) target(%dma_start3A_497 : memref<64x128xf32, #tpu.memory_space<vmem>>) target_semaphore(%arg15 : memref<!tpu.dma_semaphore, #tpu.memory_space<semaphore_mem>>)
          } else {
          }
        } else {
        }
        %while3A_414 = arith.constant 0 : i32
        scf.yield %while3A_414 : i32
      }
      %while3A_216 = arith.constant 1 : i32
      %while3A_217 = scf.for %while3A_289 = %while3A_213 to %while3A_209 step %while3A_216 iter_args(%while3A_290 = %while3A_215) -> (i32)  : i32 {
        %jit3A_291 = arith.constant 6 : i32
        %eq3A_292 = arith.constant 0 : i32
        %eq3A_293 = arith.cmpi eq, %jit3A_291, %eq3A_292 : i32
        %jit3A_294 = arith.constant 1 : i32
        %select_n3A_295 = arith.select %eq3A_293, %jit3A_294, %jit3A_291 : i32
        %rem3A = arith.remsi %while3A_289, %select_n3A_295 : i32
        %ne3A = arith.constant 0 : i32
        %ne3A_296 = arith.cmpi ne, %rem3A, %ne3A : i32
        %lt3A_297 = arith.constant 0 : i32
        %lt3A_298 = arith.cmpi slt, %rem3A, %lt3A_297 : i32
        %lt3A_299 = arith.constant 0 : i32
        %lt3A_300 = arith.cmpi slt, %select_n3A_295, %lt3A_299 : i32
        %ne3A_301 = arith.xori %lt3A_298, %lt3A_300 : i1
        %and3A = arith.andi %ne3A_301, %ne3A_296 : i1
        %add3A_302 = arith.addi %rem3A, %select_n3A_295 : i32
        %select_n3A_303 = arith.select %and3A, %add3A_302, %rem3A : i32
        %eq3A_304 = arith.constant 0 : i32
        %eq3A_305 = arith.cmpi eq, %select_n3A_303, %eq3A_304 : i32
        %convert_element_type3A_306 = arith.extui %eq3A_305 : i1 to i32
        %cond3A_307 = arith.constant 0 : i32
        %cond3A_308 = arith.cmpi ne, %convert_element_type3A_306, %cond3A_307 : i32
        scf.if %cond3A_308 {
          %add3A_415 = arith.addi %add3A, %while3A_289 : i32
          %mul3A_416 = arith.constant 64 : i32
          %mul3A_417 = arith.muli %add3A_415, %mul3A_416 : i32
          %add3A_418 = arith.constant 320000 : i32
          %add3A_419 = arith.addi %add3A_418, %mul3A_417 : i32
          %dma_wait3A_420 = arith.constant 0 : i32
          %dma_wait3A_421 = arith.constant 0 : i32
          %dma_wait3A_422 = tpu.memref_slice %arg9[%dma_wait3A_420, %dma_wait3A_421] : memref<6x64xi32, #tpu.memory_space<vmem>> -> memref<1x64xi32, #tpu.memory_space<vmem>>
          %dma_wait3A_423 = tpu.memref_squeeze %dma_wait3A_422 : memref<1x64xi32, #tpu.memory_space<vmem>> -> memref<64xi32, #tpu.memory_space<vmem>>
          %dma_wait3A_424 = tpu.memref_slice %arg3[%add3A_419] : memref<640000xi32, #tpu.memory_space<hbm>> -> memref<64xi32, #tpu.memory_space<hbm>>
          %dma_wait3A_425 = arith.constant 0 : i32
          %dma_wait3A_426 = tpu.memref_slice %arg9[%dma_wait3A_420, %dma_wait3A_425] : memref<6x64xi32, #tpu.memory_space<vmem>> -> memref<1x64xi32, #tpu.memory_space<vmem>>
          %dma_wait3A_427 = tpu.memref_squeeze %dma_wait3A_426 : memref<1x64xi32, #tpu.memory_space<vmem>> -> memref<64xi32, #tpu.memory_space<vmem>>
          %dma_wait3A_428 = tpu.memref_slice %arg3[%add3A_419] : memref<640000xi32, #tpu.memory_space<hbm>> -> memref<64xi32, #tpu.memory_space<hbm>>
          tpu.wait_dma2 semaphore(%arg11 : memref<!tpu.dma_semaphore, #tpu.memory_space<semaphore_mem>>) src(%dma_wait3A_428 : memref<64xi32, #tpu.memory_space<hbm>>) dst(%dma_wait3A_427 : memref<64xi32, #tpu.memory_space<vmem>>)
          %add3A_429 = arith.addi %add3A, %while3A_289 : i32
          %dma_wait3A_430 = arith.constant 0 : i32
          %dma_wait3A_431 = arith.constant 0 : i32
          %dma_wait3A_432 = arith.constant 0 : i32
          %dma_wait3A_433 = tpu.memref_slice %arg10[%dma_wait3A_430, %dma_wait3A_431, %dma_wait3A_432] : memref<6x64x128xf32, #tpu.memory_space<vmem>> -> memref<1x64x128xf32, #tpu.memory_space<vmem>>
          %dma_wait3A_434 = tpu.memref_squeeze %dma_wait3A_433 : memref<1x64x128xf32, #tpu.memory_space<vmem>> -> memref<64x128xf32, #tpu.memory_space<vmem>>
          %dma_wait3A_435 = arith.constant 0 : i32
          %dma_wait3A_436 = arith.constant 0 : i32
          %dma_wait3A_437 = tpu.memref_slice %arg5[%add3A_429, %dma_wait3A_435, %dma_wait3A_436] : memref<5000x64x128xf32, #tpu.memory_space<hbm>> -> memref<1x64x128xf32, #tpu.memory_space<hbm>>
          %dma_wait3A_438 = tpu.memref_squeeze %dma_wait3A_437 : memref<1x64x128xf32, #tpu.memory_space<hbm>> -> memref<64x128xf32, #tpu.memory_space<hbm>>
          %dma_wait3A_439 = arith.constant 0 : i32
          %dma_wait3A_440 = arith.constant 0 : i32
          %dma_wait3A_441 = tpu.memref_slice %arg10[%dma_wait3A_430, %dma_wait3A_439, %dma_wait3A_440] : memref<6x64x128xf32, #tpu.memory_space<vmem>> -> memref<1x64x128xf32, #tpu.memory_space<vmem>>
          %dma_wait3A_442 = tpu.memref_squeeze %dma_wait3A_441 : memref<1x64x128xf32, #tpu.memory_space<vmem>> -> memref<64x128xf32, #tpu.memory_space<vmem>>
          %dma_wait3A_443 = arith.constant 0 : i32
          %dma_wait3A_444 = arith.constant 0 : i32
          %dma_wait3A_445 = tpu.memref_slice %arg5[%add3A_429, %dma_wait3A_443, %dma_wait3A_444] : memref<5000x64x128xf32, #tpu.memory_space<hbm>> -> memref<1x64x128xf32, #tpu.memory_space<hbm>>
          %dma_wait3A_446 = tpu.memref_squeeze %dma_wait3A_445 : memref<1x64x128xf32, #tpu.memory_space<hbm>> -> memref<64x128xf32, #tpu.memory_space<hbm>>
          tpu.wait_dma2 semaphore(%arg11 : memref<!tpu.dma_semaphore, #tpu.memory_space<semaphore_mem>>) src(%dma_wait3A_446 : memref<64x128xf32, #tpu.memory_space<hbm>>) dst(%dma_wait3A_442 : memref<64x128xf32, #tpu.memory_space<vmem>>)
          %dma_start3A_447 = arith.constant 0 : i32
          %dma_start3A_448 = arith.constant 0 : i32
          %dma_start3A_449 = arith.constant 0 : i32
          %dma_start3A_450 = arith.constant 0 : i32
          %dma_start3A_451 = tpu.memref_slice %arg10[%dma_start3A_447, %dma_start3A_449, %dma_start3A_450] : memref<6x64x128xf32, #tpu.memory_space<vmem>> -> memref<1x64x128xf32, #tpu.memory_space<vmem>>
          %dma_start3A_452 = tpu.memref_squeeze %dma_start3A_451 : memref<1x64x128xf32, #tpu.memory_space<vmem>> -> memref<64x128xf32, #tpu.memory_space<vmem>>
          %dma_start3A_453 = arith.constant 0 : i32
          %dma_start3A_454 = tpu.memref_slice %arg9[%dma_start3A_448, %dma_start3A_453] : memref<6x64xi32, #tpu.memory_space<vmem>> -> memref<1x64xi32, #tpu.memory_space<vmem>>
          %dma_start3A_455 = tpu.memref_squeeze %dma_start3A_454 : memref<1x64xi32, #tpu.memory_space<vmem>> -> memref<64xi32, #tpu.memory_space<vmem>>
          %dma_start3A_456 = arith.constant 0 : i32
          %dma_start3A_457 = arith.constant 0 : i32
          %dma_start3A_458 = tpu.memref_slice %arg8[%dma_start3A_456, %dma_start3A_457] : memref<10000x128xf32, #tpu.memory_space<vmem_shared>> -> memref<10000x128xf32, #tpu.memory_space<vmem_shared>>
          tpu.enqueue_indirect_dma source(%dma_start3A_452 : memref<64x128xf32, #tpu.memory_space<vmem>>) target(%dma_start3A_458 : memref<10000x128xf32, #tpu.memory_space<vmem_shared>>) offsets(%dma_start3A_455 : memref<64xi32, #tpu.memory_space<vmem>>) semaphore(%arg17 : memref<!tpu.dma_semaphore, #tpu.memory_space<semaphore_mem>>) {add = true}
          %add3A_459 = arith.constant 6 : i32
          %add3A_460 = arith.addi %while3A_289, %add3A_459 : i32
          %sub3A = arith.constant 1 : i32
          %sub3A_461 = arith.subi %add3A_460, %sub3A : i32
          %lt3A_462 = arith.cmpi slt, %sub3A_461, %select_n3A : i32
          %convert_element_type3A_463 = arith.extui %lt3A_462 : i1 to i32
          %cond3A_464 = arith.constant 0 : i32
          %cond3A_465 = arith.cmpi ne, %convert_element_type3A_463, %cond3A_464 : i32
          scf.if %cond3A_465 {
            %ge3A = arith.constant 1 : i32
            %ge3A_466 = arith.cmpi sge, %while3A_289, %ge3A : i32
            %convert_element_type3A_467 = arith.extui %ge3A_466 : i1 to i32
            %cond3A_468 = arith.constant 0 : i32
            %cond3A_469 = arith.cmpi ne, %convert_element_type3A_467, %cond3A_468 : i32
            scf.if %cond3A_469 {
              %dma_wait3A_502 = arith.constant 5 : i32
              %dma_wait3A_503 = arith.constant 5 : i32
              %dma_wait3A_504 = arith.constant 0 : i32
              %dma_wait3A_505 = arith.constant 0 : i32
              %dma_wait3A_506 = tpu.memref_slice %arg10[%dma_wait3A_502, %dma_wait3A_504, %dma_wait3A_505] : memref<6x64x128xf32, #tpu.memory_space<vmem>> -> memref<1x64x128xf32, #tpu.memory_space<vmem>>
              %dma_wait3A_507 = tpu.memref_squeeze %dma_wait3A_506 : memref<1x64x128xf32, #tpu.memory_space<vmem>> -> memref<64x128xf32, #tpu.memory_space<vmem>>
              %dma_wait3A_508 = arith.constant 0 : i32
              %dma_wait3A_509 = tpu.memref_slice %arg9[%dma_wait3A_503, %dma_wait3A_508] : memref<6x64xi32, #tpu.memory_space<vmem>> -> memref<1x64xi32, #tpu.memory_space<vmem>>
              %dma_wait3A_510 = tpu.memref_squeeze %dma_wait3A_509 : memref<1x64xi32, #tpu.memory_space<vmem>> -> memref<64xi32, #tpu.memory_space<vmem>>
              %dma_wait3A_511 = arith.constant 0 : i32
              %dma_wait3A_512 = arith.constant 0 : i32
              %dma_wait3A_513 = tpu.memref_slice %arg8[%dma_wait3A_511, %dma_wait3A_512] : memref<10000x128xf32, #tpu.memory_space<vmem_shared>> -> memref<10000x128xf32, #tpu.memory_space<vmem_shared>>
              tpu.wait_indirect_dma semaphore(%arg22 : memref<!tpu.dma_semaphore, #tpu.memory_space<semaphore_mem>>) src(%dma_wait3A_507 : memref<64x128xf32, #tpu.memory_space<vmem>>) dst(%dma_wait3A_513 : memref<10000x128xf32, #tpu.memory_space<vmem_shared>>)
            } else {
            }
            %add3A_470 = arith.addi %add3A, %sub3A_461 : i32
            %mul3A_471 = arith.constant 64 : i32
            %mul3A_472 = arith.muli %add3A_470, %mul3A_471 : i32
            %add3A_473 = arith.constant 320000 : i32
            %add3A_474 = arith.addi %add3A_473, %mul3A_472 : i32
            %dma_start3A_475 = arith.constant 5 : i32
            %dma_start3A_476 = arith.constant 0 : i32
            %dma_start3A_477 = tpu.memref_slice %arg9[%dma_start3A_475, %dma_start3A_476] : memref<6x64xi32, #tpu.memory_space<vmem>> -> memref<1x64xi32, #tpu.memory_space<vmem>>
            %dma_start3A_478 = tpu.memref_squeeze %dma_start3A_477 : memref<1x64xi32, #tpu.memory_space<vmem>> -> memref<64xi32, #tpu.memory_space<vmem>>
            %dma_start3A_479 = tpu.memref_slice %arg3[%add3A_474] : memref<640000xi32, #tpu.memory_space<hbm>> -> memref<64xi32, #tpu.memory_space<hbm>>
            %dma_start3A_480 = arith.constant 0 : i32
            %dma_start3A_481 = tpu.memref_slice %arg9[%dma_start3A_475, %dma_start3A_480] : memref<6x64xi32, #tpu.memory_space<vmem>> -> memref<1x64xi32, #tpu.memory_space<vmem>>
            %dma_start3A_482 = tpu.memref_squeeze %dma_start3A_481 : memref<1x64xi32, #tpu.memory_space<vmem>> -> memref<64xi32, #tpu.memory_space<vmem>>
            %dma_start3A_483 = tpu.memref_slice %arg3[%add3A_474] : memref<640000xi32, #tpu.memory_space<hbm>> -> memref<64xi32, #tpu.memory_space<hbm>>
            tpu.enqueue_dma source(%dma_start3A_483 : memref<64xi32, #tpu.memory_space<hbm>>) target(%dma_start3A_482 : memref<64xi32, #tpu.memory_space<vmem>>) target_semaphore(%arg16 : memref<!tpu.dma_semaphore, #tpu.memory_space<semaphore_mem>>)
            %add3A_484 = arith.addi %add3A, %sub3A_461 : i32
            %dma_start3A_485 = arith.constant 5 : i32
            %dma_start3A_486 = arith.constant 0 : i32
            %dma_start3A_487 = arith.constant 0 : i32
            %dma_start3A_488 = tpu.memref_slice %arg10[%dma_start3A_485, %dma_start3A_486, %dma_start3A_487] : memref<6x64x128xf32, #tpu.memory_space<vmem>> -> memref<1x64x128xf32, #tpu.memory_space<vmem>>
            %dma_start3A_489 = tpu.memref_squeeze %dma_start3A_488 : memref<1x64x128xf32, #tpu.memory_space<vmem>> -> memref<64x128xf32, #tpu.memory_space<vmem>>
            %dma_start3A_490 = arith.constant 0 : i32
            %dma_start3A_491 = arith.constant 0 : i32
            %dma_start3A_492 = tpu.memref_slice %arg5[%add3A_484, %dma_start3A_490, %dma_start3A_491] : memref<5000x64x128xf32, #tpu.memory_space<hbm>> -> memref<1x64x128xf32, #tpu.memory_space<hbm>>
            %dma_start3A_493 = tpu.memref_squeeze %dma_start3A_492 : memref<1x64x128xf32, #tpu.memory_space<hbm>> -> memref<64x128xf32, #tpu.memory_space<hbm>>
            %dma_start3A_494 = arith.constant 0 : i32
            %dma_start3A_495 = arith.constant 0 : i32
            %dma_start3A_496 = tpu.memref_slice %arg10[%dma_start3A_485, %dma_start3A_494, %dma_start3A_495] : memref<6x64x128xf32, #tpu.memory_space<vmem>> -> memref<1x64x128xf32, #tpu.memory_space<vmem>>
            %dma_start3A_497 = tpu.memref_squeeze %dma_start3A_496 : memref<1x64x128xf32, #tpu.memory_space<vmem>> -> memref<64x128xf32, #tpu.memory_space<vmem>>
            %dma_start3A_498 = arith.constant 0 : i32
            %dma_start3A_499 = arith.constant 0 : i32
            %dma_start3A_500 = tpu.memref_slice %arg5[%add3A_484, %dma_start3A_498, %dma_start3A_499] : memref<5000x64x128xf32, #tpu.memory_space<hbm>> -> memref<1x64x128xf32, #tpu.memory_space<hbm>>
            %dma_start3A_501 = tpu.memref_squeeze %dma_start3A_500 : memref<1x64x128xf32, #tpu.memory_space<hbm>> -> memref<64x128xf32, #tpu.memory_space<hbm>>
            tpu.enqueue_dma source(%dma_start3A_501 : memref<64x128xf32, #tpu.memory_space<hbm>>) target(%dma_start3A_497 : memref<64x128xf32, #tpu.memory_space<vmem>>) target_semaphore(%arg16 : memref<!tpu.dma_semaphore, #tpu.memory_space<semaphore_mem>>)
          } else {
          }
        } else {
        }
        %jit3A_309 = arith.constant 6 : i32
        %eq3A_310 = arith.constant 0 : i32
        %eq3A_311 = arith.cmpi eq, %jit3A_309, %eq3A_310 : i32
        %jit3A_312 = arith.constant 1 : i32
        %select_n3A_313 = arith.select %eq3A_311, %jit3A_312, %jit3A_309 : i32
        %rem3A_314 = arith.remsi %while3A_289, %select_n3A_313 : i32
        %ne3A_315 = arith.constant 0 : i32
        %ne3A_316 = arith.cmpi ne, %rem3A_314, %ne3A_315 : i32
        %lt3A_317 = arith.constant 0 : i32
        %lt3A_318 = arith.cmpi slt, %rem3A_314, %lt3A_317 : i32
        %lt3A_319 = arith.constant 0 : i32
        %lt3A_320 = arith.cmpi slt, %select_n3A_313, %lt3A_319 : i32
        %ne3A_321 = arith.xori %lt3A_318, %lt3A_320 : i1
        %and3A_322 = arith.andi %ne3A_321, %ne3A_316 : i1
        %add3A_323 = arith.addi %rem3A_314, %select_n3A_313 : i32
        %select_n3A_324 = arith.select %and3A_322, %add3A_323, %rem3A_314 : i32
        %eq3A_325 = arith.constant 1 : i32
        %eq3A_326 = arith.cmpi eq, %select_n3A_324, %eq3A_325 : i32
        %convert_element_type3A_327 = arith.extui %eq3A_326 : i1 to i32
        %cond3A_328 = arith.constant 0 : i32
        %cond3A_329 = arith.cmpi ne, %convert_element_type3A_327, %cond3A_328 : i32
        scf.if %cond3A_329 {
          %add3A_415 = arith.addi %add3A, %while3A_289 : i32
          %mul3A_416 = arith.constant 64 : i32
          %mul3A_417 = arith.muli %add3A_415, %mul3A_416 : i32
          %add3A_418 = arith.constant 320000 : i32
          %add3A_419 = arith.addi %add3A_418, %mul3A_417 : i32
          %dma_wait3A_420 = arith.constant 1 : i32
          %dma_wait3A_421 = arith.constant 0 : i32
          %dma_wait3A_422 = tpu.memref_slice %arg9[%dma_wait3A_420, %dma_wait3A_421] : memref<6x64xi32, #tpu.memory_space<vmem>> -> memref<1x64xi32, #tpu.memory_space<vmem>>
          %dma_wait3A_423 = tpu.memref_squeeze %dma_wait3A_422 : memref<1x64xi32, #tpu.memory_space<vmem>> -> memref<64xi32, #tpu.memory_space<vmem>>
          %dma_wait3A_424 = tpu.memref_slice %arg3[%add3A_419] : memref<640000xi32, #tpu.memory_space<hbm>> -> memref<64xi32, #tpu.memory_space<hbm>>
          %dma_wait3A_425 = arith.constant 0 : i32
          %dma_wait3A_426 = tpu.memref_slice %arg9[%dma_wait3A_420, %dma_wait3A_425] : memref<6x64xi32, #tpu.memory_space<vmem>> -> memref<1x64xi32, #tpu.memory_space<vmem>>
          %dma_wait3A_427 = tpu.memref_squeeze %dma_wait3A_426 : memref<1x64xi32, #tpu.memory_space<vmem>> -> memref<64xi32, #tpu.memory_space<vmem>>
          %dma_wait3A_428 = tpu.memref_slice %arg3[%add3A_419] : memref<640000xi32, #tpu.memory_space<hbm>> -> memref<64xi32, #tpu.memory_space<hbm>>
          tpu.wait_dma2 semaphore(%arg12 : memref<!tpu.dma_semaphore, #tpu.memory_space<semaphore_mem>>) src(%dma_wait3A_428 : memref<64xi32, #tpu.memory_space<hbm>>) dst(%dma_wait3A_427 : memref<64xi32, #tpu.memory_space<vmem>>)
          %add3A_429 = arith.addi %add3A, %while3A_289 : i32
          %dma_wait3A_430 = arith.constant 1 : i32
          %dma_wait3A_431 = arith.constant 0 : i32
          %dma_wait3A_432 = arith.constant 0 : i32
          %dma_wait3A_433 = tpu.memref_slice %arg10[%dma_wait3A_430, %dma_wait3A_431, %dma_wait3A_432] : memref<6x64x128xf32, #tpu.memory_space<vmem>> -> memref<1x64x128xf32, #tpu.memory_space<vmem>>
          %dma_wait3A_434 = tpu.memref_squeeze %dma_wait3A_433 : memref<1x64x128xf32, #tpu.memory_space<vmem>> -> memref<64x128xf32, #tpu.memory_space<vmem>>
          %dma_wait3A_435 = arith.constant 0 : i32
          %dma_wait3A_436 = arith.constant 0 : i32
          %dma_wait3A_437 = tpu.memref_slice %arg5[%add3A_429, %dma_wait3A_435, %dma_wait3A_436] : memref<5000x64x128xf32, #tpu.memory_space<hbm>> -> memref<1x64x128xf32, #tpu.memory_space<hbm>>
          %dma_wait3A_438 = tpu.memref_squeeze %dma_wait3A_437 : memref<1x64x128xf32, #tpu.memory_space<hbm>> -> memref<64x128xf32, #tpu.memory_space<hbm>>
          %dma_wait3A_439 = arith.constant 0 : i32
          %dma_wait3A_440 = arith.constant 0 : i32
          %dma_wait3A_441 = tpu.memref_slice %arg10[%dma_wait3A_430, %dma_wait3A_439, %dma_wait3A_440] : memref<6x64x128xf32, #tpu.memory_space<vmem>> -> memref<1x64x128xf32, #tpu.memory_space<vmem>>
          %dma_wait3A_442 = tpu.memref_squeeze %dma_wait3A_441 : memref<1x64x128xf32, #tpu.memory_space<vmem>> -> memref<64x128xf32, #tpu.memory_space<vmem>>
          %dma_wait3A_443 = arith.constant 0 : i32
          %dma_wait3A_444 = arith.constant 0 : i32
          %dma_wait3A_445 = tpu.memref_slice %arg5[%add3A_429, %dma_wait3A_443, %dma_wait3A_444] : memref<5000x64x128xf32, #tpu.memory_space<hbm>> -> memref<1x64x128xf32, #tpu.memory_space<hbm>>
          %dma_wait3A_446 = tpu.memref_squeeze %dma_wait3A_445 : memref<1x64x128xf32, #tpu.memory_space<hbm>> -> memref<64x128xf32, #tpu.memory_space<hbm>>
          tpu.wait_dma2 semaphore(%arg12 : memref<!tpu.dma_semaphore, #tpu.memory_space<semaphore_mem>>) src(%dma_wait3A_446 : memref<64x128xf32, #tpu.memory_space<hbm>>) dst(%dma_wait3A_442 : memref<64x128xf32, #tpu.memory_space<vmem>>)
          %dma_start3A_447 = arith.constant 1 : i32
          %dma_start3A_448 = arith.constant 1 : i32
          %dma_start3A_449 = arith.constant 0 : i32
          %dma_start3A_450 = arith.constant 0 : i32
          %dma_start3A_451 = tpu.memref_slice %arg10[%dma_start3A_447, %dma_start3A_449, %dma_start3A_450] : memref<6x64x128xf32, #tpu.memory_space<vmem>> -> memref<1x64x128xf32, #tpu.memory_space<vmem>>
          %dma_start3A_452 = tpu.memref_squeeze %dma_start3A_451 : memref<1x64x128xf32, #tpu.memory_space<vmem>> -> memref<64x128xf32, #tpu.memory_space<vmem>>
          %dma_start3A_453 = arith.constant 0 : i32
          %dma_start3A_454 = tpu.memref_slice %arg9[%dma_start3A_448, %dma_start3A_453] : memref<6x64xi32, #tpu.memory_space<vmem>> -> memref<1x64xi32, #tpu.memory_space<vmem>>
          %dma_start3A_455 = tpu.memref_squeeze %dma_start3A_454 : memref<1x64xi32, #tpu.memory_space<vmem>> -> memref<64xi32, #tpu.memory_space<vmem>>
          %dma_start3A_456 = arith.constant 0 : i32
          %dma_start3A_457 = arith.constant 0 : i32
          %dma_start3A_458 = tpu.memref_slice %arg8[%dma_start3A_456, %dma_start3A_457] : memref<10000x128xf32, #tpu.memory_space<vmem_shared>> -> memref<10000x128xf32, #tpu.memory_space<vmem_shared>>
          tpu.enqueue_indirect_dma source(%dma_start3A_452 : memref<64x128xf32, #tpu.memory_space<vmem>>) target(%dma_start3A_458 : memref<10000x128xf32, #tpu.memory_space<vmem_shared>>) offsets(%dma_start3A_455 : memref<64xi32, #tpu.memory_space<vmem>>) semaphore(%arg18 : memref<!tpu.dma_semaphore, #tpu.memory_space<semaphore_mem>>) {add = true}
          %add3A_459 = arith.constant 6 : i32
          %add3A_460 = arith.addi %while3A_289, %add3A_459 : i32
          %sub3A = arith.constant 1 : i32
          %sub3A_461 = arith.subi %add3A_460, %sub3A : i32
          %lt3A_462 = arith.cmpi slt, %sub3A_461, %select_n3A : i32
          %convert_element_type3A_463 = arith.extui %lt3A_462 : i1 to i32
          %cond3A_464 = arith.constant 0 : i32
          %cond3A_465 = arith.cmpi ne, %convert_element_type3A_463, %cond3A_464 : i32
          scf.if %cond3A_465 {
            %ge3A = arith.constant 1 : i32
            %ge3A_466 = arith.cmpi sge, %while3A_289, %ge3A : i32
            %convert_element_type3A_467 = arith.extui %ge3A_466 : i1 to i32
            %cond3A_468 = arith.constant 0 : i32
            %cond3A_469 = arith.cmpi ne, %convert_element_type3A_467, %cond3A_468 : i32
            scf.if %cond3A_469 {
              %dma_wait3A_502 = arith.constant 0 : i32
              %dma_wait3A_503 = arith.constant 0 : i32
              %dma_wait3A_504 = arith.constant 0 : i32
              %dma_wait3A_505 = arith.constant 0 : i32
              %dma_wait3A_506 = tpu.memref_slice %arg10[%dma_wait3A_502, %dma_wait3A_504, %dma_wait3A_505] : memref<6x64x128xf32, #tpu.memory_space<vmem>> -> memref<1x64x128xf32, #tpu.memory_space<vmem>>
              %dma_wait3A_507 = tpu.memref_squeeze %dma_wait3A_506 : memref<1x64x128xf32, #tpu.memory_space<vmem>> -> memref<64x128xf32, #tpu.memory_space<vmem>>
              %dma_wait3A_508 = arith.constant 0 : i32
              %dma_wait3A_509 = tpu.memref_slice %arg9[%dma_wait3A_503, %dma_wait3A_508] : memref<6x64xi32, #tpu.memory_space<vmem>> -> memref<1x64xi32, #tpu.memory_space<vmem>>
              %dma_wait3A_510 = tpu.memref_squeeze %dma_wait3A_509 : memref<1x64xi32, #tpu.memory_space<vmem>> -> memref<64xi32, #tpu.memory_space<vmem>>
              %dma_wait3A_511 = arith.constant 0 : i32
              %dma_wait3A_512 = arith.constant 0 : i32
              %dma_wait3A_513 = tpu.memref_slice %arg8[%dma_wait3A_511, %dma_wait3A_512] : memref<10000x128xf32, #tpu.memory_space<vmem_shared>> -> memref<10000x128xf32, #tpu.memory_space<vmem_shared>>
              tpu.wait_indirect_dma semaphore(%arg17 : memref<!tpu.dma_semaphore, #tpu.memory_space<semaphore_mem>>) src(%dma_wait3A_507 : memref<64x128xf32, #tpu.memory_space<vmem>>) dst(%dma_wait3A_513 : memref<10000x128xf32, #tpu.memory_space<vmem_shared>>)
            } else {
            }
            %add3A_470 = arith.addi %add3A, %sub3A_461 : i32
            %mul3A_471 = arith.constant 64 : i32
            %mul3A_472 = arith.muli %add3A_470, %mul3A_471 : i32
            %add3A_473 = arith.constant 320000 : i32
            %add3A_474 = arith.addi %add3A_473, %mul3A_472 : i32
            %dma_start3A_475 = arith.constant 0 : i32
            %dma_start3A_476 = arith.constant 0 : i32
            %dma_start3A_477 = tpu.memref_slice %arg9[%dma_start3A_475, %dma_start3A_476] : memref<6x64xi32, #tpu.memory_space<vmem>> -> memref<1x64xi32, #tpu.memory_space<vmem>>
            %dma_start3A_478 = tpu.memref_squeeze %dma_start3A_477 : memref<1x64xi32, #tpu.memory_space<vmem>> -> memref<64xi32, #tpu.memory_space<vmem>>
            %dma_start3A_479 = tpu.memref_slice %arg3[%add3A_474] : memref<640000xi32, #tpu.memory_space<hbm>> -> memref<64xi32, #tpu.memory_space<hbm>>
            %dma_start3A_480 = arith.constant 0 : i32
            %dma_start3A_481 = tpu.memref_slice %arg9[%dma_start3A_475, %dma_start3A_480] : memref<6x64xi32, #tpu.memory_space<vmem>> -> memref<1x64xi32, #tpu.memory_space<vmem>>
            %dma_start3A_482 = tpu.memref_squeeze %dma_start3A_481 : memref<1x64xi32, #tpu.memory_space<vmem>> -> memref<64xi32, #tpu.memory_space<vmem>>
            %dma_start3A_483 = tpu.memref_slice %arg3[%add3A_474] : memref<640000xi32, #tpu.memory_space<hbm>> -> memref<64xi32, #tpu.memory_space<hbm>>
            tpu.enqueue_dma source(%dma_start3A_483 : memref<64xi32, #tpu.memory_space<hbm>>) target(%dma_start3A_482 : memref<64xi32, #tpu.memory_space<vmem>>) target_semaphore(%arg11 : memref<!tpu.dma_semaphore, #tpu.memory_space<semaphore_mem>>)
            %add3A_484 = arith.addi %add3A, %sub3A_461 : i32
            %dma_start3A_485 = arith.constant 0 : i32
            %dma_start3A_486 = arith.constant 0 : i32
            %dma_start3A_487 = arith.constant 0 : i32
            %dma_start3A_488 = tpu.memref_slice %arg10[%dma_start3A_485, %dma_start3A_486, %dma_start3A_487] : memref<6x64x128xf32, #tpu.memory_space<vmem>> -> memref<1x64x128xf32, #tpu.memory_space<vmem>>
            %dma_start3A_489 = tpu.memref_squeeze %dma_start3A_488 : memref<1x64x128xf32, #tpu.memory_space<vmem>> -> memref<64x128xf32, #tpu.memory_space<vmem>>
            %dma_start3A_490 = arith.constant 0 : i32
            %dma_start3A_491 = arith.constant 0 : i32
            %dma_start3A_492 = tpu.memref_slice %arg5[%add3A_484, %dma_start3A_490, %dma_start3A_491] : memref<5000x64x128xf32, #tpu.memory_space<hbm>> -> memref<1x64x128xf32, #tpu.memory_space<hbm>>
            %dma_start3A_493 = tpu.memref_squeeze %dma_start3A_492 : memref<1x64x128xf32, #tpu.memory_space<hbm>> -> memref<64x128xf32, #tpu.memory_space<hbm>>
            %dma_start3A_494 = arith.constant 0 : i32
            %dma_start3A_495 = arith.constant 0 : i32
            %dma_start3A_496 = tpu.memref_slice %arg10[%dma_start3A_485, %dma_start3A_494, %dma_start3A_495] : memref<6x64x128xf32, #tpu.memory_space<vmem>> -> memref<1x64x128xf32, #tpu.memory_space<vmem>>
            %dma_start3A_497 = tpu.memref_squeeze %dma_start3A_496 : memref<1x64x128xf32, #tpu.memory_space<vmem>> -> memref<64x128xf32, #tpu.memory_space<vmem>>
            %dma_start3A_498 = arith.constant 0 : i32
            %dma_start3A_499 = arith.constant 0 : i32
            %dma_start3A_500 = tpu.memref_slice %arg5[%add3A_484, %dma_start3A_498, %dma_start3A_499] : memref<5000x64x128xf32, #tpu.memory_space<hbm>> -> memref<1x64x128xf32, #tpu.memory_space<hbm>>
            %dma_start3A_501 = tpu.memref_squeeze %dma_start3A_500 : memref<1x64x128xf32, #tpu.memory_space<hbm>> -> memref<64x128xf32, #tpu.memory_space<hbm>>
            tpu.enqueue_dma source(%dma_start3A_501 : memref<64x128xf32, #tpu.memory_space<hbm>>) target(%dma_start3A_497 : memref<64x128xf32, #tpu.memory_space<vmem>>) target_semaphore(%arg11 : memref<!tpu.dma_semaphore, #tpu.memory_space<semaphore_mem>>)
          } else {
          }
        } else {
        }
        %jit3A_330 = arith.constant 6 : i32
        %eq3A_331 = arith.constant 0 : i32
        %eq3A_332 = arith.cmpi eq, %jit3A_330, %eq3A_331 : i32
        %jit3A_333 = arith.constant 1 : i32
        %select_n3A_334 = arith.select %eq3A_332, %jit3A_333, %jit3A_330 : i32
        %rem3A_335 = arith.remsi %while3A_289, %select_n3A_334 : i32
        %ne3A_336 = arith.constant 0 : i32
        %ne3A_337 = arith.cmpi ne, %rem3A_335, %ne3A_336 : i32
        %lt3A_338 = arith.constant 0 : i32
        %lt3A_339 = arith.cmpi slt, %rem3A_335, %lt3A_338 : i32
        %lt3A_340 = arith.constant 0 : i32
        %lt3A_341 = arith.cmpi slt, %select_n3A_334, %lt3A_340 : i32
        %ne3A_342 = arith.xori %lt3A_339, %lt3A_341 : i1
        %and3A_343 = arith.andi %ne3A_342, %ne3A_337 : i1
        %add3A_344 = arith.addi %rem3A_335, %select_n3A_334 : i32
        %select_n3A_345 = arith.select %and3A_343, %add3A_344, %rem3A_335 : i32
        %eq3A_346 = arith.constant 2 : i32
        %eq3A_347 = arith.cmpi eq, %select_n3A_345, %eq3A_346 : i32
        %convert_element_type3A_348 = arith.extui %eq3A_347 : i1 to i32
        %cond3A_349 = arith.constant 0 : i32
        %cond3A_350 = arith.cmpi ne, %convert_element_type3A_348, %cond3A_349 : i32
        scf.if %cond3A_350 {
          %add3A_415 = arith.addi %add3A, %while3A_289 : i32
          %mul3A_416 = arith.constant 64 : i32
          %mul3A_417 = arith.muli %add3A_415, %mul3A_416 : i32
          %add3A_418 = arith.constant 320000 : i32
          %add3A_419 = arith.addi %add3A_418, %mul3A_417 : i32
          %dma_wait3A_420 = arith.constant 2 : i32
          %dma_wait3A_421 = arith.constant 0 : i32
          %dma_wait3A_422 = tpu.memref_slice %arg9[%dma_wait3A_420, %dma_wait3A_421] : memref<6x64xi32, #tpu.memory_space<vmem>> -> memref<1x64xi32, #tpu.memory_space<vmem>>
          %dma_wait3A_423 = tpu.memref_squeeze %dma_wait3A_422 : memref<1x64xi32, #tpu.memory_space<vmem>> -> memref<64xi32, #tpu.memory_space<vmem>>
          %dma_wait3A_424 = tpu.memref_slice %arg3[%add3A_419] : memref<640000xi32, #tpu.memory_space<hbm>> -> memref<64xi32, #tpu.memory_space<hbm>>
          %dma_wait3A_425 = arith.constant 0 : i32
          %dma_wait3A_426 = tpu.memref_slice %arg9[%dma_wait3A_420, %dma_wait3A_425] : memref<6x64xi32, #tpu.memory_space<vmem>> -> memref<1x64xi32, #tpu.memory_space<vmem>>
          %dma_wait3A_427 = tpu.memref_squeeze %dma_wait3A_426 : memref<1x64xi32, #tpu.memory_space<vmem>> -> memref<64xi32, #tpu.memory_space<vmem>>
          %dma_wait3A_428 = tpu.memref_slice %arg3[%add3A_419] : memref<640000xi32, #tpu.memory_space<hbm>> -> memref<64xi32, #tpu.memory_space<hbm>>
          tpu.wait_dma2 semaphore(%arg13 : memref<!tpu.dma_semaphore, #tpu.memory_space<semaphore_mem>>) src(%dma_wait3A_428 : memref<64xi32, #tpu.memory_space<hbm>>) dst(%dma_wait3A_427 : memref<64xi32, #tpu.memory_space<vmem>>)
          %add3A_429 = arith.addi %add3A, %while3A_289 : i32
          %dma_wait3A_430 = arith.constant 2 : i32
          %dma_wait3A_431 = arith.constant 0 : i32
          %dma_wait3A_432 = arith.constant 0 : i32
          %dma_wait3A_433 = tpu.memref_slice %arg10[%dma_wait3A_430, %dma_wait3A_431, %dma_wait3A_432] : memref<6x64x128xf32, #tpu.memory_space<vmem>> -> memref<1x64x128xf32, #tpu.memory_space<vmem>>
          %dma_wait3A_434 = tpu.memref_squeeze %dma_wait3A_433 : memref<1x64x128xf32, #tpu.memory_space<vmem>> -> memref<64x128xf32, #tpu.memory_space<vmem>>
          %dma_wait3A_435 = arith.constant 0 : i32
          %dma_wait3A_436 = arith.constant 0 : i32
          %dma_wait3A_437 = tpu.memref_slice %arg5[%add3A_429, %dma_wait3A_435, %dma_wait3A_436] : memref<5000x64x128xf32, #tpu.memory_space<hbm>> -> memref<1x64x128xf32, #tpu.memory_space<hbm>>
          %dma_wait3A_438 = tpu.memref_squeeze %dma_wait3A_437 : memref<1x64x128xf32, #tpu.memory_space<hbm>> -> memref<64x128xf32, #tpu.memory_space<hbm>>
          %dma_wait3A_439 = arith.constant 0 : i32
          %dma_wait3A_440 = arith.constant 0 : i32
          %dma_wait3A_441 = tpu.memref_slice %arg10[%dma_wait3A_430, %dma_wait3A_439, %dma_wait3A_440] : memref<6x64x128xf32, #tpu.memory_space<vmem>> -> memref<1x64x128xf32, #tpu.memory_space<vmem>>
          %dma_wait3A_442 = tpu.memref_squeeze %dma_wait3A_441 : memref<1x64x128xf32, #tpu.memory_space<vmem>> -> memref<64x128xf32, #tpu.memory_space<vmem>>
          %dma_wait3A_443 = arith.constant 0 : i32
          %dma_wait3A_444 = arith.constant 0 : i32
          %dma_wait3A_445 = tpu.memref_slice %arg5[%add3A_429, %dma_wait3A_443, %dma_wait3A_444] : memref<5000x64x128xf32, #tpu.memory_space<hbm>> -> memref<1x64x128xf32, #tpu.memory_space<hbm>>
          %dma_wait3A_446 = tpu.memref_squeeze %dma_wait3A_445 : memref<1x64x128xf32, #tpu.memory_space<hbm>> -> memref<64x128xf32, #tpu.memory_space<hbm>>
          tpu.wait_dma2 semaphore(%arg13 : memref<!tpu.dma_semaphore, #tpu.memory_space<semaphore_mem>>) src(%dma_wait3A_446 : memref<64x128xf32, #tpu.memory_space<hbm>>) dst(%dma_wait3A_442 : memref<64x128xf32, #tpu.memory_space<vmem>>)
          %dma_start3A_447 = arith.constant 2 : i32
          %dma_start3A_448 = arith.constant 2 : i32
          %dma_start3A_449 = arith.constant 0 : i32
          %dma_start3A_450 = arith.constant 0 : i32
          %dma_start3A_451 = tpu.memref_slice %arg10[%dma_start3A_447, %dma_start3A_449, %dma_start3A_450] : memref<6x64x128xf32, #tpu.memory_space<vmem>> -> memref<1x64x128xf32, #tpu.memory_space<vmem>>
          %dma_start3A_452 = tpu.memref_squeeze %dma_start3A_451 : memref<1x64x128xf32, #tpu.memory_space<vmem>> -> memref<64x128xf32, #tpu.memory_space<vmem>>
          %dma_start3A_453 = arith.constant 0 : i32
          %dma_start3A_454 = tpu.memref_slice %arg9[%dma_start3A_448, %dma_start3A_453] : memref<6x64xi32, #tpu.memory_space<vmem>> -> memref<1x64xi32, #tpu.memory_space<vmem>>
          %dma_start3A_455 = tpu.memref_squeeze %dma_start3A_454 : memref<1x64xi32, #tpu.memory_space<vmem>> -> memref<64xi32, #tpu.memory_space<vmem>>
          %dma_start3A_456 = arith.constant 0 : i32
          %dma_start3A_457 = arith.constant 0 : i32
          %dma_start3A_458 = tpu.memref_slice %arg8[%dma_start3A_456, %dma_start3A_457] : memref<10000x128xf32, #tpu.memory_space<vmem_shared>> -> memref<10000x128xf32, #tpu.memory_space<vmem_shared>>
          tpu.enqueue_indirect_dma source(%dma_start3A_452 : memref<64x128xf32, #tpu.memory_space<vmem>>) target(%dma_start3A_458 : memref<10000x128xf32, #tpu.memory_space<vmem_shared>>) offsets(%dma_start3A_455 : memref<64xi32, #tpu.memory_space<vmem>>) semaphore(%arg19 : memref<!tpu.dma_semaphore, #tpu.memory_space<semaphore_mem>>) {add = true}
          %add3A_459 = arith.constant 6 : i32
          %add3A_460 = arith.addi %while3A_289, %add3A_459 : i32
          %sub3A = arith.constant 1 : i32
          %sub3A_461 = arith.subi %add3A_460, %sub3A : i32
          %lt3A_462 = arith.cmpi slt, %sub3A_461, %select_n3A : i32
          %convert_element_type3A_463 = arith.extui %lt3A_462 : i1 to i32
          %cond3A_464 = arith.constant 0 : i32
          %cond3A_465 = arith.cmpi ne, %convert_element_type3A_463, %cond3A_464 : i32
          scf.if %cond3A_465 {
            %ge3A = arith.constant 1 : i32
            %ge3A_466 = arith.cmpi sge, %while3A_289, %ge3A : i32
            %convert_element_type3A_467 = arith.extui %ge3A_466 : i1 to i32
            %cond3A_468 = arith.constant 0 : i32
            %cond3A_469 = arith.cmpi ne, %convert_element_type3A_467, %cond3A_468 : i32
            scf.if %cond3A_469 {
              %dma_wait3A_502 = arith.constant 1 : i32
              %dma_wait3A_503 = arith.constant 1 : i32
              %dma_wait3A_504 = arith.constant 0 : i32
              %dma_wait3A_505 = arith.constant 0 : i32
              %dma_wait3A_506 = tpu.memref_slice %arg10[%dma_wait3A_502, %dma_wait3A_504, %dma_wait3A_505] : memref<6x64x128xf32, #tpu.memory_space<vmem>> -> memref<1x64x128xf32, #tpu.memory_space<vmem>>
              %dma_wait3A_507 = tpu.memref_squeeze %dma_wait3A_506 : memref<1x64x128xf32, #tpu.memory_space<vmem>> -> memref<64x128xf32, #tpu.memory_space<vmem>>
              %dma_wait3A_508 = arith.constant 0 : i32
              %dma_wait3A_509 = tpu.memref_slice %arg9[%dma_wait3A_503, %dma_wait3A_508] : memref<6x64xi32, #tpu.memory_space<vmem>> -> memref<1x64xi32, #tpu.memory_space<vmem>>
              %dma_wait3A_510 = tpu.memref_squeeze %dma_wait3A_509 : memref<1x64xi32, #tpu.memory_space<vmem>> -> memref<64xi32, #tpu.memory_space<vmem>>
              %dma_wait3A_511 = arith.constant 0 : i32
              %dma_wait3A_512 = arith.constant 0 : i32
              %dma_wait3A_513 = tpu.memref_slice %arg8[%dma_wait3A_511, %dma_wait3A_512] : memref<10000x128xf32, #tpu.memory_space<vmem_shared>> -> memref<10000x128xf32, #tpu.memory_space<vmem_shared>>
              tpu.wait_indirect_dma semaphore(%arg18 : memref<!tpu.dma_semaphore, #tpu.memory_space<semaphore_mem>>) src(%dma_wait3A_507 : memref<64x128xf32, #tpu.memory_space<vmem>>) dst(%dma_wait3A_513 : memref<10000x128xf32, #tpu.memory_space<vmem_shared>>)
            } else {
            }
            %add3A_470 = arith.addi %add3A, %sub3A_461 : i32
            %mul3A_471 = arith.constant 64 : i32
            %mul3A_472 = arith.muli %add3A_470, %mul3A_471 : i32
            %add3A_473 = arith.constant 320000 : i32
            %add3A_474 = arith.addi %add3A_473, %mul3A_472 : i32
            %dma_start3A_475 = arith.constant 1 : i32
            %dma_start3A_476 = arith.constant 0 : i32
            %dma_start3A_477 = tpu.memref_slice %arg9[%dma_start3A_475, %dma_start3A_476] : memref<6x64xi32, #tpu.memory_space<vmem>> -> memref<1x64xi32, #tpu.memory_space<vmem>>
            %dma_start3A_478 = tpu.memref_squeeze %dma_start3A_477 : memref<1x64xi32, #tpu.memory_space<vmem>> -> memref<64xi32, #tpu.memory_space<vmem>>
            %dma_start3A_479 = tpu.memref_slice %arg3[%add3A_474] : memref<640000xi32, #tpu.memory_space<hbm>> -> memref<64xi32, #tpu.memory_space<hbm>>
            %dma_start3A_480 = arith.constant 0 : i32
            %dma_start3A_481 = tpu.memref_slice %arg9[%dma_start3A_475, %dma_start3A_480] : memref<6x64xi32, #tpu.memory_space<vmem>> -> memref<1x64xi32, #tpu.memory_space<vmem>>
            %dma_start3A_482 = tpu.memref_squeeze %dma_start3A_481 : memref<1x64xi32, #tpu.memory_space<vmem>> -> memref<64xi32, #tpu.memory_space<vmem>>
            %dma_start3A_483 = tpu.memref_slice %arg3[%add3A_474] : memref<640000xi32, #tpu.memory_space<hbm>> -> memref<64xi32, #tpu.memory_space<hbm>>
            tpu.enqueue_dma source(%dma_start3A_483 : memref<64xi32, #tpu.memory_space<hbm>>) target(%dma_start3A_482 : memref<64xi32, #tpu.memory_space<vmem>>) target_semaphore(%arg12 : memref<!tpu.dma_semaphore, #tpu.memory_space<semaphore_mem>>)
            %add3A_484 = arith.addi %add3A, %sub3A_461 : i32
            %dma_start3A_485 = arith.constant 1 : i32
            %dma_start3A_486 = arith.constant 0 : i32
            %dma_start3A_487 = arith.constant 0 : i32
            %dma_start3A_488 = tpu.memref_slice %arg10[%dma_start3A_485, %dma_start3A_486, %dma_start3A_487] : memref<6x64x128xf32, #tpu.memory_space<vmem>> -> memref<1x64x128xf32, #tpu.memory_space<vmem>>
            %dma_start3A_489 = tpu.memref_squeeze %dma_start3A_488 : memref<1x64x128xf32, #tpu.memory_space<vmem>> -> memref<64x128xf32, #tpu.memory_space<vmem>>
            %dma_start3A_490 = arith.constant 0 : i32
            %dma_start3A_491 = arith.constant 0 : i32
            %dma_start3A_492 = tpu.memref_slice %arg5[%add3A_484, %dma_start3A_490, %dma_start3A_491] : memref<5000x64x128xf32, #tpu.memory_space<hbm>> -> memref<1x64x128xf32, #tpu.memory_space<hbm>>
            %dma_start3A_493 = tpu.memref_squeeze %dma_start3A_492 : memref<1x64x128xf32, #tpu.memory_space<hbm>> -> memref<64x128xf32, #tpu.memory_space<hbm>>
            %dma_start3A_494 = arith.constant 0 : i32
            %dma_start3A_495 = arith.constant 0 : i32
            %dma_start3A_496 = tpu.memref_slice %arg10[%dma_start3A_485, %dma_start3A_494, %dma_start3A_495] : memref<6x64x128xf32, #tpu.memory_space<vmem>> -> memref<1x64x128xf32, #tpu.memory_space<vmem>>
            %dma_start3A_497 = tpu.memref_squeeze %dma_start3A_496 : memref<1x64x128xf32, #tpu.memory_space<vmem>> -> memref<64x128xf32, #tpu.memory_space<vmem>>
            %dma_start3A_498 = arith.constant 0 : i32
            %dma_start3A_499 = arith.constant 0 : i32
            %dma_start3A_500 = tpu.memref_slice %arg5[%add3A_484, %dma_start3A_498, %dma_start3A_499] : memref<5000x64x128xf32, #tpu.memory_space<hbm>> -> memref<1x64x128xf32, #tpu.memory_space<hbm>>
            %dma_start3A_501 = tpu.memref_squeeze %dma_start3A_500 : memref<1x64x128xf32, #tpu.memory_space<hbm>> -> memref<64x128xf32, #tpu.memory_space<hbm>>
            tpu.enqueue_dma source(%dma_start3A_501 : memref<64x128xf32, #tpu.memory_space<hbm>>) target(%dma_start3A_497 : memref<64x128xf32, #tpu.memory_space<vmem>>) target_semaphore(%arg12 : memref<!tpu.dma_semaphore, #tpu.memory_space<semaphore_mem>>)
          } else {
          }
        } else {
        }
        %jit3A_351 = arith.constant 6 : i32
        %eq3A_352 = arith.constant 0 : i32
        %eq3A_353 = arith.cmpi eq, %jit3A_351, %eq3A_352 : i32
        %jit3A_354 = arith.constant 1 : i32
        %select_n3A_355 = arith.select %eq3A_353, %jit3A_354, %jit3A_351 : i32
        %rem3A_356 = arith.remsi %while3A_289, %select_n3A_355 : i32
        %ne3A_357 = arith.constant 0 : i32
        %ne3A_358 = arith.cmpi ne, %rem3A_356, %ne3A_357 : i32
        %lt3A_359 = arith.constant 0 : i32
        %lt3A_360 = arith.cmpi slt, %rem3A_356, %lt3A_359 : i32
        %lt3A_361 = arith.constant 0 : i32
        %lt3A_362 = arith.cmpi slt, %select_n3A_355, %lt3A_361 : i32
        %ne3A_363 = arith.xori %lt3A_360, %lt3A_362 : i1
        %and3A_364 = arith.andi %ne3A_363, %ne3A_358 : i1
        %add3A_365 = arith.addi %rem3A_356, %select_n3A_355 : i32
        %select_n3A_366 = arith.select %and3A_364, %add3A_365, %rem3A_356 : i32
        %eq3A_367 = arith.constant 3 : i32
        %eq3A_368 = arith.cmpi eq, %select_n3A_366, %eq3A_367 : i32
        %convert_element_type3A_369 = arith.extui %eq3A_368 : i1 to i32
        %cond3A_370 = arith.constant 0 : i32
        %cond3A_371 = arith.cmpi ne, %convert_element_type3A_369, %cond3A_370 : i32
        scf.if %cond3A_371 {
          %add3A_415 = arith.addi %add3A, %while3A_289 : i32
          %mul3A_416 = arith.constant 64 : i32
          %mul3A_417 = arith.muli %add3A_415, %mul3A_416 : i32
          %add3A_418 = arith.constant 320000 : i32
          %add3A_419 = arith.addi %add3A_418, %mul3A_417 : i32
          %dma_wait3A_420 = arith.constant 3 : i32
          %dma_wait3A_421 = arith.constant 0 : i32
          %dma_wait3A_422 = tpu.memref_slice %arg9[%dma_wait3A_420, %dma_wait3A_421] : memref<6x64xi32, #tpu.memory_space<vmem>> -> memref<1x64xi32, #tpu.memory_space<vmem>>
          %dma_wait3A_423 = tpu.memref_squeeze %dma_wait3A_422 : memref<1x64xi32, #tpu.memory_space<vmem>> -> memref<64xi32, #tpu.memory_space<vmem>>
          %dma_wait3A_424 = tpu.memref_slice %arg3[%add3A_419] : memref<640000xi32, #tpu.memory_space<hbm>> -> memref<64xi32, #tpu.memory_space<hbm>>
          %dma_wait3A_425 = arith.constant 0 : i32
          %dma_wait3A_426 = tpu.memref_slice %arg9[%dma_wait3A_420, %dma_wait3A_425] : memref<6x64xi32, #tpu.memory_space<vmem>> -> memref<1x64xi32, #tpu.memory_space<vmem>>
          %dma_wait3A_427 = tpu.memref_squeeze %dma_wait3A_426 : memref<1x64xi32, #tpu.memory_space<vmem>> -> memref<64xi32, #tpu.memory_space<vmem>>
          %dma_wait3A_428 = tpu.memref_slice %arg3[%add3A_419] : memref<640000xi32, #tpu.memory_space<hbm>> -> memref<64xi32, #tpu.memory_space<hbm>>
          tpu.wait_dma2 semaphore(%arg14 : memref<!tpu.dma_semaphore, #tpu.memory_space<semaphore_mem>>) src(%dma_wait3A_428 : memref<64xi32, #tpu.memory_space<hbm>>) dst(%dma_wait3A_427 : memref<64xi32, #tpu.memory_space<vmem>>)
          %add3A_429 = arith.addi %add3A, %while3A_289 : i32
          %dma_wait3A_430 = arith.constant 3 : i32
          %dma_wait3A_431 = arith.constant 0 : i32
          %dma_wait3A_432 = arith.constant 0 : i32
          %dma_wait3A_433 = tpu.memref_slice %arg10[%dma_wait3A_430, %dma_wait3A_431, %dma_wait3A_432] : memref<6x64x128xf32, #tpu.memory_space<vmem>> -> memref<1x64x128xf32, #tpu.memory_space<vmem>>
          %dma_wait3A_434 = tpu.memref_squeeze %dma_wait3A_433 : memref<1x64x128xf32, #tpu.memory_space<vmem>> -> memref<64x128xf32, #tpu.memory_space<vmem>>
          %dma_wait3A_435 = arith.constant 0 : i32
          %dma_wait3A_436 = arith.constant 0 : i32
          %dma_wait3A_437 = tpu.memref_slice %arg5[%add3A_429, %dma_wait3A_435, %dma_wait3A_436] : memref<5000x64x128xf32, #tpu.memory_space<hbm>> -> memref<1x64x128xf32, #tpu.memory_space<hbm>>
          %dma_wait3A_438 = tpu.memref_squeeze %dma_wait3A_437 : memref<1x64x128xf32, #tpu.memory_space<hbm>> -> memref<64x128xf32, #tpu.memory_space<hbm>>
          %dma_wait3A_439 = arith.constant 0 : i32
          %dma_wait3A_440 = arith.constant 0 : i32
          %dma_wait3A_441 = tpu.memref_slice %arg10[%dma_wait3A_430, %dma_wait3A_439, %dma_wait3A_440] : memref<6x64x128xf32, #tpu.memory_space<vmem>> -> memref<1x64x128xf32, #tpu.memory_space<vmem>>
          %dma_wait3A_442 = tpu.memref_squeeze %dma_wait3A_441 : memref<1x64x128xf32, #tpu.memory_space<vmem>> -> memref<64x128xf32, #tpu.memory_space<vmem>>
          %dma_wait3A_443 = arith.constant 0 : i32
          %dma_wait3A_444 = arith.constant 0 : i32
          %dma_wait3A_445 = tpu.memref_slice %arg5[%add3A_429, %dma_wait3A_443, %dma_wait3A_444] : memref<5000x64x128xf32, #tpu.memory_space<hbm>> -> memref<1x64x128xf32, #tpu.memory_space<hbm>>
          %dma_wait3A_446 = tpu.memref_squeeze %dma_wait3A_445 : memref<1x64x128xf32, #tpu.memory_space<hbm>> -> memref<64x128xf32, #tpu.memory_space<hbm>>
          tpu.wait_dma2 semaphore(%arg14 : memref<!tpu.dma_semaphore, #tpu.memory_space<semaphore_mem>>) src(%dma_wait3A_446 : memref<64x128xf32, #tpu.memory_space<hbm>>) dst(%dma_wait3A_442 : memref<64x128xf32, #tpu.memory_space<vmem>>)
          %dma_start3A_447 = arith.constant 3 : i32
          %dma_start3A_448 = arith.constant 3 : i32
          %dma_start3A_449 = arith.constant 0 : i32
          %dma_start3A_450 = arith.constant 0 : i32
          %dma_start3A_451 = tpu.memref_slice %arg10[%dma_start3A_447, %dma_start3A_449, %dma_start3A_450] : memref<6x64x128xf32, #tpu.memory_space<vmem>> -> memref<1x64x128xf32, #tpu.memory_space<vmem>>
          %dma_start3A_452 = tpu.memref_squeeze %dma_start3A_451 : memref<1x64x128xf32, #tpu.memory_space<vmem>> -> memref<64x128xf32, #tpu.memory_space<vmem>>
          %dma_start3A_453 = arith.constant 0 : i32
          %dma_start3A_454 = tpu.memref_slice %arg9[%dma_start3A_448, %dma_start3A_453] : memref<6x64xi32, #tpu.memory_space<vmem>> -> memref<1x64xi32, #tpu.memory_space<vmem>>
          %dma_start3A_455 = tpu.memref_squeeze %dma_start3A_454 : memref<1x64xi32, #tpu.memory_space<vmem>> -> memref<64xi32, #tpu.memory_space<vmem>>
          %dma_start3A_456 = arith.constant 0 : i32
          %dma_start3A_457 = arith.constant 0 : i32
          %dma_start3A_458 = tpu.memref_slice %arg8[%dma_start3A_456, %dma_start3A_457] : memref<10000x128xf32, #tpu.memory_space<vmem_shared>> -> memref<10000x128xf32, #tpu.memory_space<vmem_shared>>
          tpu.enqueue_indirect_dma source(%dma_start3A_452 : memref<64x128xf32, #tpu.memory_space<vmem>>) target(%dma_start3A_458 : memref<10000x128xf32, #tpu.memory_space<vmem_shared>>) offsets(%dma_start3A_455 : memref<64xi32, #tpu.memory_space<vmem>>) semaphore(%arg20 : memref<!tpu.dma_semaphore, #tpu.memory_space<semaphore_mem>>) {add = true}
          %add3A_459 = arith.constant 6 : i32
          %add3A_460 = arith.addi %while3A_289, %add3A_459 : i32
          %sub3A = arith.constant 1 : i32
          %sub3A_461 = arith.subi %add3A_460, %sub3A : i32
          %lt3A_462 = arith.cmpi slt, %sub3A_461, %select_n3A : i32
          %convert_element_type3A_463 = arith.extui %lt3A_462 : i1 to i32
          %cond3A_464 = arith.constant 0 : i32
          %cond3A_465 = arith.cmpi ne, %convert_element_type3A_463, %cond3A_464 : i32
          scf.if %cond3A_465 {
            %ge3A = arith.constant 1 : i32
            %ge3A_466 = arith.cmpi sge, %while3A_289, %ge3A : i32
            %convert_element_type3A_467 = arith.extui %ge3A_466 : i1 to i32
            %cond3A_468 = arith.constant 0 : i32
            %cond3A_469 = arith.cmpi ne, %convert_element_type3A_467, %cond3A_468 : i32
            scf.if %cond3A_469 {
              %dma_wait3A_502 = arith.constant 2 : i32
              %dma_wait3A_503 = arith.constant 2 : i32
              %dma_wait3A_504 = arith.constant 0 : i32
              %dma_wait3A_505 = arith.constant 0 : i32
              %dma_wait3A_506 = tpu.memref_slice %arg10[%dma_wait3A_502, %dma_wait3A_504, %dma_wait3A_505] : memref<6x64x128xf32, #tpu.memory_space<vmem>> -> memref<1x64x128xf32, #tpu.memory_space<vmem>>
              %dma_wait3A_507 = tpu.memref_squeeze %dma_wait3A_506 : memref<1x64x128xf32, #tpu.memory_space<vmem>> -> memref<64x128xf32, #tpu.memory_space<vmem>>
              %dma_wait3A_508 = arith.constant 0 : i32
              %dma_wait3A_509 = tpu.memref_slice %arg9[%dma_wait3A_503, %dma_wait3A_508] : memref<6x64xi32, #tpu.memory_space<vmem>> -> memref<1x64xi32, #tpu.memory_space<vmem>>
              %dma_wait3A_510 = tpu.memref_squeeze %dma_wait3A_509 : memref<1x64xi32, #tpu.memory_space<vmem>> -> memref<64xi32, #tpu.memory_space<vmem>>
              %dma_wait3A_511 = arith.constant 0 : i32
              %dma_wait3A_512 = arith.constant 0 : i32
              %dma_wait3A_513 = tpu.memref_slice %arg8[%dma_wait3A_511, %dma_wait3A_512] : memref<10000x128xf32, #tpu.memory_space<vmem_shared>> -> memref<10000x128xf32, #tpu.memory_space<vmem_shared>>
              tpu.wait_indirect_dma semaphore(%arg19 : memref<!tpu.dma_semaphore, #tpu.memory_space<semaphore_mem>>) src(%dma_wait3A_507 : memref<64x128xf32, #tpu.memory_space<vmem>>) dst(%dma_wait3A_513 : memref<10000x128xf32, #tpu.memory_space<vmem_shared>>)
            } else {
            }
            %add3A_470 = arith.addi %add3A, %sub3A_461 : i32
            %mul3A_471 = arith.constant 64 : i32
            %mul3A_472 = arith.muli %add3A_470, %mul3A_471 : i32
            %add3A_473 = arith.constant 320000 : i32
            %add3A_474 = arith.addi %add3A_473, %mul3A_472 : i32
            %dma_start3A_475 = arith.constant 2 : i32
            %dma_start3A_476 = arith.constant 0 : i32
            %dma_start3A_477 = tpu.memref_slice %arg9[%dma_start3A_475, %dma_start3A_476] : memref<6x64xi32, #tpu.memory_space<vmem>> -> memref<1x64xi32, #tpu.memory_space<vmem>>
            %dma_start3A_478 = tpu.memref_squeeze %dma_start3A_477 : memref<1x64xi32, #tpu.memory_space<vmem>> -> memref<64xi32, #tpu.memory_space<vmem>>
            %dma_start3A_479 = tpu.memref_slice %arg3[%add3A_474] : memref<640000xi32, #tpu.memory_space<hbm>> -> memref<64xi32, #tpu.memory_space<hbm>>
            %dma_start3A_480 = arith.constant 0 : i32
            %dma_start3A_481 = tpu.memref_slice %arg9[%dma_start3A_475, %dma_start3A_480] : memref<6x64xi32, #tpu.memory_space<vmem>> -> memref<1x64xi32, #tpu.memory_space<vmem>>
            %dma_start3A_482 = tpu.memref_squeeze %dma_start3A_481 : memref<1x64xi32, #tpu.memory_space<vmem>> -> memref<64xi32, #tpu.memory_space<vmem>>
            %dma_start3A_483 = tpu.memref_slice %arg3[%add3A_474] : memref<640000xi32, #tpu.memory_space<hbm>> -> memref<64xi32, #tpu.memory_space<hbm>>
            tpu.enqueue_dma source(%dma_start3A_483 : memref<64xi32, #tpu.memory_space<hbm>>) target(%dma_start3A_482 : memref<64xi32, #tpu.memory_space<vmem>>) target_semaphore(%arg13 : memref<!tpu.dma_semaphore, #tpu.memory_space<semaphore_mem>>)
            %add3A_484 = arith.addi %add3A, %sub3A_461 : i32
            %dma_start3A_485 = arith.constant 2 : i32
            %dma_start3A_486 = arith.constant 0 : i32
            %dma_start3A_487 = arith.constant 0 : i32
            %dma_start3A_488 = tpu.memref_slice %arg10[%dma_start3A_485, %dma_start3A_486, %dma_start3A_487] : memref<6x64x128xf32, #tpu.memory_space<vmem>> -> memref<1x64x128xf32, #tpu.memory_space<vmem>>
            %dma_start3A_489 = tpu.memref_squeeze %dma_start3A_488 : memref<1x64x128xf32, #tpu.memory_space<vmem>> -> memref<64x128xf32, #tpu.memory_space<vmem>>
            %dma_start3A_490 = arith.constant 0 : i32
            %dma_start3A_491 = arith.constant 0 : i32
            %dma_start3A_492 = tpu.memref_slice %arg5[%add3A_484, %dma_start3A_490, %dma_start3A_491] : memref<5000x64x128xf32, #tpu.memory_space<hbm>> -> memref<1x64x128xf32, #tpu.memory_space<hbm>>
            %dma_start3A_493 = tpu.memref_squeeze %dma_start3A_492 : memref<1x64x128xf32, #tpu.memory_space<hbm>> -> memref<64x128xf32, #tpu.memory_space<hbm>>
            %dma_start3A_494 = arith.constant 0 : i32
            %dma_start3A_495 = arith.constant 0 : i32
            %dma_start3A_496 = tpu.memref_slice %arg10[%dma_start3A_485, %dma_start3A_494, %dma_start3A_495] : memref<6x64x128xf32, #tpu.memory_space<vmem>> -> memref<1x64x128xf32, #tpu.memory_space<vmem>>
            %dma_start3A_497 = tpu.memref_squeeze %dma_start3A_496 : memref<1x64x128xf32, #tpu.memory_space<vmem>> -> memref<64x128xf32, #tpu.memory_space<vmem>>
            %dma_start3A_498 = arith.constant 0 : i32
            %dma_start3A_499 = arith.constant 0 : i32
            %dma_start3A_500 = tpu.memref_slice %arg5[%add3A_484, %dma_start3A_498, %dma_start3A_499] : memref<5000x64x128xf32, #tpu.memory_space<hbm>> -> memref<1x64x128xf32, #tpu.memory_space<hbm>>
            %dma_start3A_501 = tpu.memref_squeeze %dma_start3A_500 : memref<1x64x128xf32, #tpu.memory_space<hbm>> -> memref<64x128xf32, #tpu.memory_space<hbm>>
            tpu.enqueue_dma source(%dma_start3A_501 : memref<64x128xf32, #tpu.memory_space<hbm>>) target(%dma_start3A_497 : memref<64x128xf32, #tpu.memory_space<vmem>>) target_semaphore(%arg13 : memref<!tpu.dma_semaphore, #tpu.memory_space<semaphore_mem>>)
          } else {
          }
        } else {
        }
        %jit3A_372 = arith.constant 6 : i32
        %eq3A_373 = arith.constant 0 : i32
        %eq3A_374 = arith.cmpi eq, %jit3A_372, %eq3A_373 : i32
        %jit3A_375 = arith.constant 1 : i32
        %select_n3A_376 = arith.select %eq3A_374, %jit3A_375, %jit3A_372 : i32
        %rem3A_377 = arith.remsi %while3A_289, %select_n3A_376 : i32
        %ne3A_378 = arith.constant 0 : i32
        %ne3A_379 = arith.cmpi ne, %rem3A_377, %ne3A_378 : i32
        %lt3A_380 = arith.constant 0 : i32
        %lt3A_381 = arith.cmpi slt, %rem3A_377, %lt3A_380 : i32
        %lt3A_382 = arith.constant 0 : i32
        %lt3A_383 = arith.cmpi slt, %select_n3A_376, %lt3A_382 : i32
        %ne3A_384 = arith.xori %lt3A_381, %lt3A_383 : i1
        %and3A_385 = arith.andi %ne3A_384, %ne3A_379 : i1
        %add3A_386 = arith.addi %rem3A_377, %select_n3A_376 : i32
        %select_n3A_387 = arith.select %and3A_385, %add3A_386, %rem3A_377 : i32
        %eq3A_388 = arith.constant 4 : i32
        %eq3A_389 = arith.cmpi eq, %select_n3A_387, %eq3A_388 : i32
        %convert_element_type3A_390 = arith.extui %eq3A_389 : i1 to i32
        %cond3A_391 = arith.constant 0 : i32
        %cond3A_392 = arith.cmpi ne, %convert_element_type3A_390, %cond3A_391 : i32
        scf.if %cond3A_392 {
          %add3A_415 = arith.addi %add3A, %while3A_289 : i32
          %mul3A_416 = arith.constant 64 : i32
          %mul3A_417 = arith.muli %add3A_415, %mul3A_416 : i32
          %add3A_418 = arith.constant 320000 : i32
          %add3A_419 = arith.addi %add3A_418, %mul3A_417 : i32
          %dma_wait3A_420 = arith.constant 4 : i32
          %dma_wait3A_421 = arith.constant 0 : i32
          %dma_wait3A_422 = tpu.memref_slice %arg9[%dma_wait3A_420, %dma_wait3A_421] : memref<6x64xi32, #tpu.memory_space<vmem>> -> memref<1x64xi32, #tpu.memory_space<vmem>>
          %dma_wait3A_423 = tpu.memref_squeeze %dma_wait3A_422 : memref<1x64xi32, #tpu.memory_space<vmem>> -> memref<64xi32, #tpu.memory_space<vmem>>
          %dma_wait3A_424 = tpu.memref_slice %arg3[%add3A_419] : memref<640000xi32, #tpu.memory_space<hbm>> -> memref<64xi32, #tpu.memory_space<hbm>>
          %dma_wait3A_425 = arith.constant 0 : i32
          %dma_wait3A_426 = tpu.memref_slice %arg9[%dma_wait3A_420, %dma_wait3A_425] : memref<6x64xi32, #tpu.memory_space<vmem>> -> memref<1x64xi32, #tpu.memory_space<vmem>>
          %dma_wait3A_427 = tpu.memref_squeeze %dma_wait3A_426 : memref<1x64xi32, #tpu.memory_space<vmem>> -> memref<64xi32, #tpu.memory_space<vmem>>
          %dma_wait3A_428 = tpu.memref_slice %arg3[%add3A_419] : memref<640000xi32, #tpu.memory_space<hbm>> -> memref<64xi32, #tpu.memory_space<hbm>>
          tpu.wait_dma2 semaphore(%arg15 : memref<!tpu.dma_semaphore, #tpu.memory_space<semaphore_mem>>) src(%dma_wait3A_428 : memref<64xi32, #tpu.memory_space<hbm>>) dst(%dma_wait3A_427 : memref<64xi32, #tpu.memory_space<vmem>>)
          %add3A_429 = arith.addi %add3A, %while3A_289 : i32
          %dma_wait3A_430 = arith.constant 4 : i32
          %dma_wait3A_431 = arith.constant 0 : i32
          %dma_wait3A_432 = arith.constant 0 : i32
          %dma_wait3A_433 = tpu.memref_slice %arg10[%dma_wait3A_430, %dma_wait3A_431, %dma_wait3A_432] : memref<6x64x128xf32, #tpu.memory_space<vmem>> -> memref<1x64x128xf32, #tpu.memory_space<vmem>>
          %dma_wait3A_434 = tpu.memref_squeeze %dma_wait3A_433 : memref<1x64x128xf32, #tpu.memory_space<vmem>> -> memref<64x128xf32, #tpu.memory_space<vmem>>
          %dma_wait3A_435 = arith.constant 0 : i32
          %dma_wait3A_436 = arith.constant 0 : i32
          %dma_wait3A_437 = tpu.memref_slice %arg5[%add3A_429, %dma_wait3A_435, %dma_wait3A_436] : memref<5000x64x128xf32, #tpu.memory_space<hbm>> -> memref<1x64x128xf32, #tpu.memory_space<hbm>>
          %dma_wait3A_438 = tpu.memref_squeeze %dma_wait3A_437 : memref<1x64x128xf32, #tpu.memory_space<hbm>> -> memref<64x128xf32, #tpu.memory_space<hbm>>
          %dma_wait3A_439 = arith.constant 0 : i32
          %dma_wait3A_440 = arith.constant 0 : i32
          %dma_wait3A_441 = tpu.memref_slice %arg10[%dma_wait3A_430, %dma_wait3A_439, %dma_wait3A_440] : memref<6x64x128xf32, #tpu.memory_space<vmem>> -> memref<1x64x128xf32, #tpu.memory_space<vmem>>
          %dma_wait3A_442 = tpu.memref_squeeze %dma_wait3A_441 : memref<1x64x128xf32, #tpu.memory_space<vmem>> -> memref<64x128xf32, #tpu.memory_space<vmem>>
          %dma_wait3A_443 = arith.constant 0 : i32
          %dma_wait3A_444 = arith.constant 0 : i32
          %dma_wait3A_445 = tpu.memref_slice %arg5[%add3A_429, %dma_wait3A_443, %dma_wait3A_444] : memref<5000x64x128xf32, #tpu.memory_space<hbm>> -> memref<1x64x128xf32, #tpu.memory_space<hbm>>
          %dma_wait3A_446 = tpu.memref_squeeze %dma_wait3A_445 : memref<1x64x128xf32, #tpu.memory_space<hbm>> -> memref<64x128xf32, #tpu.memory_space<hbm>>
          tpu.wait_dma2 semaphore(%arg15 : memref<!tpu.dma_semaphore, #tpu.memory_space<semaphore_mem>>) src(%dma_wait3A_446 : memref<64x128xf32, #tpu.memory_space<hbm>>) dst(%dma_wait3A_442 : memref<64x128xf32, #tpu.memory_space<vmem>>)
          %dma_start3A_447 = arith.constant 4 : i32
          %dma_start3A_448 = arith.constant 4 : i32
          %dma_start3A_449 = arith.constant 0 : i32
          %dma_start3A_450 = arith.constant 0 : i32
          %dma_start3A_451 = tpu.memref_slice %arg10[%dma_start3A_447, %dma_start3A_449, %dma_start3A_450] : memref<6x64x128xf32, #tpu.memory_space<vmem>> -> memref<1x64x128xf32, #tpu.memory_space<vmem>>
          %dma_start3A_452 = tpu.memref_squeeze %dma_start3A_451 : memref<1x64x128xf32, #tpu.memory_space<vmem>> -> memref<64x128xf32, #tpu.memory_space<vmem>>
          %dma_start3A_453 = arith.constant 0 : i32
          %dma_start3A_454 = tpu.memref_slice %arg9[%dma_start3A_448, %dma_start3A_453] : memref<6x64xi32, #tpu.memory_space<vmem>> -> memref<1x64xi32, #tpu.memory_space<vmem>>
          %dma_start3A_455 = tpu.memref_squeeze %dma_start3A_454 : memref<1x64xi32, #tpu.memory_space<vmem>> -> memref<64xi32, #tpu.memory_space<vmem>>
          %dma_start3A_456 = arith.constant 0 : i32
          %dma_start3A_457 = arith.constant 0 : i32
          %dma_start3A_458 = tpu.memref_slice %arg8[%dma_start3A_456, %dma_start3A_457] : memref<10000x128xf32, #tpu.memory_space<vmem_shared>> -> memref<10000x128xf32, #tpu.memory_space<vmem_shared>>
          tpu.enqueue_indirect_dma source(%dma_start3A_452 : memref<64x128xf32, #tpu.memory_space<vmem>>) target(%dma_start3A_458 : memref<10000x128xf32, #tpu.memory_space<vmem_shared>>) offsets(%dma_start3A_455 : memref<64xi32, #tpu.memory_space<vmem>>) semaphore(%arg21 : memref<!tpu.dma_semaphore, #tpu.memory_space<semaphore_mem>>) {add = true}
          %add3A_459 = arith.constant 6 : i32
          %add3A_460 = arith.addi %while3A_289, %add3A_459 : i32
          %sub3A = arith.constant 1 : i32
          %sub3A_461 = arith.subi %add3A_460, %sub3A : i32
          %lt3A_462 = arith.cmpi slt, %sub3A_461, %select_n3A : i32
          %convert_element_type3A_463 = arith.extui %lt3A_462 : i1 to i32
          %cond3A_464 = arith.constant 0 : i32
          %cond3A_465 = arith.cmpi ne, %convert_element_type3A_463, %cond3A_464 : i32
          scf.if %cond3A_465 {
            %ge3A = arith.constant 1 : i32
            %ge3A_466 = arith.cmpi sge, %while3A_289, %ge3A : i32
            %convert_element_type3A_467 = arith.extui %ge3A_466 : i1 to i32
            %cond3A_468 = arith.constant 0 : i32
            %cond3A_469 = arith.cmpi ne, %convert_element_type3A_467, %cond3A_468 : i32
            scf.if %cond3A_469 {
              %dma_wait3A_502 = arith.constant 3 : i32
              %dma_wait3A_503 = arith.constant 3 : i32
              %dma_wait3A_504 = arith.constant 0 : i32
              %dma_wait3A_505 = arith.constant 0 : i32
              %dma_wait3A_506 = tpu.memref_slice %arg10[%dma_wait3A_502, %dma_wait3A_504, %dma_wait3A_505] : memref<6x64x128xf32, #tpu.memory_space<vmem>> -> memref<1x64x128xf32, #tpu.memory_space<vmem>>
              %dma_wait3A_507 = tpu.memref_squeeze %dma_wait3A_506 : memref<1x64x128xf32, #tpu.memory_space<vmem>> -> memref<64x128xf32, #tpu.memory_space<vmem>>
              %dma_wait3A_508 = arith.constant 0 : i32
              %dma_wait3A_509 = tpu.memref_slice %arg9[%dma_wait3A_503, %dma_wait3A_508] : memref<6x64xi32, #tpu.memory_space<vmem>> -> memref<1x64xi32, #tpu.memory_space<vmem>>
              %dma_wait3A_510 = tpu.memref_squeeze %dma_wait3A_509 : memref<1x64xi32, #tpu.memory_space<vmem>> -> memref<64xi32, #tpu.memory_space<vmem>>
              %dma_wait3A_511 = arith.constant 0 : i32
              %dma_wait3A_512 = arith.constant 0 : i32
              %dma_wait3A_513 = tpu.memref_slice %arg8[%dma_wait3A_511, %dma_wait3A_512] : memref<10000x128xf32, #tpu.memory_space<vmem_shared>> -> memref<10000x128xf32, #tpu.memory_space<vmem_shared>>
              tpu.wait_indirect_dma semaphore(%arg20 : memref<!tpu.dma_semaphore, #tpu.memory_space<semaphore_mem>>) src(%dma_wait3A_507 : memref<64x128xf32, #tpu.memory_space<vmem>>) dst(%dma_wait3A_513 : memref<10000x128xf32, #tpu.memory_space<vmem_shared>>)
            } else {
            }
            %add3A_470 = arith.addi %add3A, %sub3A_461 : i32
            %mul3A_471 = arith.constant 64 : i32
            %mul3A_472 = arith.muli %add3A_470, %mul3A_471 : i32
            %add3A_473 = arith.constant 320000 : i32
            %add3A_474 = arith.addi %add3A_473, %mul3A_472 : i32
            %dma_start3A_475 = arith.constant 3 : i32
            %dma_start3A_476 = arith.constant 0 : i32
            %dma_start3A_477 = tpu.memref_slice %arg9[%dma_start3A_475, %dma_start3A_476] : memref<6x64xi32, #tpu.memory_space<vmem>> -> memref<1x64xi32, #tpu.memory_space<vmem>>
            %dma_start3A_478 = tpu.memref_squeeze %dma_start3A_477 : memref<1x64xi32, #tpu.memory_space<vmem>> -> memref<64xi32, #tpu.memory_space<vmem>>
            %dma_start3A_479 = tpu.memref_slice %arg3[%add3A_474] : memref<640000xi32, #tpu.memory_space<hbm>> -> memref<64xi32, #tpu.memory_space<hbm>>
            %dma_start3A_480 = arith.constant 0 : i32
            %dma_start3A_481 = tpu.memref_slice %arg9[%dma_start3A_475, %dma_start3A_480] : memref<6x64xi32, #tpu.memory_space<vmem>> -> memref<1x64xi32, #tpu.memory_space<vmem>>
            %dma_start3A_482 = tpu.memref_squeeze %dma_start3A_481 : memref<1x64xi32, #tpu.memory_space<vmem>> -> memref<64xi32, #tpu.memory_space<vmem>>
            %dma_start3A_483 = tpu.memref_slice %arg3[%add3A_474] : memref<640000xi32, #tpu.memory_space<hbm>> -> memref<64xi32, #tpu.memory_space<hbm>>
            tpu.enqueue_dma source(%dma_start3A_483 : memref<64xi32, #tpu.memory_space<hbm>>) target(%dma_start3A_482 : memref<64xi32, #tpu.memory_space<vmem>>) target_semaphore(%arg14 : memref<!tpu.dma_semaphore, #tpu.memory_space<semaphore_mem>>)
            %add3A_484 = arith.addi %add3A, %sub3A_461 : i32
            %dma_start3A_485 = arith.constant 3 : i32
            %dma_start3A_486 = arith.constant 0 : i32
            %dma_start3A_487 = arith.constant 0 : i32
            %dma_start3A_488 = tpu.memref_slice %arg10[%dma_start3A_485, %dma_start3A_486, %dma_start3A_487] : memref<6x64x128xf32, #tpu.memory_space<vmem>> -> memref<1x64x128xf32, #tpu.memory_space<vmem>>
            %dma_start3A_489 = tpu.memref_squeeze %dma_start3A_488 : memref<1x64x128xf32, #tpu.memory_space<vmem>> -> memref<64x128xf32, #tpu.memory_space<vmem>>
            %dma_start3A_490 = arith.constant 0 : i32
            %dma_start3A_491 = arith.constant 0 : i32
            %dma_start3A_492 = tpu.memref_slice %arg5[%add3A_484, %dma_start3A_490, %dma_start3A_491] : memref<5000x64x128xf32, #tpu.memory_space<hbm>> -> memref<1x64x128xf32, #tpu.memory_space<hbm>>
            %dma_start3A_493 = tpu.memref_squeeze %dma_start3A_492 : memref<1x64x128xf32, #tpu.memory_space<hbm>> -> memref<64x128xf32, #tpu.memory_space<hbm>>
            %dma_start3A_494 = arith.constant 0 : i32
            %dma_start3A_495 = arith.constant 0 : i32
            %dma_start3A_496 = tpu.memref_slice %arg10[%dma_start3A_485, %dma_start3A_494, %dma_start3A_495] : memref<6x64x128xf32, #tpu.memory_space<vmem>> -> memref<1x64x128xf32, #tpu.memory_space<vmem>>
            %dma_start3A_497 = tpu.memref_squeeze %dma_start3A_496 : memref<1x64x128xf32, #tpu.memory_space<vmem>> -> memref<64x128xf32, #tpu.memory_space<vmem>>
            %dma_start3A_498 = arith.constant 0 : i32
            %dma_start3A_499 = arith.constant 0 : i32
            %dma_start3A_500 = tpu.memref_slice %arg5[%add3A_484, %dma_start3A_498, %dma_start3A_499] : memref<5000x64x128xf32, #tpu.memory_space<hbm>> -> memref<1x64x128xf32, #tpu.memory_space<hbm>>
            %dma_start3A_501 = tpu.memref_squeeze %dma_start3A_500 : memref<1x64x128xf32, #tpu.memory_space<hbm>> -> memref<64x128xf32, #tpu.memory_space<hbm>>
            tpu.enqueue_dma source(%dma_start3A_501 : memref<64x128xf32, #tpu.memory_space<hbm>>) target(%dma_start3A_497 : memref<64x128xf32, #tpu.memory_space<vmem>>) target_semaphore(%arg14 : memref<!tpu.dma_semaphore, #tpu.memory_space<semaphore_mem>>)
          } else {
          }
        } else {
        }
        %jit3A_393 = arith.constant 6 : i32
        %eq3A_394 = arith.constant 0 : i32
        %eq3A_395 = arith.cmpi eq, %jit3A_393, %eq3A_394 : i32
        %jit3A_396 = arith.constant 1 : i32
        %select_n3A_397 = arith.select %eq3A_395, %jit3A_396, %jit3A_393 : i32
        %rem3A_398 = arith.remsi %while3A_289, %select_n3A_397 : i32
        %ne3A_399 = arith.constant 0 : i32
        %ne3A_400 = arith.cmpi ne, %rem3A_398, %ne3A_399 : i32
        %lt3A_401 = arith.constant 0 : i32
        %lt3A_402 = arith.cmpi slt, %rem3A_398, %lt3A_401 : i32
        %lt3A_403 = arith.constant 0 : i32
        %lt3A_404 = arith.cmpi slt, %select_n3A_397, %lt3A_403 : i32
        %ne3A_405 = arith.xori %lt3A_402, %lt3A_404 : i1
        %and3A_406 = arith.andi %ne3A_405, %ne3A_400 : i1
        %add3A_407 = arith.addi %rem3A_398, %select_n3A_397 : i32
        %select_n3A_408 = arith.select %and3A_406, %add3A_407, %rem3A_398 : i32
        %eq3A_409 = arith.constant 5 : i32
        %eq3A_410 = arith.cmpi eq, %select_n3A_408, %eq3A_409 : i32
        %convert_element_type3A_411 = arith.extui %eq3A_410 : i1 to i32
        %cond3A_412 = arith.constant 0 : i32
        %cond3A_413 = arith.cmpi ne, %convert_element_type3A_411, %cond3A_412 : i32
        scf.if %cond3A_413 {
          %add3A_415 = arith.addi %add3A, %while3A_289 : i32
          %mul3A_416 = arith.constant 64 : i32
          %mul3A_417 = arith.muli %add3A_415, %mul3A_416 : i32
          %add3A_418 = arith.constant 320000 : i32
          %add3A_419 = arith.addi %add3A_418, %mul3A_417 : i32
          %dma_wait3A_420 = arith.constant 5 : i32
          %dma_wait3A_421 = arith.constant 0 : i32
          %dma_wait3A_422 = tpu.memref_slice %arg9[%dma_wait3A_420, %dma_wait3A_421] : memref<6x64xi32, #tpu.memory_space<vmem>> -> memref<1x64xi32, #tpu.memory_space<vmem>>
          %dma_wait3A_423 = tpu.memref_squeeze %dma_wait3A_422 : memref<1x64xi32, #tpu.memory_space<vmem>> -> memref<64xi32, #tpu.memory_space<vmem>>
          %dma_wait3A_424 = tpu.memref_slice %arg3[%add3A_419] : memref<640000xi32, #tpu.memory_space<hbm>> -> memref<64xi32, #tpu.memory_space<hbm>>
          %dma_wait3A_425 = arith.constant 0 : i32
          %dma_wait3A_426 = tpu.memref_slice %arg9[%dma_wait3A_420, %dma_wait3A_425] : memref<6x64xi32, #tpu.memory_space<vmem>> -> memref<1x64xi32, #tpu.memory_space<vmem>>
          %dma_wait3A_427 = tpu.memref_squeeze %dma_wait3A_426 : memref<1x64xi32, #tpu.memory_space<vmem>> -> memref<64xi32, #tpu.memory_space<vmem>>
          %dma_wait3A_428 = tpu.memref_slice %arg3[%add3A_419] : memref<640000xi32, #tpu.memory_space<hbm>> -> memref<64xi32, #tpu.memory_space<hbm>>
          tpu.wait_dma2 semaphore(%arg16 : memref<!tpu.dma_semaphore, #tpu.memory_space<semaphore_mem>>) src(%dma_wait3A_428 : memref<64xi32, #tpu.memory_space<hbm>>) dst(%dma_wait3A_427 : memref<64xi32, #tpu.memory_space<vmem>>)
          %add3A_429 = arith.addi %add3A, %while3A_289 : i32
          %dma_wait3A_430 = arith.constant 5 : i32
          %dma_wait3A_431 = arith.constant 0 : i32
          %dma_wait3A_432 = arith.constant 0 : i32
          %dma_wait3A_433 = tpu.memref_slice %arg10[%dma_wait3A_430, %dma_wait3A_431, %dma_wait3A_432] : memref<6x64x128xf32, #tpu.memory_space<vmem>> -> memref<1x64x128xf32, #tpu.memory_space<vmem>>
          %dma_wait3A_434 = tpu.memref_squeeze %dma_wait3A_433 : memref<1x64x128xf32, #tpu.memory_space<vmem>> -> memref<64x128xf32, #tpu.memory_space<vmem>>
          %dma_wait3A_435 = arith.constant 0 : i32
          %dma_wait3A_436 = arith.constant 0 : i32
          %dma_wait3A_437 = tpu.memref_slice %arg5[%add3A_429, %dma_wait3A_435, %dma_wait3A_436] : memref<5000x64x128xf32, #tpu.memory_space<hbm>> -> memref<1x64x128xf32, #tpu.memory_space<hbm>>
          %dma_wait3A_438 = tpu.memref_squeeze %dma_wait3A_437 : memref<1x64x128xf32, #tpu.memory_space<hbm>> -> memref<64x128xf32, #tpu.memory_space<hbm>>
          %dma_wait3A_439 = arith.constant 0 : i32
          %dma_wait3A_440 = arith.constant 0 : i32
          %dma_wait3A_441 = tpu.memref_slice %arg10[%dma_wait3A_430, %dma_wait3A_439, %dma_wait3A_440] : memref<6x64x128xf32, #tpu.memory_space<vmem>> -> memref<1x64x128xf32, #tpu.memory_space<vmem>>
          %dma_wait3A_442 = tpu.memref_squeeze %dma_wait3A_441 : memref<1x64x128xf32, #tpu.memory_space<vmem>> -> memref<64x128xf32, #tpu.memory_space<vmem>>
          %dma_wait3A_443 = arith.constant 0 : i32
          %dma_wait3A_444 = arith.constant 0 : i32
          %dma_wait3A_445 = tpu.memref_slice %arg5[%add3A_429, %dma_wait3A_443, %dma_wait3A_444] : memref<5000x64x128xf32, #tpu.memory_space<hbm>> -> memref<1x64x128xf32, #tpu.memory_space<hbm>>
          %dma_wait3A_446 = tpu.memref_squeeze %dma_wait3A_445 : memref<1x64x128xf32, #tpu.memory_space<hbm>> -> memref<64x128xf32, #tpu.memory_space<hbm>>
          tpu.wait_dma2 semaphore(%arg16 : memref<!tpu.dma_semaphore, #tpu.memory_space<semaphore_mem>>) src(%dma_wait3A_446 : memref<64x128xf32, #tpu.memory_space<hbm>>) dst(%dma_wait3A_442 : memref<64x128xf32, #tpu.memory_space<vmem>>)
          %dma_start3A_447 = arith.constant 5 : i32
          %dma_start3A_448 = arith.constant 5 : i32
          %dma_start3A_449 = arith.constant 0 : i32
          %dma_start3A_450 = arith.constant 0 : i32
          %dma_start3A_451 = tpu.memref_slice %arg10[%dma_start3A_447, %dma_start3A_449, %dma_start3A_450] : memref<6x64x128xf32, #tpu.memory_space<vmem>> -> memref<1x64x128xf32, #tpu.memory_space<vmem>>
          %dma_start3A_452 = tpu.memref_squeeze %dma_start3A_451 : memref<1x64x128xf32, #tpu.memory_space<vmem>> -> memref<64x128xf32, #tpu.memory_space<vmem>>
          %dma_start3A_453 = arith.constant 0 : i32
          %dma_start3A_454 = tpu.memref_slice %arg9[%dma_start3A_448, %dma_start3A_453] : memref<6x64xi32, #tpu.memory_space<vmem>> -> memref<1x64xi32, #tpu.memory_space<vmem>>
          %dma_start3A_455 = tpu.memref_squeeze %dma_start3A_454 : memref<1x64xi32, #tpu.memory_space<vmem>> -> memref<64xi32, #tpu.memory_space<vmem>>
          %dma_start3A_456 = arith.constant 0 : i32
          %dma_start3A_457 = arith.constant 0 : i32
          %dma_start3A_458 = tpu.memref_slice %arg8[%dma_start3A_456, %dma_start3A_457] : memref<10000x128xf32, #tpu.memory_space<vmem_shared>> -> memref<10000x128xf32, #tpu.memory_space<vmem_shared>>
          tpu.enqueue_indirect_dma source(%dma_start3A_452 : memref<64x128xf32, #tpu.memory_space<vmem>>) target(%dma_start3A_458 : memref<10000x128xf32, #tpu.memory_space<vmem_shared>>) offsets(%dma_start3A_455 : memref<64xi32, #tpu.memory_space<vmem>>) semaphore(%arg22 : memref<!tpu.dma_semaphore, #tpu.memory_space<semaphore_mem>>) {add = true}
          %add3A_459 = arith.constant 6 : i32
          %add3A_460 = arith.addi %while3A_289, %add3A_459 : i32
          %sub3A = arith.constant 1 : i32
          %sub3A_461 = arith.subi %add3A_460, %sub3A : i32
          %lt3A_462 = arith.cmpi slt, %sub3A_461, %select_n3A : i32
          %convert_element_type3A_463 = arith.extui %lt3A_462 : i1 to i32
          %cond3A_464 = arith.constant 0 : i32
          %cond3A_465 = arith.cmpi ne, %convert_element_type3A_463, %cond3A_464 : i32
          scf.if %cond3A_465 {
            %ge3A = arith.constant 1 : i32
            %ge3A_466 = arith.cmpi sge, %while3A_289, %ge3A : i32
            %convert_element_type3A_467 = arith.extui %ge3A_466 : i1 to i32
            %cond3A_468 = arith.constant 0 : i32
            %cond3A_469 = arith.cmpi ne, %convert_element_type3A_467, %cond3A_468 : i32
            scf.if %cond3A_469 {
              %dma_wait3A_502 = arith.constant 4 : i32
              %dma_wait3A_503 = arith.constant 4 : i32
              %dma_wait3A_504 = arith.constant 0 : i32
              %dma_wait3A_505 = arith.constant 0 : i32
              %dma_wait3A_506 = tpu.memref_slice %arg10[%dma_wait3A_502, %dma_wait3A_504, %dma_wait3A_505] : memref<6x64x128xf32, #tpu.memory_space<vmem>> -> memref<1x64x128xf32, #tpu.memory_space<vmem>>
              %dma_wait3A_507 = tpu.memref_squeeze %dma_wait3A_506 : memref<1x64x128xf32, #tpu.memory_space<vmem>> -> memref<64x128xf32, #tpu.memory_space<vmem>>
              %dma_wait3A_508 = arith.constant 0 : i32
              %dma_wait3A_509 = tpu.memref_slice %arg9[%dma_wait3A_503, %dma_wait3A_508] : memref<6x64xi32, #tpu.memory_space<vmem>> -> memref<1x64xi32, #tpu.memory_space<vmem>>
              %dma_wait3A_510 = tpu.memref_squeeze %dma_wait3A_509 : memref<1x64xi32, #tpu.memory_space<vmem>> -> memref<64xi32, #tpu.memory_space<vmem>>
              %dma_wait3A_511 = arith.constant 0 : i32
              %dma_wait3A_512 = arith.constant 0 : i32
              %dma_wait3A_513 = tpu.memref_slice %arg8[%dma_wait3A_511, %dma_wait3A_512] : memref<10000x128xf32, #tpu.memory_space<vmem_shared>> -> memref<10000x128xf32, #tpu.memory_space<vmem_shared>>
              tpu.wait_indirect_dma semaphore(%arg21 : memref<!tpu.dma_semaphore, #tpu.memory_space<semaphore_mem>>) src(%dma_wait3A_507 : memref<64x128xf32, #tpu.memory_space<vmem>>) dst(%dma_wait3A_513 : memref<10000x128xf32, #tpu.memory_space<vmem_shared>>)
            } else {
            }
            %add3A_470 = arith.addi %add3A, %sub3A_461 : i32
            %mul3A_471 = arith.constant 64 : i32
            %mul3A_472 = arith.muli %add3A_470, %mul3A_471 : i32
            %add3A_473 = arith.constant 320000 : i32
            %add3A_474 = arith.addi %add3A_473, %mul3A_472 : i32
            %dma_start3A_475 = arith.constant 4 : i32
            %dma_start3A_476 = arith.constant 0 : i32
            %dma_start3A_477 = tpu.memref_slice %arg9[%dma_start3A_475, %dma_start3A_476] : memref<6x64xi32, #tpu.memory_space<vmem>> -> memref<1x64xi32, #tpu.memory_space<vmem>>
            %dma_start3A_478 = tpu.memref_squeeze %dma_start3A_477 : memref<1x64xi32, #tpu.memory_space<vmem>> -> memref<64xi32, #tpu.memory_space<vmem>>
            %dma_start3A_479 = tpu.memref_slice %arg3[%add3A_474] : memref<640000xi32, #tpu.memory_space<hbm>> -> memref<64xi32, #tpu.memory_space<hbm>>
            %dma_start3A_480 = arith.constant 0 : i32
            %dma_start3A_481 = tpu.memref_slice %arg9[%dma_start3A_475, %dma_start3A_480] : memref<6x64xi32, #tpu.memory_space<vmem>> -> memref<1x64xi32, #tpu.memory_space<vmem>>
            %dma_start3A_482 = tpu.memref_squeeze %dma_start3A_481 : memref<1x64xi32, #tpu.memory_space<vmem>> -> memref<64xi32, #tpu.memory_space<vmem>>
            %dma_start3A_483 = tpu.memref_slice %arg3[%add3A_474] : memref<640000xi32, #tpu.memory_space<hbm>> -> memref<64xi32, #tpu.memory_space<hbm>>
            tpu.enqueue_dma source(%dma_start3A_483 : memref<64xi32, #tpu.memory_space<hbm>>) target(%dma_start3A_482 : memref<64xi32, #tpu.memory_space<vmem>>) target_semaphore(%arg15 : memref<!tpu.dma_semaphore, #tpu.memory_space<semaphore_mem>>)
            %add3A_484 = arith.addi %add3A, %sub3A_461 : i32
            %dma_start3A_485 = arith.constant 4 : i32
            %dma_start3A_486 = arith.constant 0 : i32
            %dma_start3A_487 = arith.constant 0 : i32
            %dma_start3A_488 = tpu.memref_slice %arg10[%dma_start3A_485, %dma_start3A_486, %dma_start3A_487] : memref<6x64x128xf32, #tpu.memory_space<vmem>> -> memref<1x64x128xf32, #tpu.memory_space<vmem>>
            %dma_start3A_489 = tpu.memref_squeeze %dma_start3A_488 : memref<1x64x128xf32, #tpu.memory_space<vmem>> -> memref<64x128xf32, #tpu.memory_space<vmem>>
            %dma_start3A_490 = arith.constant 0 : i32
            %dma_start3A_491 = arith.constant 0 : i32
            %dma_start3A_492 = tpu.memref_slice %arg5[%add3A_484, %dma_start3A_490, %dma_start3A_491] : memref<5000x64x128xf32, #tpu.memory_space<hbm>> -> memref<1x64x128xf32, #tpu.memory_space<hbm>>
            %dma_start3A_493 = tpu.memref_squeeze %dma_start3A_492 : memref<1x64x128xf32, #tpu.memory_space<hbm>> -> memref<64x128xf32, #tpu.memory_space<hbm>>
            %dma_start3A_494 = arith.constant 0 : i32
            %dma_start3A_495 = arith.constant 0 : i32
            %dma_start3A_496 = tpu.memref_slice %arg10[%dma_start3A_485, %dma_start3A_494, %dma_start3A_495] : memref<6x64x128xf32, #tpu.memory_space<vmem>> -> memref<1x64x128xf32, #tpu.memory_space<vmem>>
            %dma_start3A_497 = tpu.memref_squeeze %dma_start3A_496 : memref<1x64x128xf32, #tpu.memory_space<vmem>> -> memref<64x128xf32, #tpu.memory_space<vmem>>
            %dma_start3A_498 = arith.constant 0 : i32
            %dma_start3A_499 = arith.constant 0 : i32
            %dma_start3A_500 = tpu.memref_slice %arg5[%add3A_484, %dma_start3A_498, %dma_start3A_499] : memref<5000x64x128xf32, #tpu.memory_space<hbm>> -> memref<1x64x128xf32, #tpu.memory_space<hbm>>
            %dma_start3A_501 = tpu.memref_squeeze %dma_start3A_500 : memref<1x64x128xf32, #tpu.memory_space<hbm>> -> memref<64x128xf32, #tpu.memory_space<hbm>>
            tpu.enqueue_dma source(%dma_start3A_501 : memref<64x128xf32, #tpu.memory_space<hbm>>) target(%dma_start3A_497 : memref<64x128xf32, #tpu.memory_space<vmem>>) target_semaphore(%arg15 : memref<!tpu.dma_semaphore, #tpu.memory_space<semaphore_mem>>)
          } else {
          }
        } else {
        }
        %while3A_414 = arith.constant 0 : i32
        scf.yield %while3A_414 : i32
      }
      %dma_wait3A = arith.constant 0 : i32
      %dma_wait3A_218 = arith.constant 0 : i32
      %dma_wait3A_219 = arith.constant 0 : i32
      %dma_wait3A_220 = arith.constant 0 : i32
      %dma_wait3A_221 = tpu.memref_slice %arg10[%dma_wait3A, %dma_wait3A_219, %dma_wait3A_220] : memref<6x64x128xf32, #tpu.memory_space<vmem>> -> memref<1x64x128xf32, #tpu.memory_space<vmem>>
      %dma_wait3A_222 = tpu.memref_squeeze %dma_wait3A_221 : memref<1x64x128xf32, #tpu.memory_space<vmem>> -> memref<64x128xf32, #tpu.memory_space<vmem>>
      %dma_wait3A_223 = arith.constant 0 : i32
      %dma_wait3A_224 = tpu.memref_slice %arg9[%dma_wait3A_218, %dma_wait3A_223] : memref<6x64xi32, #tpu.memory_space<vmem>> -> memref<1x64xi32, #tpu.memory_space<vmem>>
      %dma_wait3A_225 = tpu.memref_squeeze %dma_wait3A_224 : memref<1x64xi32, #tpu.memory_space<vmem>> -> memref<64xi32, #tpu.memory_space<vmem>>
      %dma_wait3A_226 = arith.constant 0 : i32
      %dma_wait3A_227 = arith.constant 0 : i32
      %dma_wait3A_228 = tpu.memref_slice %arg8[%dma_wait3A_226, %dma_wait3A_227] : memref<10000x128xf32, #tpu.memory_space<vmem_shared>> -> memref<10000x128xf32, #tpu.memory_space<vmem_shared>>
      tpu.wait_indirect_dma semaphore(%arg17 : memref<!tpu.dma_semaphore, #tpu.memory_space<semaphore_mem>>) src(%dma_wait3A_222 : memref<64x128xf32, #tpu.memory_space<vmem>>) dst(%dma_wait3A_228 : memref<10000x128xf32, #tpu.memory_space<vmem_shared>>)
      %dma_wait3A_229 = arith.constant 1 : i32
      %dma_wait3A_230 = arith.constant 1 : i32
      %dma_wait3A_231 = arith.constant 0 : i32
      %dma_wait3A_232 = arith.constant 0 : i32
      %dma_wait3A_233 = tpu.memref_slice %arg10[%dma_wait3A_229, %dma_wait3A_231, %dma_wait3A_232] : memref<6x64x128xf32, #tpu.memory_space<vmem>> -> memref<1x64x128xf32, #tpu.memory_space<vmem>>
      %dma_wait3A_234 = tpu.memref_squeeze %dma_wait3A_233 : memref<1x64x128xf32, #tpu.memory_space<vmem>> -> memref<64x128xf32, #tpu.memory_space<vmem>>
      %dma_wait3A_235 = arith.constant 0 : i32
      %dma_wait3A_236 = tpu.memref_slice %arg9[%dma_wait3A_230, %dma_wait3A_235] : memref<6x64xi32, #tpu.memory_space<vmem>> -> memref<1x64xi32, #tpu.memory_space<vmem>>
      %dma_wait3A_237 = tpu.memref_squeeze %dma_wait3A_236 : memref<1x64xi32, #tpu.memory_space<vmem>> -> memref<64xi32, #tpu.memory_space<vmem>>
      %dma_wait3A_238 = arith.constant 0 : i32
      %dma_wait3A_239 = arith.constant 0 : i32
      %dma_wait3A_240 = tpu.memref_slice %arg8[%dma_wait3A_238, %dma_wait3A_239] : memref<10000x128xf32, #tpu.memory_space<vmem_shared>> -> memref<10000x128xf32, #tpu.memory_space<vmem_shared>>
      tpu.wait_indirect_dma semaphore(%arg18 : memref<!tpu.dma_semaphore, #tpu.memory_space<semaphore_mem>>) src(%dma_wait3A_234 : memref<64x128xf32, #tpu.memory_space<vmem>>) dst(%dma_wait3A_240 : memref<10000x128xf32, #tpu.memory_space<vmem_shared>>)
      %dma_wait3A_241 = arith.constant 2 : i32
      %dma_wait3A_242 = arith.constant 2 : i32
      %dma_wait3A_243 = arith.constant 0 : i32
      %dma_wait3A_244 = arith.constant 0 : i32
      %dma_wait3A_245 = tpu.memref_slice %arg10[%dma_wait3A_241, %dma_wait3A_243, %dma_wait3A_244] : memref<6x64x128xf32, #tpu.memory_space<vmem>> -> memref<1x64x128xf32, #tpu.memory_space<vmem>>
      %dma_wait3A_246 = tpu.memref_squeeze %dma_wait3A_245 : memref<1x64x128xf32, #tpu.memory_space<vmem>> -> memref<64x128xf32, #tpu.memory_space<vmem>>
      %dma_wait3A_247 = arith.constant 0 : i32
      %dma_wait3A_248 = tpu.memref_slice %arg9[%dma_wait3A_242, %dma_wait3A_247] : memref<6x64xi32, #tpu.memory_space<vmem>> -> memref<1x64xi32, #tpu.memory_space<vmem>>
      %dma_wait3A_249 = tpu.memref_squeeze %dma_wait3A_248 : memref<1x64xi32, #tpu.memory_space<vmem>> -> memref<64xi32, #tpu.memory_space<vmem>>
      %dma_wait3A_250 = arith.constant 0 : i32
      %dma_wait3A_251 = arith.constant 0 : i32
      %dma_wait3A_252 = tpu.memref_slice %arg8[%dma_wait3A_250, %dma_wait3A_251] : memref<10000x128xf32, #tpu.memory_space<vmem_shared>> -> memref<10000x128xf32, #tpu.memory_space<vmem_shared>>
      tpu.wait_indirect_dma semaphore(%arg19 : memref<!tpu.dma_semaphore, #tpu.memory_space<semaphore_mem>>) src(%dma_wait3A_246 : memref<64x128xf32, #tpu.memory_space<vmem>>) dst(%dma_wait3A_252 : memref<10000x128xf32, #tpu.memory_space<vmem_shared>>)
      %dma_wait3A_253 = arith.constant 3 : i32
      %dma_wait3A_254 = arith.constant 3 : i32
      %dma_wait3A_255 = arith.constant 0 : i32
      %dma_wait3A_256 = arith.constant 0 : i32
      %dma_wait3A_257 = tpu.memref_slice %arg10[%dma_wait3A_253, %dma_wait3A_255, %dma_wait3A_256] : memref<6x64x128xf32, #tpu.memory_space<vmem>> -> memref<1x64x128xf32, #tpu.memory_space<vmem>>
      %dma_wait3A_258 = tpu.memref_squeeze %dma_wait3A_257 : memref<1x64x128xf32, #tpu.memory_space<vmem>> -> memref<64x128xf32, #tpu.memory_space<vmem>>
      %dma_wait3A_259 = arith.constant 0 : i32
      %dma_wait3A_260 = tpu.memref_slice %arg9[%dma_wait3A_254, %dma_wait3A_259] : memref<6x64xi32, #tpu.memory_space<vmem>> -> memref<1x64xi32, #tpu.memory_space<vmem>>
      %dma_wait3A_261 = tpu.memref_squeeze %dma_wait3A_260 : memref<1x64xi32, #tpu.memory_space<vmem>> -> memref<64xi32, #tpu.memory_space<vmem>>
      %dma_wait3A_262 = arith.constant 0 : i32
      %dma_wait3A_263 = arith.constant 0 : i32
      %dma_wait3A_264 = tpu.memref_slice %arg8[%dma_wait3A_262, %dma_wait3A_263] : memref<10000x128xf32, #tpu.memory_space<vmem_shared>> -> memref<10000x128xf32, #tpu.memory_space<vmem_shared>>
      tpu.wait_indirect_dma semaphore(%arg20 : memref<!tpu.dma_semaphore, #tpu.memory_space<semaphore_mem>>) src(%dma_wait3A_258 : memref<64x128xf32, #tpu.memory_space<vmem>>) dst(%dma_wait3A_264 : memref<10000x128xf32, #tpu.memory_space<vmem_shared>>)
      %dma_wait3A_265 = arith.constant 4 : i32
      %dma_wait3A_266 = arith.constant 4 : i32
      %dma_wait3A_267 = arith.constant 0 : i32
      %dma_wait3A_268 = arith.constant 0 : i32
      %dma_wait3A_269 = tpu.memref_slice %arg10[%dma_wait3A_265, %dma_wait3A_267, %dma_wait3A_268] : memref<6x64x128xf32, #tpu.memory_space<vmem>> -> memref<1x64x128xf32, #tpu.memory_space<vmem>>
      %dma_wait3A_270 = tpu.memref_squeeze %dma_wait3A_269 : memref<1x64x128xf32, #tpu.memory_space<vmem>> -> memref<64x128xf32, #tpu.memory_space<vmem>>
      %dma_wait3A_271 = arith.constant 0 : i32
      %dma_wait3A_272 = tpu.memref_slice %arg9[%dma_wait3A_266, %dma_wait3A_271] : memref<6x64xi32, #tpu.memory_space<vmem>> -> memref<1x64xi32, #tpu.memory_space<vmem>>
      %dma_wait3A_273 = tpu.memref_squeeze %dma_wait3A_272 : memref<1x64xi32, #tpu.memory_space<vmem>> -> memref<64xi32, #tpu.memory_space<vmem>>
      %dma_wait3A_274 = arith.constant 0 : i32
      %dma_wait3A_275 = arith.constant 0 : i32
      %dma_wait3A_276 = tpu.memref_slice %arg8[%dma_wait3A_274, %dma_wait3A_275] : memref<10000x128xf32, #tpu.memory_space<vmem_shared>> -> memref<10000x128xf32, #tpu.memory_space<vmem_shared>>
      tpu.wait_indirect_dma semaphore(%arg21 : memref<!tpu.dma_semaphore, #tpu.memory_space<semaphore_mem>>) src(%dma_wait3A_270 : memref<64x128xf32, #tpu.memory_space<vmem>>) dst(%dma_wait3A_276 : memref<10000x128xf32, #tpu.memory_space<vmem_shared>>)
      %dma_wait3A_277 = arith.constant 5 : i32
      %dma_wait3A_278 = arith.constant 5 : i32
      %dma_wait3A_279 = arith.constant 0 : i32
      %dma_wait3A_280 = arith.constant 0 : i32
      %dma_wait3A_281 = tpu.memref_slice %arg10[%dma_wait3A_277, %dma_wait3A_279, %dma_wait3A_280] : memref<6x64x128xf32, #tpu.memory_space<vmem>> -> memref<1x64x128xf32, #tpu.memory_space<vmem>>
      %dma_wait3A_282 = tpu.memref_squeeze %dma_wait3A_281 : memref<1x64x128xf32, #tpu.memory_space<vmem>> -> memref<64x128xf32, #tpu.memory_space<vmem>>
      %dma_wait3A_283 = arith.constant 0 : i32
      %dma_wait3A_284 = tpu.memref_slice %arg9[%dma_wait3A_278, %dma_wait3A_283] : memref<6x64xi32, #tpu.memory_space<vmem>> -> memref<1x64xi32, #tpu.memory_space<vmem>>
      %dma_wait3A_285 = tpu.memref_squeeze %dma_wait3A_284 : memref<1x64xi32, #tpu.memory_space<vmem>> -> memref<64xi32, #tpu.memory_space<vmem>>
      %dma_wait3A_286 = arith.constant 0 : i32
      %dma_wait3A_287 = arith.constant 0 : i32
      %dma_wait3A_288 = tpu.memref_slice %arg8[%dma_wait3A_286, %dma_wait3A_287] : memref<10000x128xf32, #tpu.memory_space<vmem_shared>> -> memref<10000x128xf32, #tpu.memory_space<vmem_shared>>
      tpu.wait_indirect_dma semaphore(%arg22 : memref<!tpu.dma_semaphore, #tpu.memory_space<semaphore_mem>>) src(%dma_wait3A_282 : memref<64x128xf32, #tpu.memory_space<vmem>>) dst(%dma_wait3A_288 : memref<10000x128xf32, #tpu.memory_space<vmem_shared>>)
    } else {
    }
    %barrier3A_27 = arith.constant 0 : index
    tpu.barrier barrier_id(%barrier3A_27)
    %eq3A_28 = arith.constant 0 : i32
    %eq3A_29 = arith.cmpi eq, %arg0, %eq3A_28 : i32
    %convert_element_type3A_30 = arith.extui %eq3A_29 : i1 to i32
    %cond3A_31 = arith.constant 0 : i32
    %cond3A_32 = arith.cmpi ne, %convert_element_type3A_30, %cond3A_31 : i32
    scf.if %cond3A_32 {
      %lt3A_38 = arith.constant 15 : i32
      %lt3A_39 = arith.cmpi slt, %arg1, %lt3A_38 : i32
      %convert_element_type3A_40 = arith.extui %lt3A_39 : i1 to i32
      %cond3A_41 = arith.constant 0 : i32
      %cond3A_42 = arith.cmpi ne, %convert_element_type3A_40, %cond3A_41 : i32
      scf.if %cond3A_42 {
        %mul3A_48 = arith.constant 632 : i32
        %mul3A_49 = arith.muli %arg1, %mul3A_48 : i32
        %mul3A_50 = arith.constant 632 : i32
        %mul3A_51 = arith.muli %arg1, %mul3A_50 : i32
        "tpu.region"() ({
          %run_scoped3A = tpu.sem_alloc : memref<!tpu.dma_semaphore, #tpu.memory_space<semaphore_mem>>
          %dma_start3A = arith.constant 0 : i32
          %dma_start3A_52 = tpu.memref_slice %arg6[%mul3A_51, %dma_start3A] : memref<10000x128xf32, #tpu.memory_space<hbm>> -> memref<632x128xf32, #tpu.memory_space<hbm>>
          %dma_start3A_53 = arith.constant 0 : i32
          %dma_start3A_54 = tpu.memref_slice %arg8[%mul3A_49, %dma_start3A_53] : memref<10000x128xf32, #tpu.memory_space<vmem_shared>> -> memref<632x128xf32, #tpu.memory_space<vmem_shared>>
          tpu.enqueue_dma source(%dma_start3A_54 : memref<632x128xf32, #tpu.memory_space<vmem_shared>>) target(%dma_start3A_52 : memref<632x128xf32, #tpu.memory_space<hbm>>) target_semaphore(%run_scoped3A : memref<!tpu.dma_semaphore, #tpu.memory_space<semaphore_mem>>)
          %dma_wait3A = arith.constant 0 : i32
          %dma_wait3A_55 = tpu.memref_slice %arg6[%mul3A_51, %dma_wait3A] : memref<10000x128xf32, #tpu.memory_space<hbm>> -> memref<632x128xf32, #tpu.memory_space<hbm>>
          %dma_wait3A_56 = arith.constant 0 : i32
          %dma_wait3A_57 = tpu.memref_slice %arg8[%mul3A_49, %dma_wait3A_56] : memref<10000x128xf32, #tpu.memory_space<vmem_shared>> -> memref<632x128xf32, #tpu.memory_space<vmem_shared>>
          tpu.wait_dma2 semaphore(%run_scoped3A : memref<!tpu.dma_semaphore, #tpu.memory_space<semaphore_mem>>) src(%dma_wait3A_57 : memref<632x128xf32, #tpu.memory_space<vmem_shared>>) dst(%dma_wait3A_55 : memref<632x128xf32, #tpu.memory_space<hbm>>)
          tpu.yield
        }) : () -> ()
      } else {
      }
      %eq3A_43 = arith.constant 15 : i32
      %eq3A_44 = arith.cmpi eq, %arg1, %eq3A_43 : i32
      %convert_element_type3A_45 = arith.extui %eq3A_44 : i1 to i32
      %cond3A_46 = arith.constant 0 : i32
      %cond3A_47 = arith.cmpi ne, %convert_element_type3A_45, %cond3A_46 : i32
      scf.if %cond3A_47 {
        "tpu.region"() ({
          %run_scoped3A = tpu.sem_alloc : memref<!tpu.dma_semaphore, #tpu.memory_space<semaphore_mem>>
          %dma_start3A = arith.constant 9480 : i32
          %dma_start3A_48 = arith.constant 0 : i32
          %dma_start3A_49 = tpu.memref_slice %arg6[%dma_start3A, %dma_start3A_48] : memref<10000x128xf32, #tpu.memory_space<hbm>> -> memref<520x128xf32, #tpu.memory_space<hbm>>
          %dma_start3A_50 = arith.constant 9480 : i32
          %dma_start3A_51 = arith.constant 0 : i32
          %dma_start3A_52 = tpu.memref_slice %arg8[%dma_start3A_50, %dma_start3A_51] : memref<10000x128xf32, #tpu.memory_space<vmem_shared>> -> memref<520x128xf32, #tpu.memory_space<vmem_shared>>
          tpu.enqueue_dma source(%dma_start3A_52 : memref<520x128xf32, #tpu.memory_space<vmem_shared>>) target(%dma_start3A_49 : memref<520x128xf32, #tpu.memory_space<hbm>>) target_semaphore(%run_scoped3A : memref<!tpu.dma_semaphore, #tpu.memory_space<semaphore_mem>>)
          %dma_wait3A = arith.constant 9480 : i32
          %dma_wait3A_53 = arith.constant 0 : i32
          %dma_wait3A_54 = tpu.memref_slice %arg6[%dma_wait3A, %dma_wait3A_53] : memref<10000x128xf32, #tpu.memory_space<hbm>> -> memref<520x128xf32, #tpu.memory_space<hbm>>
          %dma_wait3A_55 = arith.constant 9480 : i32
          %dma_wait3A_56 = arith.constant 0 : i32
          %dma_wait3A_57 = tpu.memref_slice %arg8[%dma_wait3A_55, %dma_wait3A_56] : memref<10000x128xf32, #tpu.memory_space<vmem_shared>> -> memref<520x128xf32, #tpu.memory_space<vmem_shared>>
          tpu.wait_dma2 semaphore(%run_scoped3A : memref<!tpu.dma_semaphore, #tpu.memory_space<semaphore_mem>>) src(%dma_wait3A_57 : memref<520x128xf32, #tpu.memory_space<vmem_shared>>) dst(%dma_wait3A_54 : memref<520x128xf32, #tpu.memory_space<hbm>>)
          tpu.yield
        }) : () -> ()
      } else {
      }
    } else {
    }
    %eq3A_33 = arith.constant 1 : i32
    %eq3A_34 = arith.cmpi eq, %arg0, %eq3A_33 : i32
    %convert_element_type3A_35 = arith.extui %eq3A_34 : i1 to i32
    %cond3A_36 = arith.constant 0 : i32
    %cond3A_37 = arith.cmpi ne, %convert_element_type3A_35, %cond3A_36 : i32
    scf.if %cond3A_37 {
      %lt3A_38 = arith.constant 15 : i32
      %lt3A_39 = arith.cmpi slt, %arg1, %lt3A_38 : i32
      %convert_element_type3A_40 = arith.extui %lt3A_39 : i1 to i32
      %cond3A_41 = arith.constant 0 : i32
      %cond3A_42 = arith.cmpi ne, %convert_element_type3A_40, %cond3A_41 : i32
      scf.if %cond3A_42 {
        %mul3A_48 = arith.constant 632 : i32
        %mul3A_49 = arith.muli %arg1, %mul3A_48 : i32
        %mul3A_50 = arith.constant 632 : i32
        %mul3A_51 = arith.muli %arg1, %mul3A_50 : i32
        "tpu.region"() ({
          %run_scoped3A = tpu.sem_alloc : memref<!tpu.dma_semaphore, #tpu.memory_space<semaphore_mem>>
          %dma_start3A = arith.constant 0 : i32
          %dma_start3A_52 = tpu.memref_slice %arg7[%mul3A_51, %dma_start3A] : memref<10000x128xf32, #tpu.memory_space<hbm>> -> memref<632x128xf32, #tpu.memory_space<hbm>>
          %dma_start3A_53 = arith.constant 0 : i32
          %dma_start3A_54 = tpu.memref_slice %arg8[%mul3A_49, %dma_start3A_53] : memref<10000x128xf32, #tpu.memory_space<vmem_shared>> -> memref<632x128xf32, #tpu.memory_space<vmem_shared>>
          tpu.enqueue_dma source(%dma_start3A_54 : memref<632x128xf32, #tpu.memory_space<vmem_shared>>) target(%dma_start3A_52 : memref<632x128xf32, #tpu.memory_space<hbm>>) target_semaphore(%run_scoped3A : memref<!tpu.dma_semaphore, #tpu.memory_space<semaphore_mem>>)
          %dma_wait3A = arith.constant 0 : i32
          %dma_wait3A_55 = tpu.memref_slice %arg7[%mul3A_51, %dma_wait3A] : memref<10000x128xf32, #tpu.memory_space<hbm>> -> memref<632x128xf32, #tpu.memory_space<hbm>>
          %dma_wait3A_56 = arith.constant 0 : i32
          %dma_wait3A_57 = tpu.memref_slice %arg8[%mul3A_49, %dma_wait3A_56] : memref<10000x128xf32, #tpu.memory_space<vmem_shared>> -> memref<632x128xf32, #tpu.memory_space<vmem_shared>>
          tpu.wait_dma2 semaphore(%run_scoped3A : memref<!tpu.dma_semaphore, #tpu.memory_space<semaphore_mem>>) src(%dma_wait3A_57 : memref<632x128xf32, #tpu.memory_space<vmem_shared>>) dst(%dma_wait3A_55 : memref<632x128xf32, #tpu.memory_space<hbm>>)
          tpu.yield
        }) : () -> ()
      } else {
      }
      %eq3A_43 = arith.constant 15 : i32
      %eq3A_44 = arith.cmpi eq, %arg1, %eq3A_43 : i32
      %convert_element_type3A_45 = arith.extui %eq3A_44 : i1 to i32
      %cond3A_46 = arith.constant 0 : i32
      %cond3A_47 = arith.cmpi ne, %convert_element_type3A_45, %cond3A_46 : i32
      scf.if %cond3A_47 {
        "tpu.region"() ({
          %run_scoped3A = tpu.sem_alloc : memref<!tpu.dma_semaphore, #tpu.memory_space<semaphore_mem>>
          %dma_start3A = arith.constant 9480 : i32
          %dma_start3A_48 = arith.constant 0 : i32
          %dma_start3A_49 = tpu.memref_slice %arg7[%dma_start3A, %dma_start3A_48] : memref<10000x128xf32, #tpu.memory_space<hbm>> -> memref<520x128xf32, #tpu.memory_space<hbm>>
          %dma_start3A_50 = arith.constant 9480 : i32
          %dma_start3A_51 = arith.constant 0 : i32
          %dma_start3A_52 = tpu.memref_slice %arg8[%dma_start3A_50, %dma_start3A_51] : memref<10000x128xf32, #tpu.memory_space<vmem_shared>> -> memref<520x128xf32, #tpu.memory_space<vmem_shared>>
          tpu.enqueue_dma source(%dma_start3A_52 : memref<520x128xf32, #tpu.memory_space<vmem_shared>>) target(%dma_start3A_49 : memref<520x128xf32, #tpu.memory_space<hbm>>) target_semaphore(%run_scoped3A : memref<!tpu.dma_semaphore, #tpu.memory_space<semaphore_mem>>)
          %dma_wait3A = arith.constant 9480 : i32
          %dma_wait3A_53 = arith.constant 0 : i32
          %dma_wait3A_54 = tpu.memref_slice %arg7[%dma_wait3A, %dma_wait3A_53] : memref<10000x128xf32, #tpu.memory_space<hbm>> -> memref<520x128xf32, #tpu.memory_space<hbm>>
          %dma_wait3A_55 = arith.constant 9480 : i32
          %dma_wait3A_56 = arith.constant 0 : i32
          %dma_wait3A_57 = tpu.memref_slice %arg8[%dma_wait3A_55, %dma_wait3A_56] : memref<10000x128xf32, #tpu.memory_space<vmem_shared>> -> memref<520x128xf32, #tpu.memory_space<vmem_shared>>
          tpu.wait_dma2 semaphore(%run_scoped3A : memref<!tpu.dma_semaphore, #tpu.memory_space<semaphore_mem>>) src(%dma_wait3A_57 : memref<520x128xf32, #tpu.memory_space<vmem_shared>>) dst(%dma_wait3A_54 : memref<520x128xf32, #tpu.memory_space<hbm>>)
          tpu.yield
        }) : () -> ()
      } else {
      }
    } else {
    }
    return
  }
}

module attributes {stable_mosaic.version = 14 : i64} {
  func.func @_mlp_body(%arg0: i32, %arg1: memref<2000x128xf32, #tpu.memory_space<vmem>>, %arg2: memref<2000x128xf32, #tpu.memory_space<vmem>>, %arg3: memref<2000x128xf32, #tpu.memory_space<vmem>>, %arg4: memref<128x128xf32, #tpu.memory_space<vmem>>, %arg5: memref<128x128xf32, #tpu.memory_space<vmem>>, %arg6: memref<128x128xf32, #tpu.memory_space<vmem>>, %arg7: memref<1x128xf32, #tpu.memory_space<vmem>>, %arg8: memref<128x128xf32, #tpu.memory_space<vmem>>, %arg9: memref<1x128xf32, #tpu.memory_space<vmem>>, %arg10: memref<128x128xf32, #tpu.memory_space<vmem>>, %arg11: memref<1x128xf32, #tpu.memory_space<vmem>>, %arg12: memref<2000x128xf32, #tpu.memory_space<vmem>>) attributes {dimension_semantics = [#tpu.dimension_semantics<arbitrary>], iteration_bounds = array<i64: 5>, scalar_prefetch = 0 : i64, scratch_operands = 0 : i64, tpu.core_type = #tpu.core_type<tc>, window_params = [{transform_indices = @transform_0, window_bounds = array<i64: 2000, 128>}, {transform_indices = @transform_1, window_bounds = array<i64: 2000, 128>}, {transform_indices = @transform_2, window_bounds = array<i64: 2000, 128>}, {pipeline_mode = #tpu.pipeline_mode<synchronous>, transform_indices = @transform_3, window_bounds = array<i64: 128, 128>}, {pipeline_mode = #tpu.pipeline_mode<synchronous>, transform_indices = @transform_4, window_bounds = array<i64: 128, 128>}, {pipeline_mode = #tpu.pipeline_mode<synchronous>, transform_indices = @transform_5, window_bounds = array<i64: 128, 128>}, {pipeline_mode = #tpu.pipeline_mode<synchronous>, transform_indices = @transform_6, window_bounds = array<i64: 1, 128>}, {pipeline_mode = #tpu.pipeline_mode<synchronous>, transform_indices = @transform_7, window_bounds = array<i64: 128, 128>}, {pipeline_mode = #tpu.pipeline_mode<synchronous>, transform_indices = @transform_8, window_bounds = array<i64: 1, 128>}, {pipeline_mode = #tpu.pipeline_mode<synchronous>, transform_indices = @transform_9, window_bounds = array<i64: 128, 128>}, {pipeline_mode = #tpu.pipeline_mode<synchronous>, transform_indices = @transform_10, window_bounds = array<i64: 1, 128>}, {transform_indices = @transform_11, window_bounds = array<i64: 2000, 128>}]} {
    %get3A = arith.constant 0 : index
    %get3A_0 = arith.constant 0 : index
    %get3A_1 = vector.load %arg1[%get3A, %get3A_0] : memref<2000x128xf32, #tpu.memory_space<vmem>>, vector<2000x128xf32>
    %get3A_2 = arith.constant 0 : index
    %get3A_3 = arith.constant 0 : index
    %get3A_4 = vector.load %arg4[%get3A_2, %get3A_3] : memref<128x128xf32, #tpu.memory_space<vmem>>, vector<128x128xf32>
    %dot_general3A = arith.constant dense<0.000000e+00> : vector<2000x128xf32>
    %dot_general3A_5 = tpu.matmul %get3A_1, %get3A_4, %dot_general3A {dimension_numbers = #tpu.dot_dimension_numbers<[1], [0], [0], [1], [0, 0, 1, 1], [], []>, transpose_lhs_hint = false} : vector<2000x128xf32>, vector<128x128xf32>, vector<2000x128xf32> -> vector<2000x128xf32>
    %get3A_6 = arith.constant 0 : index
    %get3A_7 = arith.constant 0 : index
    %get3A_8 = vector.load %arg2[%get3A_6, %get3A_7] : memref<2000x128xf32, #tpu.memory_space<vmem>>, vector<2000x128xf32>
    %get3A_9 = arith.constant 0 : index
    %get3A_10 = arith.constant 0 : index
    %get3A_11 = vector.load %arg5[%get3A_9, %get3A_10] : memref<128x128xf32, #tpu.memory_space<vmem>>, vector<128x128xf32>
    %dot_general3A_12 = arith.constant dense<0.000000e+00> : vector<2000x128xf32>
    %dot_general3A_13 = tpu.matmul %get3A_8, %get3A_11, %dot_general3A_12 {dimension_numbers = #tpu.dot_dimension_numbers<[1], [0], [0], [1], [0, 0, 1, 1], [], []>, transpose_lhs_hint = false} : vector<2000x128xf32>, vector<128x128xf32>, vector<2000x128xf32> -> vector<2000x128xf32>
    %add3A = arith.addf %dot_general3A_5, %dot_general3A_13 : vector<2000x128xf32>
    %get3A_14 = arith.constant 0 : index
    %get3A_15 = arith.constant 0 : index
    %get3A_16 = vector.load %arg3[%get3A_14, %get3A_15] : memref<2000x128xf32, #tpu.memory_space<vmem>>, vector<2000x128xf32>
    %get3A_17 = arith.constant 0 : index
    %get3A_18 = arith.constant 0 : index
    %get3A_19 = vector.load %arg6[%get3A_17, %get3A_18] : memref<128x128xf32, #tpu.memory_space<vmem>>, vector<128x128xf32>
    %dot_general3A_20 = arith.constant dense<0.000000e+00> : vector<2000x128xf32>
    %dot_general3A_21 = tpu.matmul %get3A_16, %get3A_19, %dot_general3A_20 {dimension_numbers = #tpu.dot_dimension_numbers<[1], [0], [0], [1], [0, 0, 1, 1], [], []>, transpose_lhs_hint = false} : vector<2000x128xf32>, vector<128x128xf32>, vector<2000x128xf32> -> vector<2000x128xf32>
    %add3A_22 = arith.addf %add3A, %dot_general3A_21 : vector<2000x128xf32>
    %get3A_23 = arith.constant 0 : index
    %get3A_24 = arith.constant 0 : index
    %get3A_25 = vector.load %arg7[%get3A_23, %get3A_24] : memref<1x128xf32, #tpu.memory_space<vmem>>, vector<1x128xf32>
    %add3A_26 = vector.broadcast %get3A_25 : vector<1x128xf32> to vector<2000x128xf32>
    %add3A_27 = arith.addf %add3A_22, %add3A_26 : vector<2000x128xf32>
    %neg3A = arith.constant 0.000000e+00 : f32
    %neg3A_28 = vector.broadcast %neg3A : f32 to vector<2000x128xf32>
    %neg3A_29 = arith.subf %neg3A_28, %add3A_27 : vector<2000x128xf32>
    %exp3A = math.exp %neg3A_29 : vector<2000x128xf32>
    %add3A_30 = arith.constant 1.000000e+00 : f32
    %add3A_31 = vector.broadcast %add3A_30 : f32 to vector<2000x128xf32>
    %add3A_32 = arith.addf %add3A_31, %exp3A : vector<2000x128xf32>
    %div3A = arith.constant 1.000000e+00 : f32
    %div3A_33 = vector.broadcast %div3A : f32 to vector<2000x128xf32>
    %div3A_34 = arith.divf %div3A_33, %add3A_32 : vector<2000x128xf32>
    %mul3A = arith.mulf %add3A_27, %div3A_34 : vector<2000x128xf32>
    %get3A_35 = arith.constant 0 : index
    %get3A_36 = arith.constant 0 : index
    %get3A_37 = vector.load %arg8[%get3A_35, %get3A_36] : memref<128x128xf32, #tpu.memory_space<vmem>>, vector<128x128xf32>
    %dot_general3A_38 = arith.constant dense<0.000000e+00> : vector<2000x128xf32>
    %dot_general3A_39 = tpu.matmul %mul3A, %get3A_37, %dot_general3A_38 {dimension_numbers = #tpu.dot_dimension_numbers<[1], [0], [0], [1], [0, 0, 1, 1], [], []>, transpose_lhs_hint = false} : vector<2000x128xf32>, vector<128x128xf32>, vector<2000x128xf32> -> vector<2000x128xf32>
    %get3A_40 = arith.constant 0 : index
    %get3A_41 = arith.constant 0 : index
    %get3A_42 = vector.load %arg9[%get3A_40, %get3A_41] : memref<1x128xf32, #tpu.memory_space<vmem>>, vector<1x128xf32>
    %add3A_43 = vector.broadcast %get3A_42 : vector<1x128xf32> to vector<2000x128xf32>
    %add3A_44 = arith.addf %dot_general3A_39, %add3A_43 : vector<2000x128xf32>
    %neg3A_45 = arith.constant 0.000000e+00 : f32
    %neg3A_46 = vector.broadcast %neg3A_45 : f32 to vector<2000x128xf32>
    %neg3A_47 = arith.subf %neg3A_46, %add3A_44 : vector<2000x128xf32>
    %exp3A_48 = math.exp %neg3A_47 : vector<2000x128xf32>
    %add3A_49 = arith.constant 1.000000e+00 : f32
    %add3A_50 = vector.broadcast %add3A_49 : f32 to vector<2000x128xf32>
    %add3A_51 = arith.addf %add3A_50, %exp3A_48 : vector<2000x128xf32>
    %div3A_52 = arith.constant 1.000000e+00 : f32
    %div3A_53 = vector.broadcast %div3A_52 : f32 to vector<2000x128xf32>
    %div3A_54 = arith.divf %div3A_53, %add3A_51 : vector<2000x128xf32>
    %mul3A_55 = arith.mulf %add3A_44, %div3A_54 : vector<2000x128xf32>
    %get3A_56 = arith.constant 0 : index
    %get3A_57 = arith.constant 0 : index
    %get3A_58 = vector.load %arg10[%get3A_56, %get3A_57] : memref<128x128xf32, #tpu.memory_space<vmem>>, vector<128x128xf32>
    %dot_general3A_59 = arith.constant dense<0.000000e+00> : vector<2000x128xf32>
    %dot_general3A_60 = tpu.matmul %mul3A_55, %get3A_58, %dot_general3A_59 {dimension_numbers = #tpu.dot_dimension_numbers<[1], [0], [0], [1], [0, 0, 1, 1], [], []>, transpose_lhs_hint = false} : vector<2000x128xf32>, vector<128x128xf32>, vector<2000x128xf32> -> vector<2000x128xf32>
    %get3A_61 = arith.constant 0 : index
    %get3A_62 = arith.constant 0 : index
    %get3A_63 = vector.load %arg11[%get3A_61, %get3A_62] : memref<1x128xf32, #tpu.memory_space<vmem>>, vector<1x128xf32>
    %add3A_64 = vector.broadcast %get3A_63 : vector<1x128xf32> to vector<2000x128xf32>
    %add3A_65 = arith.addf %dot_general3A_60, %add3A_64 : vector<2000x128xf32>
    %swap3A = arith.constant 0 : index
    %swap3A_66 = arith.constant 0 : index
    %swap3A_67 = vector.load %arg12[%swap3A, %swap3A_66] : memref<2000x128xf32, #tpu.memory_space<vmem>>, vector<2000x128xf32>
    tpu.vector_store %arg12[%swap3A, %swap3A_66], %add3A_65 {strides = array<i32>} : memref<2000x128xf32, #tpu.memory_space<vmem>>, vector<2000x128xf32>,
    return
  }
  func.func @transform_0(%arg0: i32) -> (i32, i32) {
    %c0_i32 = arith.constant 0 : i32
    %c0_i32_0 = arith.constant 0 : i32
    return %arg0, %c0_i32 : i32, i32
  }
  func.func @transform_1(%arg0: i32) -> (i32, i32) {
    %c0_i32 = arith.constant 0 : i32
    %c0_i32_0 = arith.constant 0 : i32
    return %arg0, %c0_i32 : i32, i32
  }
  func.func @transform_2(%arg0: i32) -> (i32, i32) {
    %c0_i32 = arith.constant 0 : i32
    %c0_i32_0 = arith.constant 0 : i32
    return %arg0, %c0_i32 : i32, i32
  }
  func.func @transform_3(%arg0: i32) -> (i32, i32) {
    %c0_i32 = arith.constant 0 : i32
    %c0_i32_0 = arith.constant 0 : i32
    %c0_i32_1 = arith.constant 0 : i32
    return %c0_i32, %c0_i32_0 : i32, i32
  }
  func.func @transform_4(%arg0: i32) -> (i32, i32) {
    %c0_i32 = arith.constant 0 : i32
    %c0_i32_0 = arith.constant 0 : i32
    %c0_i32_1 = arith.constant 0 : i32
    return %c0_i32, %c0_i32_0 : i32, i32
  }
  func.func @transform_5(%arg0: i32) -> (i32, i32) {
    %c0_i32 = arith.constant 0 : i32
    %c0_i32_0 = arith.constant 0 : i32
    %c0_i32_1 = arith.constant 0 : i32
    return %c0_i32, %c0_i32_0 : i32, i32
  }
  func.func @transform_6(%arg0: i32) -> (i32, i32) {
    %c0_i32 = arith.constant 0 : i32
    %c0_i32_0 = arith.constant 0 : i32
    %c0_i32_1 = arith.constant 0 : i32
    return %c0_i32, %c0_i32_0 : i32, i32
  }
  func.func @transform_7(%arg0: i32) -> (i32, i32) {
    %c0_i32 = arith.constant 0 : i32
    %c0_i32_0 = arith.constant 0 : i32
    %c0_i32_1 = arith.constant 0 : i32
    return %c0_i32, %c0_i32_0 : i32, i32
  }
  func.func @transform_8(%arg0: i32) -> (i32, i32) {
    %c0_i32 = arith.constant 0 : i32
    %c0_i32_0 = arith.constant 0 : i32
    %c0_i32_1 = arith.constant 0 : i32
    return %c0_i32, %c0_i32_0 : i32, i32
  }
  func.func @transform_9(%arg0: i32) -> (i32, i32) {
    %c0_i32 = arith.constant 0 : i32
    %c0_i32_0 = arith.constant 0 : i32
    %c0_i32_1 = arith.constant 0 : i32
    return %c0_i32, %c0_i32_0 : i32, i32
  }
  func.func @transform_10(%arg0: i32) -> (i32, i32) {
    %c0_i32 = arith.constant 0 : i32
    %c0_i32_0 = arith.constant 0 : i32
    %c0_i32_1 = arith.constant 0 : i32
    return %c0_i32, %c0_i32_0 : i32, i32
  }
  func.func @transform_11(%arg0: i32) -> (i32, i32) {
    %c0_i32 = arith.constant 0 : i32
    %c0_i32_0 = arith.constant 0 : i32
    return %arg0, %c0_i32 : i32, i32
  }
}

</mosaic_0001>

<sc_bundles>
// kernel: kernel.4.cloned.1.call-start
scs
__scs_entry_jumppad:
0x0: {  	(pc) =	sbr.rel $0x88, $3  }
0x1: {  	(tag) =	ssettag $0x0;
	lr =	simm.s32 $0x1  }
0x2: {  	[smem:$0x3F96] =	sst lr;
	_ =	strace $0xD0000000  }
0x3: {  	_ = 	snop  }
0x4: {  	_ = 	snop  }
0x5: {  	_ = 	snop  }
0x6: {  	_ = 	snop  }
0x7: {  	_ = 	snop  }
__scs_overlays_trampoline_lowered:
0x8: {  	[smem:$0x3FA5] =	sst s0  }
0x9: {  	[smem:$0x3FA6] =	sst s1  }
0xa: {  	[smem:$0x3FA7] =	sst s2  }
0xb: {  	[smem:$0x3FA8] =	sst s3  }
0xc: {  	[smem:$0x3FA9] =	sst s4  }
0xd: {  	[smem:$0x3FAA] =	sst s5  }
0xe: {  	[smem:$0x3FAB] =	sst s6  }
0xf: {  	[smem:$0x3FAC] =	sst s7  }
0x10: {  	[smem:$0x3FAD] =	sst s8  }
0x11: {  	[smem:$0x3FAE] =	sst s9;
	s0 =	simm.s32 @!p0 $0x0  }
0x12: {  	s1 =	sld [smem:$0x3F94];
	s0 =	simm.s32 @p0 $0x1  }
0x13: {  	[smem:$0x3FAF] =	sst s0;
	s0 =	simm.s32 @!p1 $0x0  }
0x14: {  	s2 =	sld [smem:$0x3F93];
	s0 =	simm.s32 @p1 $0x1  }
0x15: {  	[smem:$0x3FB0] =	sst s0;
	s0 =	simm.s32 @!p2 $0x0  }
0x16: {  	s3 =	sld [smem:$0x3FDB];
	s0 =	simm.s32 @p2 $0x1  }
0x17: {  	s4 =	simm.s32 $0x1BF5;
	[smem:$0x3FB2] =	sst s0  }
0x18: {  	s0 =	sld [smem:$0x3F95];
	_ =	swait.ge [sflag:s4], $0x0  }
0x19: {  	s7 =	sld [smem:$0x3F96]  }
0x1a: {  	s8 =	sadd.s32 $0xFFFFE003, lr  }
0x1b: {  	s9 =	sadd.s32 $0xFFFFFEF7, lr;
	s5 =	simm.s32 $0xFFFFFFFF;
	p2 =	slt.u32 s8, $0xFFFFF086  }
0x1c: {  	p1 =	slt.u32 s9, $0xF7A;
	s5 =	simm.s32 @!p2 $0x0  }
0x1d: {  	s5 =	simm.s32 @p1 $0x1;
	p0 =	seq.s32 s7, s2  }
0x1e: {  	s7 =	smul.u32 @!p0 $0xF7A, s2;
	p2 =	seq.s32 @!p0 s5, $0x0  }
0x1f: {  	s9 =	smul.u32 $0xF7A, s1;
	s8 =	simm.s32 @!p0 $0x1BF5;
	p2 =	por !p2, p0  }
0x20: {  	[sflag:s8] =	ssyncset.s32 @!p0 $0xFFFFF086;
	s6 =	sadd.s32 @!p0 s3, s7;
	s7 =	simm.s32 @!p0 $0x108  }
0x21: {  	s3 =	sadd.s32 s3, s9;
	s6 =	sadd.s32 @!p0 $0x88, s6;
	s7 =	simm.s32 @p2 $0x1082  }
0x22: {  	[simem:s7], [sflag:s8] =	dma.local @!p0 [hbm:s6], $0xF7A  }
0x23: {  	s9 =	sor.u32 $0xD0000000, s2;
	s6 =	simm.s32 $0x108;
	_ =	swait.ge @!p0 [sflag:s8], $0x0  }
0x24: {  	s3 =	sadd.s32 $0x88, s3;
	s6 =	simm.s32 @!p1 $0x1082;
	[sflag:s4] =	ssyncset.s32 $0xFFFFF086  }
0x25: {  	[simem:s6], [sflag:s4] =	dma.local [hbm:s3], $0xF7A  }
0x26: {  	[smem:$0x3F96] =	sst s1;
	(tag) =	ssettag s2;
	_ =	strace s9  }
0x27: {  	s1 =	sld [smem:$0x3FA6]  }
0x28: {  	s2 =	sld [smem:$0x3FA7]  }
0x29: {  	s4 =	sld [smem:$0x3FA9]  }
0x2a: {  	p0 =	seq.s32 s5, $0x0;
	s5 =	sld [smem:$0x3FAA]  }
0x2b: {  	s6 =	sld [smem:$0x3FAB]  }
0x2c: {  	s7 =	sld [smem:$0x3FAC]  }
0x2d: {  	s3 =	simm.s32 $0x108;
	s8 =	sld [smem:$0x3FAD]  }
0x2e: {  	s3 =	simm.s32 @!p0 $0x1082;
	s9 =	sld [smem:$0x3FAE]  }
0x2f: {  	lr =	sadd.s32 s0, s3;
	s0 =	sld [smem:$0x3FA5]  }
0x30: {  	s3 =	sld [smem:$0x3FA8]  }
0x31: {  	[smem:$0x3FB1] =	sst s10  }
0x32: {  	s10 =	sld [smem:$0x3FAF];
	_ =	sdelay $0x3  }
0x33: {  	p0 =	seq.s32 s10, $0x1;
	s10 =	sld [smem:$0x3FB1];
	_ =	sdelay $0x3  }
0x34: {  	[smem:$0x3FB1] =	sst s10  }
0x35: {  	s10 =	sld [smem:$0x3FB0];
	_ =	sdelay $0x3  }
0x36: {  	p1 =	seq.s32 s10, $0x1;
	s10 =	sld [smem:$0x3FB1];
	_ =	sdelay $0x3  }
0x37: {  	[smem:$0x3FB1] =	sst s10  }
0x38: {  	s10 =	sld [smem:$0x3FB2]  }
0x39: {  	_ = 	snop;
	(pc) =	sbr.ind lr, $3  }
0x3a: {  	_ = 	snop  }
0x3b: {  	_ = 	snop  }
0x3c: {  	p2 =	seq.s32 s10, $0x1;
	s10 =	sld [smem:$0x3FB1]  }
0x3d: {  	_ =	shalt  }
0x3e: {  	_ =	shalt  }
0x3f: {  	_ =	shalt  }
0x40: {  	_ =	shalt  }
0x41: {  	_ =	shalt  }
0x42: {  	_ =	shalt  }
0x43: {  	_ =	shalt  }
0x44: {  	_ =	shalt  }
0x45: {  	_ =	shalt  }
0x46: {  	_ =	shalt  }
0x47: {  	_ =	shalt  }
0x48: {  	_ =	shalt  }
0x49: {  	_ =	shalt  }
0x4a: {  	_ =	shalt  }
0x4b: {  	_ =	shalt  }
0x4c: {  	_ =	shalt  }
0x4d: {  	_ =	shalt  }
0x4e: {  	_ =	shalt  }
0x4f: {  	_ =	shalt  }
0x50: {  	_ =	shalt  }
0x51: {  	_ =	shalt  }
0x52: {  	_ =	shalt  }
0x53: {  	_ =	shalt  }
0x54: {  	_ =	shalt  }
0x55: {  	_ =	shalt  }
0x56: {  	_ =	shalt  }
0x57: {  	_ =	shalt  }
0x58: {  	_ =	shalt  }
0x59: {  	_ =	shalt  }
0x5a: {  	_ =	shalt  }
0x5b: {  	_ =	shalt  }
0x5c: {  	_ =	shalt  }
0x5d: {  	_ =	shalt  }
0x5e: {  	_ =	shalt  }
0x5f: {  	_ =	shalt  }
0x60: {  	_ =	shalt  }
0x61: {  	_ =	shalt  }
0x62: {  	_ =	shalt  }
0x63: {  	_ =	shalt  }
0x64: {  	_ =	shalt  }
0x65: {  	_ =	shalt  }
0x66: {  	_ =	shalt  }
0x67: {  	_ =	shalt  }
0x68: {  	_ =	shalt  }
0x69: {  	_ =	shalt  }
0x6a: {  	_ =	shalt  }
0x6b: {  	_ =	shalt  }
0x6c: {  	_ =	shalt  }
0x6d: {  	_ =	shalt  }
0x6e: {  	_ =	shalt  }
0x6f: {  	_ =	shalt  }
0x70: {  	_ =	shalt  }
0x71: {  	_ =	shalt  }
0x72: {  	_ =	shalt  }
0x73: {  	_ =	shalt  }
0x74: {  	_ =	shalt  }
0x75: {  	_ =	shalt  }
0x76: {  	_ =	shalt  }
0x77: {  	_ =	shalt  }
0x78: {  	_ =	shalt  }
0x79: {  	_ =	shalt  }
0x7a: {  	_ =	shalt  }
0x7b: {  	_ =	shalt  }
0x7c: {  	_ =	shalt  }
0x7d: {  	_ =	shalt  }
0x7e: {  	_ =	shalt  }
0x7f: {  	_ =	shalt  }
0x80: {  	_ =	shalt  }
0x81: {  	_ =	shalt  }
0x82: {  	_ =	shalt  }
0x83: {  	_ =	shalt  }
0x84: {  	_ =	shalt  }
0x85: {  	_ =	shalt  }
0x86: {  	_ =	shalt  }
0x87: {  	_ =	shalt  }
.Lfunc_end0:
.L_simem_size_0:
called_computation_lowered:
.L_overlay_start_0:
0x88: {  	s2 =	sld [smem:$0x3FD9]  }
0x89: {  	s3 =	sld [smem:$0x3FFE];
	_ =	sdelay $0x1  }
0x8a: {  	s1 =	srdreg.scid  }
0x8b: {  	s0 =	sand.u32 $0x1, s1  }
0x8c: {  	s17 =	sshll.u32 s0, $0xA;
	s2 =	sadd.s32 s3, s2  }
0x8d: {  	s2 =	sadd.s32 s2, s17  }
0x8e: {  	[smem:$0x3FBD] =	sst s2  }
0x8f: {  	_ = 	snop  }
0x90: {  	s2 =	sld [smem:$0x3FC6]  }
0x91: {  	s18 =	sld [smem:$0x3FC5]  }
0x92: {  	s4 =	sld [smem:$0x3FD0];
	(tm) =	ssettm $0x1  }
0x93: {  	s5 =	sld [smem:$0x3FFB];
	_ =	sdelay $0x3  }
0x94: {  	_ =	strace s5  }
0x95: {  	s5 =	sld [smem:$0x3FFC];
	_ =	sdelay $0x3  }
0x96: {  	_ =	strace s5  }
0x97: {  	s5 =	sld [smem:$0x3FFD];
	_ =	sdelay $0x3  }
0x98: {  	_ =	strace s5  }
0x99: {  	_ =	strace $0x8FFFFFFF  }
0x9a: {  	s19 =	sld [smem:$0x3FDB];
	_ =	sdelay $0x1  }
0x9b: {  	s6 =	simm.s32 $_scs_section_size  }
0x9c: {  	s7 =	simm.s32 $_size__tile_overlayer_lowered;
	s8 =	simm.s32 $_tile_overlayer_lowered  }
0x9d: {  	s22 =	simm.s32 $0x1BFF;
	s21 =	sshll.u32 s8, $0x1;
	s5 =	sadd.s32 s6, s19  }
0x9e: {  	s9 =	simm.s32 $0x0;
	s20 =	sshll.u32 s7, $0x1;
	s7 =	sadd.s32 s21, s5  }
0x9f: {  	[timem:s9], [sflag:s22] =	dma.local [hbm:s7], s20  }
0xa0: {  	_ =	swait.ge [sflag:s22], s20  }
0xa1: {  	s6 =	ssub.s32 $0x0, s20;
	[sflag:s22] =	ssyncset.done $0x0  }
0xa2: {  	[sflag:s22] =	ssyncadd.s32 s6;
	_ =	sdelay $0x1  }
0xa3: {  	s23 =	simm.s32 $0x1B8B  }
0xa4: {  	_ =	swait.ge [sflag:s23], $0x1  }
0xa5: {  	[sflag:s23] =	ssyncset.done $0x0  }
0xa6: {  	s25 =	simm.s32 $0x1B8E;
	s24 =	sld [smem:$0x3FFE];
	[sflag:s23] =	ssyncadd.s32 $0xFFFFFFFF  }
0xa7: {  	s26 =	simm.s32 $execute0_lowered;
	[smem:$0x3FD2] =	sst s25  }
0xa8: {  	s7 =	sshll.u32 s26, $0x1;
	_ =	strace $0x80000046;
	[dreg:$0x1] =	wrdreg $0xFFFFFFFF  }
0xa9: {  	s28 =	simm.s32 $_size_execute0_lowered;
	s5 =	sadd.s32 s5, s7;
	[dreg:$0x0] =	wrdreg $0x0  }
0xaa: {  	s7 =	sshll.u32 s28, $0x1;
	[dreg:$0x2] =	wrdreg s5  }
0xab: {  	[dreg:$0x3] =	wrdreg s7  }
0xac: {  	[dreg:$0x4] =	wrdreg $0xC0  }
0xad: {  	_ =	task [dreg:s9], $0x5FFFF  }
0xae: {  	[dreg:$0x1] =	wrdreg $0xFFFFFFFF  }
0xaf: {  	[dreg:$0x0] =	wrdreg $0x60  }
0xb0: {  	[dreg:$0x2] =	wrdreg s24  }
0xb1: {  	[dreg:$0x3] =	wrdreg s2  }
0xb2: {  	[dreg:$0x4] =	wrdreg s18  }
0xb3: {  	[dreg:$0x5] =	wrdreg s4  }
0xb4: {  	[dreg:$0x6] =	wrdreg $0x0  }
0xb5: {  	[dreg:$0x7] =	wrdreg $0x9  }
0xb6: {  	_ =	task.clear_ibuf [dreg:s9], $0x8FFFF;
	_ =	strace $0x90000046  }
0xb7: {  	s29 =	simm.s32 $0x9;
	_ =	strace $0x80000048  }
0xb8: {  	_ =	swait.ge [sflag:s29], $0x1  }
0xb9: {  	[sflag:s29] =	ssyncadd.s32 $0xFFFFFFFF  }
0xba: {  	_ =	strace $0x90000048  }
0xbb: {  	_ =	sfence  }
0xbc: {  	s30 =	sld [smem:$0x0];
	_ =	sdelay $0x2  }
0xbd: {  	s31 =	sshll.u32 s1, $0xD;
	s1 =	sshrl.u32 s1, $0x2  }
0xbe: {  	s3 =	sand.u32 $0x4000, s31;
	s1 =	sadd.s32 s1, s30  }
0xbf: {  	s0 =	sor.u32 s3, s0;
	s1 =	sshll.u32 s1, $0x11  }
0xc0: {  	s0 =	sor.u32 s1, s0  }
0xc1: {  	s0 =	sadd.s32 $0x8F2B, s0  }
0xc2: {  	[sflag:s0] =	ssyncadd.remote.s32 $0x1  }
0xc3: {  	_ =	sfence.sel $0xFFFF  }
0xc4: {  	[dreg:$0x0] =	wrdreg $0xFFFFFFFF;
	(pc) =	sbr.abs _section_cstart, $3  }
0xc5: {  	[dreg:$0x1] =	wrdreg $0xFFFFFFFF  }
0xc6: {  	_ =	task.clear_ibuf [dreg:s9], $0x2FFFF;
	_ =	strace $0x9FFFFFFF  }
0xc7: {  	(tm) =	ssettm $0x7FFFFFFF  }
tec
execute0_lowered:
.L_overlay_start_1:
0x0: {  	(tag) =	ssettag $0x1  }
0x1: {  	s2 =	rddreg [dreg:$0x0]  }
0x2: {  	s3 =	rddreg [dreg:$0x1]  }
0x3: {  	s18 =	stileid.u32;
	s4 =	rddreg [dreg:$0x2];
	s1 =	simm.s32 $0x0  }
0x4: {  	s6 =	srdreg.scid;
	s0 =	smul.u32 $0x4E00, s18;
	s5 =	smin.u32 s18, $0x8  }
0x5: {  	s7 =	smul.u32 $0x138, s18;
	[smem:$0x7FF] =	sst s1;
	s6 =	sand.u32 $0x1, s6  }
0x6: {  	s10 =	sadd.s32 $0x1F440, s2;
	s29 =	sadd.s32 $0xBA40, s2;
	s17 =	ssub.s32 $0x2, s6  }
0x7: {  	s8 =	sshll.u32 s5, $0x6;
	s5 =	sadd.s32 s5, s7;
	s19 =	sshrl.u32 s17, $0x1  }
0x8: {  	s8 =	sadd.s32 s8, s0;
	s9 =	sshll.u32 s5, $0x3;
	s0 =	ssub.s32 s17, s19  }
0x9: {  	s21 =	sadd.s32 $0x1, s5;
	s11 =	sshll.u32 s5, $0xA;
	s13 =	sadd.s32 $0x2, s5  }
0xa: {  	s24 =	sadd.s32 $0x3, s5;
	s5 =	sadd.s32 $0x4, s5;
	s20 =	sadd.s32 s9, s10  }
0xb: {  	s12 =	sshll.u32 s21, $0x3;
	s9 =	sadd.s32 s9, s29;
	[dreg:$0x6] =	wrdreg s20  }
0xc: {  	s7 =	sshll.u32 s21, $0xA;
	s14 =	sadd.s32 s12, s10;
	[dreg:$0xd] =	wrdreg s9  }
0xd: {  	s22 =	sshll.u32 s13, $0x3;
	s15 =	sadd.s32 s4, s7;
	[dreg:$0x7] =	wrdreg s14  }
0xe: {  	s13 =	sshll.u32 s13, $0xA;
	s23 =	sadd.s32 s22, s10;
	[dreg:$0x8] =	wrdreg s15  }
0xf: {  	s16 =	sshll.u32 s24, $0x3;
	s17 =	sadd.s32 s4, s13;
	[dreg:$0x9] =	wrdreg s23  }
0x10: {  	s26 =	sshll.u32 s5, $0x3;
	s25 =	sadd.s32 s16, s10;
	[dreg:$0xa] =	wrdreg s17  }
0x11: {  	s10 =	sadd.s32 s26, s10;
	[dreg:$0xb] =	wrdreg s25  }
0x12: {  	s12 =	sadd.s32 s12, s29;
	[dreg:$0xc] =	wrdreg s10  }
0x13: {  	s16 =	sadd.s32 s16, s29;
	[dreg:$0xe] =	wrdreg s12  }
0x14: {  	s19 =	sadd.s32 s26, s29;
	[dreg:$0x10] =	wrdreg s16  }
0x15: {  	s7 =	sadd.s32 s3, s7;
	[dreg:$0x11] =	wrdreg s19  }
0x16: {  	s21 =	sadd.s32 s3, s13;
	[dreg:$0x13] =	wrdreg s7  }
0x17: {  	[dreg:$0x14] =	wrdreg s21  }
0x18: {  	s5 =	sshll.u32 s5, $0xA;
	s14 =	sadd.s32 s22, s29;
	s29 =	rddreg [dreg:$0x3]  }
0x19: {  	s30 =	simm.s32 $0x7;
	s23 =	sadd.s32 s4, s5;
	[dreg:$0xf] =	wrdreg s14  }
0x1a: {  	s31 =	simm.s32 $0x8;
	s5 =	sadd.s32 s3, s5;
	[dreg:$0x16] =	wrdreg s23  }
0x1b: {  	s15 =	sshll.u32 s24, $0xA;
	s24 =	sadd.s32 s4, s11;
	[dreg:$0x17] =	wrdreg s5  }
0x1c: {  	s28 =	simm.s32 $0xC;
	s25 =	sadd.s32 s3, s11;
	[dreg:$0x18] =	wrdreg s24  }
0x1d: {  	p1 =	seq.s32 s18, $0xF;
	p2 =	slt.u32 s18, $0x8;
	[dreg:$0x19] =	wrdreg s25  }
0x1e: {  	p0 =	sne.s32 s6, $0x0;
	s20 =	sadd.s32 s4, s15;
	s25 =	rddreg [dreg:$0x4]  }
0x1f: {  	s26 =	sadd.s32 $0x1400, s11;
	s22 =	sadd.s32 s3, s15;
	[dreg:$0x12] =	wrdreg s20  }
0x20: {  	s9 =	sadd.s32 $0x4E340, s8;
	s4 =	sadd.s32 s26, s4;
	[dreg:$0x15] =	wrdreg s22  }
0x21: {  	s10 =	smul.u32 $0x2780, s18;
	s3 =	sadd.s32 s26, s3;
	[dreg:$0x1a] =	wrdreg s4  }
0x22: {  	s7 =	smul.u32 $0x4F000, s18;
	s5 =	sshrl.u32 s9, $0x3;
	[dreg:$0x1b] =	wrdreg s3  }
0x23: {  	s5 =	sadd.s32 s5, s2;
	s11 =	sadd.s32 s10, s2;
	s2 =	sadd.s32 $0x4E280, s2  }
0x24: {  	s13 =	sadd.s32 $0x25080, s29;
	_ =	strace $0x80000047;
	[dreg:$0x1d] =	wrdreg s2  }
0x25: {  	s18 =	smax.u32 s0, $0x1;
	s24 =	sadd.s32 $0x12A400, s25;
	[dreg:$0x1f] =	wrdreg s13  }
0x26: {  	s12 =	sadd.s32 s29, s10;
	s29 =	sadd.s32 $0x12C400, s25;
	[smem:$0x7FC] =	sst s24  }
0x27: {  	s4 =	sshrl.u32 s7, $0x2;
	s14 =	sadd.s32 $0x15800, s5;
	[smem:$0x7FD] =	sst s29  }
0x28: {  	s26 =	sadd.s32 s4, s25;
	s15 =	sadd.s32 $0x1E00, s5;
	[smem:$0x7F3] =	sst s14  }
0x29: {  	s10 =	sadd.s32 $0x128400, s25;
	[smem:$0x7F4] =	sst s15;
	s16 =	sadd.s32 $0x2000, s26  }
0x2a: {  	s4 =	sadd.s32 $0x29200, s11;
	s17 =	sadd.s32 $0x4000, s26;
	[smem:$0x7F5] =	sst s16  }
0x2b: {  	s24 =	simm.s32 $0xA;
	s19 =	sadd.s32 $0x6000, s26;
	[smem:$0x7F6] =	sst s17  }
0x2c: {  	s2 =	simm.s32 $0xB;
	s20 =	sadd.s32 $0x8000, s26;
	[smem:$0x7F7] =	sst s19  }
0x2d: {  	s21 =	sadd.s32 $0xA000, s26;
	s22 =	sadd.s32 $0xC000, s26;
	[smem:$0x7F8] =	sst s20  }
0x2e: {  	s23 =	sadd.s32 $0xE000, s26;
	s13 =	sadd.s32 $0x10000, s26;
	[smem:$0x7F9] =	sst s21  }
.Ltmp0:
0x2f: {  	s15 =	simm.s32 $0x139;
	[smem:$0x7FA] =	sst s22;
	(pc) =	sbr.rel .LBB2_1-.Ltmp0, $4  }
0x30: {  	s14 =	sadd.s32 $0x12E400, s25;
	[smem:$0x7FB] =	sst s23;
	s15 =	simm.s32 @!p2 $0x138  }
0x31: {  	[dreg:$0x1e] =	wrdreg s12;
	s16 =	sadd.s32 $0x130400, s25;
	s17 =	sadd.s32 $0x132400, s25  }
0x32: {  	[dreg:$0x1c] =	wrdreg s4;
	s19 =	sadd.s32 $0x134400, s25;
	s20 =	sadd.s32 $0x136400, s25  }
0x33: {  	v0 =	vimm.f32 $0.0e+00;
	s21 =	sadd.s32 $0x12000, s26;
	s22 =	sadd.s32 $0x138400, s25;
	s23 =	simm.s32 $0x9  }
.LBB2_15:
0x34: {  	_ =	swait.ge [sflag:s30], $0x2000  }
0x35: {  	[sflag:s30] =	ssyncset.done $0x0  }
0x36: {  	[sflag:s30] =	ssyncadd.s32 $0xFFFFE000  }
0x37: {  	_ =	swait.ge [sflag:s31], $0x2000  }
0x38: {  	[sflag:s31] =	ssyncset.done $0x0  }
0x39: {  	[sflag:s31] =	ssyncadd.s32 $0xFFFFE000  }
0x3a: {  	_ =	swait.ge [sflag:s23], $0x2000  }
0x3b: {  	[sflag:s23] =	ssyncset.done $0x0  }
0x3c: {  	[sflag:s23] =	ssyncadd.s32 $0xFFFFE000  }
0x3d: {  	_ =	swait.ge [sflag:s24], $0x2000  }
0x3e: {  	[sflag:s24] =	ssyncset.done $0x0  }
0x3f: {  	[sflag:s24] =	ssyncadd.s32 $0xFFFFE000  }
0x40: {  	_ =	swait.ge [sflag:s2], $0x2000  }
0x41: {  	[sflag:s2] =	ssyncset.done $0x0  }
0x42: {  	[sflag:s2] =	ssyncadd.s32 $0xFFFFE000  }
0x43: {  	_ =	swait.ge [sflag:s28], $0x2000  }
0x44: {  	[sflag:s28] =	ssyncset.done $0x0  }
0x45: {  	[sflag:s28] =	ssyncadd.s32 $0xFFFFE000  }
0x46: {  	[bflag:$0x0] =	sbarrier.arrive $0xFFFF  }
0x47: {  	s4 =	simm.s32 @p1 $0x1FCD;
	s5 =	rddreg [dreg:$0x1d]  }
0x48: {  	[hbm:s5], [sflag:s4] =	dma.local @p1 [spmem:s3], $0x2080  }
0x49: {  	s3 =	simm.s32 @p1 $0xD  }
0x4a: {  	_ =	swait.ge @p1 [sflag:s3], $0x2080  }
0x4b: {  	[sflag:s3] =	ssyncset.done @p1 $0x0  }
0x4c: {  	[sflag:s3] =	ssyncadd.s32 @p1 $0xFFFFDF80;
	s3 =	rddreg [dreg:$0x1c]  }
0x4d: {  	[hbm:s3], [sflag:s0] =	dma.local @!p1 [spmem:s29], $0x2780  }
0x4e: {  	s0 =	simm.s32 @!p1 $0xD  }
0x4f: {  	_ =	swait.ge @!p1 [sflag:s0], $0x2780  }
0x50: {  	[sflag:s0] =	ssyncset.done @!p1 $0x0  }
0x51: {  	[sflag:s0] =	ssyncadd.s32 @!p1 $0xFFFFD880  }
.LBB2_16:
0x52: {  	s1 =	sadd.s32 $0x1, s1  }
0x53: {  	p2 =	sne.s32 s1, s18  }
.Ltmp1:
0x54: {  	_ = 	snop;
	(pc) =	sbr.rel @!p2 .LBB2_17-.Ltmp1, $1  }
0x55: {  	_ =	sdelay $0x3  }
.LBB2_1:
0x56: {  	s0 =	simm.s32 $0x0;
	s3 =	simm.s32 $0x200  }
.LBB2_2:
0x57: {  	p2 =	sne.s32 s3, $0x7E00;
	[tilespmem:s0+$0x13CF0] =	vst v0  }
0x58: {  	[tilespmem:s0+$0x13C80] =	vst v0  }
0x59: {  	[tilespmem:s0+$0x13C90] =	vst v0  }
.Ltmp2:
0x5a: {  	[tilespmem:s0+$0x13CA0] =	vst v0;
	(pc) =	sbr.rel @p2 .LBB2_2-.Ltmp2, $4  }
0x5b: {  	[tilespmem:s0+$0x13CB0] =	vst v0  }
0x5c: {  	[tilespmem:s0+$0x13CC0] =	vst v0  }
0x5d: {  	[tilespmem:s0+$0x13CD0] =	vst v0  }
0x5e: {  	[tilespmem:s0+$0x13CE0] =	vst v0;
	s0 =	sshra.s32 s3, $0x2;
	s3 =	sadd.s32 $0x200, s3  }
0x5f: {  	[tilespmem:s0+$0x13CF0] =	vst v0  }
0x60: {  	[tilespmem:s0+$0x13C80] =	vst v0  }
0x61: {  	[tilespmem:s0+$0x13C90] =	vst v0  }
0x62: {  	[tilespmem:s0+$0x13CA0] =	vst v0  }
0x63: {  	[tilespmem:s0+$0x13CB0] =	vst v0  }
0x64: {  	[tilespmem:s0+$0x13CC0] =	vst v0  }
0x65: {  	[tilespmem:s0+$0x13CD0] =	vst v0  }
0x66: {  	[tilespmem:s0+$0x13CE0] =	vst v0;
	s0 =	simm.s32 @p1 $0x13C80;
	s3 =	simm.s32 @p1 $0xD  }
0x67: {  	[spmem:s10] =	stream.linear.scatter @p1 [tilespmem:s0], [sflag:$0xD], $0x2000, $0x38;
	[tilespmem:$0x1FC80] =	vst v63  }
0x68: {  	_ =	swait.ge @p1 [sflag:s3], $0x2000  }
0x69: {  	s4 =	sld [smem:$0x7FC]  }
0x6a: {  	[sflag:s3] =	ssyncset.done @p1 $0x0  }
0x6b: {  	[sflag:s3] =	ssyncadd.s32 @p1 $0xFFFFE000  }
0x6c: {  	[spmem:s4] =	stream.linear.scatter @p1 [tilespmem:s0], [sflag:$0xD], $0x2000, $0x38;
	[tilespmem:$0x1FC80] =	vst v63  }
0x6d: {  	_ =	swait.ge @p1 [sflag:s3], $0x2000  }
0x6e: {  	s4 =	sld [smem:$0x7FD]  }
0x6f: {  	[sflag:s3] =	ssyncset.done @p1 $0x0  }
0x70: {  	[sflag:s3] =	ssyncadd.s32 @p1 $0xFFFFE000  }
0x71: {  	[spmem:s4] =	stream.linear.scatter @p1 [tilespmem:s0], [sflag:$0xD], $0x2000, $0x38;
	[tilespmem:$0x1FC80] =	vst v63  }
0x72: {  	_ =	swait.ge @p1 [sflag:s3], $0x2000  }
0x73: {  	[sflag:s3] =	ssyncset.done @p1 $0x0  }
0x74: {  	[sflag:s3] =	ssyncadd.s32 @p1 $0xFFFFE000  }
0x75: {  	[spmem:s14] =	stream.linear.scatter @p1 [tilespmem:s0], [sflag:$0xD], $0x2000, $0x38;
	[tilespmem:$0x1FC80] =	vst v63  }
0x76: {  	_ =	swait.ge @p1 [sflag:s3], $0x2000  }
0x77: {  	[sflag:s3] =	ssyncset.done @p1 $0x0  }
0x78: {  	[sflag:s3] =	ssyncadd.s32 @p1 $0xFFFFE000  }
0x79: {  	[spmem:s16] =	stream.linear.scatter @p1 [tilespmem:s0], [sflag:$0xD], $0x2000, $0x38;
	[tilespmem:$0x1FC80] =	vst v63  }
0x7a: {  	_ =	swait.ge @p1 [sflag:s3], $0x2000  }
0x7b: {  	[sflag:s3] =	ssyncset.done @p1 $0x0  }
0x7c: {  	[sflag:s3] =	ssyncadd.s32 @p1 $0xFFFFE000  }
0x7d: {  	[spmem:s17] =	stream.linear.scatter @p1 [tilespmem:s0], [sflag:$0xD], $0x2000, $0x38;
	[tilespmem:$0x1FC80] =	vst v63  }
0x7e: {  	_ =	swait.ge @p1 [sflag:s3], $0x2000  }
0x7f: {  	[sflag:s3] =	ssyncset.done @p1 $0x0  }
0x80: {  	[sflag:s3] =	ssyncadd.s32 @p1 $0xFFFFE000  }
0x81: {  	[spmem:s19] =	stream.linear.scatter @p1 [tilespmem:s0], [sflag:$0xD], $0x2000, $0x38;
	[tilespmem:$0x1FC80] =	vst v63  }
0x82: {  	_ =	swait.ge @p1 [sflag:s3], $0x2000  }
0x83: {  	[sflag:s3] =	ssyncset.done @p1 $0x0  }
0x84: {  	[sflag:s3] =	ssyncadd.s32 @p1 $0xFFFFE000  }
0x85: {  	[spmem:s20] =	stream.linear.scatter @p1 [tilespmem:s0], [sflag:$0xD], $0x2000, $0x38;
	[tilespmem:$0x1FC80] =	vst v63  }
0x86: {  	_ =	swait.ge @p1 [sflag:s3], $0x2000  }
0x87: {  	[sflag:s3] =	ssyncset.done @p1 $0x0  }
0x88: {  	[sflag:s3] =	ssyncadd.s32 @p1 $0xFFFFE000  }
0x89: {  	[spmem:s22] =	stream.linear.scatter @p1 [tilespmem:s0], [sflag:$0xD], $0x400, $0x38;
	[tilespmem:$0x1FC80] =	vst v63  }
0x8a: {  	_ =	swait.ge @p1 [sflag:s3], $0x400  }
0x8b: {  	[sflag:s3] =	ssyncset.done @p1 $0x0  }
0x8c: {  	s0 =	simm.s32 @!p1 $0x13C80;
	[sflag:s3] =	ssyncadd.s32 @p1 $0xFFFFFC00;
	s3 =	simm.s32 @!p1 $0xD  }
0x8d: {  	[spmem:s26] =	stream.linear.scatter @!p1 [tilespmem:s0], [sflag:$0xD], $0x2000, $0x38;
	[tilespmem:$0x1FC80] =	vst v63  }
0x8e: {  	_ =	swait.ge @!p1 [sflag:s3], $0x2000  }
0x8f: {  	s4 =	sld [smem:$0x7F5]  }
0x90: {  	[sflag:s3] =	ssyncset.done @!p1 $0x0  }
0x91: {  	[sflag:s3] =	ssyncadd.s32 @!p1 $0xFFFFE000  }
0x92: {  	[spmem:s4] =	stream.linear.scatter @!p1 [tilespmem:s0], [sflag:$0xD], $0x2000, $0x38;
	[tilespmem:$0x1FC80] =	vst v63  }
0x93: {  	_ =	swait.ge @!p1 [sflag:s3], $0x2000  }
0x94: {  	s4 =	sld [smem:$0x7F6]  }
0x95: {  	[sflag:s3] =	ssyncset.done @!p1 $0x0  }
0x96: {  	[sflag:s3] =	ssyncadd.s32 @!p1 $0xFFFFE000  }
0x97: {  	[spmem:s4] =	stream.linear.scatter @!p1 [tilespmem:s0], [sflag:$0xD], $0x2000, $0x38;
	[tilespmem:$0x1FC80] =	vst v63  }
0x98: {  	_ =	swait.ge @!p1 [sflag:s3], $0x2000  }
0x99: {  	s4 =	sld [smem:$0x7F7]  }
0x9a: {  	[sflag:s3] =	ssyncset.done @!p1 $0x0  }
0x9b: {  	[sflag:s3] =	ssyncadd.s32 @!p1 $0xFFFFE000  }
0x9c: {  	[spmem:s4] =	stream.linear.scatter @!p1 [tilespmem:s0], [sflag:$0xD], $0x2000, $0x38;
	[tilespmem:$0x1FC80] =	vst v63  }
0x9d: {  	_ =	swait.ge @!p1 [sflag:s3], $0x2000  }
0x9e: {  	s4 =	sld [smem:$0x7F8]  }
0x9f: {  	[sflag:s3] =	ssyncset.done @!p1 $0x0  }
0xa0: {  	[sflag:s3] =	ssyncadd.s32 @!p1 $0xFFFFE000  }
0xa1: {  	[spmem:s4] =	stream.linear.scatter @!p1 [tilespmem:s0], [sflag:$0xD], $0x2000, $0x38;
	[tilespmem:$0x1FC80] =	vst v63  }
0xa2: {  	_ =	swait.ge @!p1 [sflag:s3], $0x2000  }
0xa3: {  	s4 =	sld [smem:$0x7F9]  }
0xa4: {  	[sflag:s3] =	ssyncset.done @!p1 $0x0  }
0xa5: {  	[sflag:s3] =	ssyncadd.s32 @!p1 $0xFFFFE000  }
0xa6: {  	[spmem:s4] =	stream.linear.scatter @!p1 [tilespmem:s0], [sflag:$0xD], $0x2000, $0x38;
	[tilespmem:$0x1FC80] =	vst v63  }
0xa7: {  	_ =	swait.ge @!p1 [sflag:s3], $0x2000  }
0xa8: {  	s4 =	sld [smem:$0x7FA]  }
0xa9: {  	[sflag:s3] =	ssyncset.done @!p1 $0x0  }
0xaa: {  	[sflag:s3] =	ssyncadd.s32 @!p1 $0xFFFFE000  }
0xab: {  	[spmem:s4] =	stream.linear.scatter @!p1 [tilespmem:s0], [sflag:$0xD], $0x2000, $0x38;
	[tilespmem:$0x1FC80] =	vst v63  }
0xac: {  	_ =	swait.ge @!p1 [sflag:s3], $0x2000  }
0xad: {  	s4 =	sld [smem:$0x7FB]  }
0xae: {  	[sflag:s3] =	ssyncset.done @!p1 $0x0  }
0xaf: {  	[sflag:s3] =	ssyncadd.s32 @!p1 $0xFFFFE000  }
0xb0: {  	[spmem:s4] =	stream.linear.scatter @!p1 [tilespmem:s0], [sflag:$0xD], $0x2000, $0x38;
	[tilespmem:$0x1FC80] =	vst v63  }
0xb1: {  	_ =	swait.ge @!p1 [sflag:s3], $0x2000  }
0xb2: {  	[sflag:s3] =	ssyncset.done @!p1 $0x0  }
0xb3: {  	[sflag:s3] =	ssyncadd.s32 @!p1 $0xFFFFE000  }
0xb4: {  	[spmem:s13] =	stream.linear.scatter @!p1 [tilespmem:s0], [sflag:$0xD], $0x2000, $0x38;
	[tilespmem:$0x1FC80] =	vst v63  }
0xb5: {  	_ =	swait.ge @!p1 [sflag:s3], $0x2000  }
0xb6: {  	[sflag:s3] =	ssyncset.done @!p1 $0x0  }
0xb7: {  	[sflag:s3] =	ssyncadd.s32 @!p1 $0xFFFFE000  }
0xb8: {  	[spmem:s21] =	stream.linear.scatter @!p1 [tilespmem:s0], [sflag:$0xD], $0x1C00, $0x38;
	[tilespmem:$0x1FC80] =	vst v63  }
.Ltmp3:
0xb9: {  	_ =	swait.ge @!p1 [sflag:s3], $0x1C00;
	(pc) =	sbr.rel @p0 .LBB2_10-.Ltmp3, $4  }
0xba: {  	[sflag:s3] =	ssyncset.done @!p1 $0x0  }
0xbb: {  	s0 =	stileid.u32;
	[sflag:s3] =	ssyncadd.s32 @!p1 $0xFFFFE400  }
0xbc: {  	s29 =	sshrl.u32 @!p1 s26, $0x3;
	s0 =	sshll.u32 @!p1 s0, $0x6;
	[bflag:$0x0] =	sbarrier.arrive $0xFFFF  }
0xbd: {  	s4 =	simm.s32 $0x0;
	s0 =	sor.u32 @!p1 $0x1C0D, s0;
	s3 =	sshrl.u32 @p1 s10, $0x3  }
0xbe: {  	s5 =	rddreg [dreg:$0xd]  }
0xbf: {  	s6 =	simm.s32 $0x13880;
	s8 =	rddreg [dreg:$0xe]  }
0xc0: {  	[tilespmem:s6], [sflag:$0x1] =	stream.linear.gather [hbm4b:s5+s4], $0x40, $0x38;
	[tilespmem:$0x1FC80] =	vst v63  }
0xc1: {  	s7 =	simm.s32 $0x13C80;
	s6 =	rddreg [dreg:$0x19]  }
0xc2: {  	[tilespmem:s7], [sflag:$0x1] =	stream.linear.gather [hbm4b:s6+s4], $0x2000, $0x38;
	[tilespmem:$0x1FC80] =	vst v63  }
0xc3: {  	s9 =	simm.s32 $0x13900;
	s11 =	rddreg [dreg:$0x13]  }
0xc4: {  	[tilespmem:s9], [sflag:$0x2] =	stream.linear.gather [hbm4b:s8+s4], $0x40, $0x38;
	[tilespmem:$0x1FC80] =	vst v63  }
0xc5: {  	s12 =	simm.s32 $0x15C80;
	s5 =	rddreg [dreg:$0x1b]  }
0xc6: {  	[tilespmem:s12], [sflag:$0x2] =	stream.linear.gather [hbm4b:s11+s4], $0x2000, $0x38;
	[tilespmem:$0x1FC80] =	vst v63  }
0xc7: {  	s6 =	rddreg [dreg:$0xf];
	s7 =	simm.s32 $0x13980  }
0xc8: {  	[tilespmem:s7], [sflag:$0x3] =	stream.linear.gather [hbm4b:s6+s4], $0x40, $0x38;
	[tilespmem:$0x1FC80] =	vst v63  }
0xc9: {  	s8 =	rddreg [dreg:$0x14];
	s9 =	simm.s32 $0x17C80  }
0xca: {  	[tilespmem:s9], [sflag:$0x3] =	stream.linear.gather [hbm4b:s8+s4], $0x2000, $0x38;
	[tilespmem:$0x1FC80] =	vst v63  }
0xcb: {  	s11 =	rddreg [dreg:$0x10];
	s12 =	simm.s32 $0x13A00  }
0xcc: {  	[tilespmem:s12], [sflag:$0x4] =	stream.linear.gather [hbm4b:s11+s4], $0x40, $0x38;
	[tilespmem:$0x1FC80] =	vst v63  }
0xcd: {  	s6 =	rddreg [dreg:$0x15];
	s7 =	simm.s32 $0x19C80  }
0xce: {  	[tilespmem:s7], [sflag:$0x4] =	stream.linear.gather [hbm4b:s6+s4], $0x2000, $0x38;
	[tilespmem:$0x1FC80] =	vst v63  }
.Ltmp4:
0xcf: {  	s8 =	rddreg [dreg:$0x11];
	(pc) =	sbr.rel .LBB2_5-.Ltmp4, $4  }
0xd0: {  	s9 =	simm.s32 $0x13A80;
	s11 =	rddreg [dreg:$0x17]  }
0xd1: {  	[tilespmem:s9], [sflag:$0x5] =	stream.linear.gather [hbm4b:s8+s4], $0x40, $0x38;
	[tilespmem:$0x1FC80] =	vst v63  }
0xd2: {  	s12 =	simm.s32 $0x1BC80;
	s6 =	sld [smem:$0x7F4]  }
0xd3: {  	[tilespmem:s12], [sflag:$0x5] =	stream.linear.gather [hbm4b:s11+s4], $0x2000, $0x38;
	[tilespmem:$0x1FC80] =	vst v63  }
.LBB2_7:
0xd4: {  	p2 =	seq.s32 s8, $0x3  }
0xd5: {  	s9 =	simm.s32 @p2 $0x4  }
0xd6: {  	_ =	swait.ge @p2 [sflag:s9], $0x40  }
0xd7: {  	[sflag:s9] =	ssyncset.done @p2 $0x0  }
0xd8: {  	[sflag:s9] =	ssyncadd.s32 @p2 $0xFFFFFFC0  }
0xd9: {  	p3 =	sge.u32 @p2 s7, s15;
	_ =	swait.ge @p2 [sflag:s9], $0x2000  }
0xda: {  	s11 =	simm.s32 @p2 $0x13A00;
	s12 =	simm.s32 @p2 $0x19C80;
	[sflag:s9] =	ssyncset.done @p2 $0x0  }
0xdb: {  	p3 =	por p3, !p2;
	[sflag:s9] =	ssyncadd.s32 @p2 $0xFFFFE000;
	s9 =	simm.s32 @p2 $0x40  }
0xdc: {  	[spmem:s25] =	stream.indirect.scatter.add.f32 @p2 [tilespmem:s12], [sflag:$0xA], $0x80, s11, s9, $0xb8;
	[tilespmem:$0x1FC80] =	vst v63  }
0xdd: {  	s9 =	simm.s32 @!p3 $0x9  }
0xde: {  	_ =	swait.ge @!p3 [sflag:s9], $0x2000  }
0xdf: {  	[sflag:s9] =	ssyncset.done @!p3 $0x0  }
0xe0: {  	s11 =	simm.s32 @!p3 $0x13980;
	[sflag:s9] =	ssyncadd.s32 @!p3 $0xFFFFE000;
	s9 =	simm.s32 @!p3 $0x0  }
0xe1: {  	[tilespmem:s11], [sflag:$0x3] =	stream.linear.gather @!p3 [hbm4b:s6+s9], $0x40, $0x38;
	[tilespmem:$0x1FC80] =	vst v63  }
0xe2: {  	s11 =	simm.s32 @!p3 $0x17C80  }
0xe3: {  	[tilespmem:s11], [sflag:$0x3] =	stream.linear.gather @!p3 [hbm4b:s5+s9], $0x2000, $0x38;
	[tilespmem:$0x1FC80] =	vst v63  }
0xe4: {  	p3 =	seq.s32 @!p2 s8, $0x4  }
0xe5: {  	p4 =	por !p3, p2  }
0xe6: {  	s8 =	simm.s32 @!p4 $0x5  }
0xe7: {  	_ =	swait.ge @!p4 [sflag:s8], $0x40  }
0xe8: {  	[sflag:s8] =	ssyncset.done @!p4 $0x0  }
0xe9: {  	[sflag:s8] =	ssyncadd.s32 @!p4 $0xFFFFFFC0  }
0xea: {  	_ =	swait.ge @!p4 [sflag:s8], $0x2000  }
0xeb: {  	p5 =	sge.u32 @!p4 s7, s15;
	s9 =	simm.s32 @!p4 $0x13A80;
	[sflag:s8] =	ssyncset.done @!p4 $0x0  }
0xec: {  	s11 =	simm.s32 @!p4 $0x1BC80;
	[sflag:s8] =	ssyncadd.s32 @!p4 $0xFFFFE000;
	s8 =	simm.s32 @!p4 $0x40  }
0xed: {  	[spmem:s25] =	stream.indirect.scatter.add.f32 @!p4 [tilespmem:s11], [sflag:$0xB], $0x80, s9, s8, $0xb8;
	[tilespmem:$0x1FC80] =	vst v63  }
0xee: {  	p4 =	por @!p2 p5, !p3  }
0xef: {  	p4 =	por p4, p2  }
0xf0: {  	s8 =	simm.s32 @!p4 $0xA  }
0xf1: {  	_ =	swait.ge @!p4 [sflag:s8], $0x2000  }
0xf2: {  	[sflag:s8] =	ssyncset.done @!p4 $0x0  }
0xf3: {  	s9 =	simm.s32 @!p4 $0x13A00;
	[sflag:s8] =	ssyncadd.s32 @!p4 $0xFFFFE000;
	s8 =	simm.s32 @!p4 $0x0  }
0xf4: {  	[tilespmem:s9], [sflag:$0x4] =	stream.linear.gather @!p4 [hbm4b:s6+s8], $0x40, $0x38;
	[tilespmem:$0x1FC80] =	vst v63  }
0xf5: {  	s9 =	simm.s32 @!p4 $0x19C80  }
0xf6: {  	[tilespmem:s9], [sflag:$0x4] =	stream.linear.gather @!p4 [hbm4b:s5+s8], $0x2000, $0x38;
	[tilespmem:$0x1FC80] =	vst v63  }
0xf7: {  	p4 =	por p3, p2  }
0xf8: {  	s8 =	simm.s32 @!p4 $0x6  }
0xf9: {  	_ =	swait.ge @!p4 [sflag:s8], $0x40  }
0xfa: {  	[sflag:s8] =	ssyncset.done @!p4 $0x0  }
0xfb: {  	[sflag:s8] =	ssyncadd.s32 @!p4 $0xFFFFFFC0  }
0xfc: {  	p5 =	sge.u32 @!p4 s7, s15;
	s7 =	simm.s32 @!p4 $0x40;
	_ =	swait.ge @!p4 [sflag:s8], $0x2000  }
0xfd: {  	s9 =	simm.s32 @!p4 $0x1DC80;
	p3 =	por @!p2 p5, p3;
	[sflag:s8] =	ssyncset.done @!p4 $0x0  }
0xfe: {  	p2 =	por p3, p2;
	[sflag:s8] =	ssyncadd.s32 @!p4 $0xFFFFE000;
	s8 =	simm.s32 @!p4 $0x13B00  }
0xff: {  	[spmem:s25] =	stream.indirect.scatter.add.f32 @!p4 [tilespmem:s9], [sflag:$0xC], $0x80, s8, s7, $0xb8;
	[tilespmem:$0x1FC80] =	vst v63  }
0x100: {  	s7 =	simm.s32 @!p2 $0xB  }
0x101: {  	_ =	swait.ge @!p2 [sflag:s7], $0x2000  }
0x102: {  	[sflag:s7] =	ssyncset.done @!p2 $0x0  }
0x103: {  	s8 =	simm.s32 @!p2 $0x13A80;
	[sflag:s7] =	ssyncadd.s32 @!p2 $0xFFFFE000;
	s7 =	simm.s32 @!p2 $0x0  }
0x104: {  	[tilespmem:s8], [sflag:$0x5] =	stream.linear.gather @!p2 [hbm4b:s6+s7], $0x40, $0x38;
	[tilespmem:$0x1FC80] =	vst v63  }
0x105: {  	s8 =	simm.s32 @!p2 $0x1BC80  }
0x106: {  	[tilespmem:s8], [sflag:$0x5] =	stream.linear.gather @!p2 [hbm4b:s5+s7], $0x2000, $0x38;
	[tilespmem:$0x1FC80] =	vst v63  }
.LBB2_8:
0x107: {  	s4 =	sadd.s32 $0x1, s4  }
0x108: {  	p2 =	sne.s32 s15, s4  }
.Ltmp5:
0x109: {  	_ = 	snop;
	(pc) =	sbr.rel @!p2 .LBB2_9-.Ltmp5, $2  }
0x10a: {  	_ =	sdelay $0x2  }
0x10b: {  	s6 =	sadd.s32 $0x8, s6;
	s5 =	sadd.s32 $0x400, s5  }
.LBB2_5:
0x10c: {  	s7 =	smulhi.u32 $0xAAAAAAAB, s4;
	_ =	sdelay $0x1  }
0x10d: {  	s7 =	sshrl.u32 s7, $0x2  }
0x10e: {  	s7 =	smul.u32 $0xFFFFFFFA, s7;
	_ =	sdelay $0x1  }
0x10f: {  	s8 =	sadd.s32 s7, s4  }
0x110: {  	p2 =	sgt.s32 s8, $0x2  }
.Ltmp6:
0x111: {  	_ = 	snop;
	(pc) =	sbr.rel @p2 .LBB2_7-.Ltmp6, $2  }
0x112: {  	_ =	sdelay $0x2  }
0x113: {  	s7 =	sadd.s32 $0x5, s4  }
0x114: {  	p2 =	seq.s32 s8, $0x0  }
0x115: {  	s9 =	simm.s32 @p2 $0x1  }
0x116: {  	_ =	swait.ge @p2 [sflag:s9], $0x40  }
0x117: {  	p3 =	sge.u32 @p2 s7, s15;
	[sflag:s9] =	ssyncset.done @p2 $0x0  }
0x118: {  	p4 =	por p3, !p2;
	[sflag:s9] =	ssyncadd.s32 @p2 $0xFFFFFFC0  }
0x119: {  	s11 =	simm.s32 @p2 $0x13880;
	p5 =	seq.s32 @!p4 s4, $0x0;
	_ =	swait.ge @p2 [sflag:s9], $0x2000  }
0x11a: {  	s12 =	simm.s32 @p2 $0x13C80;
	p3 =	por @p2 p5, p3;
	[sflag:s9] =	ssyncset.done @p2 $0x0  }
0x11b: {  	p3 =	por p3, !p2;
	[sflag:s9] =	ssyncadd.s32 @p2 $0xFFFFE000;
	s9 =	simm.s32 @p2 $0x40  }
0x11c: {  	[spmem:s25] =	stream.indirect.scatter.add.f32 @p2 [tilespmem:s12], [sflag:$0x7], $0x80, s11, s9, $0xb8;
	[tilespmem:$0x1FC80] =	vst v63  }
0x11d: {  	s9 =	simm.s32 @!p3 $0xC  }
0x11e: {  	_ =	swait.ge @!p3 [sflag:s9], $0x2000  }
0x11f: {  	[sflag:s9] =	ssyncset.done @!p3 $0x0  }
0x120: {  	s11 =	simm.s32 @!p4 $0x13B00;
	[sflag:s9] =	ssyncadd.s32 @!p3 $0xFFFFE000;
	s9 =	simm.s32 @!p4 $0x0  }
0x121: {  	[tilespmem:s11], [sflag:$0x6] =	stream.linear.gather @!p4 [hbm4b:s6+s9], $0x40, $0x38;
	[tilespmem:$0x1FC80] =	vst v63  }
0x122: {  	p3 =	seq.s32 @!p2 s8, $0x1;
	s11 =	simm.s32 @!p4 $0x1DC80  }
0x123: {  	[tilespmem:s11], [sflag:$0x6] =	stream.linear.gather @!p4 [hbm4b:s5+s9], $0x2000, $0x38;
	[tilespmem:$0x1FC80] =	vst v63  }
0x124: {  	p4 =	por !p3, p2  }
0x125: {  	s8 =	simm.s32 @!p4 $0x2  }
0x126: {  	_ =	swait.ge @!p4 [sflag:s8], $0x40  }
0x127: {  	[sflag:s8] =	ssyncset.done @!p4 $0x0  }
0x128: {  	[sflag:s8] =	ssyncadd.s32 @!p4 $0xFFFFFFC0  }
0x129: {  	_ =	swait.ge @!p4 [sflag:s8], $0x2000  }
0x12a: {  	p5 =	sge.u32 @!p4 s7, s15;
	s9 =	simm.s32 @!p4 $0x13900;
	[sflag:s8] =	ssyncset.done @!p4 $0x0  }
0x12b: {  	s11 =	simm.s32 @!p4 $0x15C80;
	[sflag:s8] =	ssyncadd.s32 @!p4 $0xFFFFE000;
	s8 =	simm.s32 @!p4 $0x40  }
0x12c: {  	[spmem:s25] =	stream.indirect.scatter.add.f32 @!p4 [tilespmem:s11], [sflag:$0x8], $0x80, s9, s8, $0xb8;
	[tilespmem:$0x1FC80] =	vst v63  }
0x12d: {  	p4 =	por @!p2 p5, !p3  }
0x12e: {  	p4 =	por p4, p2  }
0x12f: {  	s8 =	simm.s32 @!p4 $0x7  }
0x130: {  	_ =	swait.ge @!p4 [sflag:s8], $0x2000  }
0x131: {  	[sflag:s8] =	ssyncset.done @!p4 $0x0  }
0x132: {  	s9 =	simm.s32 @!p4 $0x13880;
	[sflag:s8] =	ssyncadd.s32 @!p4 $0xFFFFE000;
	s8 =	simm.s32 @!p4 $0x0  }
0x133: {  	[tilespmem:s9], [sflag:$0x1] =	stream.linear.gather @!p4 [hbm4b:s6+s8], $0x40, $0x38;
	[tilespmem:$0x1FC80] =	vst v63  }
0x134: {  	s9 =	simm.s32 @!p4 $0x13C80  }
0x135: {  	[tilespmem:s9], [sflag:$0x1] =	stream.linear.gather @!p4 [hbm4b:s5+s8], $0x2000, $0x38;
	[tilespmem:$0x1FC80] =	vst v63  }
0x136: {  	p4 =	por p3, p2  }
0x137: {  	s8 =	simm.s32 @!p4 $0x3  }
0x138: {  	_ =	swait.ge @!p4 [sflag:s8], $0x40  }
0x139: {  	[sflag:s8] =	ssyncset.done @!p4 $0x0  }
0x13a: {  	[sflag:s8] =	ssyncadd.s32 @!p4 $0xFFFFFFC0  }
0x13b: {  	p5 =	sge.u32 @!p4 s7, s15;
	s7 =	simm.s32 @!p4 $0x40;
	_ =	swait.ge @!p4 [sflag:s8], $0x2000  }
0x13c: {  	s9 =	simm.s32 @!p4 $0x17C80;
	p3 =	por @!p2 p5, p3;
	[sflag:s8] =	ssyncset.done @!p4 $0x0  }
0x13d: {  	p2 =	por p3, p2;
	[sflag:s8] =	ssyncadd.s32 @!p4 $0xFFFFE000;
	s8 =	simm.s32 @!p4 $0x13980  }
0x13e: {  	[spmem:s25] =	stream.indirect.scatter.add.f32 @!p4 [tilespmem:s9], [sflag:$0x9], $0x80, s8, s7, $0xb8;
	[tilespmem:$0x1FC80] =	vst v63  }
0x13f: {  	s7 =	simm.s32 @!p2 $0x8  }
0x140: {  	_ =	swait.ge @!p2 [sflag:s7], $0x2000  }
.Ltmp7:
0x141: {  	[sflag:s7] =	ssyncset.done @!p2 $0x0;
	(pc) =	sbr.rel .LBB2_8-.Ltmp7, $4  }
0x142: {  	s8 =	simm.s32 @!p2 $0x13900;
	[sflag:s7] =	ssyncadd.s32 @!p2 $0xFFFFE000;
	s7 =	simm.s32 @!p2 $0x0  }
0x143: {  	[tilespmem:s8], [sflag:$0x2] =	stream.linear.gather @!p2 [hbm4b:s6+s7], $0x40, $0x38;
	[tilespmem:$0x1FC80] =	vst v63  }
0x144: {  	s8 =	simm.s32 @!p2 $0x15C80  }
0x145: {  	[tilespmem:s8], [sflag:$0x2] =	stream.linear.gather @!p2 [hbm4b:s5+s7], $0x2000, $0x38;
	[tilespmem:$0x1FC80] =	vst v63  }
.LBB2_10:
0x146: {  	s5 =	rddreg [dreg:$0x6]  }
0x147: {  	s6 =	simm.s32 $0x13880;
	s8 =	rddreg [dreg:$0x7]  }
0x148: {  	[tilespmem:s6], [sflag:$0x1] =	stream.linear.gather [hbm4b:s5+s4], $0x40, $0x38;
	[tilespmem:$0x1FC80] =	vst v63  }
0x149: {  	s7 =	simm.s32 $0x13C80;
	s6 =	rddreg [dreg:$0x18]  }
0x14a: {  	[tilespmem:s7], [sflag:$0x1] =	stream.linear.gather [hbm4b:s6+s4], $0x2000, $0x38;
	[tilespmem:$0x1FC80] =	vst v63  }
0x14b: {  	s9 =	simm.s32 $0x13900;
	s11 =	rddreg [dreg:$0x8]  }
0x14c: {  	[tilespmem:s9], [sflag:$0x2] =	stream.linear.gather [hbm4b:s8+s4], $0x40, $0x38;
	[tilespmem:$0x1FC80] =	vst v63  }
0x14d: {  	s12 =	simm.s32 $0x15C80;
	s5 =	rddreg [dreg:$0x1a]  }
0x14e: {  	[tilespmem:s12], [sflag:$0x2] =	stream.linear.gather [hbm4b:s11+s4], $0x2000, $0x38;
	[tilespmem:$0x1FC80] =	vst v63  }
0x14f: {  	s6 =	rddreg [dreg:$0x9];
	s7 =	simm.s32 $0x13980  }
0x150: {  	[tilespmem:s7], [sflag:$0x3] =	stream.linear.gather [hbm4b:s6+s4], $0x40, $0x38;
	[tilespmem:$0x1FC80] =	vst v63  }
0x151: {  	s8 =	rddreg [dreg:$0xa];
	s9 =	simm.s32 $0x17C80  }
0x152: {  	[tilespmem:s9], [sflag:$0x3] =	stream.linear.gather [hbm4b:s8+s4], $0x2000, $0x38;
	[tilespmem:$0x1FC80] =	vst v63  }
0x153: {  	s11 =	rddreg [dreg:$0xb];
	s12 =	simm.s32 $0x13A00  }
0x154: {  	[tilespmem:s12], [sflag:$0x4] =	stream.linear.gather [hbm4b:s11+s4], $0x40, $0x38;
	[tilespmem:$0x1FC80] =	vst v63  }
0x155: {  	s6 =	rddreg [dreg:$0x12];
	s7 =	simm.s32 $0x19C80  }
0x156: {  	[tilespmem:s7], [sflag:$0x4] =	stream.linear.gather [hbm4b:s6+s4], $0x2000, $0x38;
	[tilespmem:$0x1FC80] =	vst v63  }
.Ltmp8:
0x157: {  	s8 =	rddreg [dreg:$0xc];
	(pc) =	sbr.rel .LBB2_11-.Ltmp8, $4  }
0x158: {  	s9 =	simm.s32 $0x13A80;
	s11 =	rddreg [dreg:$0x16]  }
0x159: {  	[tilespmem:s9], [sflag:$0x5] =	stream.linear.gather [hbm4b:s8+s4], $0x40, $0x38;
	[tilespmem:$0x1FC80] =	vst v63  }
0x15a: {  	s12 =	simm.s32 $0x1BC80;
	s6 =	sld [smem:$0x7F3]  }
0x15b: {  	[tilespmem:s12], [sflag:$0x5] =	stream.linear.gather [hbm4b:s11+s4], $0x2000, $0x38;
	[tilespmem:$0x1FC80] =	vst v63  }
.LBB2_13:
0x15c: {  	p2 =	seq.s32 s8, $0x3  }
0x15d: {  	s9 =	simm.s32 @p2 $0x4  }
0x15e: {  	_ =	swait.ge @p2 [sflag:s9], $0x40  }
0x15f: {  	[sflag:s9] =	ssyncset.done @p2 $0x0  }
0x160: {  	[sflag:s9] =	ssyncadd.s32 @p2 $0xFFFFFFC0  }
0x161: {  	p3 =	sge.u32 @p2 s7, s15;
	_ =	swait.ge @p2 [sflag:s9], $0x2000  }
0x162: {  	s11 =	simm.s32 @p2 $0x13A00;
	s12 =	simm.s32 @p2 $0x19C80;
	[sflag:s9] =	ssyncset.done @p2 $0x0  }
0x163: {  	p3 =	por p3, !p2;
	[sflag:s9] =	ssyncadd.s32 @p2 $0xFFFFE000;
	s9 =	simm.s32 @p2 $0x40  }
0x164: {  	[spmem:s25] =	stream.indirect.scatter.add.f32 @p2 [tilespmem:s12], [sflag:$0xA], $0x80, s11, s9, $0xb8;
	[tilespmem:$0x1FC80] =	vst v63  }
0x165: {  	s9 =	simm.s32 @!p3 $0x9  }
0x166: {  	_ =	swait.ge @!p3 [sflag:s9], $0x2000  }
0x167: {  	[sflag:s9] =	ssyncset.done @!p3 $0x0  }
0x168: {  	s11 =	simm.s32 @!p3 $0x13980;
	[sflag:s9] =	ssyncadd.s32 @!p3 $0xFFFFE000;
	s9 =	simm.s32 @!p3 $0x0  }
0x169: {  	[tilespmem:s11], [sflag:$0x3] =	stream.linear.gather @!p3 [hbm4b:s6+s9], $0x40, $0x38;
	[tilespmem:$0x1FC80] =	vst v63  }
0x16a: {  	s11 =	simm.s32 @!p3 $0x17C80  }
0x16b: {  	[tilespmem:s11], [sflag:$0x3] =	stream.linear.gather @!p3 [hbm4b:s5+s9], $0x2000, $0x38;
	[tilespmem:$0x1FC80] =	vst v63  }
0x16c: {  	p3 =	seq.s32 @!p2 s8, $0x4  }
0x16d: {  	p4 =	por !p3, p2  }
0x16e: {  	s8 =	simm.s32 @!p4 $0x5  }
0x16f: {  	_ =	swait.ge @!p4 [sflag:s8], $0x40  }
0x170: {  	[sflag:s8] =	ssyncset.done @!p4 $0x0  }
0x171: {  	[sflag:s8] =	ssyncadd.s32 @!p4 $0xFFFFFFC0  }
0x172: {  	_ =	swait.ge @!p4 [sflag:s8], $0x2000  }
0x173: {  	p5 =	sge.u32 @!p4 s7, s15;
	s9 =	simm.s32 @!p4 $0x13A80;
	[sflag:s8] =	ssyncset.done @!p4 $0x0  }
0x174: {  	s11 =	simm.s32 @!p4 $0x1BC80;
	[sflag:s8] =	ssyncadd.s32 @!p4 $0xFFFFE000;
	s8 =	simm.s32 @!p4 $0x40  }
0x175: {  	[spmem:s25] =	stream.indirect.scatter.add.f32 @!p4 [tilespmem:s11], [sflag:$0xB], $0x80, s9, s8, $0xb8;
	[tilespmem:$0x1FC80] =	vst v63  }
0x176: {  	p4 =	por @!p2 p5, !p3  }
0x177: {  	p4 =	por p4, p2  }
0x178: {  	s8 =	simm.s32 @!p4 $0xA  }
0x179: {  	_ =	swait.ge @!p4 [sflag:s8], $0x2000  }
0x17a: {  	[sflag:s8] =	ssyncset.done @!p4 $0x0  }
0x17b: {  	s9 =	simm.s32 @!p4 $0x13A00;
	[sflag:s8] =	ssyncadd.s32 @!p4 $0xFFFFE000;
	s8 =	simm.s32 @!p4 $0x0  }
0x17c: {  	[tilespmem:s9], [sflag:$0x4] =	stream.linear.gather @!p4 [hbm4b:s6+s8], $0x40, $0x38;
	[tilespmem:$0x1FC80] =	vst v63  }
0x17d: {  	s9 =	simm.s32 @!p4 $0x19C80  }
0x17e: {  	[tilespmem:s9], [sflag:$0x4] =	stream.linear.gather @!p4 [hbm4b:s5+s8], $0x2000, $0x38;
	[tilespmem:$0x1FC80] =	vst v63  }
0x17f: {  	p4 =	por p3, p2  }
0x180: {  	s8 =	simm.s32 @!p4 $0x6  }
0x181: {  	_ =	swait.ge @!p4 [sflag:s8], $0x40  }
0x182: {  	[sflag:s8] =	ssyncset.done @!p4 $0x0  }
0x183: {  	[sflag:s8] =	ssyncadd.s32 @!p4 $0xFFFFFFC0  }
0x184: {  	p5 =	sge.u32 @!p4 s7, s15;
	s7 =	simm.s32 @!p4 $0x40;
	_ =	swait.ge @!p4 [sflag:s8], $0x2000  }
0x185: {  	s9 =	simm.s32 @!p4 $0x1DC80;
	p3 =	por @!p2 p5, p3;
	[sflag:s8] =	ssyncset.done @!p4 $0x0  }
0x186: {  	p2 =	por p3, p2;
	[sflag:s8] =	ssyncadd.s32 @!p4 $0xFFFFE000;
	s8 =	simm.s32 @!p4 $0x13B00  }
0x187: {  	[spmem:s25] =	stream.indirect.scatter.add.f32 @!p4 [tilespmem:s9], [sflag:$0xC], $0x80, s8, s7, $0xb8;
	[tilespmem:$0x1FC80] =	vst v63  }
0x188: {  	s7 =	simm.s32 @!p2 $0xB  }
0x189: {  	_ =	swait.ge @!p2 [sflag:s7], $0x2000  }
0x18a: {  	[sflag:s7] =	ssyncset.done @!p2 $0x0  }
0x18b: {  	s8 =	simm.s32 @!p2 $0x13A80;
	[sflag:s7] =	ssyncadd.s32 @!p2 $0xFFFFE000;
	s7 =	simm.s32 @!p2 $0x0  }
0x18c: {  	[tilespmem:s8], [sflag:$0x5] =	stream.linear.gather @!p2 [hbm4b:s6+s7], $0x40, $0x38;
	[tilespmem:$0x1FC80] =	vst v63  }
0x18d: {  	s8 =	simm.s32 @!p2 $0x1BC80  }
0x18e: {  	[tilespmem:s8], [sflag:$0x5] =	stream.linear.gather @!p2 [hbm4b:s5+s7], $0x2000, $0x38;
	[tilespmem:$0x1FC80] =	vst v63  }
.LBB2_14:
0x18f: {  	s4 =	sadd.s32 $0x1, s4  }
0x190: {  	p2 =	sne.s32 s15, s4  }
.Ltmp9:
0x191: {  	_ = 	snop;
	(pc) =	sbr.rel @!p2 .LBB2_15-.Ltmp9, $2  }
0x192: {  	_ =	sdelay $0x2  }
0x193: {  	s6 =	sadd.s32 $0x8, s6;
	s5 =	sadd.s32 $0x400, s5  }
.LBB2_11:
0x194: {  	s7 =	smulhi.u32 $0xAAAAAAAB, s4;
	_ =	sdelay $0x1  }
0x195: {  	s7 =	sshrl.u32 s7, $0x2  }
0x196: {  	s7 =	smul.u32 $0xFFFFFFFA, s7;
	_ =	sdelay $0x1  }
0x197: {  	s8 =	sadd.s32 s7, s4  }
0x198: {  	p2 =	sgt.s32 s8, $0x2  }
.Ltmp10:
0x199: {  	_ = 	snop;
	(pc) =	sbr.rel @p2 .LBB2_13-.Ltmp10, $2  }
0x19a: {  	_ =	sdelay $0x2  }
0x19b: {  	s7 =	sadd.s32 $0x5, s4  }
0x19c: {  	p2 =	seq.s32 s8, $0x0  }
0x19d: {  	s9 =	simm.s32 @p2 $0x1  }
0x19e: {  	_ =	swait.ge @p2 [sflag:s9], $0x40  }
0x19f: {  	p3 =	sge.u32 @p2 s7, s15;
	[sflag:s9] =	ssyncset.done @p2 $0x0  }
0x1a0: {  	p4 =	por p3, !p2;
	[sflag:s9] =	ssyncadd.s32 @p2 $0xFFFFFFC0  }
0x1a1: {  	s11 =	simm.s32 @p2 $0x13880;
	p5 =	seq.s32 @!p4 s4, $0x0;
	_ =	swait.ge @p2 [sflag:s9], $0x2000  }
0x1a2: {  	s12 =	simm.s32 @p2 $0x13C80;
	p3 =	por @p2 p5, p3;
	[sflag:s9] =	ssyncset.done @p2 $0x0  }
0x1a3: {  	p3 =	por p3, !p2;
	[sflag:s9] =	ssyncadd.s32 @p2 $0xFFFFE000;
	s9 =	simm.s32 @p2 $0x40  }
0x1a4: {  	[spmem:s25] =	stream.indirect.scatter.add.f32 @p2 [tilespmem:s12], [sflag:$0x7], $0x80, s11, s9, $0xb8;
	[tilespmem:$0x1FC80] =	vst v63  }
0x1a5: {  	s9 =	simm.s32 @!p3 $0xC  }
0x1a6: {  	_ =	swait.ge @!p3 [sflag:s9], $0x2000  }
0x1a7: {  	[sflag:s9] =	ssyncset.done @!p3 $0x0  }
0x1a8: {  	s11 =	simm.s32 @!p4 $0x13B00;
	[sflag:s9] =	ssyncadd.s32 @!p3 $0xFFFFE000;
	s9 =	simm.s32 @!p4 $0x0  }
0x1a9: {  	[tilespmem:s11], [sflag:$0x6] =	stream.linear.gather @!p4 [hbm4b:s6+s9], $0x40, $0x38;
	[tilespmem:$0x1FC80] =	vst v63  }
0x1aa: {  	p3 =	seq.s32 @!p2 s8, $0x1;
	s11 =	simm.s32 @!p4 $0x1DC80  }
0x1ab: {  	[tilespmem:s11], [sflag:$0x6] =	stream.linear.gather @!p4 [hbm4b:s5+s9], $0x2000, $0x38;
	[tilespmem:$0x1FC80] =	vst v63  }
0x1ac: {  	p4 =	por !p3, p2  }
0x1ad: {  	s8 =	simm.s32 @!p4 $0x2  }
0x1ae: {  	_ =	swait.ge @!p4 [sflag:s8], $0x40  }
0x1af: {  	[sflag:s8] =	ssyncset.done @!p4 $0x0  }
0x1b0: {  	[sflag:s8] =	ssyncadd.s32 @!p4 $0xFFFFFFC0  }
0x1b1: {  	_ =	swait.ge @!p4 [sflag:s8], $0x2000  }
0x1b2: {  	p5 =	sge.u32 @!p4 s7, s15;
	s9 =	simm.s32 @!p4 $0x13900;
	[sflag:s8] =	ssyncset.done @!p4 $0x0  }
0x1b3: {  	s11 =	simm.s32 @!p4 $0x15C80;
	[sflag:s8] =	ssyncadd.s32 @!p4 $0xFFFFE000;
	s8 =	simm.s32 @!p4 $0x40  }
0x1b4: {  	[spmem:s25] =	stream.indirect.scatter.add.f32 @!p4 [tilespmem:s11], [sflag:$0x8], $0x80, s9, s8, $0xb8;
	[tilespmem:$0x1FC80] =	vst v63  }
0x1b5: {  	p4 =	por @!p2 p5, !p3  }
0x1b6: {  	p4 =	por p4, p2  }
0x1b7: {  	s8 =	simm.s32 @!p4 $0x7  }
0x1b8: {  	_ =	swait.ge @!p4 [sflag:s8], $0x2000  }
0x1b9: {  	[sflag:s8] =	ssyncset.done @!p4 $0x0  }
0x1ba: {  	s9 =	simm.s32 @!p4 $0x13880;
	[sflag:s8] =	ssyncadd.s32 @!p4 $0xFFFFE000;
	s8 =	simm.s32 @!p4 $0x0  }
0x1bb: {  	[tilespmem:s9], [sflag:$0x1] =	stream.linear.gather @!p4 [hbm4b:s6+s8], $0x40, $0x38;
	[tilespmem:$0x1FC80] =	vst v63  }
0x1bc: {  	s9 =	simm.s32 @!p4 $0x13C80  }
0x1bd: {  	[tilespmem:s9], [sflag:$0x1] =	stream.linear.gather @!p4 [hbm4b:s5+s8], $0x2000, $0x38;
	[tilespmem:$0x1FC80] =	vst v63  }
0x1be: {  	p4 =	por p3, p2  }
0x1bf: {  	s8 =	simm.s32 @!p4 $0x3  }
0x1c0: {  	_ =	swait.ge @!p4 [sflag:s8], $0x40  }
0x1c1: {  	[sflag:s8] =	ssyncset.done @!p4 $0x0  }
0x1c2: {  	[sflag:s8] =	ssyncadd.s32 @!p4 $0xFFFFFFC0  }
0x1c3: {  	p5 =	sge.u32 @!p4 s7, s15;
	s7 =	simm.s32 @!p4 $0x40;
	_ =	swait.ge @!p4 [sflag:s8], $0x2000  }
0x1c4: {  	s9 =	simm.s32 @!p4 $0x17C80;
	p3 =	por @!p2 p5, p3;
	[sflag:s8] =	ssyncset.done @!p4 $0x0  }
0x1c5: {  	p2 =	por p3, p2;
	[sflag:s8] =	ssyncadd.s32 @!p4 $0xFFFFE000;
	s8 =	simm.s32 @!p4 $0x13980  }
0x1c6: {  	[spmem:s25] =	stream.indirect.scatter.add.f32 @!p4 [tilespmem:s9], [sflag:$0x9], $0x80, s8, s7, $0xb8;
	[tilespmem:$0x1FC80] =	vst v63  }
0x1c7: {  	s7 =	simm.s32 @!p2 $0x8  }
0x1c8: {  	_ =	swait.ge @!p2 [sflag:s7], $0x2000  }
.Ltmp11:
0x1c9: {  	[sflag:s7] =	ssyncset.done @!p2 $0x0;
	(pc) =	sbr.rel .LBB2_14-.Ltmp11, $4  }
0x1ca: {  	s8 =	simm.s32 @!p2 $0x13900;
	[sflag:s7] =	ssyncadd.s32 @!p2 $0xFFFFE000;
	s7 =	simm.s32 @!p2 $0x0  }
0x1cb: {  	[tilespmem:s8], [sflag:$0x2] =	stream.linear.gather @!p2 [hbm4b:s6+s7], $0x40, $0x38;
	[tilespmem:$0x1FC80] =	vst v63  }
0x1cc: {  	s8 =	simm.s32 @!p2 $0x15C80  }
0x1cd: {  	[tilespmem:s8], [sflag:$0x2] =	stream.linear.gather @!p2 [hbm4b:s5+s7], $0x2000, $0x38;
	[tilespmem:$0x1FC80] =	vst v63  }
.LBB2_9:
0x1ce: {  	_ =	swait.ge [sflag:s30], $0x2000  }
0x1cf: {  	[sflag:s30] =	ssyncset.done $0x0  }
0x1d0: {  	[sflag:s30] =	ssyncadd.s32 $0xFFFFE000  }
0x1d1: {  	_ =	swait.ge [sflag:s31], $0x2000  }
0x1d2: {  	[sflag:s31] =	ssyncset.done $0x0  }
0x1d3: {  	[sflag:s31] =	ssyncadd.s32 $0xFFFFE000  }
0x1d4: {  	_ =	swait.ge [sflag:s23], $0x2000  }
0x1d5: {  	[sflag:s23] =	ssyncset.done $0x0  }
0x1d6: {  	[sflag:s23] =	ssyncadd.s32 $0xFFFFE000  }
0x1d7: {  	_ =	swait.ge [sflag:s24], $0x2000  }
0x1d8: {  	[sflag:s24] =	ssyncset.done $0x0  }
0x1d9: {  	[sflag:s24] =	ssyncadd.s32 $0xFFFFE000  }
0x1da: {  	_ =	swait.ge [sflag:s2], $0x2000  }
0x1db: {  	[sflag:s2] =	ssyncset.done $0x0  }
0x1dc: {  	[sflag:s2] =	ssyncadd.s32 $0xFFFFE000  }
0x1dd: {  	_ =	swait.ge [sflag:s28], $0x2000  }
0x1de: {  	[sflag:s28] =	ssyncset.done $0x0  }
0x1df: {  	[sflag:s28] =	ssyncadd.s32 $0xFFFFE000  }
0x1e0: {  	[bflag:$0x0] =	sbarrier.arrive $0xFFFF  }
0x1e1: {  	s4 =	simm.s32 @p1 $0x1FCD;
	s5 =	rddreg [dreg:$0x1f]  }
0x1e2: {  	[hbm:s5], [sflag:s4] =	dma.local @p1 [spmem:s3], $0x2080  }
0x1e3: {  	s3 =	simm.s32 @p1 $0xD  }
0x1e4: {  	_ =	swait.ge @p1 [sflag:s3], $0x2080  }
0x1e5: {  	[sflag:s3] =	ssyncset.done @p1 $0x0  }
0x1e6: {  	[sflag:s3] =	ssyncadd.s32 @p1 $0xFFFFDF80;
	s3 =	rddreg [dreg:$0x1e]  }
0x1e7: {  	[hbm:s3], [sflag:s0] =	dma.local @!p1 [spmem:s29], $0x2780  }
.Ltmp12:
0x1e8: {  	_ = 	snop;
	(pc) =	sbr.rel .LBB2_16-.Ltmp12, $4  }
0x1e9: {  	s0 =	simm.s32 @!p1 $0xD  }
0x1ea: {  	_ =	swait.ge @!p1 [sflag:s0], $0x2780  }
0x1eb: {  	[sflag:s0] =	ssyncset.done @!p1 $0x0  }
0x1ec: {  	[sflag:s0] =	ssyncadd.s32 @!p1 $0xFFFFD880  }
.LBB2_17:
0x1ed: {  	_ =	sfence.sel $0x180000  }
0x1ee: {  	[bflag:$0x0] =	sbarrier.arrive $0xFFFF  }
0x1ef: {  	_ =	strace $0x90000047  }
0x1f0: {  	s0 =	stileid.u32;
	[bflag:$0x2] =	sbarrier.arrive $0xFFFF  }
0x1f1: {  	p0 =	sne.s32 s0, $0x0;
	s0 =	rddreg [dreg:$0x5]  }
0x1f2: {  	s0 =	sadd.s32 @!p0 $0x100000, s0  }
0x1f3: {  	[sflag:s0] =	ssyncadd.tile.s32 @!p0 $0x1;
	_ =	shalt  }
.Lfunc_end2:
_tile_overlayer_lowered:
.L_overlay_start_2:
0x1f4: {  	(tag) =	ssettag $0x2  }
0x1f5: {  	s0 =	rddreg [dreg:$0x0];
	s2 =	stileid.u32  }
0x1f6: {  	s1 =	rddreg [dreg:$0x1];
	p0 =	sne.s32 s2, $0x0  }
0x1f7: {  	s3 =	rddreg [dreg:$0x2];
	[bflag:$0x3] =	sbarrier.arrive $0xFFFF;
	s2 =	simm.s32 @!p0 $0x1C0D  }
0x1f8: {  	[timem:s3], [sflag:s2] =	dma.local @!p0 [hbm:s0], s1  }
0x1f9: {  	s0 =	simm.s32 @!p0 $0xD  }
0x1fa: {  	_ =	swait.ge @!p0 [sflag:s0], s1  }
0x1fb: {  	s1 =	ssub.s32 @!p0 $0x0, s1;
	[sflag:s0] =	ssyncset.done @!p0 $0x0  }
0x1fc: {  	[sflag:s0] =	ssyncadd.s32 @!p0 s1  }
0x1fd: {  	[bflag:$0x3] =	sbarrier.arrive $0xFFFF  }
0x1fe: {  	_ =	shalt  }

</sc_bundles>
